<compile_context>
chip_gen: v7x
topology: tpu7x:2x2x1
jax: 0.10.2.dev20260603
libtpu: 0.0.44.dev20260713+nightly
codegen_flags: <defaults>
</compile_context>

<pallas_src>
import functools

import jax
import jax.numpy as jnp
import numpy as np
from jax import lax
from jax.experimental import pallas as pl
from jax.experimental.pallas import tpu as pltpu
from jax.experimental.pallas import tpu_sc as plsc

HID_DIM = 64
N_LAYERS = 2
INPUT_DIM = 32
D = HID_DIM * N_LAYERS
TYPE_NUM = 40
MAX_EDGE_TYPE = 8
N_NODES = 10000
N_EDGES = 320000
SEQ = 32
OP_INPUT = 0
OP_CONST = 1
NG = 6
NONE_G = NG

NP_ = N_NODES
EP = 327680
DW = 144
NC, NS = 2, 16
NW = NC * NS
EPW = EP // NW
CH = 64
EPC = EP // CH
NCHUNK = EPW // CH
NCHUNK0, NCHUNK1 = 232, 88
NBUF = 2
BKILL = TYPE_NUM * MAX_EDGE_TYPE
NPV = NP_ + 16
CHX = 8

BN_K = 1000


def _classify_body(x_ref, io_ref, pv_ref, gs_ref):
    x = x_ref[...]
    col = lax.broadcasted_iota(jnp.int32, (BN_K, TYPE_NUM), 1)
    nt = jnp.max(jnp.where(x == 1.0, col, 0), axis=1, keepdims=True)
    g = jnp.where(
        nt == 2, 0, jnp.where(
            (nt >= 4) & (nt <= 25), 1, jnp.where(
                (nt >= 26) & (nt <= 32), 2, jnp.where(
                    (nt == 34) | (nt == 36), 3, jnp.where(
                        nt == 33, 4, jnp.where(nt == 37, 5, NONE_G))))))
    io_ref[...] = ((nt == OP_INPUT) | (nt == OP_CONST)).astype(jnp.float32)
    pv_ref[...] = jnp.minimum(g, NG - 1) | (nt << 3)
    gs_ref[...] = g


def _classify(x):
    nblk = NP_ // BN_K
    return pl.pallas_call(
        _classify_body,
        grid=(nblk,),
        in_specs=[pl.BlockSpec((BN_K, TYPE_NUM), lambda j: (j, 0))],
        out_specs=[pl.BlockSpec((BN_K, 1), lambda j: (j, 0))] * 3,
        out_shape=[jax.ShapeDtypeStruct((NP_, 1), jnp.float32),
                   jax.ShapeDtypeStruct((NP_, 1), jnp.int32),
                   jax.ShapeDtypeStruct((NP_, 1), jnp.int32)],
    )(x)


BN_A = 1000


def _gru_gates(gi_t, gh, h, hd):
    rz = jax.nn.sigmoid(gi_t[:, 0:2 * hd] + gh[:, 0:2 * hd])
    r = rz[:, 0:hd]
    z = rz[:, hd:2 * hd]
    i_n = gi_t[:, 2 * hd:3 * hd]
    h_n = gh[:, 2 * hd:3 * hd]
    n = jnp.tanh(i_n + r * h_n)
    return (1.0 - z) * n + z * h


def _encode_body(x_ref, sl_ref, io_ref, wi0, wh0, bi0, bh0, wi1, wh1, bi1, bh1,
                 w1p, out_ref, ytab_ref, gi_ref):
    bn = BN_A
    bf16 = jnp.bfloat16
    xm = x_ref[...] * sl_ref[...][:, :, None]
    x2 = xm.reshape(SEQ * bn, INPUT_DIM)
    gi_ref[...] = (jnp.dot(x2, wi0[...], preferred_element_type=jnp.float32)
                   + bi0[...]).reshape(SEQ, bn, 3 * HID_DIM).astype(bf16)

    def step(t, carry):
        h0, h1, y = carry
        gi0_t = gi_ref[jnp.minimum(t, SEQ - 1)].astype(jnp.float32)
        gh0 = jnp.dot(h0.astype(bf16), wh0[...],
                      preferred_element_type=jnp.float32) + bh0[...]
        gi1 = jnp.dot(y.astype(bf16), wi1[...],
                      preferred_element_type=jnp.float32) + bi1[...]
        gh1 = jnp.dot(h1.astype(bf16), wh1[...],
                      preferred_element_type=jnp.float32) + bh1[...]
        h0n = jnp.where(t < SEQ, _gru_gates(gi0_t, gh0, h0, HID_DIM), h0)
        h1n = jnp.where(t >= 1, _gru_gates(gi1, gh1, h1, HID_DIM), h1)
        return (h0n, h1n, h0n)

    z0 = jnp.zeros((bn, HID_DIM), jnp.float32)
    h0, h1, _ = lax.fori_loop(0, SEQ + 1, step, (z0, z0, z0))
    emb = jnp.concatenate([h0, h1], axis=1) * io_ref[...]
    out_ref[...] = emb
    col = lax.broadcasted_iota(jnp.int32, (bn, DW), 1)
    deg1 = jnp.where(col == D, 1.0, 0.0)
    for g in range(NG):
        ytab_ref[g] = jnp.dot(emb, w1p[g],
                              preferred_element_type=jnp.float32) + deg1


def _encode(xs_tm, slm, io, enc_w, w1pad):
    nblk = NP_ // BN_A
    full = lambda shape: pl.BlockSpec(shape, lambda j: tuple(0 for _ in shape))
    return pl.pallas_call(
        _encode_body,
        grid=(nblk,),
        in_specs=[
            pl.BlockSpec((SEQ, BN_A, INPUT_DIM), lambda j: (0, j, 0)),
            full((SEQ, 1)),
            pl.BlockSpec((BN_A, 1), lambda j: (j, 0)),
            full((INPUT_DIM, 3 * HID_DIM)),
            full((HID_DIM, 3 * HID_DIM)),
            full((1, 3 * HID_DIM)),
            full((1, 3 * HID_DIM)),
            full((HID_DIM, 3 * HID_DIM)),
            full((HID_DIM, 3 * HID_DIM)),
            full((1, 3 * HID_DIM)),
            full((1, 3 * HID_DIM)),
            full((NG, D, DW)),
        ],
        out_specs=[pl.BlockSpec((BN_A, D), lambda j: (j, 0)),
                   pl.BlockSpec((NG, BN_A, DW), lambda j: (0, j, 0))],
        out_shape=[jax.ShapeDtypeStruct((NP_, D), jnp.float32),
                   jax.ShapeDtypeStruct((NG, NP_, DW), jnp.float32)],
        scratch_shapes=[
            pltpu.VMEM((SEQ, BN_A, 3 * HID_DIM), jnp.bfloat16),
        ],
        compiler_params=pltpu.CompilerParams(
            vmem_limit_bytes=63 * 1024 * 1024),
    )(xs_tm, slm, io, *enc_w, w1pad)


def _ixmap_body(pv_hbm, src_hbm, dst_hbm, et_hbm, ipack,
                pvt, es, ed, ee, eout):
    cid = lax.axis_index("c")
    sid = lax.axis_index("s")
    wid = cid * NS + sid
    pltpu.sync_copy(pv_hbm, pvt)
    base = wid * (NCHUNK // CHX)
    sc = CHX * CH

    def step(s, c):
        pltpu.sync_copy(src_hbm.at[pl.ds((base + s) * sc, sc)], es)
        pltpu.sync_copy(dst_hbm.at[pl.ds((base + s) * sc, sc)], ed)
        pltpu.sync_copy(et_hbm.at[pl.ds((base + s) * sc, sc)], ee)
        for k in range(sc // 16):
            sl = pl.ds(k * 16, 16)
            j, o = k // (CH // 16), (k % (CH // 16)) * 16
            so = pl.ds(o, 16)
            srcv = es[sl]
            dstv = ed[sl]
            etv = ee[sl]
            pvv = plsc.load_gather(pvt, [dstv])
            g0 = pvv & 7
            ibv = ((pvv >> 3) << 3) + etv
            eout[j, 0, so] = g0 * NP_ + srcv
            eout[j, 1, so] = ibv
            eout[j, 2, so] = jnp.where(dstv < NP_, dstv, srcv)
        pltpu.sync_copy(eout, ipack.at[pl.ds((base + s) * CHX, CHX)])
        return c

    lax.fori_loop(0, NCHUNK // CHX, step, 0)


@functools.cache
def _ixmap_kernel_fn():
    return pl.kernel(
        _ixmap_body,
        mesh=plsc.VectorSubcoreMesh(core_axis_name="c", subcore_axis_name="s",
                                    num_cores=NC, num_subcores=NS),
        out_type=jax.ShapeDtypeStruct((EPC, 3, CH), jnp.int32),
        scratch_types=[
            pltpu.VMEM((NPV,), jnp.int32),
            pltpu.VMEM((CHX * CH,), jnp.int32),
            pltpu.VMEM((CHX * CH,), jnp.int32),
            pltpu.VMEM((CHX * CH,), jnp.int32),
            pltpu.VMEM((CHX, 3, CH), jnp.int32),
        ],
        compiler_params=pltpu.CompilerParams(use_tc_tiling_on_sc=False,
                                             needs_layout_passes=False),
    )


def _edge_body(ytab, btab, ipack, out,
               h_sh, pk0, pk1, ry0, ry1, rb0, rb1, sem0, sem1):
    cid = lax.axis_index("c")
    sid = lax.axis_index("s")
    wid = cid * NS + sid
    pk = (pk0, pk1)
    ry = (ry0, ry1)
    rb = (rb0, rb1)
    sem = (sem0, sem1)

    def zrow(r, c):
        for j in range(DW // 16):
            ry0[r, pl.ds(j * 16, 16)] = jnp.zeros((16,), jnp.float32)
        return c

    lax.fori_loop(0, CH, zrow, 0)
    rows_per_tile = NP_ // NS
    for k in range(rows_per_tile // CH):
        pltpu.sync_copy(ry0, h_sh.at[pl.ds(sid * rows_per_tile + k * CH, CH)])
    rem = rows_per_tile % CH
    if rem:
        pltpu.sync_copy(
            ry0.at[pl.ds(0, rem)],
            h_sh.at[pl.ds(sid * rows_per_tile + (rows_per_tile // CH) * CH,
                          rem)])
    plsc.subcore_barrier()

    base_chunk = jnp.where(cid == 0, sid * NCHUNK0,
                           NS * NCHUNK0 + sid * NCHUNK1)
    nchunk = jnp.where(cid == 0, NCHUNK0, NCHUNK1)

    def issue(b, chunk_ix):
        pltpu.sync_copy(ipack.at[chunk_ix], pk[b])
        pltpu.async_copy(ytab.at[pk[b].at[0]], ry[b], sem[b])
        pltpu.async_copy(btab.at[pk[b].at[1]], rb[b], sem[b])

    for b in range(NBUF):
        issue(b, base_chunk + b)

    def pair(jj, c):
        for b in range(NBUF):
            i = jj * NBUF + b
            pltpu.make_async_copy(ytab.at[pk[b].at[0]], ry[b], sem[b]).wait()
            pltpu.make_async_copy(btab.at[pk[b].at[1]], rb[b], sem[b]).wait()

            def row(r, c2, _b=b):
                for j in range(DW // 16):
                    sl = pl.ds(j * 16, 16)
                    ry[_b][r, sl] = jnp.maximum(ry[_b][r, sl] + rb[_b][r, sl],
                                                0.0)
                return c2

            lax.fori_loop(0, CH, row, 0)
            pltpu.sync_copy(ry[b], h_sh.at[pk[b].at[2]], add=True)

            @pl.when(i + NBUF < nchunk)
            def _(b=b, i=i):
                issue(b, base_chunk + i + NBUF)
        return c

    lax.fori_loop(0, nchunk // NBUF, pair, 0)
    plsc.subcore_barrier()
    pltpu.sync_copy(h_sh.at[pl.ds(sid * rows_per_tile, rows_per_tile)],
                    out.at[cid, pl.ds(sid * rows_per_tile, rows_per_tile)])


@functools.cache
def _edge_kernel_fn():
    return pl.kernel(
        _edge_body,
        mesh=plsc.VectorSubcoreMesh(core_axis_name="c", subcore_axis_name="s",
                                    num_cores=NC, num_subcores=NS),
        out_type=jax.ShapeDtypeStruct((NC, NP_, DW), jnp.float32),
        scratch_types=[
            pltpu.VMEM_SHARED((NP_, DW), jnp.float32),
            pltpu.VMEM((3, CH), jnp.int32),
            pltpu.VMEM((3, CH), jnp.int32),
            pltpu.VMEM((CH, DW), jnp.float32),
            pltpu.VMEM((CH, DW), jnp.float32),
            pltpu.VMEM((CH, DW), jnp.float32),
            pltpu.VMEM((CH, DW), jnp.float32),
            pltpu.SemaphoreType.DMA,
            pltpu.SemaphoreType.DMA,
        ],
        compiler_params=pltpu.CompilerParams(use_tc_tiling_on_sc=False),
    )


BN_D = 1000


def _out_body(hp_ref, gsel_ref, emb_ref, w2_ref, gwi, gwh, gbi, gbh, out_ref):
    H = hp_ref[0] + hp_ref[1]
    gsel = gsel_ref[...]
    acc = jnp.zeros((BN_D, D), jnp.float32)
    for g in range(NG):
        og = jnp.dot(H, w2_ref[g], preferred_element_type=jnp.float32)
        acc = acc + og * (gsel == g).astype(jnp.float32)
    emb = emb_ref[...]
    gi = jnp.dot(acc, gwi[...], preferred_element_type=jnp.float32) + gbi[...]
    gh = jnp.dot(emb, gwh[...], preferred_element_type=jnp.float32) + gbh[...]
    out_ref[...] = _gru_gates(gi, gh, emb, D)


def _out_gru(hp, gsel, emb, w2aug, gru_w):
    nblk = NP_ // BN_D
    full = lambda shape: pl.BlockSpec(shape, lambda j: tuple(0 for _ in shape))
    return pl.pallas_call(
        _out_body,
        grid=(nblk,),
        in_specs=[
            pl.BlockSpec((NC, BN_D, DW), lambda j: (0, j, 0)),
            pl.BlockSpec((BN_D, 1), lambda j: (j, 0)),
            pl.BlockSpec((BN_D, D), lambda j: (j, 0)),
            full((NG, DW, D)),
            full((D, 3 * D)),
            full((D, 3 * D)),
            full((1, 3 * D)),
            full((1, 3 * D)),
        ],
        out_specs=pl.BlockSpec((BN_D, D), lambda j: (j, 0)),
        out_shape=jax.ShapeDtypeStruct((NP_, D), jnp.float32),
    )(hp, gsel, emb, w2aug, *gru_w)


GROUP_NAMES = ['Reg', 'Bop', 'Sop', 'Mop', 'Cond', 'Output']
_LUT_NP = np.full((TYPE_NUM,), NONE_G, dtype=np.int32)
for _gi, _ids in enumerate([np.array([2]), np.arange(4, 26), np.arange(26, 33),
                            np.array([34, 36]), np.array([33]),
                            np.array([37])]):
    _LUT_NP[_ids] = _gi


def kernel(x, sim_res, params, edge_index, edge_type, seq_len):
    f32 = jnp.float32
    p = params

    io, pv, gsel = _classify(x)

    bf16 = jnp.bfloat16
    xs_tm = jnp.transpose(sim_res.astype(bf16), (1, 0, 2))
    slm = (jnp.arange(SEQ) < seq_len).astype(bf16)[:, None]

    enc_w = (p['enc_Wi_0'].T.astype(bf16), p['enc_Wh_0'].T.astype(bf16),
             p['enc_bi_0'][None, :], p['enc_bh_0'][None, :],
             p['enc_Wi_1'].T.astype(bf16), p['enc_Wh_1'].T.astype(bf16),
             p['enc_bi_1'][None, :], p['enc_bh_1'][None, :])

    W1 = jnp.stack([p[g + '_W1'] for g in GROUP_NAMES])
    b1 = jnp.stack([p[g + '_b1'] for g in GROUP_NAMES])
    W2 = jnp.stack([p[g + '_W2'] for g in GROUP_NAMES])
    b2 = jnp.stack([p[g + '_b2'] for g in GROUP_NAMES])
    pos = jnp.stack([p[g + '_pos'] for g in GROUP_NAMES])
    op = jnp.stack([p[g + '_op'] for g in GROUP_NAMES])

    w1pad = jnp.pad(W1, ((0, 0), (0, 0), (0, DW - D)))
    emb, ytab6 = _encode(xs_tm, slm, io, enc_w, w1pad)
    ytab = ytab6.reshape(NG * NP_, DW)

    lut0 = jnp.minimum(jnp.asarray(_LUT_NP), NG - 1)
    gnt = lut0[jnp.arange(TYPE_NUM)]
    msg_b = pos[gnt] + op[gnt, jnp.arange(TYPE_NUM)][:, None, :]
    btab = (jnp.einsum('ned,ndk->nek', msg_b, W1[gnt])
            + b1[gnt][:, None, :]).reshape(BKILL, D)
    btab = jnp.pad(btab, ((0, 0), (0, DW - D)))
    btab = jnp.concatenate(
        [btab, jnp.full((1, DW), -1e30, f32), jnp.zeros((7, DW), f32)])

    pad_e = EP - N_EDGES
    src = jnp.concatenate([edge_index[0].astype(jnp.int32),
                           jnp.arange(pad_e, dtype=jnp.int32) % NP_])
    dst = jnp.concatenate([edge_index[1].astype(jnp.int32),
                           jnp.full((pad_e,), NP_, jnp.int32)])
    et = jnp.concatenate([edge_type.astype(jnp.int32),
                          jnp.zeros((pad_e,), jnp.int32)])
    pv_full = jnp.concatenate([pv.reshape(-1),
                               jnp.full((NPV - NP_,), TYPE_NUM << 3,
                                        jnp.int32)])

    ipack = _ixmap_kernel_fn()(pv_full, src, dst, et)
    hp = _edge_kernel_fn()(ytab, btab, ipack)

    w2aug = jnp.concatenate(
        [W2, b2[:, None, :], jnp.zeros((NG, DW - D - 1, D), f32)], axis=1)
    gru_w = (p['gru_Wi'].T, p['gru_Wh'].T, p['gru_bi'][None, :],
             p['gru_bh'][None, :])
    return _out_gru(hp, gsel, emb, w2aug, gru_w)

# --- scband reference (transcript-rebuilt; emitter-appended) ---
"""Pipeline reference for scband-model-default-25769804009 (READ-ONLY COPY).

The authoritative reference and input builder live on the scoring server;
editing this copy changes nothing except your own understanding.
"""

import jax, jax.numpy as jnp
import numpy as np

HID_DIM = 64
N_LAYERS = 2
INPUT_DIM = 32
DIM_HIDDEN = HID_DIM * N_LAYERS
TYPE_NUM = 40
MAX_EDGE_TYPE = 8
N_NODES = 10000
N_EDGES = 320000
SEQ_LEN_MAX = 32
NUM_ROUNDS = 1
OP_INPUT = 0
OP_CONST = 1
NODE_GROUPS = {
    'Reg': np.array([2]),
    'Bop': np.arange(4, 26),
    'Sop': np.arange(26, 33),
    'Mop': np.array([34, 36]),
    'Cond': np.array([33]),
    'Output': np.array([37]),
}

def gru_cell(x, h, Wi, Wh, bi, bh):
    gi = x @ Wi.T + bi
    gh = h @ Wh.T + bh
    i_r, i_z, i_n = jnp.split(gi, 3, axis=-1)
    h_r, h_z, h_n = jnp.split(gh, 3, axis=-1)
    r = jax.nn.sigmoid(i_r + h_r)
    z = jax.nn.sigmoid(i_z + h_z)
    n = jnp.tanh(i_n + r * h_n)
    return (1.0 - z) * n + z * h

def run_gru_layer(xs, Wi, Wh, bi, bh):
    h0 = jnp.zeros((xs.shape[1], Wh.shape[1]), dtype=xs.dtype)
    def step(h, x_t):
        h_new = gru_cell(x_t, h, Wi, Wh, bi, bh)
        return h_new, h_new
    h_last, ys = jax.lax.scan(step, h0, xs)
    return ys, h_last

def encode(src, params):
    # src: [B, T, INPUT_DIM] -> hidden [N_LAYERS, B, HID_DIM] -> permute(1,0,2).flatten -> [B, DIM_HIDDEN]
    xs = jnp.transpose(src, (1, 0, 2))
    hs = []
    for l in range(N_LAYERS):
        xs, h_last = run_gru_layer(xs, params['enc_Wi_%d' % l], params['enc_Wh_%d' % l],
                                   params['enc_bi_%d' % l], params['enc_bh_%d' % l])
        hs.append(h_last)
    hidden = jnp.stack(hs, axis=0)
    return jnp.transpose(hidden, (1, 0, 2)).reshape(src.shape[0], -1)

def aggregate(g, params, node_emb, src, dst, edge_type, edge_op_type, n):
    # TfMlpPosEncAggr: gather src embeddings, add edge-order pos-enc and op-type embedding,
    # MLP transform, scatter-add to dst nodes.
    msg = node_emb[src] + params[g + '_pos'][edge_type] + params[g + '_op'][edge_op_type]
    h = jax.nn.relu(msg @ params[g + '_W1'] + params[g + '_b1'])
    h = h @ params[g + '_W2'] + params[g + '_b2']
    return jax.ops.segment_sum(h, dst, num_segments=n)

def setup_inputs(seed: int = 0) -> dict:
    key = jax.random.key(seed)
    ks = jax.random.split(key, 40)
    node_type = jax.random.randint(ks[0], (N_NODES,), 0, 38)
    x = jax.nn.one_hot(node_type, TYPE_NUM, dtype=jnp.float32)
    edge_index = jax.random.randint(ks[1], (2, N_EDGES), 0, N_NODES)
    edge_type = jax.random.randint(ks[2], (N_EDGES,), 0, MAX_EDGE_TYPE)
    sim_res = jax.random.normal(ks[3], (N_NODES, SEQ_LEN_MAX, INPUT_DIM), dtype=jnp.float32)
    params = {}
    i = 4
    for l in range(N_LAYERS):
        in_dim = INPUT_DIM if l == 0 else HID_DIM
        params['enc_Wi_%d' % l] = 0.02 * jax.random.normal(ks[i], (3 * HID_DIM, in_dim), dtype=jnp.float32); i += 1
        params['enc_Wh_%d' % l] = 0.02 * jax.random.normal(ks[i], (3 * HID_DIM, HID_DIM), dtype=jnp.float32); i += 1
        params['enc_bi_%d' % l] = jnp.zeros((3 * HID_DIM,), dtype=jnp.float32)
        params['enc_bh_%d' % l] = jnp.zeros((3 * HID_DIM,), dtype=jnp.float32)
    for g in NODE_GROUPS:
        params[g + '_pos'] = 0.02 * jax.random.normal(ks[i], (MAX_EDGE_TYPE, DIM_HIDDEN), dtype=jnp.float32); i += 1
        params[g + '_op'] = 0.02 * jax.random.normal(ks[i], (TYPE_NUM, DIM_HIDDEN), dtype=jnp.float32); i += 1
        params[g + '_W1'] = 0.02 * jax.random.normal(ks[i], (DIM_HIDDEN, DIM_HIDDEN), dtype=jnp.float32); i += 1
        params[g + '_b1'] = jnp.zeros((DIM_HIDDEN,), dtype=jnp.float32)
        params[g + '_W2'] = 0.02 * jax.random.normal(ks[i], (DIM_HIDDEN, DIM_HIDDEN), dtype=jnp.float32); i += 1
        params[g + '_b2'] = jnp.zeros((DIM_HIDDEN,), dtype=jnp.float32)
    params['gru_Wi'] = 0.02 * jax.random.normal(ks[i], (3 * DIM_HIDDEN, DIM_HIDDEN), dtype=jnp.float32); i += 1
    params['gru_Wh'] = 0.02 * jax.random.normal(ks[i], (3 * DIM_HIDDEN, DIM_HIDDEN), dtype=jnp.float32); i += 1
    params['gru_bi'] = jnp.zeros((3 * DIM_HIDDEN,), dtype=jnp.float32)
    params['gru_bh'] = jnp.zeros((3 * DIM_HIDDEN,), dtype=jnp.float32)
    return {"x": x, "sim_res": sim_res, "params": params,
            "edge_index": edge_index, "edge_type": edge_type, "seq_len": SEQ_LEN_MAX}

def reference(x, sim_res, params, edge_index, edge_type, seq_len):
    n = x.shape[0]
    node_type = jnp.argmax(x, axis=1)
    t = jnp.arange(sim_res.shape[1])
    seq_mask = (t < seq_len)[None, :, None]
    enc = encode(jnp.where(seq_mask, sim_res, jnp.zeros((), dtype=sim_res.dtype)), params)
    io_mask = (x[:, OP_INPUT] == 1) | (x[:, OP_CONST] == 1)
    node_emb = jnp.where(io_mask[:, None], enc, jnp.zeros((), dtype=enc.dtype))
    src = edge_index[0]
    dst = edge_index[1]
    edge_op_type = jnp.argmax(x[dst], axis=1)
    for _ in range(NUM_ROUNDS):
        aggr_emb = jnp.zeros((n, DIM_HIDDEN), dtype=x.dtype)
        for g, ids in NODE_GROUPS.items():
            group_mask = jnp.isin(node_type, jnp.asarray(ids))
            out = aggregate(g, params, node_emb, src, dst, edge_type, edge_op_type, n)
            aggr_emb = jnp.where(group_mask[:, None], out, aggr_emb)
        node_emb = gru_cell(aggr_emb, node_emb, params['gru_Wi'], params['gru_Wh'], params['gru_bi'], params['gru_bh'])
    return node_emb

if __name__ == "__main__":
    import jax
    _d = setup_inputs()
    print(jax.jit(kernel)(*tuple(_d.values())))

</pallas_src>

<mosaic_0001>
#map = affine_map<(d0, d1) -> (0, 0)>
#map1 = affine_map<(d0, d1) -> (0, 0, 0)>
module attributes {stable_mosaic.version = 14 : i64} {
  func.func @_edge_body(%arg0: i32, %arg1: i32, %arg2: memref<60000x144xf32, #tpu.memory_space<hbm>>, %arg3: memref<328x144xf32, #tpu.memory_space<hbm>>, %arg4: memref<5120x3x64xi32, #tpu.memory_space<hbm>>, %arg5: memref<2x10000x144xf32, #tpu.memory_space<hbm>>, %arg6: memref<10000x144xf32, #tpu.memory_space<vmem_shared>>, %arg7: memref<3x64xi32, #tpu.memory_space<vmem>>, %arg8: memref<3x64xi32, #tpu.memory_space<vmem>>, %arg9: memref<64x144xf32, #tpu.memory_space<vmem>>, %arg10: memref<64x144xf32, #tpu.memory_space<vmem>>, %arg11: memref<64x144xf32, #tpu.memory_space<vmem>>, %arg12: memref<64x144xf32, #tpu.memory_space<vmem>>, %arg13: memref<!tpu.dma_semaphore, #tpu.memory_space<semaphore_mem>>, %arg14: memref<!tpu.dma_semaphore, #tpu.memory_space<semaphore_mem>>) attributes {dimension_semantics = [#tpu.dimension_semantics<core_parallel>, #tpu.dimension_semantics<subcore_parallel>], iteration_bounds = array<i64: 2, 16>, scalar_prefetch = 0 : i64, scratch_operands = 9 : i64, tpu.core_type = #tpu.core_type<sc_vector_subcore>, window_params = [{transform_indices = #map}, {transform_indices = #map}, {transform_indices = #map1}, {transform_indices = #map1}]} {
    %mul3A = arith.constant 16 : i32
    %mul3A_0 = arith.muli %arg0, %mul3A : i32
    %add3A = arith.addi %mul3A_0, %arg1 : i32
    %scan3A = arith.constant 0 : i32
    %scan3A_1 = arith.constant 0 : i32
    %scan3A_2 = arith.constant 64 : i32
    %scan3A_3 = arith.addi %scan3A_1, %scan3A_2 : i32
    %scan3A_4 = arith.constant 1 : i32
    scf.for %scan3A_120 = %scan3A_1 to %scan3A_3 step %scan3A_4  : i32 {
      %broadcast_in_dim3A = arith.constant 0.000000e+00 : f32
      %broadcast_in_dim3A_121 = vector.broadcast %broadcast_in_dim3A : f32 to vector<16xf32>
      %swap3A = arith.index_cast %scan3A_120 : i32 to index
      %swap3A_122 = arith.constant 0 : index
      %swap3A_123 = tpu.vector_load %arg9[%swap3A, %swap3A_122] {strides = array<i32>} : memref<64x144xf32, #tpu.memory_space<vmem>>, vector<1x16xf32>,
      %swap3A_124 = vector.shape_cast %swap3A_123 : vector<1x16xf32> to vector<16xf32>
      %swap3A_125 = vector.shape_cast %broadcast_in_dim3A_121 : vector<16xf32> to vector<1x16xf32>
      tpu.vector_store %arg9[%swap3A, %swap3A_122], %swap3A_125 {strides = array<i32>} : memref<64x144xf32, #tpu.memory_space<vmem>>, vector<1x16xf32>,
      %broadcast_in_dim3A_126 = arith.constant 0.000000e+00 : f32
      %broadcast_in_dim3A_127 = vector.broadcast %broadcast_in_dim3A_126 : f32 to vector<16xf32>
      %swap3A_128 = arith.index_cast %scan3A_120 : i32 to index
      %swap3A_129 = arith.constant 16 : index
      %swap3A_130 = tpu.vector_load %arg9[%swap3A_128, %swap3A_129] {strides = array<i32>} : memref<64x144xf32, #tpu.memory_space<vmem>>, vector<1x16xf32>,
      %swap3A_131 = vector.shape_cast %swap3A_130 : vector<1x16xf32> to vector<16xf32>
      %swap3A_132 = vector.shape_cast %broadcast_in_dim3A_127 : vector<16xf32> to vector<1x16xf32>
      tpu.vector_store %arg9[%swap3A_128, %swap3A_129], %swap3A_132 {strides = array<i32>} : memref<64x144xf32, #tpu.memory_space<vmem>>, vector<1x16xf32>,
      %broadcast_in_dim3A_133 = arith.constant 0.000000e+00 : f32
      %broadcast_in_dim3A_134 = vector.broadcast %broadcast_in_dim3A_133 : f32 to vector<16xf32>
      %swap3A_135 = arith.index_cast %scan3A_120 : i32 to index
      %swap3A_136 = arith.constant 32 : index
      %swap3A_137 = tpu.vector_load %arg9[%swap3A_135, %swap3A_136] {strides = array<i32>} : memref<64x144xf32, #tpu.memory_space<vmem>>, vector<1x16xf32>,
      %swap3A_138 = vector.shape_cast %swap3A_137 : vector<1x16xf32> to vector<16xf32>
      %swap3A_139 = vector.shape_cast %broadcast_in_dim3A_134 : vector<16xf32> to vector<1x16xf32>
      tpu.vector_store %arg9[%swap3A_135, %swap3A_136], %swap3A_139 {strides = array<i32>} : memref<64x144xf32, #tpu.memory_space<vmem>>, vector<1x16xf32>,
      %broadcast_in_dim3A_140 = arith.constant 0.000000e+00 : f32
      %broadcast_in_dim3A_141 = vector.broadcast %broadcast_in_dim3A_140 : f32 to vector<16xf32>
      %swap3A_142 = arith.index_cast %scan3A_120 : i32 to index
      %swap3A_143 = arith.constant 48 : index
      %swap3A_144 = tpu.vector_load %arg9[%swap3A_142, %swap3A_143] {strides = array<i32>} : memref<64x144xf32, #tpu.memory_space<vmem>>, vector<1x16xf32>,
      %swap3A_145 = vector.shape_cast %swap3A_144 : vector<1x16xf32> to vector<16xf32>
      %swap3A_146 = vector.shape_cast %broadcast_in_dim3A_141 : vector<16xf32> to vector<1x16xf32>
      tpu.vector_store %arg9[%swap3A_142, %swap3A_143], %swap3A_146 {strides = array<i32>} : memref<64x144xf32, #tpu.memory_space<vmem>>, vector<1x16xf32>,
      %broadcast_in_dim3A_147 = arith.constant 0.000000e+00 : f32
      %broadcast_in_dim3A_148 = vector.broadcast %broadcast_in_dim3A_147 : f32 to vector<16xf32>
      %swap3A_149 = arith.index_cast %scan3A_120 : i32 to index
      %swap3A_150 = arith.constant 64 : index
      %swap3A_151 = tpu.vector_load %arg9[%swap3A_149, %swap3A_150] {strides = array<i32>} : memref<64x144xf32, #tpu.memory_space<vmem>>, vector<1x16xf32>,
      %swap3A_152 = vector.shape_cast %swap3A_151 : vector<1x16xf32> to vector<16xf32>
      %swap3A_153 = vector.shape_cast %broadcast_in_dim3A_148 : vector<16xf32> to vector<1x16xf32>
      tpu.vector_store %arg9[%swap3A_149, %swap3A_150], %swap3A_153 {strides = array<i32>} : memref<64x144xf32, #tpu.memory_space<vmem>>, vector<1x16xf32>,
      %broadcast_in_dim3A_154 = arith.constant 0.000000e+00 : f32
      %broadcast_in_dim3A_155 = vector.broadcast %broadcast_in_dim3A_154 : f32 to vector<16xf32>
      %swap3A_156 = arith.index_cast %scan3A_120 : i32 to index
      %swap3A_157 = arith.constant 80 : index
      %swap3A_158 = tpu.vector_load %arg9[%swap3A_156, %swap3A_157] {strides = array<i32>} : memref<64x144xf32, #tpu.memory_space<vmem>>, vector<1x16xf32>,
      %swap3A_159 = vector.shape_cast %swap3A_158 : vector<1x16xf32> to vector<16xf32>
      %swap3A_160 = vector.shape_cast %broadcast_in_dim3A_155 : vector<16xf32> to vector<1x16xf32>
      tpu.vector_store %arg9[%swap3A_156, %swap3A_157], %swap3A_160 {strides = array<i32>} : memref<64x144xf32, #tpu.memory_space<vmem>>, vector<1x16xf32>,
      %broadcast_in_dim3A_161 = arith.constant 0.000000e+00 : f32
      %broadcast_in_dim3A_162 = vector.broadcast %broadcast_in_dim3A_161 : f32 to vector<16xf32>
      %swap3A_163 = arith.index_cast %scan3A_120 : i32 to index
      %swap3A_164 = arith.constant 96 : index
      %swap3A_165 = tpu.vector_load %arg9[%swap3A_163, %swap3A_164] {strides = array<i32>} : memref<64x144xf32, #tpu.memory_space<vmem>>, vector<1x16xf32>,
      %swap3A_166 = vector.shape_cast %swap3A_165 : vector<1x16xf32> to vector<16xf32>
      %swap3A_167 = vector.shape_cast %broadcast_in_dim3A_162 : vector<16xf32> to vector<1x16xf32>
      tpu.vector_store %arg9[%swap3A_163, %swap3A_164], %swap3A_167 {strides = array<i32>} : memref<64x144xf32, #tpu.memory_space<vmem>>, vector<1x16xf32>,
      %broadcast_in_dim3A_168 = arith.constant 0.000000e+00 : f32
      %broadcast_in_dim3A_169 = vector.broadcast %broadcast_in_dim3A_168 : f32 to vector<16xf32>
      %swap3A_170 = arith.index_cast %scan3A_120 : i32 to index
      %swap3A_171 = arith.constant 112 : index
      %swap3A_172 = tpu.vector_load %arg9[%swap3A_170, %swap3A_171] {strides = array<i32>} : memref<64x144xf32, #tpu.memory_space<vmem>>, vector<1x16xf32>,
      %swap3A_173 = vector.shape_cast %swap3A_172 : vector<1x16xf32> to vector<16xf32>
      %swap3A_174 = vector.shape_cast %broadcast_in_dim3A_169 : vector<16xf32> to vector<1x16xf32>
      tpu.vector_store %arg9[%swap3A_170, %swap3A_171], %swap3A_174 {strides = array<i32>} : memref<64x144xf32, #tpu.memory_space<vmem>>, vector<1x16xf32>,
      %broadcast_in_dim3A_175 = arith.constant 0.000000e+00 : f32
      %broadcast_in_dim3A_176 = vector.broadcast %broadcast_in_dim3A_175 : f32 to vector<16xf32>
      %swap3A_177 = arith.index_cast %scan3A_120 : i32 to index
      %swap3A_178 = arith.constant 128 : index
      %swap3A_179 = tpu.vector_load %arg9[%swap3A_177, %swap3A_178] {strides = array<i32>} : memref<64x144xf32, #tpu.memory_space<vmem>>, vector<1x16xf32>,
      %swap3A_180 = vector.shape_cast %swap3A_179 : vector<1x16xf32> to vector<16xf32>
      %swap3A_181 = vector.shape_cast %broadcast_in_dim3A_176 : vector<16xf32> to vector<1x16xf32>
      tpu.vector_store %arg9[%swap3A_177, %swap3A_178], %swap3A_181 {strides = array<i32>} : memref<64x144xf32, #tpu.memory_space<vmem>>, vector<1x16xf32>,
    }
    %scan3A_5 = arith.constant 64 : i32
    %mul3A_6 = arith.constant 625 : i32
    %mul3A_7 = arith.muli %arg1, %mul3A_6 : i32
    %add3A_8 = arith.constant 0 : i32
    %add3A_9 = arith.addi %mul3A_7, %add3A_8 : i32
    "tpu.region"() ({
      %run_scoped3A = tpu.sem_alloc : memref<!tpu.dma_semaphore, #tpu.memory_space<semaphore_mem>>
      %dma_start3A_120 = arith.constant 0 : i32
      %dma_start3A_121 = tpu.memref_slice %arg6[%add3A_9, %dma_start3A_120] : memref<10000x144xf32, #tpu.memory_space<vmem_shared>> -> memref<64x144xf32, #tpu.memory_space<vmem_shared>>
      %dma_start3A_122 = arith.constant 0 : i32
      %dma_start3A_123 = tpu.memref_slice %arg6[%add3A_9, %dma_start3A_122] : memref<10000x144xf32, #tpu.memory_space<vmem_shared>> -> memref<64x144xf32, #tpu.memory_space<vmem_shared>>
      tpu.enqueue_dma source(%arg9 : memref<64x144xf32, #tpu.memory_space<vmem>>) target(%dma_start3A_123 : memref<64x144xf32, #tpu.memory_space<vmem_shared>>) target_semaphore(%run_scoped3A : memref<!tpu.dma_semaphore, #tpu.memory_space<semaphore_mem>>)
      %dma_wait3A = arith.constant 0 : i32
      %dma_wait3A_124 = tpu.memref_slice %arg6[%add3A_9, %dma_wait3A] : memref<10000x144xf32, #tpu.memory_space<vmem_shared>> -> memref<64x144xf32, #tpu.memory_space<vmem_shared>>
      %dma_wait3A_125 = arith.constant 0 : i32
      %dma_wait3A_126 = tpu.memref_slice %arg6[%add3A_9, %dma_wait3A_125] : memref<10000x144xf32, #tpu.memory_space<vmem_shared>> -> memref<64x144xf32, #tpu.memory_space<vmem_shared>>
      tpu.wait_dma2 semaphore(%run_scoped3A : memref<!tpu.dma_semaphore, #tpu.memory_space<semaphore_mem>>) src(%arg9 : memref<64x144xf32, #tpu.memory_space<vmem>>) dst(%dma_wait3A_126 : memref<64x144xf32, #tpu.memory_space<vmem_shared>>)
      tpu.yield
    }) : () -> ()
    %mul3A_10 = arith.constant 625 : i32
    %mul3A_11 = arith.muli %arg1, %mul3A_10 : i32
    %add3A_12 = arith.constant 64 : i32
    %add3A_13 = arith.addi %mul3A_11, %add3A_12 : i32
    "tpu.region"() ({
      %run_scoped3A = tpu.sem_alloc : memref<!tpu.dma_semaphore, #tpu.memory_space<semaphore_mem>>
      %dma_start3A_120 = arith.constant 0 : i32
      %dma_start3A_121 = tpu.memref_slice %arg6[%add3A_13, %dma_start3A_120] : memref<10000x144xf32, #tpu.memory_space<vmem_shared>> -> memref<64x144xf32, #tpu.memory_space<vmem_shared>>
      %dma_start3A_122 = arith.constant 0 : i32
      %dma_start3A_123 = tpu.memref_slice %arg6[%add3A_13, %dma_start3A_122] : memref<10000x144xf32, #tpu.memory_space<vmem_shared>> -> memref<64x144xf32, #tpu.memory_space<vmem_shared>>
      tpu.enqueue_dma source(%arg9 : memref<64x144xf32, #tpu.memory_space<vmem>>) target(%dma_start3A_123 : memref<64x144xf32, #tpu.memory_space<vmem_shared>>) target_semaphore(%run_scoped3A : memref<!tpu.dma_semaphore, #tpu.memory_space<semaphore_mem>>)
      %dma_wait3A = arith.constant 0 : i32
      %dma_wait3A_124 = tpu.memref_slice %arg6[%add3A_13, %dma_wait3A] : memref<10000x144xf32, #tpu.memory_space<vmem_shared>> -> memref<64x144xf32, #tpu.memory_space<vmem_shared>>
      %dma_wait3A_125 = arith.constant 0 : i32
      %dma_wait3A_126 = tpu.memref_slice %arg6[%add3A_13, %dma_wait3A_125] : memref<10000x144xf32, #tpu.memory_space<vmem_shared>> -> memref<64x144xf32, #tpu.memory_space<vmem_shared>>
      tpu.wait_dma2 semaphore(%run_scoped3A : memref<!tpu.dma_semaphore, #tpu.memory_space<semaphore_mem>>) src(%arg9 : memref<64x144xf32, #tpu.memory_space<vmem>>) dst(%dma_wait3A_126 : memref<64x144xf32, #tpu.memory_space<vmem_shared>>)
      tpu.yield
    }) : () -> ()
    %mul3A_14 = arith.constant 625 : i32
    %mul3A_15 = arith.muli %arg1, %mul3A_14 : i32
    %add3A_16 = arith.constant 128 : i32
    %add3A_17 = arith.addi %mul3A_15, %add3A_16 : i32
    "tpu.region"() ({
      %run_scoped3A = tpu.sem_alloc : memref<!tpu.dma_semaphore, #tpu.memory_space<semaphore_mem>>
      %dma_start3A_120 = arith.constant 0 : i32
      %dma_start3A_121 = tpu.memref_slice %arg6[%add3A_17, %dma_start3A_120] : memref<10000x144xf32, #tpu.memory_space<vmem_shared>> -> memref<64x144xf32, #tpu.memory_space<vmem_shared>>
      %dma_start3A_122 = arith.constant 0 : i32
      %dma_start3A_123 = tpu.memref_slice %arg6[%add3A_17, %dma_start3A_122] : memref<10000x144xf32, #tpu.memory_space<vmem_shared>> -> memref<64x144xf32, #tpu.memory_space<vmem_shared>>
      tpu.enqueue_dma source(%arg9 : memref<64x144xf32, #tpu.memory_space<vmem>>) target(%dma_start3A_123 : memref<64x144xf32, #tpu.memory_space<vmem_shared>>) target_semaphore(%run_scoped3A : memref<!tpu.dma_semaphore, #tpu.memory_space<semaphore_mem>>)
      %dma_wait3A = arith.constant 0 : i32
      %dma_wait3A_124 = tpu.memref_slice %arg6[%add3A_17, %dma_wait3A] : memref<10000x144xf32, #tpu.memory_space<vmem_shared>> -> memref<64x144xf32, #tpu.memory_space<vmem_shared>>
      %dma_wait3A_125 = arith.constant 0 : i32
      %dma_wait3A_126 = tpu.memref_slice %arg6[%add3A_17, %dma_wait3A_125] : memref<10000x144xf32, #tpu.memory_space<vmem_shared>> -> memref<64x144xf32, #tpu.memory_space<vmem_shared>>
      tpu.wait_dma2 semaphore(%run_scoped3A : memref<!tpu.dma_semaphore, #tpu.memory_space<semaphore_mem>>) src(%arg9 : memref<64x144xf32, #tpu.memory_space<vmem>>) dst(%dma_wait3A_126 : memref<64x144xf32, #tpu.memory_space<vmem_shared>>)
      tpu.yield
    }) : () -> ()
    %mul3A_18 = arith.constant 625 : i32
    %mul3A_19 = arith.muli %arg1, %mul3A_18 : i32
    %add3A_20 = arith.constant 192 : i32
    %add3A_21 = arith.addi %mul3A_19, %add3A_20 : i32
    "tpu.region"() ({
      %run_scoped3A = tpu.sem_alloc : memref<!tpu.dma_semaphore, #tpu.memory_space<semaphore_mem>>
      %dma_start3A_120 = arith.constant 0 : i32
      %dma_start3A_121 = tpu.memref_slice %arg6[%add3A_21, %dma_start3A_120] : memref<10000x144xf32, #tpu.memory_space<vmem_shared>> -> memref<64x144xf32, #tpu.memory_space<vmem_shared>>
      %dma_start3A_122 = arith.constant 0 : i32
      %dma_start3A_123 = tpu.memref_slice %arg6[%add3A_21, %dma_start3A_122] : memref<10000x144xf32, #tpu.memory_space<vmem_shared>> -> memref<64x144xf32, #tpu.memory_space<vmem_shared>>
      tpu.enqueue_dma source(%arg9 : memref<64x144xf32, #tpu.memory_space<vmem>>) target(%dma_start3A_123 : memref<64x144xf32, #tpu.memory_space<vmem_shared>>) target_semaphore(%run_scoped3A : memref<!tpu.dma_semaphore, #tpu.memory_space<semaphore_mem>>)
      %dma_wait3A = arith.constant 0 : i32
      %dma_wait3A_124 = tpu.memref_slice %arg6[%add3A_21, %dma_wait3A] : memref<10000x144xf32, #tpu.memory_space<vmem_shared>> -> memref<64x144xf32, #tpu.memory_space<vmem_shared>>
      %dma_wait3A_125 = arith.constant 0 : i32
      %dma_wait3A_126 = tpu.memref_slice %arg6[%add3A_21, %dma_wait3A_125] : memref<10000x144xf32, #tpu.memory_space<vmem_shared>> -> memref<64x144xf32, #tpu.memory_space<vmem_shared>>
      tpu.wait_dma2 semaphore(%run_scoped3A : memref<!tpu.dma_semaphore, #tpu.memory_space<semaphore_mem>>) src(%arg9 : memref<64x144xf32, #tpu.memory_space<vmem>>) dst(%dma_wait3A_126 : memref<64x144xf32, #tpu.memory_space<vmem_shared>>)
      tpu.yield
    }) : () -> ()
    %mul3A_22 = arith.constant 625 : i32
    %mul3A_23 = arith.muli %arg1, %mul3A_22 : i32
    %add3A_24 = arith.constant 256 : i32
    %add3A_25 = arith.addi %mul3A_23, %add3A_24 : i32
    "tpu.region"() ({
      %run_scoped3A = tpu.sem_alloc : memref<!tpu.dma_semaphore, #tpu.memory_space<semaphore_mem>>
      %dma_start3A_120 = arith.constant 0 : i32
      %dma_start3A_121 = tpu.memref_slice %arg6[%add3A_25, %dma_start3A_120] : memref<10000x144xf32, #tpu.memory_space<vmem_shared>> -> memref<64x144xf32, #tpu.memory_space<vmem_shared>>
      %dma_start3A_122 = arith.constant 0 : i32
      %dma_start3A_123 = tpu.memref_slice %arg6[%add3A_25, %dma_start3A_122] : memref<10000x144xf32, #tpu.memory_space<vmem_shared>> -> memref<64x144xf32, #tpu.memory_space<vmem_shared>>
      tpu.enqueue_dma source(%arg9 : memref<64x144xf32, #tpu.memory_space<vmem>>) target(%dma_start3A_123 : memref<64x144xf32, #tpu.memory_space<vmem_shared>>) target_semaphore(%run_scoped3A : memref<!tpu.dma_semaphore, #tpu.memory_space<semaphore_mem>>)
      %dma_wait3A = arith.constant 0 : i32
      %dma_wait3A_124 = tpu.memref_slice %arg6[%add3A_25, %dma_wait3A] : memref<10000x144xf32, #tpu.memory_space<vmem_shared>> -> memref<64x144xf32, #tpu.memory_space<vmem_shared>>
      %dma_wait3A_125 = arith.constant 0 : i32
      %dma_wait3A_126 = tpu.memref_slice %arg6[%add3A_25, %dma_wait3A_125] : memref<10000x144xf32, #tpu.memory_space<vmem_shared>> -> memref<64x144xf32, #tpu.memory_space<vmem_shared>>
      tpu.wait_dma2 semaphore(%run_scoped3A : memref<!tpu.dma_semaphore, #tpu.memory_space<semaphore_mem>>) src(%arg9 : memref<64x144xf32, #tpu.memory_space<vmem>>) dst(%dma_wait3A_126 : memref<64x144xf32, #tpu.memory_space<vmem_shared>>)
      tpu.yield
    }) : () -> ()
    %mul3A_26 = arith.constant 625 : i32
    %mul3A_27 = arith.muli %arg1, %mul3A_26 : i32
    %add3A_28 = arith.constant 320 : i32
    %add3A_29 = arith.addi %mul3A_27, %add3A_28 : i32
    "tpu.region"() ({
      %run_scoped3A = tpu.sem_alloc : memref<!tpu.dma_semaphore, #tpu.memory_space<semaphore_mem>>
      %dma_start3A_120 = arith.constant 0 : i32
      %dma_start3A_121 = tpu.memref_slice %arg6[%add3A_29, %dma_start3A_120] : memref<10000x144xf32, #tpu.memory_space<vmem_shared>> -> memref<64x144xf32, #tpu.memory_space<vmem_shared>>
      %dma_start3A_122 = arith.constant 0 : i32
      %dma_start3A_123 = tpu.memref_slice %arg6[%add3A_29, %dma_start3A_122] : memref<10000x144xf32, #tpu.memory_space<vmem_shared>> -> memref<64x144xf32, #tpu.memory_space<vmem_shared>>
      tpu.enqueue_dma source(%arg9 : memref<64x144xf32, #tpu.memory_space<vmem>>) target(%dma_start3A_123 : memref<64x144xf32, #tpu.memory_space<vmem_shared>>) target_semaphore(%run_scoped3A : memref<!tpu.dma_semaphore, #tpu.memory_space<semaphore_mem>>)
      %dma_wait3A = arith.constant 0 : i32
      %dma_wait3A_124 = tpu.memref_slice %arg6[%add3A_29, %dma_wait3A] : memref<10000x144xf32, #tpu.memory_space<vmem_shared>> -> memref<64x144xf32, #tpu.memory_space<vmem_shared>>
      %dma_wait3A_125 = arith.constant 0 : i32
      %dma_wait3A_126 = tpu.memref_slice %arg6[%add3A_29, %dma_wait3A_125] : memref<10000x144xf32, #tpu.memory_space<vmem_shared>> -> memref<64x144xf32, #tpu.memory_space<vmem_shared>>
      tpu.wait_dma2 semaphore(%run_scoped3A : memref<!tpu.dma_semaphore, #tpu.memory_space<semaphore_mem>>) src(%arg9 : memref<64x144xf32, #tpu.memory_space<vmem>>) dst(%dma_wait3A_126 : memref<64x144xf32, #tpu.memory_space<vmem_shared>>)
      tpu.yield
    }) : () -> ()
    %mul3A_30 = arith.constant 625 : i32
    %mul3A_31 = arith.muli %arg1, %mul3A_30 : i32
    %add3A_32 = arith.constant 384 : i32
    %add3A_33 = arith.addi %mul3A_31, %add3A_32 : i32
    "tpu.region"() ({
      %run_scoped3A = tpu.sem_alloc : memref<!tpu.dma_semaphore, #tpu.memory_space<semaphore_mem>>
      %dma_start3A_120 = arith.constant 0 : i32
      %dma_start3A_121 = tpu.memref_slice %arg6[%add3A_33, %dma_start3A_120] : memref<10000x144xf32, #tpu.memory_space<vmem_shared>> -> memref<64x144xf32, #tpu.memory_space<vmem_shared>>
      %dma_start3A_122 = arith.constant 0 : i32
      %dma_start3A_123 = tpu.memref_slice %arg6[%add3A_33, %dma_start3A_122] : memref<10000x144xf32, #tpu.memory_space<vmem_shared>> -> memref<64x144xf32, #tpu.memory_space<vmem_shared>>
      tpu.enqueue_dma source(%arg9 : memref<64x144xf32, #tpu.memory_space<vmem>>) target(%dma_start3A_123 : memref<64x144xf32, #tpu.memory_space<vmem_shared>>) target_semaphore(%run_scoped3A : memref<!tpu.dma_semaphore, #tpu.memory_space<semaphore_mem>>)
      %dma_wait3A = arith.constant 0 : i32
      %dma_wait3A_124 = tpu.memref_slice %arg6[%add3A_33, %dma_wait3A] : memref<10000x144xf32, #tpu.memory_space<vmem_shared>> -> memref<64x144xf32, #tpu.memory_space<vmem_shared>>
      %dma_wait3A_125 = arith.constant 0 : i32
      %dma_wait3A_126 = tpu.memref_slice %arg6[%add3A_33, %dma_wait3A_125] : memref<10000x144xf32, #tpu.memory_space<vmem_shared>> -> memref<64x144xf32, #tpu.memory_space<vmem_shared>>
      tpu.wait_dma2 semaphore(%run_scoped3A : memref<!tpu.dma_semaphore, #tpu.memory_space<semaphore_mem>>) src(%arg9 : memref<64x144xf32, #tpu.memory_space<vmem>>) dst(%dma_wait3A_126 : memref<64x144xf32, #tpu.memory_space<vmem_shared>>)
      tpu.yield
    }) : () -> ()
    %mul3A_34 = arith.constant 625 : i32
    %mul3A_35 = arith.muli %arg1, %mul3A_34 : i32
    %add3A_36 = arith.constant 448 : i32
    %add3A_37 = arith.addi %mul3A_35, %add3A_36 : i32
    "tpu.region"() ({
      %run_scoped3A = tpu.sem_alloc : memref<!tpu.dma_semaphore, #tpu.memory_space<semaphore_mem>>
      %dma_start3A_120 = arith.constant 0 : i32
      %dma_start3A_121 = tpu.memref_slice %arg6[%add3A_37, %dma_start3A_120] : memref<10000x144xf32, #tpu.memory_space<vmem_shared>> -> memref<64x144xf32, #tpu.memory_space<vmem_shared>>
      %dma_start3A_122 = arith.constant 0 : i32
      %dma_start3A_123 = tpu.memref_slice %arg6[%add3A_37, %dma_start3A_122] : memref<10000x144xf32, #tpu.memory_space<vmem_shared>> -> memref<64x144xf32, #tpu.memory_space<vmem_shared>>
      tpu.enqueue_dma source(%arg9 : memref<64x144xf32, #tpu.memory_space<vmem>>) target(%dma_start3A_123 : memref<64x144xf32, #tpu.memory_space<vmem_shared>>) target_semaphore(%run_scoped3A : memref<!tpu.dma_semaphore, #tpu.memory_space<semaphore_mem>>)
      %dma_wait3A = arith.constant 0 : i32
      %dma_wait3A_124 = tpu.memref_slice %arg6[%add3A_37, %dma_wait3A] : memref<10000x144xf32, #tpu.memory_space<vmem_shared>> -> memref<64x144xf32, #tpu.memory_space<vmem_shared>>
      %dma_wait3A_125 = arith.constant 0 : i32
      %dma_wait3A_126 = tpu.memref_slice %arg6[%add3A_37, %dma_wait3A_125] : memref<10000x144xf32, #tpu.memory_space<vmem_shared>> -> memref<64x144xf32, #tpu.memory_space<vmem_shared>>
      tpu.wait_dma2 semaphore(%run_scoped3A : memref<!tpu.dma_semaphore, #tpu.memory_space<semaphore_mem>>) src(%arg9 : memref<64x144xf32, #tpu.memory_space<vmem>>) dst(%dma_wait3A_126 : memref<64x144xf32, #tpu.memory_space<vmem_shared>>)
      tpu.yield
    }) : () -> ()
    %mul3A_38 = arith.constant 625 : i32
    %mul3A_39 = arith.muli %arg1, %mul3A_38 : i32
    %add3A_40 = arith.constant 512 : i32
    %add3A_41 = arith.addi %mul3A_39, %add3A_40 : i32
    "tpu.region"() ({
      %run_scoped3A = tpu.sem_alloc : memref<!tpu.dma_semaphore, #tpu.memory_space<semaphore_mem>>
      %dma_start3A_120 = arith.constant 0 : i32
      %dma_start3A_121 = tpu.memref_slice %arg6[%add3A_41, %dma_start3A_120] : memref<10000x144xf32, #tpu.memory_space<vmem_shared>> -> memref<64x144xf32, #tpu.memory_space<vmem_shared>>
      %dma_start3A_122 = arith.constant 0 : i32
      %dma_start3A_123 = tpu.memref_slice %arg6[%add3A_41, %dma_start3A_122] : memref<10000x144xf32, #tpu.memory_space<vmem_shared>> -> memref<64x144xf32, #tpu.memory_space<vmem_shared>>
      tpu.enqueue_dma source(%arg9 : memref<64x144xf32, #tpu.memory_space<vmem>>) target(%dma_start3A_123 : memref<64x144xf32, #tpu.memory_space<vmem_shared>>) target_semaphore(%run_scoped3A : memref<!tpu.dma_semaphore, #tpu.memory_space<semaphore_mem>>)
      %dma_wait3A = arith.constant 0 : i32
      %dma_wait3A_124 = tpu.memref_slice %arg6[%add3A_41, %dma_wait3A] : memref<10000x144xf32, #tpu.memory_space<vmem_shared>> -> memref<64x144xf32, #tpu.memory_space<vmem_shared>>
      %dma_wait3A_125 = arith.constant 0 : i32
      %dma_wait3A_126 = tpu.memref_slice %arg6[%add3A_41, %dma_wait3A_125] : memref<10000x144xf32, #tpu.memory_space<vmem_shared>> -> memref<64x144xf32, #tpu.memory_space<vmem_shared>>
      tpu.wait_dma2 semaphore(%run_scoped3A : memref<!tpu.dma_semaphore, #tpu.memory_space<semaphore_mem>>) src(%arg9 : memref<64x144xf32, #tpu.memory_space<vmem>>) dst(%dma_wait3A_126 : memref<64x144xf32, #tpu.memory_space<vmem_shared>>)
      tpu.yield
    }) : () -> ()
    %mul3A_42 = arith.constant 625 : i32
    %mul3A_43 = arith.muli %arg1, %mul3A_42 : i32
    %add3A_44 = arith.constant 576 : i32
    %add3A_45 = arith.addi %mul3A_43, %add3A_44 : i32
    "tpu.region"() ({
      %run_scoped3A = tpu.sem_alloc : memref<!tpu.dma_semaphore, #tpu.memory_space<semaphore_mem>>
      %dma_start3A_120 = arith.constant 0 : i32
      %dma_start3A_121 = arith.constant 0 : i32
      %dma_start3A_122 = tpu.memref_slice %arg9[%dma_start3A_120, %dma_start3A_121] : memref<64x144xf32, #tpu.memory_space<vmem>> -> memref<49x144xf32, #tpu.memory_space<vmem>>
      %dma_start3A_123 = arith.constant 0 : i32
      %dma_start3A_124 = tpu.memref_slice %arg6[%add3A_45, %dma_start3A_123] : memref<10000x144xf32, #tpu.memory_space<vmem_shared>> -> memref<49x144xf32, #tpu.memory_space<vmem_shared>>
      %dma_start3A_125 = arith.constant 0 : i32
      %dma_start3A_126 = tpu.memref_slice %arg6[%add3A_45, %dma_start3A_125] : memref<10000x144xf32, #tpu.memory_space<vmem_shared>> -> memref<49x144xf32, #tpu.memory_space<vmem_shared>>
      %dma_start3A_127 = arith.constant 0 : i32
      %dma_start3A_128 = arith.constant 0 : i32
      %dma_start3A_129 = tpu.memref_slice %arg9[%dma_start3A_127, %dma_start3A_128] : memref<64x144xf32, #tpu.memory_space<vmem>> -> memref<49x144xf32, #tpu.memory_space<vmem>>
      tpu.enqueue_dma source(%dma_start3A_129 : memref<49x144xf32, #tpu.memory_space<vmem>>) target(%dma_start3A_126 : memref<49x144xf32, #tpu.memory_space<vmem_shared>>) target_semaphore(%run_scoped3A : memref<!tpu.dma_semaphore, #tpu.memory_space<semaphore_mem>>)
      %dma_wait3A = arith.constant 0 : i32
      %dma_wait3A_130 = arith.constant 0 : i32
      %dma_wait3A_131 = tpu.memref_slice %arg9[%dma_wait3A, %dma_wait3A_130] : memref<64x144xf32, #tpu.memory_space<vmem>> -> memref<49x144xf32, #tpu.memory_space<vmem>>
      %dma_wait3A_132 = arith.constant 0 : i32
      %dma_wait3A_133 = tpu.memref_slice %arg6[%add3A_45, %dma_wait3A_132] : memref<10000x144xf32, #tpu.memory_space<vmem_shared>> -> memref<49x144xf32, #tpu.memory_space<vmem_shared>>
      %dma_wait3A_134 = arith.constant 0 : i32
      %dma_wait3A_135 = tpu.memref_slice %arg6[%add3A_45, %dma_wait3A_134] : memref<10000x144xf32, #tpu.memory_space<vmem_shared>> -> memref<49x144xf32, #tpu.memory_space<vmem_shared>>
      %dma_wait3A_136 = arith.constant 0 : i32
      %dma_wait3A_137 = arith.constant 0 : i32
      %dma_wait3A_138 = tpu.memref_slice %arg9[%dma_wait3A_136, %dma_wait3A_137] : memref<64x144xf32, #tpu.memory_space<vmem>> -> memref<49x144xf32, #tpu.memory_space<vmem>>
      tpu.wait_dma2 semaphore(%run_scoped3A : memref<!tpu.dma_semaphore, #tpu.memory_space<semaphore_mem>>) src(%dma_wait3A_138 : memref<49x144xf32, #tpu.memory_space<vmem>>) dst(%dma_wait3A_135 : memref<49x144xf32, #tpu.memory_space<vmem_shared>>)
      tpu.yield
    }) : () -> ()
    %barrier3A = arith.constant 0 : index
    tpu.barrier barrier_id(%barrier3A)
    %eq3A = arith.constant 0 : i32
    %eq3A_46 = arith.cmpi eq, %arg0, %eq3A : i32
    %mul3A_47 = arith.constant 232 : i32
    %mul3A_48 = arith.muli %arg1, %mul3A_47 : i32
    %mul3A_49 = arith.constant 88 : i32
    %mul3A_50 = arith.muli %arg1, %mul3A_49 : i32
    %add3A_51 = arith.constant 3712 : i32
    %add3A_52 = arith.addi %add3A_51, %mul3A_50 : i32
    %select_n3A = arith.select %eq3A_46, %mul3A_48, %add3A_52 : i32
    %eq3A_53 = arith.constant 0 : i32
    %eq3A_54 = arith.cmpi eq, %arg0, %eq3A_53 : i32
    %jit3A = arith.constant 232 : i32
    %jit3A_55 = arith.constant 88 : i32
    %select_n3A_56 = arith.select %eq3A_54, %jit3A, %jit3A_55 : i32
    %add3A_57 = arith.constant 0 : i32
    %add3A_58 = arith.addi %select_n3A, %add3A_57 : i32
    "tpu.region"() ({
      %run_scoped3A = tpu.sem_alloc : memref<!tpu.dma_semaphore, #tpu.memory_space<semaphore_mem>>
      %dma_start3A_120 = arith.constant 0 : i32
      %dma_start3A_121 = arith.constant 0 : i32
      %dma_start3A_122 = tpu.memref_slice %arg4[%add3A_58, %dma_start3A_120, %dma_start3A_121] : memref<5120x3x64xi32, #tpu.memory_space<hbm>> -> memref<1x3x64xi32, #tpu.memory_space<hbm>>
      %dma_start3A_123 = tpu.memref_squeeze %dma_start3A_122 : memref<1x3x64xi32, #tpu.memory_space<hbm>> -> memref<3x64xi32, #tpu.memory_space<hbm>>
      %dma_start3A_124 = arith.constant 0 : i32
      %dma_start3A_125 = arith.constant 0 : i32
      %dma_start3A_126 = tpu.memref_slice %arg4[%add3A_58, %dma_start3A_124, %dma_start3A_125] : memref<5120x3x64xi32, #tpu.memory_space<hbm>> -> memref<1x3x64xi32, #tpu.memory_space<hbm>>
      %dma_start3A_127 = tpu.memref_squeeze %dma_start3A_126 : memref<1x3x64xi32, #tpu.memory_space<hbm>> -> memref<3x64xi32, #tpu.memory_space<hbm>>
      tpu.enqueue_dma source(%dma_start3A_127 : memref<3x64xi32, #tpu.memory_space<hbm>>) target(%arg7 : memref<3x64xi32, #tpu.memory_space<vmem>>) target_semaphore(%run_scoped3A : memref<!tpu.dma_semaphore, #tpu.memory_space<semaphore_mem>>)
      %dma_wait3A = arith.constant 0 : i32
      %dma_wait3A_128 = arith.constant 0 : i32
      %dma_wait3A_129 = tpu.memref_slice %arg4[%add3A_58, %dma_wait3A, %dma_wait3A_128] : memref<5120x3x64xi32, #tpu.memory_space<hbm>> -> memref<1x3x64xi32, #tpu.memory_space<hbm>>
      %dma_wait3A_130 = tpu.memref_squeeze %dma_wait3A_129 : memref<1x3x64xi32, #tpu.memory_space<hbm>> -> memref<3x64xi32, #tpu.memory_space<hbm>>
      %dma_wait3A_131 = arith.constant 0 : i32
      %dma_wait3A_132 = arith.constant 0 : i32
      %dma_wait3A_133 = tpu.memref_slice %arg4[%add3A_58, %dma_wait3A_131, %dma_wait3A_132] : memref<5120x3x64xi32, #tpu.memory_space<hbm>> -> memref<1x3x64xi32, #tpu.memory_space<hbm>>
      %dma_wait3A_134 = tpu.memref_squeeze %dma_wait3A_133 : memref<1x3x64xi32, #tpu.memory_space<hbm>> -> memref<3x64xi32, #tpu.memory_space<hbm>>
      tpu.wait_dma2 semaphore(%run_scoped3A : memref<!tpu.dma_semaphore, #tpu.memory_space<semaphore_mem>>) src(%dma_wait3A_134 : memref<3x64xi32, #tpu.memory_space<hbm>>) dst(%arg7 : memref<3x64xi32, #tpu.memory_space<vmem>>)
      tpu.yield
    }) : () -> ()
    %dma_start3A = arith.constant 0 : i32
    %dma_start3A_59 = arith.constant 0 : i32
    %dma_start3A_60 = tpu.memref_slice %arg7[%dma_start3A, %dma_start3A_59] : memref<3x64xi32, #tpu.memory_space<vmem>> -> memref<1x64xi32, #tpu.memory_space<vmem>>
    %dma_start3A_61 = tpu.memref_squeeze %dma_start3A_60 : memref<1x64xi32, #tpu.memory_space<vmem>> -> memref<64xi32, #tpu.memory_space<vmem>>
    %dma_start3A_62 = arith.constant 0 : i32
    %dma_start3A_63 = arith.constant 0 : i32
    %dma_start3A_64 = tpu.memref_slice %arg2[%dma_start3A_62, %dma_start3A_63] : memref<60000x144xf32, #tpu.memory_space<hbm>> -> memref<60000x144xf32, #tpu.memory_space<hbm>>
    tpu.enqueue_indirect_dma source(%dma_start3A_64 : memref<60000x144xf32, #tpu.memory_space<hbm>>) target(%arg9 : memref<64x144xf32, #tpu.memory_space<vmem>>) offsets(%dma_start3A_61 : memref<64xi32, #tpu.memory_space<vmem>>) semaphore(%arg13 : memref<!tpu.dma_semaphore, #tpu.memory_space<semaphore_mem>>)
    %dma_start3A_65 = arith.constant 1 : i32
    %dma_start3A_66 = arith.constant 0 : i32
    %dma_start3A_67 = tpu.memref_slice %arg7[%dma_start3A_65, %dma_start3A_66] : memref<3x64xi32, #tpu.memory_space<vmem>> -> memref<1x64xi32, #tpu.memory_space<vmem>>
    %dma_start3A_68 = tpu.memref_squeeze %dma_start3A_67 : memref<1x64xi32, #tpu.memory_space<vmem>> -> memref<64xi32, #tpu.memory_space<vmem>>
    %dma_start3A_69 = arith.constant 0 : i32
    %dma_start3A_70 = arith.constant 0 : i32
    %dma_start3A_71 = tpu.memref_slice %arg3[%dma_start3A_69, %dma_start3A_70] : memref<328x144xf32, #tpu.memory_space<hbm>> -> memref<328x144xf32, #tpu.memory_space<hbm>>
    tpu.enqueue_indirect_dma source(%dma_start3A_71 : memref<328x144xf32, #tpu.memory_space<hbm>>) target(%arg11 : memref<64x144xf32, #tpu.memory_space<vmem>>) offsets(%dma_start3A_68 : memref<64xi32, #tpu.memory_space<vmem>>) semaphore(%arg13 : memref<!tpu.dma_semaphore, #tpu.memory_space<semaphore_mem>>)
    %add3A_72 = arith.constant 1 : i32
    %add3A_73 = arith.addi %select_n3A, %add3A_72 : i32
    "tpu.region"() ({
      %run_scoped3A = tpu.sem_alloc : memref<!tpu.dma_semaphore, #tpu.memory_space<semaphore_mem>>
      %dma_start3A_120 = arith.constant 0 : i32
      %dma_start3A_121 = arith.constant 0 : i32
      %dma_start3A_122 = tpu.memref_slice %arg4[%add3A_73, %dma_start3A_120, %dma_start3A_121] : memref<5120x3x64xi32, #tpu.memory_space<hbm>> -> memref<1x3x64xi32, #tpu.memory_space<hbm>>
      %dma_start3A_123 = tpu.memref_squeeze %dma_start3A_122 : memref<1x3x64xi32, #tpu.memory_space<hbm>> -> memref<3x64xi32, #tpu.memory_space<hbm>>
      %dma_start3A_124 = arith.constant 0 : i32
      %dma_start3A_125 = arith.constant 0 : i32
      %dma_start3A_126 = tpu.memref_slice %arg4[%add3A_73, %dma_start3A_124, %dma_start3A_125] : memref<5120x3x64xi32, #tpu.memory_space<hbm>> -> memref<1x3x64xi32, #tpu.memory_space<hbm>>
      %dma_start3A_127 = tpu.memref_squeeze %dma_start3A_126 : memref<1x3x64xi32, #tpu.memory_space<hbm>> -> memref<3x64xi32, #tpu.memory_space<hbm>>
      tpu.enqueue_dma source(%dma_start3A_127 : memref<3x64xi32, #tpu.memory_space<hbm>>) target(%arg8 : memref<3x64xi32, #tpu.memory_space<vmem>>) target_semaphore(%run_scoped3A : memref<!tpu.dma_semaphore, #tpu.memory_space<semaphore_mem>>)
      %dma_wait3A = arith.constant 0 : i32
      %dma_wait3A_128 = arith.constant 0 : i32
      %dma_wait3A_129 = tpu.memref_slice %arg4[%add3A_73, %dma_wait3A, %dma_wait3A_128] : memref<5120x3x64xi32, #tpu.memory_space<hbm>> -> memref<1x3x64xi32, #tpu.memory_space<hbm>>
      %dma_wait3A_130 = tpu.memref_squeeze %dma_wait3A_129 : memref<1x3x64xi32, #tpu.memory_space<hbm>> -> memref<3x64xi32, #tpu.memory_space<hbm>>
      %dma_wait3A_131 = arith.constant 0 : i32
      %dma_wait3A_132 = arith.constant 0 : i32
      %dma_wait3A_133 = tpu.memref_slice %arg4[%add3A_73, %dma_wait3A_131, %dma_wait3A_132] : memref<5120x3x64xi32, #tpu.memory_space<hbm>> -> memref<1x3x64xi32, #tpu.memory_space<hbm>>
      %dma_wait3A_134 = tpu.memref_squeeze %dma_wait3A_133 : memref<1x3x64xi32, #tpu.memory_space<hbm>> -> memref<3x64xi32, #tpu.memory_space<hbm>>
      tpu.wait_dma2 semaphore(%run_scoped3A : memref<!tpu.dma_semaphore, #tpu.memory_space<semaphore_mem>>) src(%dma_wait3A_134 : memref<3x64xi32, #tpu.memory_space<hbm>>) dst(%arg8 : memref<3x64xi32, #tpu.memory_space<vmem>>)
      tpu.yield
    }) : () -> ()
    %dma_start3A_74 = arith.constant 0 : i32
    %dma_start3A_75 = arith.constant 0 : i32
    %dma_start3A_76 = tpu.memref_slice %arg8[%dma_start3A_74, %dma_start3A_75] : memref<3x64xi32, #tpu.memory_space<vmem>> -> memref<1x64xi32, #tpu.memory_space<vmem>>
    %dma_start3A_77 = tpu.memref_squeeze %dma_start3A_76 : memref<1x64xi32, #tpu.memory_space<vmem>> -> memref<64xi32, #tpu.memory_space<vmem>>
    %dma_start3A_78 = arith.constant 0 : i32
    %dma_start3A_79 = arith.constant 0 : i32
    %dma_start3A_80 = tpu.memref_slice %arg2[%dma_start3A_78, %dma_start3A_79] : memref<60000x144xf32, #tpu.memory_space<hbm>> -> memref<60000x144xf32, #tpu.memory_space<hbm>>
    tpu.enqueue_indirect_dma source(%dma_start3A_80 : memref<60000x144xf32, #tpu.memory_space<hbm>>) target(%arg10 : memref<64x144xf32, #tpu.memory_space<vmem>>) offsets(%dma_start3A_77 : memref<64xi32, #tpu.memory_space<vmem>>) semaphore(%arg14 : memref<!tpu.dma_semaphore, #tpu.memory_space<semaphore_mem>>)
    %dma_start3A_81 = arith.constant 1 : i32
    %dma_start3A_82 = arith.constant 0 : i32
    %dma_start3A_83 = tpu.memref_slice %arg8[%dma_start3A_81, %dma_start3A_82] : memref<3x64xi32, #tpu.memory_space<vmem>> -> memref<1x64xi32, #tpu.memory_space<vmem>>
    %dma_start3A_84 = tpu.memref_squeeze %dma_start3A_83 : memref<1x64xi32, #tpu.memory_space<vmem>> -> memref<64xi32, #tpu.memory_space<vmem>>
    %dma_start3A_85 = arith.constant 0 : i32
    %dma_start3A_86 = arith.constant 0 : i32
    %dma_start3A_87 = tpu.memref_slice %arg3[%dma_start3A_85, %dma_start3A_86] : memref<328x144xf32, #tpu.memory_space<hbm>> -> memref<328x144xf32, #tpu.memory_space<hbm>>
    tpu.enqueue_indirect_dma source(%dma_start3A_87 : memref<328x144xf32, #tpu.memory_space<hbm>>) target(%arg12 : memref<64x144xf32, #tpu.memory_space<vmem>>) offsets(%dma_start3A_84 : memref<64xi32, #tpu.memory_space<vmem>>) semaphore(%arg14 : memref<!tpu.dma_semaphore, #tpu.memory_space<semaphore_mem>>)
    %jit3A_88 = arith.constant 2 : i32
    %div3A = arith.divsi %select_n3A_56, %jit3A_88 : i32
    %sign3A = arith.constant 0 : i32
    %sign3A_89 = arith.cmpi sgt, %select_n3A_56, %sign3A : i32
    %sign3A_90 = arith.extui %sign3A_89 : i1 to i32
    %sign3A_91 = arith.constant 0 : i32
    %sign3A_92 = arith.cmpi slt, %select_n3A_56, %sign3A_91 : i32
    %sign3A_93 = arith.extui %sign3A_92 : i1 to i32
    %sign3A_94 = arith.subi %sign3A_90, %sign3A_93 : i32
    %sign3A_95 = arith.constant 0 : i32
    %sign3A_96 = arith.cmpi sgt, %jit3A_88, %sign3A_95 : i32
    %sign3A_97 = arith.extui %sign3A_96 : i1 to i32
    %sign3A_98 = arith.constant 0 : i32
    %sign3A_99 = arith.cmpi slt, %jit3A_88, %sign3A_98 : i32
    %sign3A_100 = arith.extui %sign3A_99 : i1 to i32
    %sign3A_101 = arith.subi %sign3A_97, %sign3A_100 : i32
    %ne3A = arith.cmpi ne, %sign3A_94, %sign3A_101 : i32
    %rem3A = arith.remsi %select_n3A_56, %jit3A_88 : i32
    %ne3A_102 = arith.constant 0 : i32
    %ne3A_103 = arith.cmpi ne, %rem3A, %ne3A_102 : i32
    %and3A = arith.andi %ne3A, %ne3A_103 : i1
    %sub3A = arith.constant 1 : i32
    %sub3A_104 = arith.subi %div3A, %sub3A : i32
    %select_n3A_105 = arith.select %and3A, %sub3A_104, %div3A : i32
    %while3A = arith.constant 0 : i32
    %while3A_106 = arith.constant 0 : i32
    %while3A_107 = arith.subi %select_n3A_105, %while3A_106 : i32
    %while3A_108 = arith.addi %while3A_106, %while3A_107 : i32
    %while3A_109 = arith.constant 1 : i32
    %while3A_110 = arith.divsi %while3A_107, %while3A_109 : i32
    %while3A_111 = arith.muli %while3A_110, %while3A_109 : i32
    %while3A_112 = arith.addi %while3A_106, %while3A_111 : i32
    %while3A_113 = arith.constant 1 : i32
    scf.for %while3A_120 = %while3A_106 to %while3A_112 step %while3A_113  : i32 {
      %mul3A_121 = arith.constant 2 : i32
      %mul3A_122 = arith.muli %while3A_120, %mul3A_121 : i32
      %add3A_123 = arith.constant 0 : i32
      %add3A_124 = arith.addi %mul3A_122, %add3A_123 : i32
      %dma_wait3A = arith.constant 0 : i32
      %dma_wait3A_125 = arith.constant 0 : i32
      %dma_wait3A_126 = tpu.memref_slice %arg7[%dma_wait3A, %dma_wait3A_125] : memref<3x64xi32, #tpu.memory_space<vmem>> -> memref<1x64xi32, #tpu.memory_space<vmem>>
      %dma_wait3A_127 = tpu.memref_squeeze %dma_wait3A_126 : memref<1x64xi32, #tpu.memory_space<vmem>> -> memref<64xi32, #tpu.memory_space<vmem>>
      %dma_wait3A_128 = arith.constant 0 : i32
      %dma_wait3A_129 = arith.constant 0 : i32
      %dma_wait3A_130 = tpu.memref_slice %arg2[%dma_wait3A_128, %dma_wait3A_129] : memref<60000x144xf32, #tpu.memory_space<hbm>> -> memref<60000x144xf32, #tpu.memory_space<hbm>>
      tpu.wait_indirect_dma semaphore(%arg13 : memref<!tpu.dma_semaphore, #tpu.memory_space<semaphore_mem>>) src(%dma_wait3A_130 : memref<60000x144xf32, #tpu.memory_space<hbm>>) dst(%arg9 : memref<64x144xf32, #tpu.memory_space<vmem>>)
      %dma_wait3A_131 = arith.constant 1 : i32
      %dma_wait3A_132 = arith.constant 0 : i32
      %dma_wait3A_133 = tpu.memref_slice %arg7[%dma_wait3A_131, %dma_wait3A_132] : memref<3x64xi32, #tpu.memory_space<vmem>> -> memref<1x64xi32, #tpu.memory_space<vmem>>
      %dma_wait3A_134 = tpu.memref_squeeze %dma_wait3A_133 : memref<1x64xi32, #tpu.memory_space<vmem>> -> memref<64xi32, #tpu.memory_space<vmem>>
      %dma_wait3A_135 = arith.constant 0 : i32
      %dma_wait3A_136 = arith.constant 0 : i32
      %dma_wait3A_137 = tpu.memref_slice %arg3[%dma_wait3A_135, %dma_wait3A_136] : memref<328x144xf32, #tpu.memory_space<hbm>> -> memref<328x144xf32, #tpu.memory_space<hbm>>
      tpu.wait_indirect_dma semaphore(%arg13 : memref<!tpu.dma_semaphore, #tpu.memory_space<semaphore_mem>>) src(%dma_wait3A_137 : memref<328x144xf32, #tpu.memory_space<hbm>>) dst(%arg11 : memref<64x144xf32, #tpu.memory_space<vmem>>)
      %scan3A_138 = arith.constant 0 : i32
      %scan3A_139 = arith.constant 0 : i32
      %scan3A_140 = arith.constant 64 : i32
      %scan3A_141 = arith.addi %scan3A_139, %scan3A_140 : i32
      %scan3A_142 = arith.constant 1 : i32
      scf.for %scan3A_178 = %scan3A_139 to %scan3A_141 step %scan3A_142  : i32 {
        %get3A = arith.index_cast %scan3A_178 : i32 to index
        %get3A_179 = arith.constant 0 : index
        %get3A_180 = tpu.vector_load %arg9[%get3A, %get3A_179] {strides = array<i32>} : memref<64x144xf32, #tpu.memory_space<vmem>>, vector<1x16xf32>,
        %get3A_181 = vector.shape_cast %get3A_180 : vector<1x16xf32> to vector<16xf32>
        %get3A_182 = arith.index_cast %scan3A_178 : i32 to index
        %get3A_183 = arith.constant 0 : index
        %get3A_184 = tpu.vector_load %arg11[%get3A_182, %get3A_183] {strides = array<i32>} : memref<64x144xf32, #tpu.memory_space<vmem>>, vector<1x16xf32>,
        %get3A_185 = vector.shape_cast %get3A_184 : vector<1x16xf32> to vector<16xf32>
        %add3A_186 = arith.addf %get3A_181, %get3A_185 : vector<16xf32>
        %max3A = arith.constant 0.000000e+00 : f32
        %max3A_187 = vector.broadcast %max3A : f32 to vector<16xf32>
        %max3A_188 = arith.maximumf %add3A_186, %max3A_187 : vector<16xf32>
        %swap3A = arith.index_cast %scan3A_178 : i32 to index
        %swap3A_189 = arith.constant 0 : index
        %swap3A_190 = tpu.vector_load %arg9[%swap3A, %swap3A_189] {strides = array<i32>} : memref<64x144xf32, #tpu.memory_space<vmem>>, vector<1x16xf32>,
        %swap3A_191 = vector.shape_cast %swap3A_190 : vector<1x16xf32> to vector<16xf32>
        %swap3A_192 = vector.shape_cast %max3A_188 : vector<16xf32> to vector<1x16xf32>
        tpu.vector_store %arg9[%swap3A, %swap3A_189], %swap3A_192 {strides = array<i32>} : memref<64x144xf32, #tpu.memory_space<vmem>>, vector<1x16xf32>,
        %get3A_193 = arith.index_cast %scan3A_178 : i32 to index
        %get3A_194 = arith.constant 16 : index
        %get3A_195 = tpu.vector_load %arg9[%get3A_193, %get3A_194] {strides = array<i32>} : memref<64x144xf32, #tpu.memory_space<vmem>>, vector<1x16xf32>,
        %get3A_196 = vector.shape_cast %get3A_195 : vector<1x16xf32> to vector<16xf32>
        %get3A_197 = arith.index_cast %scan3A_178 : i32 to index
        %get3A_198 = arith.constant 16 : index
        %get3A_199 = tpu.vector_load %arg11[%get3A_197, %get3A_198] {strides = array<i32>} : memref<64x144xf32, #tpu.memory_space<vmem>>, vector<1x16xf32>,
        %get3A_200 = vector.shape_cast %get3A_199 : vector<1x16xf32> to vector<16xf32>
        %add3A_201 = arith.addf %get3A_196, %get3A_200 : vector<16xf32>
        %max3A_202 = arith.constant 0.000000e+00 : f32
        %max3A_203 = vector.broadcast %max3A_202 : f32 to vector<16xf32>
        %max3A_204 = arith.maximumf %add3A_201, %max3A_203 : vector<16xf32>
        %swap3A_205 = arith.index_cast %scan3A_178 : i32 to index
        %swap3A_206 = arith.constant 16 : index
        %swap3A_207 = tpu.vector_load %arg9[%swap3A_205, %swap3A_206] {strides = array<i32>} : memref<64x144xf32, #tpu.memory_space<vmem>>, vector<1x16xf32>,
        %swap3A_208 = vector.shape_cast %swap3A_207 : vector<1x16xf32> to vector<16xf32>
        %swap3A_209 = vector.shape_cast %max3A_204 : vector<16xf32> to vector<1x16xf32>
        tpu.vector_store %arg9[%swap3A_205, %swap3A_206], %swap3A_209 {strides = array<i32>} : memref<64x144xf32, #tpu.memory_space<vmem>>, vector<1x16xf32>,
        %get3A_210 = arith.index_cast %scan3A_178 : i32 to index
        %get3A_211 = arith.constant 32 : index
        %get3A_212 = tpu.vector_load %arg9[%get3A_210, %get3A_211] {strides = array<i32>} : memref<64x144xf32, #tpu.memory_space<vmem>>, vector<1x16xf32>,
        %get3A_213 = vector.shape_cast %get3A_212 : vector<1x16xf32> to vector<16xf32>
        %get3A_214 = arith.index_cast %scan3A_178 : i32 to index
        %get3A_215 = arith.constant 32 : index
        %get3A_216 = tpu.vector_load %arg11[%get3A_214, %get3A_215] {strides = array<i32>} : memref<64x144xf32, #tpu.memory_space<vmem>>, vector<1x16xf32>,
        %get3A_217 = vector.shape_cast %get3A_216 : vector<1x16xf32> to vector<16xf32>
        %add3A_218 = arith.addf %get3A_213, %get3A_217 : vector<16xf32>
        %max3A_219 = arith.constant 0.000000e+00 : f32
        %max3A_220 = vector.broadcast %max3A_219 : f32 to vector<16xf32>
        %max3A_221 = arith.maximumf %add3A_218, %max3A_220 : vector<16xf32>
        %swap3A_222 = arith.index_cast %scan3A_178 : i32 to index
        %swap3A_223 = arith.constant 32 : index
        %swap3A_224 = tpu.vector_load %arg9[%swap3A_222, %swap3A_223] {strides = array<i32>} : memref<64x144xf32, #tpu.memory_space<vmem>>, vector<1x16xf32>,
        %swap3A_225 = vector.shape_cast %swap3A_224 : vector<1x16xf32> to vector<16xf32>
        %swap3A_226 = vector.shape_cast %max3A_221 : vector<16xf32> to vector<1x16xf32>
        tpu.vector_store %arg9[%swap3A_222, %swap3A_223], %swap3A_226 {strides = array<i32>} : memref<64x144xf32, #tpu.memory_space<vmem>>, vector<1x16xf32>,
        %get3A_227 = arith.index_cast %scan3A_178 : i32 to index
        %get3A_228 = arith.constant 48 : index
        %get3A_229 = tpu.vector_load %arg9[%get3A_227, %get3A_228] {strides = array<i32>} : memref<64x144xf32, #tpu.memory_space<vmem>>, vector<1x16xf32>,
        %get3A_230 = vector.shape_cast %get3A_229 : vector<1x16xf32> to vector<16xf32>
        %get3A_231 = arith.index_cast %scan3A_178 : i32 to index
        %get3A_232 = arith.constant 48 : index
        %get3A_233 = tpu.vector_load %arg11[%get3A_231, %get3A_232] {strides = array<i32>} : memref<64x144xf32, #tpu.memory_space<vmem>>, vector<1x16xf32>,
        %get3A_234 = vector.shape_cast %get3A_233 : vector<1x16xf32> to vector<16xf32>
        %add3A_235 = arith.addf %get3A_230, %get3A_234 : vector<16xf32>
        %max3A_236 = arith.constant 0.000000e+00 : f32
        %max3A_237 = vector.broadcast %max3A_236 : f32 to vector<16xf32>
        %max3A_238 = arith.maximumf %add3A_235, %max3A_237 : vector<16xf32>
        %swap3A_239 = arith.index_cast %scan3A_178 : i32 to index
        %swap3A_240 = arith.constant 48 : index
        %swap3A_241 = tpu.vector_load %arg9[%swap3A_239, %swap3A_240] {strides = array<i32>} : memref<64x144xf32, #tpu.memory_space<vmem>>, vector<1x16xf32>,
        %swap3A_242 = vector.shape_cast %swap3A_241 : vector<1x16xf32> to vector<16xf32>
        %swap3A_243 = vector.shape_cast %max3A_238 : vector<16xf32> to vector<1x16xf32>
        tpu.vector_store %arg9[%swap3A_239, %swap3A_240], %swap3A_243 {strides = array<i32>} : memref<64x144xf32, #tpu.memory_space<vmem>>, vector<1x16xf32>,
        %get3A_244 = arith.index_cast %scan3A_178 : i32 to index
        %get3A_245 = arith.constant 64 : index
        %get3A_246 = tpu.vector_load %arg9[%get3A_244, %get3A_245] {strides = array<i32>} : memref<64x144xf32, #tpu.memory_space<vmem>>, vector<1x16xf32>,
        %get3A_247 = vector.shape_cast %get3A_246 : vector<1x16xf32> to vector<16xf32>
        %get3A_248 = arith.index_cast %scan3A_178 : i32 to index
        %get3A_249 = arith.constant 64 : index
        %get3A_250 = tpu.vector_load %arg11[%get3A_248, %get3A_249] {strides = array<i32>} : memref<64x144xf32, #tpu.memory_space<vmem>>, vector<1x16xf32>,
        %get3A_251 = vector.shape_cast %get3A_250 : vector<1x16xf32> to vector<16xf32>
        %add3A_252 = arith.addf %get3A_247, %get3A_251 : vector<16xf32>
        %max3A_253 = arith.constant 0.000000e+00 : f32
        %max3A_254 = vector.broadcast %max3A_253 : f32 to vector<16xf32>
        %max3A_255 = arith.maximumf %add3A_252, %max3A_254 : vector<16xf32>
        %swap3A_256 = arith.index_cast %scan3A_178 : i32 to index
        %swap3A_257 = arith.constant 64 : index
        %swap3A_258 = tpu.vector_load %arg9[%swap3A_256, %swap3A_257] {strides = array<i32>} : memref<64x144xf32, #tpu.memory_space<vmem>>, vector<1x16xf32>,
        %swap3A_259 = vector.shape_cast %swap3A_258 : vector<1x16xf32> to vector<16xf32>
        %swap3A_260 = vector.shape_cast %max3A_255 : vector<16xf32> to vector<1x16xf32>
        tpu.vector_store %arg9[%swap3A_256, %swap3A_257], %swap3A_260 {strides = array<i32>} : memref<64x144xf32, #tpu.memory_space<vmem>>, vector<1x16xf32>,
        %get3A_261 = arith.index_cast %scan3A_178 : i32 to index
        %get3A_262 = arith.constant 80 : index
        %get3A_263 = tpu.vector_load %arg9[%get3A_261, %get3A_262] {strides = array<i32>} : memref<64x144xf32, #tpu.memory_space<vmem>>, vector<1x16xf32>,
        %get3A_264 = vector.shape_cast %get3A_263 : vector<1x16xf32> to vector<16xf32>
        %get3A_265 = arith.index_cast %scan3A_178 : i32 to index
        %get3A_266 = arith.constant 80 : index
        %get3A_267 = tpu.vector_load %arg11[%get3A_265, %get3A_266] {strides = array<i32>} : memref<64x144xf32, #tpu.memory_space<vmem>>, vector<1x16xf32>,
        %get3A_268 = vector.shape_cast %get3A_267 : vector<1x16xf32> to vector<16xf32>
        %add3A_269 = arith.addf %get3A_264, %get3A_268 : vector<16xf32>
        %max3A_270 = arith.constant 0.000000e+00 : f32
        %max3A_271 = vector.broadcast %max3A_270 : f32 to vector<16xf32>
        %max3A_272 = arith.maximumf %add3A_269, %max3A_271 : vector<16xf32>
        %swap3A_273 = arith.index_cast %scan3A_178 : i32 to index
        %swap3A_274 = arith.constant 80 : index
        %swap3A_275 = tpu.vector_load %arg9[%swap3A_273, %swap3A_274] {strides = array<i32>} : memref<64x144xf32, #tpu.memory_space<vmem>>, vector<1x16xf32>,
        %swap3A_276 = vector.shape_cast %swap3A_275 : vector<1x16xf32> to vector<16xf32>
        %swap3A_277 = vector.shape_cast %max3A_272 : vector<16xf32> to vector<1x16xf32>
        tpu.vector_store %arg9[%swap3A_273, %swap3A_274], %swap3A_277 {strides = array<i32>} : memref<64x144xf32, #tpu.memory_space<vmem>>, vector<1x16xf32>,
        %get3A_278 = arith.index_cast %scan3A_178 : i32 to index
        %get3A_279 = arith.constant 96 : index
        %get3A_280 = tpu.vector_load %arg9[%get3A_278, %get3A_279] {strides = array<i32>} : memref<64x144xf32, #tpu.memory_space<vmem>>, vector<1x16xf32>,
        %get3A_281 = vector.shape_cast %get3A_280 : vector<1x16xf32> to vector<16xf32>
        %get3A_282 = arith.index_cast %scan3A_178 : i32 to index
        %get3A_283 = arith.constant 96 : index
        %get3A_284 = tpu.vector_load %arg11[%get3A_282, %get3A_283] {strides = array<i32>} : memref<64x144xf32, #tpu.memory_space<vmem>>, vector<1x16xf32>,
        %get3A_285 = vector.shape_cast %get3A_284 : vector<1x16xf32> to vector<16xf32>
        %add3A_286 = arith.addf %get3A_281, %get3A_285 : vector<16xf32>
        %max3A_287 = arith.constant 0.000000e+00 : f32
        %max3A_288 = vector.broadcast %max3A_287 : f32 to vector<16xf32>
        %max3A_289 = arith.maximumf %add3A_286, %max3A_288 : vector<16xf32>
        %swap3A_290 = arith.index_cast %scan3A_178 : i32 to index
        %swap3A_291 = arith.constant 96 : index
        %swap3A_292 = tpu.vector_load %arg9[%swap3A_290, %swap3A_291] {strides = array<i32>} : memref<64x144xf32, #tpu.memory_space<vmem>>, vector<1x16xf32>,
        %swap3A_293 = vector.shape_cast %swap3A_292 : vector<1x16xf32> to vector<16xf32>
        %swap3A_294 = vector.shape_cast %max3A_289 : vector<16xf32> to vector<1x16xf32>
        tpu.vector_store %arg9[%swap3A_290, %swap3A_291], %swap3A_294 {strides = array<i32>} : memref<64x144xf32, #tpu.memory_space<vmem>>, vector<1x16xf32>,
        %get3A_295 = arith.index_cast %scan3A_178 : i32 to index
        %get3A_296 = arith.constant 112 : index
        %get3A_297 = tpu.vector_load %arg9[%get3A_295, %get3A_296] {strides = array<i32>} : memref<64x144xf32, #tpu.memory_space<vmem>>, vector<1x16xf32>,
        %get3A_298 = vector.shape_cast %get3A_297 : vector<1x16xf32> to vector<16xf32>
        %get3A_299 = arith.index_cast %scan3A_178 : i32 to index
        %get3A_300 = arith.constant 112 : index
        %get3A_301 = tpu.vector_load %arg11[%get3A_299, %get3A_300] {strides = array<i32>} : memref<64x144xf32, #tpu.memory_space<vmem>>, vector<1x16xf32>,
        %get3A_302 = vector.shape_cast %get3A_301 : vector<1x16xf32> to vector<16xf32>
        %add3A_303 = arith.addf %get3A_298, %get3A_302 : vector<16xf32>
        %max3A_304 = arith.constant 0.000000e+00 : f32
        %max3A_305 = vector.broadcast %max3A_304 : f32 to vector<16xf32>
        %max3A_306 = arith.maximumf %add3A_303, %max3A_305 : vector<16xf32>
        %swap3A_307 = arith.index_cast %scan3A_178 : i32 to index
        %swap3A_308 = arith.constant 112 : index
        %swap3A_309 = tpu.vector_load %arg9[%swap3A_307, %swap3A_308] {strides = array<i32>} : memref<64x144xf32, #tpu.memory_space<vmem>>, vector<1x16xf32>,
        %swap3A_310 = vector.shape_cast %swap3A_309 : vector<1x16xf32> to vector<16xf32>
        %swap3A_311 = vector.shape_cast %max3A_306 : vector<16xf32> to vector<1x16xf32>
        tpu.vector_store %arg9[%swap3A_307, %swap3A_308], %swap3A_311 {strides = array<i32>} : memref<64x144xf32, #tpu.memory_space<vmem>>, vector<1x16xf32>,
        %get3A_312 = arith.index_cast %scan3A_178 : i32 to index
        %get3A_313 = arith.constant 128 : index
        %get3A_314 = tpu.vector_load %arg9[%get3A_312, %get3A_313] {strides = array<i32>} : memref<64x144xf32, #tpu.memory_space<vmem>>, vector<1x16xf32>,
        %get3A_315 = vector.shape_cast %get3A_314 : vector<1x16xf32> to vector<16xf32>
        %get3A_316 = arith.index_cast %scan3A_178 : i32 to index
        %get3A_317 = arith.constant 128 : index
        %get3A_318 = tpu.vector_load %arg11[%get3A_316, %get3A_317] {strides = array<i32>} : memref<64x144xf32, #tpu.memory_space<vmem>>, vector<1x16xf32>,
        %get3A_319 = vector.shape_cast %get3A_318 : vector<1x16xf32> to vector<16xf32>
        %add3A_320 = arith.addf %get3A_315, %get3A_319 : vector<16xf32>
        %max3A_321 = arith.constant 0.000000e+00 : f32
        %max3A_322 = vector.broadcast %max3A_321 : f32 to vector<16xf32>
        %max3A_323 = arith.maximumf %add3A_320, %max3A_322 : vector<16xf32>
        %swap3A_324 = arith.index_cast %scan3A_178 : i32 to index
        %swap3A_325 = arith.constant 128 : index
        %swap3A_326 = tpu.vector_load %arg9[%swap3A_324, %swap3A_325] {strides = array<i32>} : memref<64x144xf32, #tpu.memory_space<vmem>>, vector<1x16xf32>,
        %swap3A_327 = vector.shape_cast %swap3A_326 : vector<1x16xf32> to vector<16xf32>
        %swap3A_328 = vector.shape_cast %max3A_323 : vector<16xf32> to vector<1x16xf32>
        tpu.vector_store %arg9[%swap3A_324, %swap3A_325], %swap3A_328 {strides = array<i32>} : memref<64x144xf32, #tpu.memory_space<vmem>>, vector<1x16xf32>,
      }
      %scan3A_143 = arith.constant 64 : i32
      %run_scoped3A = arith.constant 2 : i32
      "tpu.region"() ({
        %run_scoped3A_178 = tpu.sem_alloc : memref<!tpu.dma_semaphore, #tpu.memory_space<semaphore_mem>>
        %dma_start3A_179 = arith.constant 0 : i32
        %dma_start3A_180 = tpu.memref_slice %arg7[%run_scoped3A, %dma_start3A_179] : memref<3x64xi32, #tpu.memory_space<vmem>> -> memref<1x64xi32, #tpu.memory_space<vmem>>
        %dma_start3A_181 = tpu.memref_squeeze %dma_start3A_180 : memref<1x64xi32, #tpu.memory_space<vmem>> -> memref<64xi32, #tpu.memory_space<vmem>>
        %dma_start3A_182 = arith.constant 0 : i32
        %dma_start3A_183 = arith.constant 0 : i32
        %dma_start3A_184 = tpu.memref_slice %arg6[%dma_start3A_182, %dma_start3A_183] : memref<10000x144xf32, #tpu.memory_space<vmem_shared>> -> memref<10000x144xf32, #tpu.memory_space<vmem_shared>>
        tpu.enqueue_indirect_dma source(%arg9 : memref<64x144xf32, #tpu.memory_space<vmem>>) target(%dma_start3A_184 : memref<10000x144xf32, #tpu.memory_space<vmem_shared>>) offsets(%dma_start3A_181 : memref<64xi32, #tpu.memory_space<vmem>>) semaphore(%run_scoped3A_178 : memref<!tpu.dma_semaphore, #tpu.memory_space<semaphore_mem>>) {add = true}
        %dma_wait3A_185 = arith.constant 0 : i32
        %dma_wait3A_186 = tpu.memref_slice %arg7[%run_scoped3A, %dma_wait3A_185] : memref<3x64xi32, #tpu.memory_space<vmem>> -> memref<1x64xi32, #tpu.memory_space<vmem>>
        %dma_wait3A_187 = tpu.memref_squeeze %dma_wait3A_186 : memref<1x64xi32, #tpu.memory_space<vmem>> -> memref<64xi32, #tpu.memory_space<vmem>>
        %dma_wait3A_188 = arith.constant 0 : i32
        %dma_wait3A_189 = arith.constant 0 : i32
        %dma_wait3A_190 = tpu.memref_slice %arg6[%dma_wait3A_188, %dma_wait3A_189] : memref<10000x144xf32, #tpu.memory_space<vmem_shared>> -> memref<10000x144xf32, #tpu.memory_space<vmem_shared>>
        tpu.wait_indirect_dma semaphore(%run_scoped3A_178 : memref<!tpu.dma_semaphore, #tpu.memory_space<semaphore_mem>>) src(%arg9 : memref<64x144xf32, #tpu.memory_space<vmem>>) dst(%dma_wait3A_190 : memref<10000x144xf32, #tpu.memory_space<vmem_shared>>)
        tpu.yield
      }) : () -> ()
      %add3A_144 = arith.constant 2 : i32
      %add3A_145 = arith.addi %add3A_124, %add3A_144 : i32
      %lt3A = arith.cmpi slt, %add3A_145, %select_n3A_56 : i32
      %convert_element_type3A = arith.extui %lt3A : i1 to i32
      %cond3A = arith.constant 0 : i32
      %cond3A_146 = arith.cmpi ne, %convert_element_type3A, %cond3A : i32
      scf.if %cond3A_146 {
        %add3A_178 = arith.addi %select_n3A, %add3A_124 : i32
        %add3A_179 = arith.constant 2 : i32
        %add3A_180 = arith.addi %add3A_178, %add3A_179 : i32
        "tpu.region"() ({
          %run_scoped3A_195 = tpu.sem_alloc : memref<!tpu.dma_semaphore, #tpu.memory_space<semaphore_mem>>
          %dma_start3A_196 = arith.constant 0 : i32
          %dma_start3A_197 = arith.constant 0 : i32
          %dma_start3A_198 = tpu.memref_slice %arg4[%add3A_180, %dma_start3A_196, %dma_start3A_197] : memref<5120x3x64xi32, #tpu.memory_space<hbm>> -> memref<1x3x64xi32, #tpu.memory_space<hbm>>
          %dma_start3A_199 = tpu.memref_squeeze %dma_start3A_198 : memref<1x3x64xi32, #tpu.memory_space<hbm>> -> memref<3x64xi32, #tpu.memory_space<hbm>>
          %dma_start3A_200 = arith.constant 0 : i32
          %dma_start3A_201 = arith.constant 0 : i32
          %dma_start3A_202 = tpu.memref_slice %arg4[%add3A_180, %dma_start3A_200, %dma_start3A_201] : memref<5120x3x64xi32, #tpu.memory_space<hbm>> -> memref<1x3x64xi32, #tpu.memory_space<hbm>>
          %dma_start3A_203 = tpu.memref_squeeze %dma_start3A_202 : memref<1x3x64xi32, #tpu.memory_space<hbm>> -> memref<3x64xi32, #tpu.memory_space<hbm>>
          tpu.enqueue_dma source(%dma_start3A_203 : memref<3x64xi32, #tpu.memory_space<hbm>>) target(%arg7 : memref<3x64xi32, #tpu.memory_space<vmem>>) target_semaphore(%run_scoped3A_195 : memref<!tpu.dma_semaphore, #tpu.memory_space<semaphore_mem>>)
          %dma_wait3A_204 = arith.constant 0 : i32
          %dma_wait3A_205 = arith.constant 0 : i32
          %dma_wait3A_206 = tpu.memref_slice %arg4[%add3A_180, %dma_wait3A_204, %dma_wait3A_205] : memref<5120x3x64xi32, #tpu.memory_space<hbm>> -> memref<1x3x64xi32, #tpu.memory_space<hbm>>
          %dma_wait3A_207 = tpu.memref_squeeze %dma_wait3A_206 : memref<1x3x64xi32, #tpu.memory_space<hbm>> -> memref<3x64xi32, #tpu.memory_space<hbm>>
          %dma_wait3A_208 = arith.constant 0 : i32
          %dma_wait3A_209 = arith.constant 0 : i32
          %dma_wait3A_210 = tpu.memref_slice %arg4[%add3A_180, %dma_wait3A_208, %dma_wait3A_209] : memref<5120x3x64xi32, #tpu.memory_space<hbm>> -> memref<1x3x64xi32, #tpu.memory_space<hbm>>
          %dma_wait3A_211 = tpu.memref_squeeze %dma_wait3A_210 : memref<1x3x64xi32, #tpu.memory_space<hbm>> -> memref<3x64xi32, #tpu.memory_space<hbm>>
          tpu.wait_dma2 semaphore(%run_scoped3A_195 : memref<!tpu.dma_semaphore, #tpu.memory_space<semaphore_mem>>) src(%dma_wait3A_211 : memref<3x64xi32, #tpu.memory_space<hbm>>) dst(%arg7 : memref<3x64xi32, #tpu.memory_space<vmem>>)
          tpu.yield
        }) : () -> ()
        %dma_start3A_181 = arith.constant 0 : i32
        %dma_start3A_182 = arith.constant 0 : i32
        %dma_start3A_183 = tpu.memref_slice %arg7[%dma_start3A_181, %dma_start3A_182] : memref<3x64xi32, #tpu.memory_space<vmem>> -> memref<1x64xi32, #tpu.memory_space<vmem>>
        %dma_start3A_184 = tpu.memref_squeeze %dma_start3A_183 : memref<1x64xi32, #tpu.memory_space<vmem>> -> memref<64xi32, #tpu.memory_space<vmem>>
        %dma_start3A_185 = arith.constant 0 : i32
        %dma_start3A_186 = arith.constant 0 : i32
        %dma_start3A_187 = tpu.memref_slice %arg2[%dma_start3A_185, %dma_start3A_186] : memref<60000x144xf32, #tpu.memory_space<hbm>> -> memref<60000x144xf32, #tpu.memory_space<hbm>>
        tpu.enqueue_indirect_dma source(%dma_start3A_187 : memref<60000x144xf32, #tpu.memory_space<hbm>>) target(%arg9 : memref<64x144xf32, #tpu.memory_space<vmem>>) offsets(%dma_start3A_184 : memref<64xi32, #tpu.memory_space<vmem>>) semaphore(%arg13 : memref<!tpu.dma_semaphore, #tpu.memory_space<semaphore_mem>>)
        %dma_start3A_188 = arith.constant 1 : i32
        %dma_start3A_189 = arith.constant 0 : i32
        %dma_start3A_190 = tpu.memref_slice %arg7[%dma_start3A_188, %dma_start3A_189] : memref<3x64xi32, #tpu.memory_space<vmem>> -> memref<1x64xi32, #tpu.memory_space<vmem>>
        %dma_start3A_191 = tpu.memref_squeeze %dma_start3A_190 : memref<1x64xi32, #tpu.memory_space<vmem>> -> memref<64xi32, #tpu.memory_space<vmem>>
        %dma_start3A_192 = arith.constant 0 : i32
        %dma_start3A_193 = arith.constant 0 : i32
        %dma_start3A_194 = tpu.memref_slice %arg3[%dma_start3A_192, %dma_start3A_193] : memref<328x144xf32, #tpu.memory_space<hbm>> -> memref<328x144xf32, #tpu.memory_space<hbm>>
        tpu.enqueue_indirect_dma source(%dma_start3A_194 : memref<328x144xf32, #tpu.memory_space<hbm>>) target(%arg11 : memref<64x144xf32, #tpu.memory_space<vmem>>) offsets(%dma_start3A_191 : memref<64xi32, #tpu.memory_space<vmem>>) semaphore(%arg13 : memref<!tpu.dma_semaphore, #tpu.memory_space<semaphore_mem>>)
      } else {
      }
      %mul3A_147 = arith.constant 2 : i32
      %mul3A_148 = arith.muli %while3A_120, %mul3A_147 : i32
      %add3A_149 = arith.constant 1 : i32
      %add3A_150 = arith.addi %mul3A_148, %add3A_149 : i32
      %dma_wait3A_151 = arith.constant 0 : i32
      %dma_wait3A_152 = arith.constant 0 : i32
      %dma_wait3A_153 = tpu.memref_slice %arg8[%dma_wait3A_151, %dma_wait3A_152] : memref<3x64xi32, #tpu.memory_space<vmem>> -> memref<1x64xi32, #tpu.memory_space<vmem>>
      %dma_wait3A_154 = tpu.memref_squeeze %dma_wait3A_153 : memref<1x64xi32, #tpu.memory_space<vmem>> -> memref<64xi32, #tpu.memory_space<vmem>>
      %dma_wait3A_155 = arith.constant 0 : i32
      %dma_wait3A_156 = arith.constant 0 : i32
      %dma_wait3A_157 = tpu.memref_slice %arg2[%dma_wait3A_155, %dma_wait3A_156] : memref<60000x144xf32, #tpu.memory_space<hbm>> -> memref<60000x144xf32, #tpu.memory_space<hbm>>
      tpu.wait_indirect_dma semaphore(%arg14 : memref<!tpu.dma_semaphore, #tpu.memory_space<semaphore_mem>>) src(%dma_wait3A_157 : memref<60000x144xf32, #tpu.memory_space<hbm>>) dst(%arg10 : memref<64x144xf32, #tpu.memory_space<vmem>>)
      %dma_wait3A_158 = arith.constant 1 : i32
      %dma_wait3A_159 = arith.constant 0 : i32
      %dma_wait3A_160 = tpu.memref_slice %arg8[%dma_wait3A_158, %dma_wait3A_159] : memref<3x64xi32, #tpu.memory_space<vmem>> -> memref<1x64xi32, #tpu.memory_space<vmem>>
      %dma_wait3A_161 = tpu.memref_squeeze %dma_wait3A_160 : memref<1x64xi32, #tpu.memory_space<vmem>> -> memref<64xi32, #tpu.memory_space<vmem>>
      %dma_wait3A_162 = arith.constant 0 : i32
      %dma_wait3A_163 = arith.constant 0 : i32
      %dma_wait3A_164 = tpu.memref_slice %arg3[%dma_wait3A_162, %dma_wait3A_163] : memref<328x144xf32, #tpu.memory_space<hbm>> -> memref<328x144xf32, #tpu.memory_space<hbm>>
      tpu.wait_indirect_dma semaphore(%arg14 : memref<!tpu.dma_semaphore, #tpu.memory_space<semaphore_mem>>) src(%dma_wait3A_164 : memref<328x144xf32, #tpu.memory_space<hbm>>) dst(%arg12 : memref<64x144xf32, #tpu.memory_space<vmem>>)
      %scan3A_165 = arith.constant 0 : i32
      %scan3A_166 = arith.constant 0 : i32
      %scan3A_167 = arith.constant 64 : i32
      %scan3A_168 = arith.addi %scan3A_166, %scan3A_167 : i32
      %scan3A_169 = arith.constant 1 : i32
      scf.for %scan3A_178 = %scan3A_166 to %scan3A_168 step %scan3A_169  : i32 {
        %get3A = arith.index_cast %scan3A_178 : i32 to index
        %get3A_179 = arith.constant 0 : index
        %get3A_180 = tpu.vector_load %arg10[%get3A, %get3A_179] {strides = array<i32>} : memref<64x144xf32, #tpu.memory_space<vmem>>, vector<1x16xf32>,
        %get3A_181 = vector.shape_cast %get3A_180 : vector<1x16xf32> to vector<16xf32>
        %get3A_182 = arith.index_cast %scan3A_178 : i32 to index
        %get3A_183 = arith.constant 0 : index
        %get3A_184 = tpu.vector_load %arg12[%get3A_182, %get3A_183] {strides = array<i32>} : memref<64x144xf32, #tpu.memory_space<vmem>>, vector<1x16xf32>,
        %get3A_185 = vector.shape_cast %get3A_184 : vector<1x16xf32> to vector<16xf32>
        %add3A_186 = arith.addf %get3A_181, %get3A_185 : vector<16xf32>
        %max3A = arith.constant 0.000000e+00 : f32
        %max3A_187 = vector.broadcast %max3A : f32 to vector<16xf32>
        %max3A_188 = arith.maximumf %add3A_186, %max3A_187 : vector<16xf32>
        %swap3A = arith.index_cast %scan3A_178 : i32 to index
        %swap3A_189 = arith.constant 0 : index
        %swap3A_190 = tpu.vector_load %arg10[%swap3A, %swap3A_189] {strides = array<i32>} : memref<64x144xf32, #tpu.memory_space<vmem>>, vector<1x16xf32>,
        %swap3A_191 = vector.shape_cast %swap3A_190 : vector<1x16xf32> to vector<16xf32>
        %swap3A_192 = vector.shape_cast %max3A_188 : vector<16xf32> to vector<1x16xf32>
        tpu.vector_store %arg10[%swap3A, %swap3A_189], %swap3A_192 {strides = array<i32>} : memref<64x144xf32, #tpu.memory_space<vmem>>, vector<1x16xf32>,
        %get3A_193 = arith.index_cast %scan3A_178 : i32 to index
        %get3A_194 = arith.constant 16 : index
        %get3A_195 = tpu.vector_load %arg10[%get3A_193, %get3A_194] {strides = array<i32>} : memref<64x144xf32, #tpu.memory_space<vmem>>, vector<1x16xf32>,
        %get3A_196 = vector.shape_cast %get3A_195 : vector<1x16xf32> to vector<16xf32>
        %get3A_197 = arith.index_cast %scan3A_178 : i32 to index
        %get3A_198 = arith.constant 16 : index
        %get3A_199 = tpu.vector_load %arg12[%get3A_197, %get3A_198] {strides = array<i32>} : memref<64x144xf32, #tpu.memory_space<vmem>>, vector<1x16xf32>,
        %get3A_200 = vector.shape_cast %get3A_199 : vector<1x16xf32> to vector<16xf32>
        %add3A_201 = arith.addf %get3A_196, %get3A_200 : vector<16xf32>
        %max3A_202 = arith.constant 0.000000e+00 : f32
        %max3A_203 = vector.broadcast %max3A_202 : f32 to vector<16xf32>
        %max3A_204 = arith.maximumf %add3A_201, %max3A_203 : vector<16xf32>
        %swap3A_205 = arith.index_cast %scan3A_178 : i32 to index
        %swap3A_206 = arith.constant 16 : index
        %swap3A_207 = tpu.vector_load %arg10[%swap3A_205, %swap3A_206] {strides = array<i32>} : memref<64x144xf32, #tpu.memory_space<vmem>>, vector<1x16xf32>,
        %swap3A_208 = vector.shape_cast %swap3A_207 : vector<1x16xf32> to vector<16xf32>
        %swap3A_209 = vector.shape_cast %max3A_204 : vector<16xf32> to vector<1x16xf32>
        tpu.vector_store %arg10[%swap3A_205, %swap3A_206], %swap3A_209 {strides = array<i32>} : memref<64x144xf32, #tpu.memory_space<vmem>>, vector<1x16xf32>,
        %get3A_210 = arith.index_cast %scan3A_178 : i32 to index
        %get3A_211 = arith.constant 32 : index
        %get3A_212 = tpu.vector_load %arg10[%get3A_210, %get3A_211] {strides = array<i32>} : memref<64x144xf32, #tpu.memory_space<vmem>>, vector<1x16xf32>,
        %get3A_213 = vector.shape_cast %get3A_212 : vector<1x16xf32> to vector<16xf32>
        %get3A_214 = arith.index_cast %scan3A_178 : i32 to index
        %get3A_215 = arith.constant 32 : index
        %get3A_216 = tpu.vector_load %arg12[%get3A_214, %get3A_215] {strides = array<i32>} : memref<64x144xf32, #tpu.memory_space<vmem>>, vector<1x16xf32>,
        %get3A_217 = vector.shape_cast %get3A_216 : vector<1x16xf32> to vector<16xf32>
        %add3A_218 = arith.addf %get3A_213, %get3A_217 : vector<16xf32>
        %max3A_219 = arith.constant 0.000000e+00 : f32
        %max3A_220 = vector.broadcast %max3A_219 : f32 to vector<16xf32>
        %max3A_221 = arith.maximumf %add3A_218, %max3A_220 : vector<16xf32>
        %swap3A_222 = arith.index_cast %scan3A_178 : i32 to index
        %swap3A_223 = arith.constant 32 : index
        %swap3A_224 = tpu.vector_load %arg10[%swap3A_222, %swap3A_223] {strides = array<i32>} : memref<64x144xf32, #tpu.memory_space<vmem>>, vector<1x16xf32>,
        %swap3A_225 = vector.shape_cast %swap3A_224 : vector<1x16xf32> to vector<16xf32>
        %swap3A_226 = vector.shape_cast %max3A_221 : vector<16xf32> to vector<1x16xf32>
        tpu.vector_store %arg10[%swap3A_222, %swap3A_223], %swap3A_226 {strides = array<i32>} : memref<64x144xf32, #tpu.memory_space<vmem>>, vector<1x16xf32>,
        %get3A_227 = arith.index_cast %scan3A_178 : i32 to index
        %get3A_228 = arith.constant 48 : index
        %get3A_229 = tpu.vector_load %arg10[%get3A_227, %get3A_228] {strides = array<i32>} : memref<64x144xf32, #tpu.memory_space<vmem>>, vector<1x16xf32>,
        %get3A_230 = vector.shape_cast %get3A_229 : vector<1x16xf32> to vector<16xf32>
        %get3A_231 = arith.index_cast %scan3A_178 : i32 to index
        %get3A_232 = arith.constant 48 : index
        %get3A_233 = tpu.vector_load %arg12[%get3A_231, %get3A_232] {strides = array<i32>} : memref<64x144xf32, #tpu.memory_space<vmem>>, vector<1x16xf32>,
        %get3A_234 = vector.shape_cast %get3A_233 : vector<1x16xf32> to vector<16xf32>
        %add3A_235 = arith.addf %get3A_230, %get3A_234 : vector<16xf32>
        %max3A_236 = arith.constant 0.000000e+00 : f32
        %max3A_237 = vector.broadcast %max3A_236 : f32 to vector<16xf32>
        %max3A_238 = arith.maximumf %add3A_235, %max3A_237 : vector<16xf32>
        %swap3A_239 = arith.index_cast %scan3A_178 : i32 to index
        %swap3A_240 = arith.constant 48 : index
        %swap3A_241 = tpu.vector_load %arg10[%swap3A_239, %swap3A_240] {strides = array<i32>} : memref<64x144xf32, #tpu.memory_space<vmem>>, vector<1x16xf32>,
        %swap3A_242 = vector.shape_cast %swap3A_241 : vector<1x16xf32> to vector<16xf32>
        %swap3A_243 = vector.shape_cast %max3A_238 : vector<16xf32> to vector<1x16xf32>
        tpu.vector_store %arg10[%swap3A_239, %swap3A_240], %swap3A_243 {strides = array<i32>} : memref<64x144xf32, #tpu.memory_space<vmem>>, vector<1x16xf32>,
        %get3A_244 = arith.index_cast %scan3A_178 : i32 to index
        %get3A_245 = arith.constant 64 : index
        %get3A_246 = tpu.vector_load %arg10[%get3A_244, %get3A_245] {strides = array<i32>} : memref<64x144xf32, #tpu.memory_space<vmem>>, vector<1x16xf32>,
        %get3A_247 = vector.shape_cast %get3A_246 : vector<1x16xf32> to vector<16xf32>
        %get3A_248 = arith.index_cast %scan3A_178 : i32 to index
        %get3A_249 = arith.constant 64 : index
        %get3A_250 = tpu.vector_load %arg12[%get3A_248, %get3A_249] {strides = array<i32>} : memref<64x144xf32, #tpu.memory_space<vmem>>, vector<1x16xf32>,
        %get3A_251 = vector.shape_cast %get3A_250 : vector<1x16xf32> to vector<16xf32>
        %add3A_252 = arith.addf %get3A_247, %get3A_251 : vector<16xf32>
        %max3A_253 = arith.constant 0.000000e+00 : f32
        %max3A_254 = vector.broadcast %max3A_253 : f32 to vector<16xf32>
        %max3A_255 = arith.maximumf %add3A_252, %max3A_254 : vector<16xf32>
        %swap3A_256 = arith.index_cast %scan3A_178 : i32 to index
        %swap3A_257 = arith.constant 64 : index
        %swap3A_258 = tpu.vector_load %arg10[%swap3A_256, %swap3A_257] {strides = array<i32>} : memref<64x144xf32, #tpu.memory_space<vmem>>, vector<1x16xf32>,
        %swap3A_259 = vector.shape_cast %swap3A_258 : vector<1x16xf32> to vector<16xf32>
        %swap3A_260 = vector.shape_cast %max3A_255 : vector<16xf32> to vector<1x16xf32>
        tpu.vector_store %arg10[%swap3A_256, %swap3A_257], %swap3A_260 {strides = array<i32>} : memref<64x144xf32, #tpu.memory_space<vmem>>, vector<1x16xf32>,
        %get3A_261 = arith.index_cast %scan3A_178 : i32 to index
        %get3A_262 = arith.constant 80 : index
        %get3A_263 = tpu.vector_load %arg10[%get3A_261, %get3A_262] {strides = array<i32>} : memref<64x144xf32, #tpu.memory_space<vmem>>, vector<1x16xf32>,
        %get3A_264 = vector.shape_cast %get3A_263 : vector<1x16xf32> to vector<16xf32>
        %get3A_265 = arith.index_cast %scan3A_178 : i32 to index
        %get3A_266 = arith.constant 80 : index
        %get3A_267 = tpu.vector_load %arg12[%get3A_265, %get3A_266] {strides = array<i32>} : memref<64x144xf32, #tpu.memory_space<vmem>>, vector<1x16xf32>,
        %get3A_268 = vector.shape_cast %get3A_267 : vector<1x16xf32> to vector<16xf32>
        %add3A_269 = arith.addf %get3A_264, %get3A_268 : vector<16xf32>
        %max3A_270 = arith.constant 0.000000e+00 : f32
        %max3A_271 = vector.broadcast %max3A_270 : f32 to vector<16xf32>
        %max3A_272 = arith.maximumf %add3A_269, %max3A_271 : vector<16xf32>
        %swap3A_273 = arith.index_cast %scan3A_178 : i32 to index
        %swap3A_274 = arith.constant 80 : index
        %swap3A_275 = tpu.vector_load %arg10[%swap3A_273, %swap3A_274] {strides = array<i32>} : memref<64x144xf32, #tpu.memory_space<vmem>>, vector<1x16xf32>,
        %swap3A_276 = vector.shape_cast %swap3A_275 : vector<1x16xf32> to vector<16xf32>
        %swap3A_277 = vector.shape_cast %max3A_272 : vector<16xf32> to vector<1x16xf32>
        tpu.vector_store %arg10[%swap3A_273, %swap3A_274], %swap3A_277 {strides = array<i32>} : memref<64x144xf32, #tpu.memory_space<vmem>>, vector<1x16xf32>,
        %get3A_278 = arith.index_cast %scan3A_178 : i32 to index
        %get3A_279 = arith.constant 96 : index
        %get3A_280 = tpu.vector_load %arg10[%get3A_278, %get3A_279] {strides = array<i32>} : memref<64x144xf32, #tpu.memory_space<vmem>>, vector<1x16xf32>,
        %get3A_281 = vector.shape_cast %get3A_280 : vector<1x16xf32> to vector<16xf32>
        %get3A_282 = arith.index_cast %scan3A_178 : i32 to index
        %get3A_283 = arith.constant 96 : index
        %get3A_284 = tpu.vector_load %arg12[%get3A_282, %get3A_283] {strides = array<i32>} : memref<64x144xf32, #tpu.memory_space<vmem>>, vector<1x16xf32>,
        %get3A_285 = vector.shape_cast %get3A_284 : vector<1x16xf32> to vector<16xf32>
        %add3A_286 = arith.addf %get3A_281, %get3A_285 : vector<16xf32>
        %max3A_287 = arith.constant 0.000000e+00 : f32
        %max3A_288 = vector.broadcast %max3A_287 : f32 to vector<16xf32>
        %max3A_289 = arith.maximumf %add3A_286, %max3A_288 : vector<16xf32>
        %swap3A_290 = arith.index_cast %scan3A_178 : i32 to index
        %swap3A_291 = arith.constant 96 : index
        %swap3A_292 = tpu.vector_load %arg10[%swap3A_290, %swap3A_291] {strides = array<i32>} : memref<64x144xf32, #tpu.memory_space<vmem>>, vector<1x16xf32>,
        %swap3A_293 = vector.shape_cast %swap3A_292 : vector<1x16xf32> to vector<16xf32>
        %swap3A_294 = vector.shape_cast %max3A_289 : vector<16xf32> to vector<1x16xf32>
        tpu.vector_store %arg10[%swap3A_290, %swap3A_291], %swap3A_294 {strides = array<i32>} : memref<64x144xf32, #tpu.memory_space<vmem>>, vector<1x16xf32>,
        %get3A_295 = arith.index_cast %scan3A_178 : i32 to index
        %get3A_296 = arith.constant 112 : index
        %get3A_297 = tpu.vector_load %arg10[%get3A_295, %get3A_296] {strides = array<i32>} : memref<64x144xf32, #tpu.memory_space<vmem>>, vector<1x16xf32>,
        %get3A_298 = vector.shape_cast %get3A_297 : vector<1x16xf32> to vector<16xf32>
        %get3A_299 = arith.index_cast %scan3A_178 : i32 to index
        %get3A_300 = arith.constant 112 : index
        %get3A_301 = tpu.vector_load %arg12[%get3A_299, %get3A_300] {strides = array<i32>} : memref<64x144xf32, #tpu.memory_space<vmem>>, vector<1x16xf32>,
        %get3A_302 = vector.shape_cast %get3A_301 : vector<1x16xf32> to vector<16xf32>
        %add3A_303 = arith.addf %get3A_298, %get3A_302 : vector<16xf32>
        %max3A_304 = arith.constant 0.000000e+00 : f32
        %max3A_305 = vector.broadcast %max3A_304 : f32 to vector<16xf32>
        %max3A_306 = arith.maximumf %add3A_303, %max3A_305 : vector<16xf32>
        %swap3A_307 = arith.index_cast %scan3A_178 : i32 to index
        %swap3A_308 = arith.constant 112 : index
        %swap3A_309 = tpu.vector_load %arg10[%swap3A_307, %swap3A_308] {strides = array<i32>} : memref<64x144xf32, #tpu.memory_space<vmem>>, vector<1x16xf32>,
        %swap3A_310 = vector.shape_cast %swap3A_309 : vector<1x16xf32> to vector<16xf32>
        %swap3A_311 = vector.shape_cast %max3A_306 : vector<16xf32> to vector<1x16xf32>
        tpu.vector_store %arg10[%swap3A_307, %swap3A_308], %swap3A_311 {strides = array<i32>} : memref<64x144xf32, #tpu.memory_space<vmem>>, vector<1x16xf32>,
        %get3A_312 = arith.index_cast %scan3A_178 : i32 to index
        %get3A_313 = arith.constant 128 : index
        %get3A_314 = tpu.vector_load %arg10[%get3A_312, %get3A_313] {strides = array<i32>} : memref<64x144xf32, #tpu.memory_space<vmem>>, vector<1x16xf32>,
        %get3A_315 = vector.shape_cast %get3A_314 : vector<1x16xf32> to vector<16xf32>
        %get3A_316 = arith.index_cast %scan3A_178 : i32 to index
        %get3A_317 = arith.constant 128 : index
        %get3A_318 = tpu.vector_load %arg12[%get3A_316, %get3A_317] {strides = array<i32>} : memref<64x144xf32, #tpu.memory_space<vmem>>, vector<1x16xf32>,
        %get3A_319 = vector.shape_cast %get3A_318 : vector<1x16xf32> to vector<16xf32>
        %add3A_320 = arith.addf %get3A_315, %get3A_319 : vector<16xf32>
        %max3A_321 = arith.constant 0.000000e+00 : f32
        %max3A_322 = vector.broadcast %max3A_321 : f32 to vector<16xf32>
        %max3A_323 = arith.maximumf %add3A_320, %max3A_322 : vector<16xf32>
        %swap3A_324 = arith.index_cast %scan3A_178 : i32 to index
        %swap3A_325 = arith.constant 128 : index
        %swap3A_326 = tpu.vector_load %arg10[%swap3A_324, %swap3A_325] {strides = array<i32>} : memref<64x144xf32, #tpu.memory_space<vmem>>, vector<1x16xf32>,
        %swap3A_327 = vector.shape_cast %swap3A_326 : vector<1x16xf32> to vector<16xf32>
        %swap3A_328 = vector.shape_cast %max3A_323 : vector<16xf32> to vector<1x16xf32>
        tpu.vector_store %arg10[%swap3A_324, %swap3A_325], %swap3A_328 {strides = array<i32>} : memref<64x144xf32, #tpu.memory_space<vmem>>, vector<1x16xf32>,
      }
      %scan3A_170 = arith.constant 64 : i32
      %run_scoped3A_171 = arith.constant 2 : i32
      "tpu.region"() ({
        %run_scoped3A_178 = tpu.sem_alloc : memref<!tpu.dma_semaphore, #tpu.memory_space<semaphore_mem>>
        %dma_start3A_179 = arith.constant 0 : i32
        %dma_start3A_180 = tpu.memref_slice %arg8[%run_scoped3A_171, %dma_start3A_179] : memref<3x64xi32, #tpu.memory_space<vmem>> -> memref<1x64xi32, #tpu.memory_space<vmem>>
        %dma_start3A_181 = tpu.memref_squeeze %dma_start3A_180 : memref<1x64xi32, #tpu.memory_space<vmem>> -> memref<64xi32, #tpu.memory_space<vmem>>
        %dma_start3A_182 = arith.constant 0 : i32
        %dma_start3A_183 = arith.constant 0 : i32
        %dma_start3A_184 = tpu.memref_slice %arg6[%dma_start3A_182, %dma_start3A_183] : memref<10000x144xf32, #tpu.memory_space<vmem_shared>> -> memref<10000x144xf32, #tpu.memory_space<vmem_shared>>
        tpu.enqueue_indirect_dma source(%arg10 : memref<64x144xf32, #tpu.memory_space<vmem>>) target(%dma_start3A_184 : memref<10000x144xf32, #tpu.memory_space<vmem_shared>>) offsets(%dma_start3A_181 : memref<64xi32, #tpu.memory_space<vmem>>) semaphore(%run_scoped3A_178 : memref<!tpu.dma_semaphore, #tpu.memory_space<semaphore_mem>>) {add = true}
        %dma_wait3A_185 = arith.constant 0 : i32
        %dma_wait3A_186 = tpu.memref_slice %arg8[%run_scoped3A_171, %dma_wait3A_185] : memref<3x64xi32, #tpu.memory_space<vmem>> -> memref<1x64xi32, #tpu.memory_space<vmem>>
        %dma_wait3A_187 = tpu.memref_squeeze %dma_wait3A_186 : memref<1x64xi32, #tpu.memory_space<vmem>> -> memref<64xi32, #tpu.memory_space<vmem>>
        %dma_wait3A_188 = arith.constant 0 : i32
        %dma_wait3A_189 = arith.constant 0 : i32
        %dma_wait3A_190 = tpu.memref_slice %arg6[%dma_wait3A_188, %dma_wait3A_189] : memref<10000x144xf32, #tpu.memory_space<vmem_shared>> -> memref<10000x144xf32, #tpu.memory_space<vmem_shared>>
        tpu.wait_indirect_dma semaphore(%run_scoped3A_178 : memref<!tpu.dma_semaphore, #tpu.memory_space<semaphore_mem>>) src(%arg10 : memref<64x144xf32, #tpu.memory_space<vmem>>) dst(%dma_wait3A_190 : memref<10000x144xf32, #tpu.memory_space<vmem_shared>>)
        tpu.yield
      }) : () -> ()
      %add3A_172 = arith.constant 2 : i32
      %add3A_173 = arith.addi %add3A_150, %add3A_172 : i32
      %lt3A_174 = arith.cmpi slt, %add3A_173, %select_n3A_56 : i32
      %convert_element_type3A_175 = arith.extui %lt3A_174 : i1 to i32
      %cond3A_176 = arith.constant 0 : i32
      %cond3A_177 = arith.cmpi ne, %convert_element_type3A_175, %cond3A_176 : i32
      scf.if %cond3A_177 {
        %add3A_178 = arith.addi %select_n3A, %add3A_150 : i32
        %add3A_179 = arith.constant 2 : i32
        %add3A_180 = arith.addi %add3A_178, %add3A_179 : i32
        "tpu.region"() ({
          %run_scoped3A_195 = tpu.sem_alloc : memref<!tpu.dma_semaphore, #tpu.memory_space<semaphore_mem>>
          %dma_start3A_196 = arith.constant 0 : i32
          %dma_start3A_197 = arith.constant 0 : i32
          %dma_start3A_198 = tpu.memref_slice %arg4[%add3A_180, %dma_start3A_196, %dma_start3A_197] : memref<5120x3x64xi32, #tpu.memory_space<hbm>> -> memref<1x3x64xi32, #tpu.memory_space<hbm>>
          %dma_start3A_199 = tpu.memref_squeeze %dma_start3A_198 : memref<1x3x64xi32, #tpu.memory_space<hbm>> -> memref<3x64xi32, #tpu.memory_space<hbm>>
          %dma_start3A_200 = arith.constant 0 : i32
          %dma_start3A_201 = arith.constant 0 : i32
          %dma_start3A_202 = tpu.memref_slice %arg4[%add3A_180, %dma_start3A_200, %dma_start3A_201] : memref<5120x3x64xi32, #tpu.memory_space<hbm>> -> memref<1x3x64xi32, #tpu.memory_space<hbm>>
          %dma_start3A_203 = tpu.memref_squeeze %dma_start3A_202 : memref<1x3x64xi32, #tpu.memory_space<hbm>> -> memref<3x64xi32, #tpu.memory_space<hbm>>
          tpu.enqueue_dma source(%dma_start3A_203 : memref<3x64xi32, #tpu.memory_space<hbm>>) target(%arg8 : memref<3x64xi32, #tpu.memory_space<vmem>>) target_semaphore(%run_scoped3A_195 : memref<!tpu.dma_semaphore, #tpu.memory_space<semaphore_mem>>)
          %dma_wait3A_204 = arith.constant 0 : i32
          %dma_wait3A_205 = arith.constant 0 : i32
          %dma_wait3A_206 = tpu.memref_slice %arg4[%add3A_180, %dma_wait3A_204, %dma_wait3A_205] : memref<5120x3x64xi32, #tpu.memory_space<hbm>> -> memref<1x3x64xi32, #tpu.memory_space<hbm>>
          %dma_wait3A_207 = tpu.memref_squeeze %dma_wait3A_206 : memref<1x3x64xi32, #tpu.memory_space<hbm>> -> memref<3x64xi32, #tpu.memory_space<hbm>>
          %dma_wait3A_208 = arith.constant 0 : i32
          %dma_wait3A_209 = arith.constant 0 : i32
          %dma_wait3A_210 = tpu.memref_slice %arg4[%add3A_180, %dma_wait3A_208, %dma_wait3A_209] : memref<5120x3x64xi32, #tpu.memory_space<hbm>> -> memref<1x3x64xi32, #tpu.memory_space<hbm>>
          %dma_wait3A_211 = tpu.memref_squeeze %dma_wait3A_210 : memref<1x3x64xi32, #tpu.memory_space<hbm>> -> memref<3x64xi32, #tpu.memory_space<hbm>>
          tpu.wait_dma2 semaphore(%run_scoped3A_195 : memref<!tpu.dma_semaphore, #tpu.memory_space<semaphore_mem>>) src(%dma_wait3A_211 : memref<3x64xi32, #tpu.memory_space<hbm>>) dst(%arg8 : memref<3x64xi32, #tpu.memory_space<vmem>>)
          tpu.yield
        }) : () -> ()
        %dma_start3A_181 = arith.constant 0 : i32
        %dma_start3A_182 = arith.constant 0 : i32
        %dma_start3A_183 = tpu.memref_slice %arg8[%dma_start3A_181, %dma_start3A_182] : memref<3x64xi32, #tpu.memory_space<vmem>> -> memref<1x64xi32, #tpu.memory_space<vmem>>
        %dma_start3A_184 = tpu.memref_squeeze %dma_start3A_183 : memref<1x64xi32, #tpu.memory_space<vmem>> -> memref<64xi32, #tpu.memory_space<vmem>>
        %dma_start3A_185 = arith.constant 0 : i32
        %dma_start3A_186 = arith.constant 0 : i32
        %dma_start3A_187 = tpu.memref_slice %arg2[%dma_start3A_185, %dma_start3A_186] : memref<60000x144xf32, #tpu.memory_space<hbm>> -> memref<60000x144xf32, #tpu.memory_space<hbm>>
        tpu.enqueue_indirect_dma source(%dma_start3A_187 : memref<60000x144xf32, #tpu.memory_space<hbm>>) target(%arg10 : memref<64x144xf32, #tpu.memory_space<vmem>>) offsets(%dma_start3A_184 : memref<64xi32, #tpu.memory_space<vmem>>) semaphore(%arg14 : memref<!tpu.dma_semaphore, #tpu.memory_space<semaphore_mem>>)
        %dma_start3A_188 = arith.constant 1 : i32
        %dma_start3A_189 = arith.constant 0 : i32
        %dma_start3A_190 = tpu.memref_slice %arg8[%dma_start3A_188, %dma_start3A_189] : memref<3x64xi32, #tpu.memory_space<vmem>> -> memref<1x64xi32, #tpu.memory_space<vmem>>
        %dma_start3A_191 = tpu.memref_squeeze %dma_start3A_190 : memref<1x64xi32, #tpu.memory_space<vmem>> -> memref<64xi32, #tpu.memory_space<vmem>>
        %dma_start3A_192 = arith.constant 0 : i32
        %dma_start3A_193 = arith.constant 0 : i32
        %dma_start3A_194 = tpu.memref_slice %arg3[%dma_start3A_192, %dma_start3A_193] : memref<328x144xf32, #tpu.memory_space<hbm>> -> memref<328x144xf32, #tpu.memory_space<hbm>>
        tpu.enqueue_indirect_dma source(%dma_start3A_194 : memref<328x144xf32, #tpu.memory_space<hbm>>) target(%arg12 : memref<64x144xf32, #tpu.memory_space<vmem>>) offsets(%dma_start3A_191 : memref<64xi32, #tpu.memory_space<vmem>>) semaphore(%arg14 : memref<!tpu.dma_semaphore, #tpu.memory_space<semaphore_mem>>)
      } else {
      }
    }
    %while3A_114 = arith.constant 1 : i32
    scf.for %while3A_120 = %while3A_112 to %while3A_108 step %while3A_114  : i32 {
      %mul3A_121 = arith.constant 2 : i32
      %mul3A_122 = arith.muli %while3A_120, %mul3A_121 : i32
      %add3A_123 = arith.constant 0 : i32
      %add3A_124 = arith.addi %mul3A_122, %add3A_123 : i32
      %dma_wait3A = arith.constant 0 : i32
      %dma_wait3A_125 = arith.constant 0 : i32
      %dma_wait3A_126 = tpu.memref_slice %arg7[%dma_wait3A, %dma_wait3A_125] : memref<3x64xi32, #tpu.memory_space<vmem>> -> memref<1x64xi32, #tpu.memory_space<vmem>>
      %dma_wait3A_127 = tpu.memref_squeeze %dma_wait3A_126 : memref<1x64xi32, #tpu.memory_space<vmem>> -> memref<64xi32, #tpu.memory_space<vmem>>
      %dma_wait3A_128 = arith.constant 0 : i32
      %dma_wait3A_129 = arith.constant 0 : i32
      %dma_wait3A_130 = tpu.memref_slice %arg2[%dma_wait3A_128, %dma_wait3A_129] : memref<60000x144xf32, #tpu.memory_space<hbm>> -> memref<60000x144xf32, #tpu.memory_space<hbm>>
      tpu.wait_indirect_dma semaphore(%arg13 : memref<!tpu.dma_semaphore, #tpu.memory_space<semaphore_mem>>) src(%dma_wait3A_130 : memref<60000x144xf32, #tpu.memory_space<hbm>>) dst(%arg9 : memref<64x144xf32, #tpu.memory_space<vmem>>)
      %dma_wait3A_131 = arith.constant 1 : i32
      %dma_wait3A_132 = arith.constant 0 : i32
      %dma_wait3A_133 = tpu.memref_slice %arg7[%dma_wait3A_131, %dma_wait3A_132] : memref<3x64xi32, #tpu.memory_space<vmem>> -> memref<1x64xi32, #tpu.memory_space<vmem>>
      %dma_wait3A_134 = tpu.memref_squeeze %dma_wait3A_133 : memref<1x64xi32, #tpu.memory_space<vmem>> -> memref<64xi32, #tpu.memory_space<vmem>>
      %dma_wait3A_135 = arith.constant 0 : i32
      %dma_wait3A_136 = arith.constant 0 : i32
      %dma_wait3A_137 = tpu.memref_slice %arg3[%dma_wait3A_135, %dma_wait3A_136] : memref<328x144xf32, #tpu.memory_space<hbm>> -> memref<328x144xf32, #tpu.memory_space<hbm>>
      tpu.wait_indirect_dma semaphore(%arg13 : memref<!tpu.dma_semaphore, #tpu.memory_space<semaphore_mem>>) src(%dma_wait3A_137 : memref<328x144xf32, #tpu.memory_space<hbm>>) dst(%arg11 : memref<64x144xf32, #tpu.memory_space<vmem>>)
      %scan3A_138 = arith.constant 0 : i32
      %scan3A_139 = arith.constant 0 : i32
      %scan3A_140 = arith.constant 64 : i32
      %scan3A_141 = arith.addi %scan3A_139, %scan3A_140 : i32
      %scan3A_142 = arith.constant 1 : i32
      scf.for %scan3A_178 = %scan3A_139 to %scan3A_141 step %scan3A_142  : i32 {
        %get3A = arith.index_cast %scan3A_178 : i32 to index
        %get3A_179 = arith.constant 0 : index
        %get3A_180 = tpu.vector_load %arg9[%get3A, %get3A_179] {strides = array<i32>} : memref<64x144xf32, #tpu.memory_space<vmem>>, vector<1x16xf32>,
        %get3A_181 = vector.shape_cast %get3A_180 : vector<1x16xf32> to vector<16xf32>
        %get3A_182 = arith.index_cast %scan3A_178 : i32 to index
        %get3A_183 = arith.constant 0 : index
        %get3A_184 = tpu.vector_load %arg11[%get3A_182, %get3A_183] {strides = array<i32>} : memref<64x144xf32, #tpu.memory_space<vmem>>, vector<1x16xf32>,
        %get3A_185 = vector.shape_cast %get3A_184 : vector<1x16xf32> to vector<16xf32>
        %add3A_186 = arith.addf %get3A_181, %get3A_185 : vector<16xf32>
        %max3A = arith.constant 0.000000e+00 : f32
        %max3A_187 = vector.broadcast %max3A : f32 to vector<16xf32>
        %max3A_188 = arith.maximumf %add3A_186, %max3A_187 : vector<16xf32>
        %swap3A = arith.index_cast %scan3A_178 : i32 to index
        %swap3A_189 = arith.constant 0 : index
        %swap3A_190 = tpu.vector_load %arg9[%swap3A, %swap3A_189] {strides = array<i32>} : memref<64x144xf32, #tpu.memory_space<vmem>>, vector<1x16xf32>,
        %swap3A_191 = vector.shape_cast %swap3A_190 : vector<1x16xf32> to vector<16xf32>
        %swap3A_192 = vector.shape_cast %max3A_188 : vector<16xf32> to vector<1x16xf32>
        tpu.vector_store %arg9[%swap3A, %swap3A_189], %swap3A_192 {strides = array<i32>} : memref<64x144xf32, #tpu.memory_space<vmem>>, vector<1x16xf32>,
        %get3A_193 = arith.index_cast %scan3A_178 : i32 to index
        %get3A_194 = arith.constant 16 : index
        %get3A_195 = tpu.vector_load %arg9[%get3A_193, %get3A_194] {strides = array<i32>} : memref<64x144xf32, #tpu.memory_space<vmem>>, vector<1x16xf32>,
        %get3A_196 = vector.shape_cast %get3A_195 : vector<1x16xf32> to vector<16xf32>
        %get3A_197 = arith.index_cast %scan3A_178 : i32 to index
        %get3A_198 = arith.constant 16 : index
        %get3A_199 = tpu.vector_load %arg11[%get3A_197, %get3A_198] {strides = array<i32>} : memref<64x144xf32, #tpu.memory_space<vmem>>, vector<1x16xf32>,
        %get3A_200 = vector.shape_cast %get3A_199 : vector<1x16xf32> to vector<16xf32>
        %add3A_201 = arith.addf %get3A_196, %get3A_200 : vector<16xf32>
        %max3A_202 = arith.constant 0.000000e+00 : f32
        %max3A_203 = vector.broadcast %max3A_202 : f32 to vector<16xf32>
        %max3A_204 = arith.maximumf %add3A_201, %max3A_203 : vector<16xf32>
        %swap3A_205 = arith.index_cast %scan3A_178 : i32 to index
        %swap3A_206 = arith.constant 16 : index
        %swap3A_207 = tpu.vector_load %arg9[%swap3A_205, %swap3A_206] {strides = array<i32>} : memref<64x144xf32, #tpu.memory_space<vmem>>, vector<1x16xf32>,
        %swap3A_208 = vector.shape_cast %swap3A_207 : vector<1x16xf32> to vector<16xf32>
        %swap3A_209 = vector.shape_cast %max3A_204 : vector<16xf32> to vector<1x16xf32>
        tpu.vector_store %arg9[%swap3A_205, %swap3A_206], %swap3A_209 {strides = array<i32>} : memref<64x144xf32, #tpu.memory_space<vmem>>, vector<1x16xf32>,
        %get3A_210 = arith.index_cast %scan3A_178 : i32 to index
        %get3A_211 = arith.constant 32 : index
        %get3A_212 = tpu.vector_load %arg9[%get3A_210, %get3A_211] {strides = array<i32>} : memref<64x144xf32, #tpu.memory_space<vmem>>, vector<1x16xf32>,
        %get3A_213 = vector.shape_cast %get3A_212 : vector<1x16xf32> to vector<16xf32>
        %get3A_214 = arith.index_cast %scan3A_178 : i32 to index
        %get3A_215 = arith.constant 32 : index
        %get3A_216 = tpu.vector_load %arg11[%get3A_214, %get3A_215] {strides = array<i32>} : memref<64x144xf32, #tpu.memory_space<vmem>>, vector<1x16xf32>,
        %get3A_217 = vector.shape_cast %get3A_216 : vector<1x16xf32> to vector<16xf32>
        %add3A_218 = arith.addf %get3A_213, %get3A_217 : vector<16xf32>
        %max3A_219 = arith.constant 0.000000e+00 : f32
        %max3A_220 = vector.broadcast %max3A_219 : f32 to vector<16xf32>
        %max3A_221 = arith.maximumf %add3A_218, %max3A_220 : vector<16xf32>
        %swap3A_222 = arith.index_cast %scan3A_178 : i32 to index
        %swap3A_223 = arith.constant 32 : index
        %swap3A_224 = tpu.vector_load %arg9[%swap3A_222, %swap3A_223] {strides = array<i32>} : memref<64x144xf32, #tpu.memory_space<vmem>>, vector<1x16xf32>,
        %swap3A_225 = vector.shape_cast %swap3A_224 : vector<1x16xf32> to vector<16xf32>
        %swap3A_226 = vector.shape_cast %max3A_221 : vector<16xf32> to vector<1x16xf32>
        tpu.vector_store %arg9[%swap3A_222, %swap3A_223], %swap3A_226 {strides = array<i32>} : memref<64x144xf32, #tpu.memory_space<vmem>>, vector<1x16xf32>,
        %get3A_227 = arith.index_cast %scan3A_178 : i32 to index
        %get3A_228 = arith.constant 48 : index
        %get3A_229 = tpu.vector_load %arg9[%get3A_227, %get3A_228] {strides = array<i32>} : memref<64x144xf32, #tpu.memory_space<vmem>>, vector<1x16xf32>,
        %get3A_230 = vector.shape_cast %get3A_229 : vector<1x16xf32> to vector<16xf32>
        %get3A_231 = arith.index_cast %scan3A_178 : i32 to index
        %get3A_232 = arith.constant 48 : index
        %get3A_233 = tpu.vector_load %arg11[%get3A_231, %get3A_232] {strides = array<i32>} : memref<64x144xf32, #tpu.memory_space<vmem>>, vector<1x16xf32>,
        %get3A_234 = vector.shape_cast %get3A_233 : vector<1x16xf32> to vector<16xf32>
        %add3A_235 = arith.addf %get3A_230, %get3A_234 : vector<16xf32>
        %max3A_236 = arith.constant 0.000000e+00 : f32
        %max3A_237 = vector.broadcast %max3A_236 : f32 to vector<16xf32>
        %max3A_238 = arith.maximumf %add3A_235, %max3A_237 : vector<16xf32>
        %swap3A_239 = arith.index_cast %scan3A_178 : i32 to index
        %swap3A_240 = arith.constant 48 : index
        %swap3A_241 = tpu.vector_load %arg9[%swap3A_239, %swap3A_240] {strides = array<i32>} : memref<64x144xf32, #tpu.memory_space<vmem>>, vector<1x16xf32>,
        %swap3A_242 = vector.shape_cast %swap3A_241 : vector<1x16xf32> to vector<16xf32>
        %swap3A_243 = vector.shape_cast %max3A_238 : vector<16xf32> to vector<1x16xf32>
        tpu.vector_store %arg9[%swap3A_239, %swap3A_240], %swap3A_243 {strides = array<i32>} : memref<64x144xf32, #tpu.memory_space<vmem>>, vector<1x16xf32>,
        %get3A_244 = arith.index_cast %scan3A_178 : i32 to index
        %get3A_245 = arith.constant 64 : index
        %get3A_246 = tpu.vector_load %arg9[%get3A_244, %get3A_245] {strides = array<i32>} : memref<64x144xf32, #tpu.memory_space<vmem>>, vector<1x16xf32>,
        %get3A_247 = vector.shape_cast %get3A_246 : vector<1x16xf32> to vector<16xf32>
        %get3A_248 = arith.index_cast %scan3A_178 : i32 to index
        %get3A_249 = arith.constant 64 : index
        %get3A_250 = tpu.vector_load %arg11[%get3A_248, %get3A_249] {strides = array<i32>} : memref<64x144xf32, #tpu.memory_space<vmem>>, vector<1x16xf32>,
        %get3A_251 = vector.shape_cast %get3A_250 : vector<1x16xf32> to vector<16xf32>
        %add3A_252 = arith.addf %get3A_247, %get3A_251 : vector<16xf32>
        %max3A_253 = arith.constant 0.000000e+00 : f32
        %max3A_254 = vector.broadcast %max3A_253 : f32 to vector<16xf32>
        %max3A_255 = arith.maximumf %add3A_252, %max3A_254 : vector<16xf32>
        %swap3A_256 = arith.index_cast %scan3A_178 : i32 to index
        %swap3A_257 = arith.constant 64 : index
        %swap3A_258 = tpu.vector_load %arg9[%swap3A_256, %swap3A_257] {strides = array<i32>} : memref<64x144xf32, #tpu.memory_space<vmem>>, vector<1x16xf32>,
        %swap3A_259 = vector.shape_cast %swap3A_258 : vector<1x16xf32> to vector<16xf32>
        %swap3A_260 = vector.shape_cast %max3A_255 : vector<16xf32> to vector<1x16xf32>
        tpu.vector_store %arg9[%swap3A_256, %swap3A_257], %swap3A_260 {strides = array<i32>} : memref<64x144xf32, #tpu.memory_space<vmem>>, vector<1x16xf32>,
        %get3A_261 = arith.index_cast %scan3A_178 : i32 to index
        %get3A_262 = arith.constant 80 : index
        %get3A_263 = tpu.vector_load %arg9[%get3A_261, %get3A_262] {strides = array<i32>} : memref<64x144xf32, #tpu.memory_space<vmem>>, vector<1x16xf32>,
        %get3A_264 = vector.shape_cast %get3A_263 : vector<1x16xf32> to vector<16xf32>
        %get3A_265 = arith.index_cast %scan3A_178 : i32 to index
        %get3A_266 = arith.constant 80 : index
        %get3A_267 = tpu.vector_load %arg11[%get3A_265, %get3A_266] {strides = array<i32>} : memref<64x144xf32, #tpu.memory_space<vmem>>, vector<1x16xf32>,
        %get3A_268 = vector.shape_cast %get3A_267 : vector<1x16xf32> to vector<16xf32>
        %add3A_269 = arith.addf %get3A_264, %get3A_268 : vector<16xf32>
        %max3A_270 = arith.constant 0.000000e+00 : f32
        %max3A_271 = vector.broadcast %max3A_270 : f32 to vector<16xf32>
        %max3A_272 = arith.maximumf %add3A_269, %max3A_271 : vector<16xf32>
        %swap3A_273 = arith.index_cast %scan3A_178 : i32 to index
        %swap3A_274 = arith.constant 80 : index
        %swap3A_275 = tpu.vector_load %arg9[%swap3A_273, %swap3A_274] {strides = array<i32>} : memref<64x144xf32, #tpu.memory_space<vmem>>, vector<1x16xf32>,
        %swap3A_276 = vector.shape_cast %swap3A_275 : vector<1x16xf32> to vector<16xf32>
        %swap3A_277 = vector.shape_cast %max3A_272 : vector<16xf32> to vector<1x16xf32>
        tpu.vector_store %arg9[%swap3A_273, %swap3A_274], %swap3A_277 {strides = array<i32>} : memref<64x144xf32, #tpu.memory_space<vmem>>, vector<1x16xf32>,
        %get3A_278 = arith.index_cast %scan3A_178 : i32 to index
        %get3A_279 = arith.constant 96 : index
        %get3A_280 = tpu.vector_load %arg9[%get3A_278, %get3A_279] {strides = array<i32>} : memref<64x144xf32, #tpu.memory_space<vmem>>, vector<1x16xf32>,
        %get3A_281 = vector.shape_cast %get3A_280 : vector<1x16xf32> to vector<16xf32>
        %get3A_282 = arith.index_cast %scan3A_178 : i32 to index
        %get3A_283 = arith.constant 96 : index
        %get3A_284 = tpu.vector_load %arg11[%get3A_282, %get3A_283] {strides = array<i32>} : memref<64x144xf32, #tpu.memory_space<vmem>>, vector<1x16xf32>,
        %get3A_285 = vector.shape_cast %get3A_284 : vector<1x16xf32> to vector<16xf32>
        %add3A_286 = arith.addf %get3A_281, %get3A_285 : vector<16xf32>
        %max3A_287 = arith.constant 0.000000e+00 : f32
        %max3A_288 = vector.broadcast %max3A_287 : f32 to vector<16xf32>
        %max3A_289 = arith.maximumf %add3A_286, %max3A_288 : vector<16xf32>
        %swap3A_290 = arith.index_cast %scan3A_178 : i32 to index
        %swap3A_291 = arith.constant 96 : index
        %swap3A_292 = tpu.vector_load %arg9[%swap3A_290, %swap3A_291] {strides = array<i32>} : memref<64x144xf32, #tpu.memory_space<vmem>>, vector<1x16xf32>,
        %swap3A_293 = vector.shape_cast %swap3A_292 : vector<1x16xf32> to vector<16xf32>
        %swap3A_294 = vector.shape_cast %max3A_289 : vector<16xf32> to vector<1x16xf32>
        tpu.vector_store %arg9[%swap3A_290, %swap3A_291], %swap3A_294 {strides = array<i32>} : memref<64x144xf32, #tpu.memory_space<vmem>>, vector<1x16xf32>,
        %get3A_295 = arith.index_cast %scan3A_178 : i32 to index
        %get3A_296 = arith.constant 112 : index
        %get3A_297 = tpu.vector_load %arg9[%get3A_295, %get3A_296] {strides = array<i32>} : memref<64x144xf32, #tpu.memory_space<vmem>>, vector<1x16xf32>,
        %get3A_298 = vector.shape_cast %get3A_297 : vector<1x16xf32> to vector<16xf32>
        %get3A_299 = arith.index_cast %scan3A_178 : i32 to index
        %get3A_300 = arith.constant 112 : index
        %get3A_301 = tpu.vector_load %arg11[%get3A_299, %get3A_300] {strides = array<i32>} : memref<64x144xf32, #tpu.memory_space<vmem>>, vector<1x16xf32>,
        %get3A_302 = vector.shape_cast %get3A_301 : vector<1x16xf32> to vector<16xf32>
        %add3A_303 = arith.addf %get3A_298, %get3A_302 : vector<16xf32>
        %max3A_304 = arith.constant 0.000000e+00 : f32
        %max3A_305 = vector.broadcast %max3A_304 : f32 to vector<16xf32>
        %max3A_306 = arith.maximumf %add3A_303, %max3A_305 : vector<16xf32>
        %swap3A_307 = arith.index_cast %scan3A_178 : i32 to index
        %swap3A_308 = arith.constant 112 : index
        %swap3A_309 = tpu.vector_load %arg9[%swap3A_307, %swap3A_308] {strides = array<i32>} : memref<64x144xf32, #tpu.memory_space<vmem>>, vector<1x16xf32>,
        %swap3A_310 = vector.shape_cast %swap3A_309 : vector<1x16xf32> to vector<16xf32>
        %swap3A_311 = vector.shape_cast %max3A_306 : vector<16xf32> to vector<1x16xf32>
        tpu.vector_store %arg9[%swap3A_307, %swap3A_308], %swap3A_311 {strides = array<i32>} : memref<64x144xf32, #tpu.memory_space<vmem>>, vector<1x16xf32>,
        %get3A_312 = arith.index_cast %scan3A_178 : i32 to index
        %get3A_313 = arith.constant 128 : index
        %get3A_314 = tpu.vector_load %arg9[%get3A_312, %get3A_313] {strides = array<i32>} : memref<64x144xf32, #tpu.memory_space<vmem>>, vector<1x16xf32>,
        %get3A_315 = vector.shape_cast %get3A_314 : vector<1x16xf32> to vector<16xf32>
        %get3A_316 = arith.index_cast %scan3A_178 : i32 to index
        %get3A_317 = arith.constant 128 : index
        %get3A_318 = tpu.vector_load %arg11[%get3A_316, %get3A_317] {strides = array<i32>} : memref<64x144xf32, #tpu.memory_space<vmem>>, vector<1x16xf32>,
        %get3A_319 = vector.shape_cast %get3A_318 : vector<1x16xf32> to vector<16xf32>
        %add3A_320 = arith.addf %get3A_315, %get3A_319 : vector<16xf32>
        %max3A_321 = arith.constant 0.000000e+00 : f32
        %max3A_322 = vector.broadcast %max3A_321 : f32 to vector<16xf32>
        %max3A_323 = arith.maximumf %add3A_320, %max3A_322 : vector<16xf32>
        %swap3A_324 = arith.index_cast %scan3A_178 : i32 to index
        %swap3A_325 = arith.constant 128 : index
        %swap3A_326 = tpu.vector_load %arg9[%swap3A_324, %swap3A_325] {strides = array<i32>} : memref<64x144xf32, #tpu.memory_space<vmem>>, vector<1x16xf32>,
        %swap3A_327 = vector.shape_cast %swap3A_326 : vector<1x16xf32> to vector<16xf32>
        %swap3A_328 = vector.shape_cast %max3A_323 : vector<16xf32> to vector<1x16xf32>
        tpu.vector_store %arg9[%swap3A_324, %swap3A_325], %swap3A_328 {strides = array<i32>} : memref<64x144xf32, #tpu.memory_space<vmem>>, vector<1x16xf32>,
      }
      %scan3A_143 = arith.constant 64 : i32
      %run_scoped3A = arith.constant 2 : i32
      "tpu.region"() ({
        %run_scoped3A_178 = tpu.sem_alloc : memref<!tpu.dma_semaphore, #tpu.memory_space<semaphore_mem>>
        %dma_start3A_179 = arith.constant 0 : i32
        %dma_start3A_180 = tpu.memref_slice %arg7[%run_scoped3A, %dma_start3A_179] : memref<3x64xi32, #tpu.memory_space<vmem>> -> memref<1x64xi32, #tpu.memory_space<vmem>>
        %dma_start3A_181 = tpu.memref_squeeze %dma_start3A_180 : memref<1x64xi32, #tpu.memory_space<vmem>> -> memref<64xi32, #tpu.memory_space<vmem>>
        %dma_start3A_182 = arith.constant 0 : i32
        %dma_start3A_183 = arith.constant 0 : i32
        %dma_start3A_184 = tpu.memref_slice %arg6[%dma_start3A_182, %dma_start3A_183] : memref<10000x144xf32, #tpu.memory_space<vmem_shared>> -> memref<10000x144xf32, #tpu.memory_space<vmem_shared>>
        tpu.enqueue_indirect_dma source(%arg9 : memref<64x144xf32, #tpu.memory_space<vmem>>) target(%dma_start3A_184 : memref<10000x144xf32, #tpu.memory_space<vmem_shared>>) offsets(%dma_start3A_181 : memref<64xi32, #tpu.memory_space<vmem>>) semaphore(%run_scoped3A_178 : memref<!tpu.dma_semaphore, #tpu.memory_space<semaphore_mem>>) {add = true}
        %dma_wait3A_185 = arith.constant 0 : i32
        %dma_wait3A_186 = tpu.memref_slice %arg7[%run_scoped3A, %dma_wait3A_185] : memref<3x64xi32, #tpu.memory_space<vmem>> -> memref<1x64xi32, #tpu.memory_space<vmem>>
        %dma_wait3A_187 = tpu.memref_squeeze %dma_wait3A_186 : memref<1x64xi32, #tpu.memory_space<vmem>> -> memref<64xi32, #tpu.memory_space<vmem>>
        %dma_wait3A_188 = arith.constant 0 : i32
        %dma_wait3A_189 = arith.constant 0 : i32
        %dma_wait3A_190 = tpu.memref_slice %arg6[%dma_wait3A_188, %dma_wait3A_189] : memref<10000x144xf32, #tpu.memory_space<vmem_shared>> -> memref<10000x144xf32, #tpu.memory_space<vmem_shared>>
        tpu.wait_indirect_dma semaphore(%run_scoped3A_178 : memref<!tpu.dma_semaphore, #tpu.memory_space<semaphore_mem>>) src(%arg9 : memref<64x144xf32, #tpu.memory_space<vmem>>) dst(%dma_wait3A_190 : memref<10000x144xf32, #tpu.memory_space<vmem_shared>>)
        tpu.yield
      }) : () -> ()
      %add3A_144 = arith.constant 2 : i32
      %add3A_145 = arith.addi %add3A_124, %add3A_144 : i32
      %lt3A = arith.cmpi slt, %add3A_145, %select_n3A_56 : i32
      %convert_element_type3A = arith.extui %lt3A : i1 to i32
      %cond3A = arith.constant 0 : i32
      %cond3A_146 = arith.cmpi ne, %convert_element_type3A, %cond3A : i32
      scf.if %cond3A_146 {
        %add3A_178 = arith.addi %select_n3A, %add3A_124 : i32
        %add3A_179 = arith.constant 2 : i32
        %add3A_180 = arith.addi %add3A_178, %add3A_179 : i32
        "tpu.region"() ({
          %run_scoped3A_195 = tpu.sem_alloc : memref<!tpu.dma_semaphore, #tpu.memory_space<semaphore_mem>>
          %dma_start3A_196 = arith.constant 0 : i32
          %dma_start3A_197 = arith.constant 0 : i32
          %dma_start3A_198 = tpu.memref_slice %arg4[%add3A_180, %dma_start3A_196, %dma_start3A_197] : memref<5120x3x64xi32, #tpu.memory_space<hbm>> -> memref<1x3x64xi32, #tpu.memory_space<hbm>>
          %dma_start3A_199 = tpu.memref_squeeze %dma_start3A_198 : memref<1x3x64xi32, #tpu.memory_space<hbm>> -> memref<3x64xi32, #tpu.memory_space<hbm>>
          %dma_start3A_200 = arith.constant 0 : i32
          %dma_start3A_201 = arith.constant 0 : i32
          %dma_start3A_202 = tpu.memref_slice %arg4[%add3A_180, %dma_start3A_200, %dma_start3A_201] : memref<5120x3x64xi32, #tpu.memory_space<hbm>> -> memref<1x3x64xi32, #tpu.memory_space<hbm>>
          %dma_start3A_203 = tpu.memref_squeeze %dma_start3A_202 : memref<1x3x64xi32, #tpu.memory_space<hbm>> -> memref<3x64xi32, #tpu.memory_space<hbm>>
          tpu.enqueue_dma source(%dma_start3A_203 : memref<3x64xi32, #tpu.memory_space<hbm>>) target(%arg7 : memref<3x64xi32, #tpu.memory_space<vmem>>) target_semaphore(%run_scoped3A_195 : memref<!tpu.dma_semaphore, #tpu.memory_space<semaphore_mem>>)
          %dma_wait3A_204 = arith.constant 0 : i32
          %dma_wait3A_205 = arith.constant 0 : i32
          %dma_wait3A_206 = tpu.memref_slice %arg4[%add3A_180, %dma_wait3A_204, %dma_wait3A_205] : memref<5120x3x64xi32, #tpu.memory_space<hbm>> -> memref<1x3x64xi32, #tpu.memory_space<hbm>>
          %dma_wait3A_207 = tpu.memref_squeeze %dma_wait3A_206 : memref<1x3x64xi32, #tpu.memory_space<hbm>> -> memref<3x64xi32, #tpu.memory_space<hbm>>
          %dma_wait3A_208 = arith.constant 0 : i32
          %dma_wait3A_209 = arith.constant 0 : i32
          %dma_wait3A_210 = tpu.memref_slice %arg4[%add3A_180, %dma_wait3A_208, %dma_wait3A_209] : memref<5120x3x64xi32, #tpu.memory_space<hbm>> -> memref<1x3x64xi32, #tpu.memory_space<hbm>>
          %dma_wait3A_211 = tpu.memref_squeeze %dma_wait3A_210 : memref<1x3x64xi32, #tpu.memory_space<hbm>> -> memref<3x64xi32, #tpu.memory_space<hbm>>
          tpu.wait_dma2 semaphore(%run_scoped3A_195 : memref<!tpu.dma_semaphore, #tpu.memory_space<semaphore_mem>>) src(%dma_wait3A_211 : memref<3x64xi32, #tpu.memory_space<hbm>>) dst(%arg7 : memref<3x64xi32, #tpu.memory_space<vmem>>)
          tpu.yield
        }) : () -> ()
        %dma_start3A_181 = arith.constant 0 : i32
        %dma_start3A_182 = arith.constant 0 : i32
        %dma_start3A_183 = tpu.memref_slice %arg7[%dma_start3A_181, %dma_start3A_182] : memref<3x64xi32, #tpu.memory_space<vmem>> -> memref<1x64xi32, #tpu.memory_space<vmem>>
        %dma_start3A_184 = tpu.memref_squeeze %dma_start3A_183 : memref<1x64xi32, #tpu.memory_space<vmem>> -> memref<64xi32, #tpu.memory_space<vmem>>
        %dma_start3A_185 = arith.constant 0 : i32
        %dma_start3A_186 = arith.constant 0 : i32
        %dma_start3A_187 = tpu.memref_slice %arg2[%dma_start3A_185, %dma_start3A_186] : memref<60000x144xf32, #tpu.memory_space<hbm>> -> memref<60000x144xf32, #tpu.memory_space<hbm>>
        tpu.enqueue_indirect_dma source(%dma_start3A_187 : memref<60000x144xf32, #tpu.memory_space<hbm>>) target(%arg9 : memref<64x144xf32, #tpu.memory_space<vmem>>) offsets(%dma_start3A_184 : memref<64xi32, #tpu.memory_space<vmem>>) semaphore(%arg13 : memref<!tpu.dma_semaphore, #tpu.memory_space<semaphore_mem>>)
        %dma_start3A_188 = arith.constant 1 : i32
        %dma_start3A_189 = arith.constant 0 : i32
        %dma_start3A_190 = tpu.memref_slice %arg7[%dma_start3A_188, %dma_start3A_189] : memref<3x64xi32, #tpu.memory_space<vmem>> -> memref<1x64xi32, #tpu.memory_space<vmem>>
        %dma_start3A_191 = tpu.memref_squeeze %dma_start3A_190 : memref<1x64xi32, #tpu.memory_space<vmem>> -> memref<64xi32, #tpu.memory_space<vmem>>
        %dma_start3A_192 = arith.constant 0 : i32
        %dma_start3A_193 = arith.constant 0 : i32
        %dma_start3A_194 = tpu.memref_slice %arg3[%dma_start3A_192, %dma_start3A_193] : memref<328x144xf32, #tpu.memory_space<hbm>> -> memref<328x144xf32, #tpu.memory_space<hbm>>
        tpu.enqueue_indirect_dma source(%dma_start3A_194 : memref<328x144xf32, #tpu.memory_space<hbm>>) target(%arg11 : memref<64x144xf32, #tpu.memory_space<vmem>>) offsets(%dma_start3A_191 : memref<64xi32, #tpu.memory_space<vmem>>) semaphore(%arg13 : memref<!tpu.dma_semaphore, #tpu.memory_space<semaphore_mem>>)
      } else {
      }
      %mul3A_147 = arith.constant 2 : i32
      %mul3A_148 = arith.muli %while3A_120, %mul3A_147 : i32
      %add3A_149 = arith.constant 1 : i32
      %add3A_150 = arith.addi %mul3A_148, %add3A_149 : i32
      %dma_wait3A_151 = arith.constant 0 : i32
      %dma_wait3A_152 = arith.constant 0 : i32
      %dma_wait3A_153 = tpu.memref_slice %arg8[%dma_wait3A_151, %dma_wait3A_152] : memref<3x64xi32, #tpu.memory_space<vmem>> -> memref<1x64xi32, #tpu.memory_space<vmem>>
      %dma_wait3A_154 = tpu.memref_squeeze %dma_wait3A_153 : memref<1x64xi32, #tpu.memory_space<vmem>> -> memref<64xi32, #tpu.memory_space<vmem>>
      %dma_wait3A_155 = arith.constant 0 : i32
      %dma_wait3A_156 = arith.constant 0 : i32
      %dma_wait3A_157 = tpu.memref_slice %arg2[%dma_wait3A_155, %dma_wait3A_156] : memref<60000x144xf32, #tpu.memory_space<hbm>> -> memref<60000x144xf32, #tpu.memory_space<hbm>>
      tpu.wait_indirect_dma semaphore(%arg14 : memref<!tpu.dma_semaphore, #tpu.memory_space<semaphore_mem>>) src(%dma_wait3A_157 : memref<60000x144xf32, #tpu.memory_space<hbm>>) dst(%arg10 : memref<64x144xf32, #tpu.memory_space<vmem>>)
      %dma_wait3A_158 = arith.constant 1 : i32
      %dma_wait3A_159 = arith.constant 0 : i32
      %dma_wait3A_160 = tpu.memref_slice %arg8[%dma_wait3A_158, %dma_wait3A_159] : memref<3x64xi32, #tpu.memory_space<vmem>> -> memref<1x64xi32, #tpu.memory_space<vmem>>
      %dma_wait3A_161 = tpu.memref_squeeze %dma_wait3A_160 : memref<1x64xi32, #tpu.memory_space<vmem>> -> memref<64xi32, #tpu.memory_space<vmem>>
      %dma_wait3A_162 = arith.constant 0 : i32
      %dma_wait3A_163 = arith.constant 0 : i32
      %dma_wait3A_164 = tpu.memref_slice %arg3[%dma_wait3A_162, %dma_wait3A_163] : memref<328x144xf32, #tpu.memory_space<hbm>> -> memref<328x144xf32, #tpu.memory_space<hbm>>
      tpu.wait_indirect_dma semaphore(%arg14 : memref<!tpu.dma_semaphore, #tpu.memory_space<semaphore_mem>>) src(%dma_wait3A_164 : memref<328x144xf32, #tpu.memory_space<hbm>>) dst(%arg12 : memref<64x144xf32, #tpu.memory_space<vmem>>)
      %scan3A_165 = arith.constant 0 : i32
      %scan3A_166 = arith.constant 0 : i32
      %scan3A_167 = arith.constant 64 : i32
      %scan3A_168 = arith.addi %scan3A_166, %scan3A_167 : i32
      %scan3A_169 = arith.constant 1 : i32
      scf.for %scan3A_178 = %scan3A_166 to %scan3A_168 step %scan3A_169  : i32 {
        %get3A = arith.index_cast %scan3A_178 : i32 to index
        %get3A_179 = arith.constant 0 : index
        %get3A_180 = tpu.vector_load %arg10[%get3A, %get3A_179] {strides = array<i32>} : memref<64x144xf32, #tpu.memory_space<vmem>>, vector<1x16xf32>,
        %get3A_181 = vector.shape_cast %get3A_180 : vector<1x16xf32> to vector<16xf32>
        %get3A_182 = arith.index_cast %scan3A_178 : i32 to index
        %get3A_183 = arith.constant 0 : index
        %get3A_184 = tpu.vector_load %arg12[%get3A_182, %get3A_183] {strides = array<i32>} : memref<64x144xf32, #tpu.memory_space<vmem>>, vector<1x16xf32>,
        %get3A_185 = vector.shape_cast %get3A_184 : vector<1x16xf32> to vector<16xf32>
        %add3A_186 = arith.addf %get3A_181, %get3A_185 : vector<16xf32>
        %max3A = arith.constant 0.000000e+00 : f32
        %max3A_187 = vector.broadcast %max3A : f32 to vector<16xf32>
        %max3A_188 = arith.maximumf %add3A_186, %max3A_187 : vector<16xf32>
        %swap3A = arith.index_cast %scan3A_178 : i32 to index
        %swap3A_189 = arith.constant 0 : index
        %swap3A_190 = tpu.vector_load %arg10[%swap3A, %swap3A_189] {strides = array<i32>} : memref<64x144xf32, #tpu.memory_space<vmem>>, vector<1x16xf32>,
        %swap3A_191 = vector.shape_cast %swap3A_190 : vector<1x16xf32> to vector<16xf32>
        %swap3A_192 = vector.shape_cast %max3A_188 : vector<16xf32> to vector<1x16xf32>
        tpu.vector_store %arg10[%swap3A, %swap3A_189], %swap3A_192 {strides = array<i32>} : memref<64x144xf32, #tpu.memory_space<vmem>>, vector<1x16xf32>,
        %get3A_193 = arith.index_cast %scan3A_178 : i32 to index
        %get3A_194 = arith.constant 16 : index
        %get3A_195 = tpu.vector_load %arg10[%get3A_193, %get3A_194] {strides = array<i32>} : memref<64x144xf32, #tpu.memory_space<vmem>>, vector<1x16xf32>,
        %get3A_196 = vector.shape_cast %get3A_195 : vector<1x16xf32> to vector<16xf32>
        %get3A_197 = arith.index_cast %scan3A_178 : i32 to index
        %get3A_198 = arith.constant 16 : index
        %get3A_199 = tpu.vector_load %arg12[%get3A_197, %get3A_198] {strides = array<i32>} : memref<64x144xf32, #tpu.memory_space<vmem>>, vector<1x16xf32>,
        %get3A_200 = vector.shape_cast %get3A_199 : vector<1x16xf32> to vector<16xf32>
        %add3A_201 = arith.addf %get3A_196, %get3A_200 : vector<16xf32>
        %max3A_202 = arith.constant 0.000000e+00 : f32
        %max3A_203 = vector.broadcast %max3A_202 : f32 to vector<16xf32>
        %max3A_204 = arith.maximumf %add3A_201, %max3A_203 : vector<16xf32>
        %swap3A_205 = arith.index_cast %scan3A_178 : i32 to index
        %swap3A_206 = arith.constant 16 : index
        %swap3A_207 = tpu.vector_load %arg10[%swap3A_205, %swap3A_206] {strides = array<i32>} : memref<64x144xf32, #tpu.memory_space<vmem>>, vector<1x16xf32>,
        %swap3A_208 = vector.shape_cast %swap3A_207 : vector<1x16xf32> to vector<16xf32>
        %swap3A_209 = vector.shape_cast %max3A_204 : vector<16xf32> to vector<1x16xf32>
        tpu.vector_store %arg10[%swap3A_205, %swap3A_206], %swap3A_209 {strides = array<i32>} : memref<64x144xf32, #tpu.memory_space<vmem>>, vector<1x16xf32>,
        %get3A_210 = arith.index_cast %scan3A_178 : i32 to index
        %get3A_211 = arith.constant 32 : index
        %get3A_212 = tpu.vector_load %arg10[%get3A_210, %get3A_211] {strides = array<i32>} : memref<64x144xf32, #tpu.memory_space<vmem>>, vector<1x16xf32>,
        %get3A_213 = vector.shape_cast %get3A_212 : vector<1x16xf32> to vector<16xf32>
        %get3A_214 = arith.index_cast %scan3A_178 : i32 to index
        %get3A_215 = arith.constant 32 : index
        %get3A_216 = tpu.vector_load %arg12[%get3A_214, %get3A_215] {strides = array<i32>} : memref<64x144xf32, #tpu.memory_space<vmem>>, vector<1x16xf32>,
        %get3A_217 = vector.shape_cast %get3A_216 : vector<1x16xf32> to vector<16xf32>
        %add3A_218 = arith.addf %get3A_213, %get3A_217 : vector<16xf32>
        %max3A_219 = arith.constant 0.000000e+00 : f32
        %max3A_220 = vector.broadcast %max3A_219 : f32 to vector<16xf32>
        %max3A_221 = arith.maximumf %add3A_218, %max3A_220 : vector<16xf32>
        %swap3A_222 = arith.index_cast %scan3A_178 : i32 to index
        %swap3A_223 = arith.constant 32 : index
        %swap3A_224 = tpu.vector_load %arg10[%swap3A_222, %swap3A_223] {strides = array<i32>} : memref<64x144xf32, #tpu.memory_space<vmem>>, vector<1x16xf32>,
        %swap3A_225 = vector.shape_cast %swap3A_224 : vector<1x16xf32> to vector<16xf32>
        %swap3A_226 = vector.shape_cast %max3A_221 : vector<16xf32> to vector<1x16xf32>
        tpu.vector_store %arg10[%swap3A_222, %swap3A_223], %swap3A_226 {strides = array<i32>} : memref<64x144xf32, #tpu.memory_space<vmem>>, vector<1x16xf32>,
        %get3A_227 = arith.index_cast %scan3A_178 : i32 to index
        %get3A_228 = arith.constant 48 : index
        %get3A_229 = tpu.vector_load %arg10[%get3A_227, %get3A_228] {strides = array<i32>} : memref<64x144xf32, #tpu.memory_space<vmem>>, vector<1x16xf32>,
        %get3A_230 = vector.shape_cast %get3A_229 : vector<1x16xf32> to vector<16xf32>
        %get3A_231 = arith.index_cast %scan3A_178 : i32 to index
        %get3A_232 = arith.constant 48 : index
        %get3A_233 = tpu.vector_load %arg12[%get3A_231, %get3A_232] {strides = array<i32>} : memref<64x144xf32, #tpu.memory_space<vmem>>, vector<1x16xf32>,
        %get3A_234 = vector.shape_cast %get3A_233 : vector<1x16xf32> to vector<16xf32>
        %add3A_235 = arith.addf %get3A_230, %get3A_234 : vector<16xf32>
        %max3A_236 = arith.constant 0.000000e+00 : f32
        %max3A_237 = vector.broadcast %max3A_236 : f32 to vector<16xf32>
        %max3A_238 = arith.maximumf %add3A_235, %max3A_237 : vector<16xf32>
        %swap3A_239 = arith.index_cast %scan3A_178 : i32 to index
        %swap3A_240 = arith.constant 48 : index
        %swap3A_241 = tpu.vector_load %arg10[%swap3A_239, %swap3A_240] {strides = array<i32>} : memref<64x144xf32, #tpu.memory_space<vmem>>, vector<1x16xf32>,
        %swap3A_242 = vector.shape_cast %swap3A_241 : vector<1x16xf32> to vector<16xf32>
        %swap3A_243 = vector.shape_cast %max3A_238 : vector<16xf32> to vector<1x16xf32>
        tpu.vector_store %arg10[%swap3A_239, %swap3A_240], %swap3A_243 {strides = array<i32>} : memref<64x144xf32, #tpu.memory_space<vmem>>, vector<1x16xf32>,
        %get3A_244 = arith.index_cast %scan3A_178 : i32 to index
        %get3A_245 = arith.constant 64 : index
        %get3A_246 = tpu.vector_load %arg10[%get3A_244, %get3A_245] {strides = array<i32>} : memref<64x144xf32, #tpu.memory_space<vmem>>, vector<1x16xf32>,
        %get3A_247 = vector.shape_cast %get3A_246 : vector<1x16xf32> to vector<16xf32>
        %get3A_248 = arith.index_cast %scan3A_178 : i32 to index
        %get3A_249 = arith.constant 64 : index
        %get3A_250 = tpu.vector_load %arg12[%get3A_248, %get3A_249] {strides = array<i32>} : memref<64x144xf32, #tpu.memory_space<vmem>>, vector<1x16xf32>,
        %get3A_251 = vector.shape_cast %get3A_250 : vector<1x16xf32> to vector<16xf32>
        %add3A_252 = arith.addf %get3A_247, %get3A_251 : vector<16xf32>
        %max3A_253 = arith.constant 0.000000e+00 : f32
        %max3A_254 = vector.broadcast %max3A_253 : f32 to vector<16xf32>
        %max3A_255 = arith.maximumf %add3A_252, %max3A_254 : vector<16xf32>
        %swap3A_256 = arith.index_cast %scan3A_178 : i32 to index
        %swap3A_257 = arith.constant 64 : index
        %swap3A_258 = tpu.vector_load %arg10[%swap3A_256, %swap3A_257] {strides = array<i32>} : memref<64x144xf32, #tpu.memory_space<vmem>>, vector<1x16xf32>,
        %swap3A_259 = vector.shape_cast %swap3A_258 : vector<1x16xf32> to vector<16xf32>
        %swap3A_260 = vector.shape_cast %max3A_255 : vector<16xf32> to vector<1x16xf32>
        tpu.vector_store %arg10[%swap3A_256, %swap3A_257], %swap3A_260 {strides = array<i32>} : memref<64x144xf32, #tpu.memory_space<vmem>>, vector<1x16xf32>,
        %get3A_261 = arith.index_cast %scan3A_178 : i32 to index
        %get3A_262 = arith.constant 80 : index
        %get3A_263 = tpu.vector_load %arg10[%get3A_261, %get3A_262] {strides = array<i32>} : memref<64x144xf32, #tpu.memory_space<vmem>>, vector<1x16xf32>,
        %get3A_264 = vector.shape_cast %get3A_263 : vector<1x16xf32> to vector<16xf32>
        %get3A_265 = arith.index_cast %scan3A_178 : i32 to index
        %get3A_266 = arith.constant 80 : index
        %get3A_267 = tpu.vector_load %arg12[%get3A_265, %get3A_266] {strides = array<i32>} : memref<64x144xf32, #tpu.memory_space<vmem>>, vector<1x16xf32>,
        %get3A_268 = vector.shape_cast %get3A_267 : vector<1x16xf32> to vector<16xf32>
        %add3A_269 = arith.addf %get3A_264, %get3A_268 : vector<16xf32>
        %max3A_270 = arith.constant 0.000000e+00 : f32
        %max3A_271 = vector.broadcast %max3A_270 : f32 to vector<16xf32>
        %max3A_272 = arith.maximumf %add3A_269, %max3A_271 : vector<16xf32>
        %swap3A_273 = arith.index_cast %scan3A_178 : i32 to index
        %swap3A_274 = arith.constant 80 : index
        %swap3A_275 = tpu.vector_load %arg10[%swap3A_273, %swap3A_274] {strides = array<i32>} : memref<64x144xf32, #tpu.memory_space<vmem>>, vector<1x16xf32>,
        %swap3A_276 = vector.shape_cast %swap3A_275 : vector<1x16xf32> to vector<16xf32>
        %swap3A_277 = vector.shape_cast %max3A_272 : vector<16xf32> to vector<1x16xf32>
        tpu.vector_store %arg10[%swap3A_273, %swap3A_274], %swap3A_277 {strides = array<i32>} : memref<64x144xf32, #tpu.memory_space<vmem>>, vector<1x16xf32>,
        %get3A_278 = arith.index_cast %scan3A_178 : i32 to index
        %get3A_279 = arith.constant 96 : index
        %get3A_280 = tpu.vector_load %arg10[%get3A_278, %get3A_279] {strides = array<i32>} : memref<64x144xf32, #tpu.memory_space<vmem>>, vector<1x16xf32>,
        %get3A_281 = vector.shape_cast %get3A_280 : vector<1x16xf32> to vector<16xf32>
        %get3A_282 = arith.index_cast %scan3A_178 : i32 to index
        %get3A_283 = arith.constant 96 : index
        %get3A_284 = tpu.vector_load %arg12[%get3A_282, %get3A_283] {strides = array<i32>} : memref<64x144xf32, #tpu.memory_space<vmem>>, vector<1x16xf32>,
        %get3A_285 = vector.shape_cast %get3A_284 : vector<1x16xf32> to vector<16xf32>
        %add3A_286 = arith.addf %get3A_281, %get3A_285 : vector<16xf32>
        %max3A_287 = arith.constant 0.000000e+00 : f32
        %max3A_288 = vector.broadcast %max3A_287 : f32 to vector<16xf32>
        %max3A_289 = arith.maximumf %add3A_286, %max3A_288 : vector<16xf32>
        %swap3A_290 = arith.index_cast %scan3A_178 : i32 to index
        %swap3A_291 = arith.constant 96 : index
        %swap3A_292 = tpu.vector_load %arg10[%swap3A_290, %swap3A_291] {strides = array<i32>} : memref<64x144xf32, #tpu.memory_space<vmem>>, vector<1x16xf32>,
        %swap3A_293 = vector.shape_cast %swap3A_292 : vector<1x16xf32> to vector<16xf32>
        %swap3A_294 = vector.shape_cast %max3A_289 : vector<16xf32> to vector<1x16xf32>
        tpu.vector_store %arg10[%swap3A_290, %swap3A_291], %swap3A_294 {strides = array<i32>} : memref<64x144xf32, #tpu.memory_space<vmem>>, vector<1x16xf32>,
        %get3A_295 = arith.index_cast %scan3A_178 : i32 to index
        %get3A_296 = arith.constant 112 : index
        %get3A_297 = tpu.vector_load %arg10[%get3A_295, %get3A_296] {strides = array<i32>} : memref<64x144xf32, #tpu.memory_space<vmem>>, vector<1x16xf32>,
        %get3A_298 = vector.shape_cast %get3A_297 : vector<1x16xf32> to vector<16xf32>
        %get3A_299 = arith.index_cast %scan3A_178 : i32 to index
        %get3A_300 = arith.constant 112 : index
        %get3A_301 = tpu.vector_load %arg12[%get3A_299, %get3A_300] {strides = array<i32>} : memref<64x144xf32, #tpu.memory_space<vmem>>, vector<1x16xf32>,
        %get3A_302 = vector.shape_cast %get3A_301 : vector<1x16xf32> to vector<16xf32>
        %add3A_303 = arith.addf %get3A_298, %get3A_302 : vector<16xf32>
        %max3A_304 = arith.constant 0.000000e+00 : f32
        %max3A_305 = vector.broadcast %max3A_304 : f32 to vector<16xf32>
        %max3A_306 = arith.maximumf %add3A_303, %max3A_305 : vector<16xf32>
        %swap3A_307 = arith.index_cast %scan3A_178 : i32 to index
        %swap3A_308 = arith.constant 112 : index
        %swap3A_309 = tpu.vector_load %arg10[%swap3A_307, %swap3A_308] {strides = array<i32>} : memref<64x144xf32, #tpu.memory_space<vmem>>, vector<1x16xf32>,
        %swap3A_310 = vector.shape_cast %swap3A_309 : vector<1x16xf32> to vector<16xf32>
        %swap3A_311 = vector.shape_cast %max3A_306 : vector<16xf32> to vector<1x16xf32>
        tpu.vector_store %arg10[%swap3A_307, %swap3A_308], %swap3A_311 {strides = array<i32>} : memref<64x144xf32, #tpu.memory_space<vmem>>, vector<1x16xf32>,
        %get3A_312 = arith.index_cast %scan3A_178 : i32 to index
        %get3A_313 = arith.constant 128 : index
        %get3A_314 = tpu.vector_load %arg10[%get3A_312, %get3A_313] {strides = array<i32>} : memref<64x144xf32, #tpu.memory_space<vmem>>, vector<1x16xf32>,
        %get3A_315 = vector.shape_cast %get3A_314 : vector<1x16xf32> to vector<16xf32>
        %get3A_316 = arith.index_cast %scan3A_178 : i32 to index
        %get3A_317 = arith.constant 128 : index
        %get3A_318 = tpu.vector_load %arg12[%get3A_316, %get3A_317] {strides = array<i32>} : memref<64x144xf32, #tpu.memory_space<vmem>>, vector<1x16xf32>,
        %get3A_319 = vector.shape_cast %get3A_318 : vector<1x16xf32> to vector<16xf32>
        %add3A_320 = arith.addf %get3A_315, %get3A_319 : vector<16xf32>
        %max3A_321 = arith.constant 0.000000e+00 : f32
        %max3A_322 = vector.broadcast %max3A_321 : f32 to vector<16xf32>
        %max3A_323 = arith.maximumf %add3A_320, %max3A_322 : vector<16xf32>
        %swap3A_324 = arith.index_cast %scan3A_178 : i32 to index
        %swap3A_325 = arith.constant 128 : index
        %swap3A_326 = tpu.vector_load %arg10[%swap3A_324, %swap3A_325] {strides = array<i32>} : memref<64x144xf32, #tpu.memory_space<vmem>>, vector<1x16xf32>,
        %swap3A_327 = vector.shape_cast %swap3A_326 : vector<1x16xf32> to vector<16xf32>
        %swap3A_328 = vector.shape_cast %max3A_323 : vector<16xf32> to vector<1x16xf32>
        tpu.vector_store %arg10[%swap3A_324, %swap3A_325], %swap3A_328 {strides = array<i32>} : memref<64x144xf32, #tpu.memory_space<vmem>>, vector<1x16xf32>,
      }
      %scan3A_170 = arith.constant 64 : i32
      %run_scoped3A_171 = arith.constant 2 : i32
      "tpu.region"() ({
        %run_scoped3A_178 = tpu.sem_alloc : memref<!tpu.dma_semaphore, #tpu.memory_space<semaphore_mem>>
        %dma_start3A_179 = arith.constant 0 : i32
        %dma_start3A_180 = tpu.memref_slice %arg8[%run_scoped3A_171, %dma_start3A_179] : memref<3x64xi32, #tpu.memory_space<vmem>> -> memref<1x64xi32, #tpu.memory_space<vmem>>
        %dma_start3A_181 = tpu.memref_squeeze %dma_start3A_180 : memref<1x64xi32, #tpu.memory_space<vmem>> -> memref<64xi32, #tpu.memory_space<vmem>>
        %dma_start3A_182 = arith.constant 0 : i32
        %dma_start3A_183 = arith.constant 0 : i32
        %dma_start3A_184 = tpu.memref_slice %arg6[%dma_start3A_182, %dma_start3A_183] : memref<10000x144xf32, #tpu.memory_space<vmem_shared>> -> memref<10000x144xf32, #tpu.memory_space<vmem_shared>>
        tpu.enqueue_indirect_dma source(%arg10 : memref<64x144xf32, #tpu.memory_space<vmem>>) target(%dma_start3A_184 : memref<10000x144xf32, #tpu.memory_space<vmem_shared>>) offsets(%dma_start3A_181 : memref<64xi32, #tpu.memory_space<vmem>>) semaphore(%run_scoped3A_178 : memref<!tpu.dma_semaphore, #tpu.memory_space<semaphore_mem>>) {add = true}
        %dma_wait3A_185 = arith.constant 0 : i32
        %dma_wait3A_186 = tpu.memref_slice %arg8[%run_scoped3A_171, %dma_wait3A_185] : memref<3x64xi32, #tpu.memory_space<vmem>> -> memref<1x64xi32, #tpu.memory_space<vmem>>
        %dma_wait3A_187 = tpu.memref_squeeze %dma_wait3A_186 : memref<1x64xi32, #tpu.memory_space<vmem>> -> memref<64xi32, #tpu.memory_space<vmem>>
        %dma_wait3A_188 = arith.constant 0 : i32
        %dma_wait3A_189 = arith.constant 0 : i32
        %dma_wait3A_190 = tpu.memref_slice %arg6[%dma_wait3A_188, %dma_wait3A_189] : memref<10000x144xf32, #tpu.memory_space<vmem_shared>> -> memref<10000x144xf32, #tpu.memory_space<vmem_shared>>
        tpu.wait_indirect_dma semaphore(%run_scoped3A_178 : memref<!tpu.dma_semaphore, #tpu.memory_space<semaphore_mem>>) src(%arg10 : memref<64x144xf32, #tpu.memory_space<vmem>>) dst(%dma_wait3A_190 : memref<10000x144xf32, #tpu.memory_space<vmem_shared>>)
        tpu.yield
      }) : () -> ()
      %add3A_172 = arith.constant 2 : i32
      %add3A_173 = arith.addi %add3A_150, %add3A_172 : i32
      %lt3A_174 = arith.cmpi slt, %add3A_173, %select_n3A_56 : i32
      %convert_element_type3A_175 = arith.extui %lt3A_174 : i1 to i32
      %cond3A_176 = arith.constant 0 : i32
      %cond3A_177 = arith.cmpi ne, %convert_element_type3A_175, %cond3A_176 : i32
      scf.if %cond3A_177 {
        %add3A_178 = arith.addi %select_n3A, %add3A_150 : i32
        %add3A_179 = arith.constant 2 : i32
        %add3A_180 = arith.addi %add3A_178, %add3A_179 : i32
        "tpu.region"() ({
          %run_scoped3A_195 = tpu.sem_alloc : memref<!tpu.dma_semaphore, #tpu.memory_space<semaphore_mem>>
          %dma_start3A_196 = arith.constant 0 : i32
          %dma_start3A_197 = arith.constant 0 : i32
          %dma_start3A_198 = tpu.memref_slice %arg4[%add3A_180, %dma_start3A_196, %dma_start3A_197] : memref<5120x3x64xi32, #tpu.memory_space<hbm>> -> memref<1x3x64xi32, #tpu.memory_space<hbm>>
          %dma_start3A_199 = tpu.memref_squeeze %dma_start3A_198 : memref<1x3x64xi32, #tpu.memory_space<hbm>> -> memref<3x64xi32, #tpu.memory_space<hbm>>
          %dma_start3A_200 = arith.constant 0 : i32
          %dma_start3A_201 = arith.constant 0 : i32
          %dma_start3A_202 = tpu.memref_slice %arg4[%add3A_180, %dma_start3A_200, %dma_start3A_201] : memref<5120x3x64xi32, #tpu.memory_space<hbm>> -> memref<1x3x64xi32, #tpu.memory_space<hbm>>
          %dma_start3A_203 = tpu.memref_squeeze %dma_start3A_202 : memref<1x3x64xi32, #tpu.memory_space<hbm>> -> memref<3x64xi32, #tpu.memory_space<hbm>>
          tpu.enqueue_dma source(%dma_start3A_203 : memref<3x64xi32, #tpu.memory_space<hbm>>) target(%arg8 : memref<3x64xi32, #tpu.memory_space<vmem>>) target_semaphore(%run_scoped3A_195 : memref<!tpu.dma_semaphore, #tpu.memory_space<semaphore_mem>>)
          %dma_wait3A_204 = arith.constant 0 : i32
          %dma_wait3A_205 = arith.constant 0 : i32
          %dma_wait3A_206 = tpu.memref_slice %arg4[%add3A_180, %dma_wait3A_204, %dma_wait3A_205] : memref<5120x3x64xi32, #tpu.memory_space<hbm>> -> memref<1x3x64xi32, #tpu.memory_space<hbm>>
          %dma_wait3A_207 = tpu.memref_squeeze %dma_wait3A_206 : memref<1x3x64xi32, #tpu.memory_space<hbm>> -> memref<3x64xi32, #tpu.memory_space<hbm>>
          %dma_wait3A_208 = arith.constant 0 : i32
          %dma_wait3A_209 = arith.constant 0 : i32
          %dma_wait3A_210 = tpu.memref_slice %arg4[%add3A_180, %dma_wait3A_208, %dma_wait3A_209] : memref<5120x3x64xi32, #tpu.memory_space<hbm>> -> memref<1x3x64xi32, #tpu.memory_space<hbm>>
          %dma_wait3A_211 = tpu.memref_squeeze %dma_wait3A_210 : memref<1x3x64xi32, #tpu.memory_space<hbm>> -> memref<3x64xi32, #tpu.memory_space<hbm>>
          tpu.wait_dma2 semaphore(%run_scoped3A_195 : memref<!tpu.dma_semaphore, #tpu.memory_space<semaphore_mem>>) src(%dma_wait3A_211 : memref<3x64xi32, #tpu.memory_space<hbm>>) dst(%arg8 : memref<3x64xi32, #tpu.memory_space<vmem>>)
          tpu.yield
        }) : () -> ()
        %dma_start3A_181 = arith.constant 0 : i32
        %dma_start3A_182 = arith.constant 0 : i32
        %dma_start3A_183 = tpu.memref_slice %arg8[%dma_start3A_181, %dma_start3A_182] : memref<3x64xi32, #tpu.memory_space<vmem>> -> memref<1x64xi32, #tpu.memory_space<vmem>>
        %dma_start3A_184 = tpu.memref_squeeze %dma_start3A_183 : memref<1x64xi32, #tpu.memory_space<vmem>> -> memref<64xi32, #tpu.memory_space<vmem>>
        %dma_start3A_185 = arith.constant 0 : i32
        %dma_start3A_186 = arith.constant 0 : i32
        %dma_start3A_187 = tpu.memref_slice %arg2[%dma_start3A_185, %dma_start3A_186] : memref<60000x144xf32, #tpu.memory_space<hbm>> -> memref<60000x144xf32, #tpu.memory_space<hbm>>
        tpu.enqueue_indirect_dma source(%dma_start3A_187 : memref<60000x144xf32, #tpu.memory_space<hbm>>) target(%arg10 : memref<64x144xf32, #tpu.memory_space<vmem>>) offsets(%dma_start3A_184 : memref<64xi32, #tpu.memory_space<vmem>>) semaphore(%arg14 : memref<!tpu.dma_semaphore, #tpu.memory_space<semaphore_mem>>)
        %dma_start3A_188 = arith.constant 1 : i32
        %dma_start3A_189 = arith.constant 0 : i32
        %dma_start3A_190 = tpu.memref_slice %arg8[%dma_start3A_188, %dma_start3A_189] : memref<3x64xi32, #tpu.memory_space<vmem>> -> memref<1x64xi32, #tpu.memory_space<vmem>>
        %dma_start3A_191 = tpu.memref_squeeze %dma_start3A_190 : memref<1x64xi32, #tpu.memory_space<vmem>> -> memref<64xi32, #tpu.memory_space<vmem>>
        %dma_start3A_192 = arith.constant 0 : i32
        %dma_start3A_193 = arith.constant 0 : i32
        %dma_start3A_194 = tpu.memref_slice %arg3[%dma_start3A_192, %dma_start3A_193] : memref<328x144xf32, #tpu.memory_space<hbm>> -> memref<328x144xf32, #tpu.memory_space<hbm>>
        tpu.enqueue_indirect_dma source(%dma_start3A_194 : memref<328x144xf32, #tpu.memory_space<hbm>>) target(%arg12 : memref<64x144xf32, #tpu.memory_space<vmem>>) offsets(%dma_start3A_191 : memref<64xi32, #tpu.memory_space<vmem>>) semaphore(%arg14 : memref<!tpu.dma_semaphore, #tpu.memory_space<semaphore_mem>>)
      } else {
      }
    }
    %barrier3A_115 = arith.constant 0 : index
    tpu.barrier barrier_id(%barrier3A_115)
    %mul3A_116 = arith.constant 625 : i32
    %mul3A_117 = arith.muli %arg1, %mul3A_116 : i32
    %mul3A_118 = arith.constant 625 : i32
    %mul3A_119 = arith.muli %arg1, %mul3A_118 : i32
    "tpu.region"() ({
      %run_scoped3A = tpu.sem_alloc : memref<!tpu.dma_semaphore, #tpu.memory_space<semaphore_mem>>
      %dma_start3A_120 = arith.constant 0 : i32
      %dma_start3A_121 = tpu.memref_slice %arg5[%arg0, %mul3A_119, %dma_start3A_120] : memref<2x10000x144xf32, #tpu.memory_space<hbm>> -> memref<1x625x144xf32, #tpu.memory_space<hbm>>
      %dma_start3A_122 = tpu.memref_squeeze %dma_start3A_121 : memref<1x625x144xf32, #tpu.memory_space<hbm>> -> memref<625x144xf32, #tpu.memory_space<hbm>>
      %dma_start3A_123 = arith.constant 0 : i32
      %dma_start3A_124 = tpu.memref_slice %arg6[%mul3A_117, %dma_start3A_123] : memref<10000x144xf32, #tpu.memory_space<vmem_shared>> -> memref<625x144xf32, #tpu.memory_space<vmem_shared>>
      tpu.enqueue_dma source(%dma_start3A_124 : memref<625x144xf32, #tpu.memory_space<vmem_shared>>) target(%dma_start3A_122 : memref<625x144xf32, #tpu.memory_space<hbm>>) target_semaphore(%run_scoped3A : memref<!tpu.dma_semaphore, #tpu.memory_space<semaphore_mem>>)
      %dma_wait3A = arith.constant 0 : i32
      %dma_wait3A_125 = tpu.memref_slice %arg5[%arg0, %mul3A_119, %dma_wait3A] : memref<2x10000x144xf32, #tpu.memory_space<hbm>> -> memref<1x625x144xf32, #tpu.memory_space<hbm>>
      %dma_wait3A_126 = tpu.memref_squeeze %dma_wait3A_125 : memref<1x625x144xf32, #tpu.memory_space<hbm>> -> memref<625x144xf32, #tpu.memory_space<hbm>>
      %dma_wait3A_127 = arith.constant 0 : i32
      %dma_wait3A_128 = tpu.memref_slice %arg6[%mul3A_117, %dma_wait3A_127] : memref<10000x144xf32, #tpu.memory_space<vmem_shared>> -> memref<625x144xf32, #tpu.memory_space<vmem_shared>>
      tpu.wait_dma2 semaphore(%run_scoped3A : memref<!tpu.dma_semaphore, #tpu.memory_space<semaphore_mem>>) src(%dma_wait3A_128 : memref<625x144xf32, #tpu.memory_space<vmem_shared>>) dst(%dma_wait3A_126 : memref<625x144xf32, #tpu.memory_space<hbm>>)
      tpu.yield
    }) : () -> ()
    return
  }
}

#map = affine_map<(d0, d1) -> (0)>
#map1 = affine_map<(d0, d1) -> (0, 0, 0)>
module attributes {stable_mosaic.version = 14 : i64} {
  func.func @_ixmap_body(%arg0: i32, %arg1: i32, %arg2: memref<10016xi32, #tpu.memory_space<hbm>>, %arg3: memref<327680xi32, #tpu.memory_space<hbm>>, %arg4: memref<327680xi32, #tpu.memory_space<hbm>>, %arg5: memref<327680xi32, #tpu.memory_space<hbm>>, %arg6: memref<5120x3x64xi32, #tpu.memory_space<hbm>>, %arg7: memref<10016xi32, #tpu.memory_space<vmem>>, %arg8: memref<512xi32, #tpu.memory_space<vmem>>, %arg9: memref<512xi32, #tpu.memory_space<vmem>>, %arg10: memref<512xi32, #tpu.memory_space<vmem>>, %arg11: memref<8x3x64xi32, #tpu.memory_space<vmem>>) attributes {dimension_semantics = [#tpu.dimension_semantics<core_parallel>, #tpu.dimension_semantics<subcore_parallel>], iteration_bounds = array<i64: 2, 16>, scalar_prefetch = 0 : i64, scratch_operands = 5 : i64, tpu.core_type = #tpu.core_type<sc_vector_subcore>, window_params = [{transform_indices = #map}, {transform_indices = #map}, {transform_indices = #map}, {transform_indices = #map}, {transform_indices = #map1}]} {
    %mul3A = arith.constant 16 : i32
    %mul3A_0 = arith.muli %arg0, %mul3A : i32
    %add3A = arith.addi %mul3A_0, %arg1 : i32
    "tpu.region"() ({
      %run_scoped3A = tpu.sem_alloc : memref<!tpu.dma_semaphore, #tpu.memory_space<semaphore_mem>>
      tpu.enqueue_dma source(%arg2 : memref<10016xi32, #tpu.memory_space<hbm>>) target(%arg7 : memref<10016xi32, #tpu.memory_space<vmem>>) target_semaphore(%run_scoped3A : memref<!tpu.dma_semaphore, #tpu.memory_space<semaphore_mem>>)
      tpu.wait_dma2 semaphore(%run_scoped3A : memref<!tpu.dma_semaphore, #tpu.memory_space<semaphore_mem>>) src(%arg2 : memref<10016xi32, #tpu.memory_space<hbm>>) dst(%arg7 : memref<10016xi32, #tpu.memory_space<vmem>>)
      tpu.yield
    }) : () -> ()
    %mul3A_1 = arith.constant 20 : i32
    %mul3A_2 = arith.muli %add3A, %mul3A_1 : i32
    %scan3A = arith.constant 0 : i32
    %scan3A_3 = arith.constant 0 : i32
    %scan3A_4 = arith.constant 20 : i32
    %scan3A_5 = arith.addi %scan3A_3, %scan3A_4 : i32
    %scan3A_6 = arith.constant 1 : i32
    scf.for %scan3A_8 = %scan3A_3 to %scan3A_5 step %scan3A_6  : i32 {
      %add3A_9 = arith.addi %mul3A_2, %scan3A_8 : i32
      %mul3A_10 = arith.constant 512 : i32
      %mul3A_11 = arith.muli %add3A_9, %mul3A_10 : i32
      "tpu.region"() ({
        %run_scoped3A = tpu.sem_alloc : memref<!tpu.dma_semaphore, #tpu.memory_space<semaphore_mem>>
        %dma_start3A = tpu.memref_slice %arg3[%mul3A_11] : memref<327680xi32, #tpu.memory_space<hbm>> -> memref<512xi32, #tpu.memory_space<hbm>>
        %dma_start3A_1389 = tpu.memref_slice %arg3[%mul3A_11] : memref<327680xi32, #tpu.memory_space<hbm>> -> memref<512xi32, #tpu.memory_space<hbm>>
        tpu.enqueue_dma source(%dma_start3A_1389 : memref<512xi32, #tpu.memory_space<hbm>>) target(%arg8 : memref<512xi32, #tpu.memory_space<vmem>>) target_semaphore(%run_scoped3A : memref<!tpu.dma_semaphore, #tpu.memory_space<semaphore_mem>>)
        %dma_wait3A = tpu.memref_slice %arg3[%mul3A_11] : memref<327680xi32, #tpu.memory_space<hbm>> -> memref<512xi32, #tpu.memory_space<hbm>>
        %dma_wait3A_1390 = tpu.memref_slice %arg3[%mul3A_11] : memref<327680xi32, #tpu.memory_space<hbm>> -> memref<512xi32, #tpu.memory_space<hbm>>
        tpu.wait_dma2 semaphore(%run_scoped3A : memref<!tpu.dma_semaphore, #tpu.memory_space<semaphore_mem>>) src(%dma_wait3A_1390 : memref<512xi32, #tpu.memory_space<hbm>>) dst(%arg8 : memref<512xi32, #tpu.memory_space<vmem>>)
        tpu.yield
      }) : () -> ()
      %add3A_12 = arith.addi %mul3A_2, %scan3A_8 : i32
      %mul3A_13 = arith.constant 512 : i32
      %mul3A_14 = arith.muli %add3A_12, %mul3A_13 : i32
      "tpu.region"() ({
        %run_scoped3A = tpu.sem_alloc : memref<!tpu.dma_semaphore, #tpu.memory_space<semaphore_mem>>
        %dma_start3A = tpu.memref_slice %arg4[%mul3A_14] : memref<327680xi32, #tpu.memory_space<hbm>> -> memref<512xi32, #tpu.memory_space<hbm>>
        %dma_start3A_1389 = tpu.memref_slice %arg4[%mul3A_14] : memref<327680xi32, #tpu.memory_space<hbm>> -> memref<512xi32, #tpu.memory_space<hbm>>
        tpu.enqueue_dma source(%dma_start3A_1389 : memref<512xi32, #tpu.memory_space<hbm>>) target(%arg9 : memref<512xi32, #tpu.memory_space<vmem>>) target_semaphore(%run_scoped3A : memref<!tpu.dma_semaphore, #tpu.memory_space<semaphore_mem>>)
        %dma_wait3A = tpu.memref_slice %arg4[%mul3A_14] : memref<327680xi32, #tpu.memory_space<hbm>> -> memref<512xi32, #tpu.memory_space<hbm>>
        %dma_wait3A_1390 = tpu.memref_slice %arg4[%mul3A_14] : memref<327680xi32, #tpu.memory_space<hbm>> -> memref<512xi32, #tpu.memory_space<hbm>>
        tpu.wait_dma2 semaphore(%run_scoped3A : memref<!tpu.dma_semaphore, #tpu.memory_space<semaphore_mem>>) src(%dma_wait3A_1390 : memref<512xi32, #tpu.memory_space<hbm>>) dst(%arg9 : memref<512xi32, #tpu.memory_space<vmem>>)
        tpu.yield
      }) : () -> ()
      %add3A_15 = arith.addi %mul3A_2, %scan3A_8 : i32
      %mul3A_16 = arith.constant 512 : i32
      %mul3A_17 = arith.muli %add3A_15, %mul3A_16 : i32
      "tpu.region"() ({
        %run_scoped3A = tpu.sem_alloc : memref<!tpu.dma_semaphore, #tpu.memory_space<semaphore_mem>>
        %dma_start3A = tpu.memref_slice %arg5[%mul3A_17] : memref<327680xi32, #tpu.memory_space<hbm>> -> memref<512xi32, #tpu.memory_space<hbm>>
        %dma_start3A_1389 = tpu.memref_slice %arg5[%mul3A_17] : memref<327680xi32, #tpu.memory_space<hbm>> -> memref<512xi32, #tpu.memory_space<hbm>>
        tpu.enqueue_dma source(%dma_start3A_1389 : memref<512xi32, #tpu.memory_space<hbm>>) target(%arg10 : memref<512xi32, #tpu.memory_space<vmem>>) target_semaphore(%run_scoped3A : memref<!tpu.dma_semaphore, #tpu.memory_space<semaphore_mem>>)
        %dma_wait3A = tpu.memref_slice %arg5[%mul3A_17] : memref<327680xi32, #tpu.memory_space<hbm>> -> memref<512xi32, #tpu.memory_space<hbm>>
        %dma_wait3A_1390 = tpu.memref_slice %arg5[%mul3A_17] : memref<327680xi32, #tpu.memory_space<hbm>> -> memref<512xi32, #tpu.memory_space<hbm>>
        tpu.wait_dma2 semaphore(%run_scoped3A : memref<!tpu.dma_semaphore, #tpu.memory_space<semaphore_mem>>) src(%dma_wait3A_1390 : memref<512xi32, #tpu.memory_space<hbm>>) dst(%arg10 : memref<512xi32, #tpu.memory_space<vmem>>)
        tpu.yield
      }) : () -> ()
      %get3A = arith.constant 0 : index
      %get3A_18 = tpu.vector_load %arg8[%get3A] {strides = array<i32>} : memref<512xi32, #tpu.memory_space<vmem>>, vector<16xi32>,
      %get3A_19 = arith.constant 0 : index
      %get3A_20 = tpu.vector_load %arg9[%get3A_19] {strides = array<i32>} : memref<512xi32, #tpu.memory_space<vmem>>, vector<16xi32>,
      %get3A_21 = arith.constant 0 : index
      %get3A_22 = tpu.vector_load %arg10[%get3A_21] {strides = array<i32>} : memref<512xi32, #tpu.memory_space<vmem>>, vector<16xi32>,
      %gather3A = tpu.vector_load_idx %arg7[%get3A_20] : memref<10016xi32, #tpu.memory_space<vmem>>[vector<16xi32>], vector<16xi32>,
      %and3A = arith.constant 7 : i32
      %and3A_23 = vector.broadcast %and3A : i32 to vector<16xi32>
      %and3A_24 = arith.andi %gather3A, %and3A_23 : vector<16xi32>
      %shift_right_arithmetic3A = arith.constant 3 : i32
      %shift_right_arithmetic3A_25 = vector.broadcast %shift_right_arithmetic3A : i32 to vector<16xi32>
      %shift_right_arithmetic3A_26 = arith.shrsi %gather3A, %shift_right_arithmetic3A_25 : vector<16xi32>
      %shift_left3A = arith.constant 3 : i32
      %shift_left3A_27 = vector.broadcast %shift_left3A : i32 to vector<16xi32>
      %shift_left3A_28 = arith.shli %shift_right_arithmetic3A_26, %shift_left3A_27 : vector<16xi32>
      %add3A_29 = arith.addi %shift_left3A_28, %get3A_22 : vector<16xi32>
      %mul3A_30 = arith.constant 10000 : i32
      %mul3A_31 = vector.broadcast %mul3A_30 : i32 to vector<16xi32>
      %mul3A_32 = arith.muli %and3A_24, %mul3A_31 : vector<16xi32>
      %add3A_33 = arith.addi %mul3A_32, %get3A_18 : vector<16xi32>
      %swap3A = arith.constant 0 : i32
      %swap3A_34 = arith.constant 0 : i32
      %swap3A_35 = arith.index_cast %swap3A : i32 to index
      %swap3A_36 = arith.index_cast %swap3A_34 : i32 to index
      %swap3A_37 = arith.constant 0 : index
      %swap3A_38 = tpu.vector_load %arg11[%swap3A_35, %swap3A_36, %swap3A_37] {strides = array<i32>} : memref<8x3x64xi32, #tpu.memory_space<vmem>>, vector<16xi32>,
      tpu.vector_store %arg11[%swap3A_35, %swap3A_36, %swap3A_37], %add3A_33 {strides = array<i32>} : memref<8x3x64xi32, #tpu.memory_space<vmem>>, vector<16xi32>,
      %swap3A_39 = arith.constant 0 : i32
      %swap3A_40 = arith.constant 1 : i32
      %swap3A_41 = arith.index_cast %swap3A_39 : i32 to index
      %swap3A_42 = arith.index_cast %swap3A_40 : i32 to index
      %swap3A_43 = arith.constant 0 : index
      %swap3A_44 = tpu.vector_load %arg11[%swap3A_41, %swap3A_42, %swap3A_43] {strides = array<i32>} : memref<8x3x64xi32, #tpu.memory_space<vmem>>, vector<16xi32>,
      tpu.vector_store %arg11[%swap3A_41, %swap3A_42, %swap3A_43], %add3A_29 {strides = array<i32>} : memref<8x3x64xi32, #tpu.memory_space<vmem>>, vector<16xi32>,
      %lt3A = arith.constant 10000 : i32
      %lt3A_45 = vector.broadcast %lt3A : i32 to vector<16xi32>
      %lt3A_46 = arith.cmpi slt, %get3A_20, %lt3A_45 : vector<16xi32>
      %select_n3A = arith.select %lt3A_46, %get3A_20, %get3A_18 : vector<16xi1>, vector<16xi32>
      %swap3A_47 = arith.constant 0 : i32
      %swap3A_48 = arith.constant 2 : i32
      %swap3A_49 = arith.index_cast %swap3A_47 : i32 to index
      %swap3A_50 = arith.index_cast %swap3A_48 : i32 to index
      %swap3A_51 = arith.constant 0 : index
      %swap3A_52 = tpu.vector_load %arg11[%swap3A_49, %swap3A_50, %swap3A_51] {strides = array<i32>} : memref<8x3x64xi32, #tpu.memory_space<vmem>>, vector<16xi32>,
      tpu.vector_store %arg11[%swap3A_49, %swap3A_50, %swap3A_51], %select_n3A {strides = array<i32>} : memref<8x3x64xi32, #tpu.memory_space<vmem>>, vector<16xi32>,
      %get3A_53 = arith.constant 16 : index
      %get3A_54 = tpu.vector_load %arg8[%get3A_53] {strides = array<i32>} : memref<512xi32, #tpu.memory_space<vmem>>, vector<16xi32>,
      %get3A_55 = arith.constant 16 : index
      %get3A_56 = tpu.vector_load %arg9[%get3A_55] {strides = array<i32>} : memref<512xi32, #tpu.memory_space<vmem>>, vector<16xi32>,
      %get3A_57 = arith.constant 16 : index
      %get3A_58 = tpu.vector_load %arg10[%get3A_57] {strides = array<i32>} : memref<512xi32, #tpu.memory_space<vmem>>, vector<16xi32>,
      %gather3A_59 = tpu.vector_load_idx %arg7[%get3A_56] : memref<10016xi32, #tpu.memory_space<vmem>>[vector<16xi32>], vector<16xi32>,
      %and3A_60 = arith.constant 7 : i32
      %and3A_61 = vector.broadcast %and3A_60 : i32 to vector<16xi32>
      %and3A_62 = arith.andi %gather3A_59, %and3A_61 : vector<16xi32>
      %shift_right_arithmetic3A_63 = arith.constant 3 : i32
      %shift_right_arithmetic3A_64 = vector.broadcast %shift_right_arithmetic3A_63 : i32 to vector<16xi32>
      %shift_right_arithmetic3A_65 = arith.shrsi %gather3A_59, %shift_right_arithmetic3A_64 : vector<16xi32>
      %shift_left3A_66 = arith.constant 3 : i32
      %shift_left3A_67 = vector.broadcast %shift_left3A_66 : i32 to vector<16xi32>
      %shift_left3A_68 = arith.shli %shift_right_arithmetic3A_65, %shift_left3A_67 : vector<16xi32>
      %add3A_69 = arith.addi %shift_left3A_68, %get3A_58 : vector<16xi32>
      %mul3A_70 = arith.constant 10000 : i32
      %mul3A_71 = vector.broadcast %mul3A_70 : i32 to vector<16xi32>
      %mul3A_72 = arith.muli %and3A_62, %mul3A_71 : vector<16xi32>
      %add3A_73 = arith.addi %mul3A_72, %get3A_54 : vector<16xi32>
      %swap3A_74 = arith.constant 0 : i32
      %swap3A_75 = arith.constant 0 : i32
      %swap3A_76 = arith.index_cast %swap3A_74 : i32 to index
      %swap3A_77 = arith.index_cast %swap3A_75 : i32 to index
      %swap3A_78 = arith.constant 16 : index
      %swap3A_79 = tpu.vector_load %arg11[%swap3A_76, %swap3A_77, %swap3A_78] {strides = array<i32>} : memref<8x3x64xi32, #tpu.memory_space<vmem>>, vector<16xi32>,
      tpu.vector_store %arg11[%swap3A_76, %swap3A_77, %swap3A_78], %add3A_73 {strides = array<i32>} : memref<8x3x64xi32, #tpu.memory_space<vmem>>, vector<16xi32>,
      %swap3A_80 = arith.constant 0 : i32
      %swap3A_81 = arith.constant 1 : i32
      %swap3A_82 = arith.index_cast %swap3A_80 : i32 to index
      %swap3A_83 = arith.index_cast %swap3A_81 : i32 to index
      %swap3A_84 = arith.constant 16 : index
      %swap3A_85 = tpu.vector_load %arg11[%swap3A_82, %swap3A_83, %swap3A_84] {strides = array<i32>} : memref<8x3x64xi32, #tpu.memory_space<vmem>>, vector<16xi32>,
      tpu.vector_store %arg11[%swap3A_82, %swap3A_83, %swap3A_84], %add3A_69 {strides = array<i32>} : memref<8x3x64xi32, #tpu.memory_space<vmem>>, vector<16xi32>,
      %lt3A_86 = arith.constant 10000 : i32
      %lt3A_87 = vector.broadcast %lt3A_86 : i32 to vector<16xi32>
      %lt3A_88 = arith.cmpi slt, %get3A_56, %lt3A_87 : vector<16xi32>
      %select_n3A_89 = arith.select %lt3A_88, %get3A_56, %get3A_54 : vector<16xi1>, vector<16xi32>
      %swap3A_90 = arith.constant 0 : i32
      %swap3A_91 = arith.constant 2 : i32
      %swap3A_92 = arith.index_cast %swap3A_90 : i32 to index
      %swap3A_93 = arith.index_cast %swap3A_91 : i32 to index
      %swap3A_94 = arith.constant 16 : index
      %swap3A_95 = tpu.vector_load %arg11[%swap3A_92, %swap3A_93, %swap3A_94] {strides = array<i32>} : memref<8x3x64xi32, #tpu.memory_space<vmem>>, vector<16xi32>,
      tpu.vector_store %arg11[%swap3A_92, %swap3A_93, %swap3A_94], %select_n3A_89 {strides = array<i32>} : memref<8x3x64xi32, #tpu.memory_space<vmem>>, vector<16xi32>,
      %get3A_96 = arith.constant 32 : index
      %get3A_97 = tpu.vector_load %arg8[%get3A_96] {strides = array<i32>} : memref<512xi32, #tpu.memory_space<vmem>>, vector<16xi32>,
      %get3A_98 = arith.constant 32 : index
      %get3A_99 = tpu.vector_load %arg9[%get3A_98] {strides = array<i32>} : memref<512xi32, #tpu.memory_space<vmem>>, vector<16xi32>,
      %get3A_100 = arith.constant 32 : index
      %get3A_101 = tpu.vector_load %arg10[%get3A_100] {strides = array<i32>} : memref<512xi32, #tpu.memory_space<vmem>>, vector<16xi32>,
      %gather3A_102 = tpu.vector_load_idx %arg7[%get3A_99] : memref<10016xi32, #tpu.memory_space<vmem>>[vector<16xi32>], vector<16xi32>,
      %and3A_103 = arith.constant 7 : i32
      %and3A_104 = vector.broadcast %and3A_103 : i32 to vector<16xi32>
      %and3A_105 = arith.andi %gather3A_102, %and3A_104 : vector<16xi32>
      %shift_right_arithmetic3A_106 = arith.constant 3 : i32
      %shift_right_arithmetic3A_107 = vector.broadcast %shift_right_arithmetic3A_106 : i32 to vector<16xi32>
      %shift_right_arithmetic3A_108 = arith.shrsi %gather3A_102, %shift_right_arithmetic3A_107 : vector<16xi32>
      %shift_left3A_109 = arith.constant 3 : i32
      %shift_left3A_110 = vector.broadcast %shift_left3A_109 : i32 to vector<16xi32>
      %shift_left3A_111 = arith.shli %shift_right_arithmetic3A_108, %shift_left3A_110 : vector<16xi32>
      %add3A_112 = arith.addi %shift_left3A_111, %get3A_101 : vector<16xi32>
      %mul3A_113 = arith.constant 10000 : i32
      %mul3A_114 = vector.broadcast %mul3A_113 : i32 to vector<16xi32>
      %mul3A_115 = arith.muli %and3A_105, %mul3A_114 : vector<16xi32>
      %add3A_116 = arith.addi %mul3A_115, %get3A_97 : vector<16xi32>
      %swap3A_117 = arith.constant 0 : i32
      %swap3A_118 = arith.constant 0 : i32
      %swap3A_119 = arith.index_cast %swap3A_117 : i32 to index
      %swap3A_120 = arith.index_cast %swap3A_118 : i32 to index
      %swap3A_121 = arith.constant 32 : index
      %swap3A_122 = tpu.vector_load %arg11[%swap3A_119, %swap3A_120, %swap3A_121] {strides = array<i32>} : memref<8x3x64xi32, #tpu.memory_space<vmem>>, vector<16xi32>,
      tpu.vector_store %arg11[%swap3A_119, %swap3A_120, %swap3A_121], %add3A_116 {strides = array<i32>} : memref<8x3x64xi32, #tpu.memory_space<vmem>>, vector<16xi32>,
      %swap3A_123 = arith.constant 0 : i32
      %swap3A_124 = arith.constant 1 : i32
      %swap3A_125 = arith.index_cast %swap3A_123 : i32 to index
      %swap3A_126 = arith.index_cast %swap3A_124 : i32 to index
      %swap3A_127 = arith.constant 32 : index
      %swap3A_128 = tpu.vector_load %arg11[%swap3A_125, %swap3A_126, %swap3A_127] {strides = array<i32>} : memref<8x3x64xi32, #tpu.memory_space<vmem>>, vector<16xi32>,
      tpu.vector_store %arg11[%swap3A_125, %swap3A_126, %swap3A_127], %add3A_112 {strides = array<i32>} : memref<8x3x64xi32, #tpu.memory_space<vmem>>, vector<16xi32>,
      %lt3A_129 = arith.constant 10000 : i32
      %lt3A_130 = vector.broadcast %lt3A_129 : i32 to vector<16xi32>
      %lt3A_131 = arith.cmpi slt, %get3A_99, %lt3A_130 : vector<16xi32>
      %select_n3A_132 = arith.select %lt3A_131, %get3A_99, %get3A_97 : vector<16xi1>, vector<16xi32>
      %swap3A_133 = arith.constant 0 : i32
      %swap3A_134 = arith.constant 2 : i32
      %swap3A_135 = arith.index_cast %swap3A_133 : i32 to index
      %swap3A_136 = arith.index_cast %swap3A_134 : i32 to index
      %swap3A_137 = arith.constant 32 : index
      %swap3A_138 = tpu.vector_load %arg11[%swap3A_135, %swap3A_136, %swap3A_137] {strides = array<i32>} : memref<8x3x64xi32, #tpu.memory_space<vmem>>, vector<16xi32>,
      tpu.vector_store %arg11[%swap3A_135, %swap3A_136, %swap3A_137], %select_n3A_132 {strides = array<i32>} : memref<8x3x64xi32, #tpu.memory_space<vmem>>, vector<16xi32>,
      %get3A_139 = arith.constant 48 : index
      %get3A_140 = tpu.vector_load %arg8[%get3A_139] {strides = array<i32>} : memref<512xi32, #tpu.memory_space<vmem>>, vector<16xi32>,
      %get3A_141 = arith.constant 48 : index
      %get3A_142 = tpu.vector_load %arg9[%get3A_141] {strides = array<i32>} : memref<512xi32, #tpu.memory_space<vmem>>, vector<16xi32>,
      %get3A_143 = arith.constant 48 : index
      %get3A_144 = tpu.vector_load %arg10[%get3A_143] {strides = array<i32>} : memref<512xi32, #tpu.memory_space<vmem>>, vector<16xi32>,
      %gather3A_145 = tpu.vector_load_idx %arg7[%get3A_142] : memref<10016xi32, #tpu.memory_space<vmem>>[vector<16xi32>], vector<16xi32>,
      %and3A_146 = arith.constant 7 : i32
      %and3A_147 = vector.broadcast %and3A_146 : i32 to vector<16xi32>
      %and3A_148 = arith.andi %gather3A_145, %and3A_147 : vector<16xi32>
      %shift_right_arithmetic3A_149 = arith.constant 3 : i32
      %shift_right_arithmetic3A_150 = vector.broadcast %shift_right_arithmetic3A_149 : i32 to vector<16xi32>
      %shift_right_arithmetic3A_151 = arith.shrsi %gather3A_145, %shift_right_arithmetic3A_150 : vector<16xi32>
      %shift_left3A_152 = arith.constant 3 : i32
      %shift_left3A_153 = vector.broadcast %shift_left3A_152 : i32 to vector<16xi32>
      %shift_left3A_154 = arith.shli %shift_right_arithmetic3A_151, %shift_left3A_153 : vector<16xi32>
      %add3A_155 = arith.addi %shift_left3A_154, %get3A_144 : vector<16xi32>
      %mul3A_156 = arith.constant 10000 : i32
      %mul3A_157 = vector.broadcast %mul3A_156 : i32 to vector<16xi32>
      %mul3A_158 = arith.muli %and3A_148, %mul3A_157 : vector<16xi32>
      %add3A_159 = arith.addi %mul3A_158, %get3A_140 : vector<16xi32>
      %swap3A_160 = arith.constant 0 : i32
      %swap3A_161 = arith.constant 0 : i32
      %swap3A_162 = arith.index_cast %swap3A_160 : i32 to index
      %swap3A_163 = arith.index_cast %swap3A_161 : i32 to index
      %swap3A_164 = arith.constant 48 : index
      %swap3A_165 = tpu.vector_load %arg11[%swap3A_162, %swap3A_163, %swap3A_164] {strides = array<i32>} : memref<8x3x64xi32, #tpu.memory_space<vmem>>, vector<16xi32>,
      tpu.vector_store %arg11[%swap3A_162, %swap3A_163, %swap3A_164], %add3A_159 {strides = array<i32>} : memref<8x3x64xi32, #tpu.memory_space<vmem>>, vector<16xi32>,
      %swap3A_166 = arith.constant 0 : i32
      %swap3A_167 = arith.constant 1 : i32
      %swap3A_168 = arith.index_cast %swap3A_166 : i32 to index
      %swap3A_169 = arith.index_cast %swap3A_167 : i32 to index
      %swap3A_170 = arith.constant 48 : index
      %swap3A_171 = tpu.vector_load %arg11[%swap3A_168, %swap3A_169, %swap3A_170] {strides = array<i32>} : memref<8x3x64xi32, #tpu.memory_space<vmem>>, vector<16xi32>,
      tpu.vector_store %arg11[%swap3A_168, %swap3A_169, %swap3A_170], %add3A_155 {strides = array<i32>} : memref<8x3x64xi32, #tpu.memory_space<vmem>>, vector<16xi32>,
      %lt3A_172 = arith.constant 10000 : i32
      %lt3A_173 = vector.broadcast %lt3A_172 : i32 to vector<16xi32>
      %lt3A_174 = arith.cmpi slt, %get3A_142, %lt3A_173 : vector<16xi32>
      %select_n3A_175 = arith.select %lt3A_174, %get3A_142, %get3A_140 : vector<16xi1>, vector<16xi32>
      %swap3A_176 = arith.constant 0 : i32
      %swap3A_177 = arith.constant 2 : i32
      %swap3A_178 = arith.index_cast %swap3A_176 : i32 to index
      %swap3A_179 = arith.index_cast %swap3A_177 : i32 to index
      %swap3A_180 = arith.constant 48 : index
      %swap3A_181 = tpu.vector_load %arg11[%swap3A_178, %swap3A_179, %swap3A_180] {strides = array<i32>} : memref<8x3x64xi32, #tpu.memory_space<vmem>>, vector<16xi32>,
      tpu.vector_store %arg11[%swap3A_178, %swap3A_179, %swap3A_180], %select_n3A_175 {strides = array<i32>} : memref<8x3x64xi32, #tpu.memory_space<vmem>>, vector<16xi32>,
      %get3A_182 = arith.constant 64 : index
      %get3A_183 = tpu.vector_load %arg8[%get3A_182] {strides = array<i32>} : memref<512xi32, #tpu.memory_space<vmem>>, vector<16xi32>,
      %get3A_184 = arith.constant 64 : index
      %get3A_185 = tpu.vector_load %arg9[%get3A_184] {strides = array<i32>} : memref<512xi32, #tpu.memory_space<vmem>>, vector<16xi32>,
      %get3A_186 = arith.constant 64 : index
      %get3A_187 = tpu.vector_load %arg10[%get3A_186] {strides = array<i32>} : memref<512xi32, #tpu.memory_space<vmem>>, vector<16xi32>,
      %gather3A_188 = tpu.vector_load_idx %arg7[%get3A_185] : memref<10016xi32, #tpu.memory_space<vmem>>[vector<16xi32>], vector<16xi32>,
      %and3A_189 = arith.constant 7 : i32
      %and3A_190 = vector.broadcast %and3A_189 : i32 to vector<16xi32>
      %and3A_191 = arith.andi %gather3A_188, %and3A_190 : vector<16xi32>
      %shift_right_arithmetic3A_192 = arith.constant 3 : i32
      %shift_right_arithmetic3A_193 = vector.broadcast %shift_right_arithmetic3A_192 : i32 to vector<16xi32>
      %shift_right_arithmetic3A_194 = arith.shrsi %gather3A_188, %shift_right_arithmetic3A_193 : vector<16xi32>
      %shift_left3A_195 = arith.constant 3 : i32
      %shift_left3A_196 = vector.broadcast %shift_left3A_195 : i32 to vector<16xi32>
      %shift_left3A_197 = arith.shli %shift_right_arithmetic3A_194, %shift_left3A_196 : vector<16xi32>
      %add3A_198 = arith.addi %shift_left3A_197, %get3A_187 : vector<16xi32>
      %mul3A_199 = arith.constant 10000 : i32
      %mul3A_200 = vector.broadcast %mul3A_199 : i32 to vector<16xi32>
      %mul3A_201 = arith.muli %and3A_191, %mul3A_200 : vector<16xi32>
      %add3A_202 = arith.addi %mul3A_201, %get3A_183 : vector<16xi32>
      %swap3A_203 = arith.constant 1 : i32
      %swap3A_204 = arith.constant 0 : i32
      %swap3A_205 = arith.index_cast %swap3A_203 : i32 to index
      %swap3A_206 = arith.index_cast %swap3A_204 : i32 to index
      %swap3A_207 = arith.constant 0 : index
      %swap3A_208 = tpu.vector_load %arg11[%swap3A_205, %swap3A_206, %swap3A_207] {strides = array<i32>} : memref<8x3x64xi32, #tpu.memory_space<vmem>>, vector<16xi32>,
      tpu.vector_store %arg11[%swap3A_205, %swap3A_206, %swap3A_207], %add3A_202 {strides = array<i32>} : memref<8x3x64xi32, #tpu.memory_space<vmem>>, vector<16xi32>,
      %swap3A_209 = arith.constant 1 : i32
      %swap3A_210 = arith.constant 1 : i32
      %swap3A_211 = arith.index_cast %swap3A_209 : i32 to index
      %swap3A_212 = arith.index_cast %swap3A_210 : i32 to index
      %swap3A_213 = arith.constant 0 : index
      %swap3A_214 = tpu.vector_load %arg11[%swap3A_211, %swap3A_212, %swap3A_213] {strides = array<i32>} : memref<8x3x64xi32, #tpu.memory_space<vmem>>, vector<16xi32>,
      tpu.vector_store %arg11[%swap3A_211, %swap3A_212, %swap3A_213], %add3A_198 {strides = array<i32>} : memref<8x3x64xi32, #tpu.memory_space<vmem>>, vector<16xi32>,
      %lt3A_215 = arith.constant 10000 : i32
      %lt3A_216 = vector.broadcast %lt3A_215 : i32 to vector<16xi32>
      %lt3A_217 = arith.cmpi slt, %get3A_185, %lt3A_216 : vector<16xi32>
      %select_n3A_218 = arith.select %lt3A_217, %get3A_185, %get3A_183 : vector<16xi1>, vector<16xi32>
      %swap3A_219 = arith.constant 1 : i32
      %swap3A_220 = arith.constant 2 : i32
      %swap3A_221 = arith.index_cast %swap3A_219 : i32 to index
      %swap3A_222 = arith.index_cast %swap3A_220 : i32 to index
      %swap3A_223 = arith.constant 0 : index
      %swap3A_224 = tpu.vector_load %arg11[%swap3A_221, %swap3A_222, %swap3A_223] {strides = array<i32>} : memref<8x3x64xi32, #tpu.memory_space<vmem>>, vector<16xi32>,
      tpu.vector_store %arg11[%swap3A_221, %swap3A_222, %swap3A_223], %select_n3A_218 {strides = array<i32>} : memref<8x3x64xi32, #tpu.memory_space<vmem>>, vector<16xi32>,
      %get3A_225 = arith.constant 80 : index
      %get3A_226 = tpu.vector_load %arg8[%get3A_225] {strides = array<i32>} : memref<512xi32, #tpu.memory_space<vmem>>, vector<16xi32>,
      %get3A_227 = arith.constant 80 : index
      %get3A_228 = tpu.vector_load %arg9[%get3A_227] {strides = array<i32>} : memref<512xi32, #tpu.memory_space<vmem>>, vector<16xi32>,
      %get3A_229 = arith.constant 80 : index
      %get3A_230 = tpu.vector_load %arg10[%get3A_229] {strides = array<i32>} : memref<512xi32, #tpu.memory_space<vmem>>, vector<16xi32>,
      %gather3A_231 = tpu.vector_load_idx %arg7[%get3A_228] : memref<10016xi32, #tpu.memory_space<vmem>>[vector<16xi32>], vector<16xi32>,
      %and3A_232 = arith.constant 7 : i32
      %and3A_233 = vector.broadcast %and3A_232 : i32 to vector<16xi32>
      %and3A_234 = arith.andi %gather3A_231, %and3A_233 : vector<16xi32>
      %shift_right_arithmetic3A_235 = arith.constant 3 : i32
      %shift_right_arithmetic3A_236 = vector.broadcast %shift_right_arithmetic3A_235 : i32 to vector<16xi32>
      %shift_right_arithmetic3A_237 = arith.shrsi %gather3A_231, %shift_right_arithmetic3A_236 : vector<16xi32>
      %shift_left3A_238 = arith.constant 3 : i32
      %shift_left3A_239 = vector.broadcast %shift_left3A_238 : i32 to vector<16xi32>
      %shift_left3A_240 = arith.shli %shift_right_arithmetic3A_237, %shift_left3A_239 : vector<16xi32>
      %add3A_241 = arith.addi %shift_left3A_240, %get3A_230 : vector<16xi32>
      %mul3A_242 = arith.constant 10000 : i32
      %mul3A_243 = vector.broadcast %mul3A_242 : i32 to vector<16xi32>
      %mul3A_244 = arith.muli %and3A_234, %mul3A_243 : vector<16xi32>
      %add3A_245 = arith.addi %mul3A_244, %get3A_226 : vector<16xi32>
      %swap3A_246 = arith.constant 1 : i32
      %swap3A_247 = arith.constant 0 : i32
      %swap3A_248 = arith.index_cast %swap3A_246 : i32 to index
      %swap3A_249 = arith.index_cast %swap3A_247 : i32 to index
      %swap3A_250 = arith.constant 16 : index
      %swap3A_251 = tpu.vector_load %arg11[%swap3A_248, %swap3A_249, %swap3A_250] {strides = array<i32>} : memref<8x3x64xi32, #tpu.memory_space<vmem>>, vector<16xi32>,
      tpu.vector_store %arg11[%swap3A_248, %swap3A_249, %swap3A_250], %add3A_245 {strides = array<i32>} : memref<8x3x64xi32, #tpu.memory_space<vmem>>, vector<16xi32>,
      %swap3A_252 = arith.constant 1 : i32
      %swap3A_253 = arith.constant 1 : i32
      %swap3A_254 = arith.index_cast %swap3A_252 : i32 to index
      %swap3A_255 = arith.index_cast %swap3A_253 : i32 to index
      %swap3A_256 = arith.constant 16 : index
      %swap3A_257 = tpu.vector_load %arg11[%swap3A_254, %swap3A_255, %swap3A_256] {strides = array<i32>} : memref<8x3x64xi32, #tpu.memory_space<vmem>>, vector<16xi32>,
      tpu.vector_store %arg11[%swap3A_254, %swap3A_255, %swap3A_256], %add3A_241 {strides = array<i32>} : memref<8x3x64xi32, #tpu.memory_space<vmem>>, vector<16xi32>,
      %lt3A_258 = arith.constant 10000 : i32
      %lt3A_259 = vector.broadcast %lt3A_258 : i32 to vector<16xi32>
      %lt3A_260 = arith.cmpi slt, %get3A_228, %lt3A_259 : vector<16xi32>
      %select_n3A_261 = arith.select %lt3A_260, %get3A_228, %get3A_226 : vector<16xi1>, vector<16xi32>
      %swap3A_262 = arith.constant 1 : i32
      %swap3A_263 = arith.constant 2 : i32
      %swap3A_264 = arith.index_cast %swap3A_262 : i32 to index
      %swap3A_265 = arith.index_cast %swap3A_263 : i32 to index
      %swap3A_266 = arith.constant 16 : index
      %swap3A_267 = tpu.vector_load %arg11[%swap3A_264, %swap3A_265, %swap3A_266] {strides = array<i32>} : memref<8x3x64xi32, #tpu.memory_space<vmem>>, vector<16xi32>,
      tpu.vector_store %arg11[%swap3A_264, %swap3A_265, %swap3A_266], %select_n3A_261 {strides = array<i32>} : memref<8x3x64xi32, #tpu.memory_space<vmem>>, vector<16xi32>,
      %get3A_268 = arith.constant 96 : index
      %get3A_269 = tpu.vector_load %arg8[%get3A_268] {strides = array<i32>} : memref<512xi32, #tpu.memory_space<vmem>>, vector<16xi32>,
      %get3A_270 = arith.constant 96 : index
      %get3A_271 = tpu.vector_load %arg9[%get3A_270] {strides = array<i32>} : memref<512xi32, #tpu.memory_space<vmem>>, vector<16xi32>,
      %get3A_272 = arith.constant 96 : index
      %get3A_273 = tpu.vector_load %arg10[%get3A_272] {strides = array<i32>} : memref<512xi32, #tpu.memory_space<vmem>>, vector<16xi32>,
      %gather3A_274 = tpu.vector_load_idx %arg7[%get3A_271] : memref<10016xi32, #tpu.memory_space<vmem>>[vector<16xi32>], vector<16xi32>,
      %and3A_275 = arith.constant 7 : i32
      %and3A_276 = vector.broadcast %and3A_275 : i32 to vector<16xi32>
      %and3A_277 = arith.andi %gather3A_274, %and3A_276 : vector<16xi32>
      %shift_right_arithmetic3A_278 = arith.constant 3 : i32
      %shift_right_arithmetic3A_279 = vector.broadcast %shift_right_arithmetic3A_278 : i32 to vector<16xi32>
      %shift_right_arithmetic3A_280 = arith.shrsi %gather3A_274, %shift_right_arithmetic3A_279 : vector<16xi32>
      %shift_left3A_281 = arith.constant 3 : i32
      %shift_left3A_282 = vector.broadcast %shift_left3A_281 : i32 to vector<16xi32>
      %shift_left3A_283 = arith.shli %shift_right_arithmetic3A_280, %shift_left3A_282 : vector<16xi32>
      %add3A_284 = arith.addi %shift_left3A_283, %get3A_273 : vector<16xi32>
      %mul3A_285 = arith.constant 10000 : i32
      %mul3A_286 = vector.broadcast %mul3A_285 : i32 to vector<16xi32>
      %mul3A_287 = arith.muli %and3A_277, %mul3A_286 : vector<16xi32>
      %add3A_288 = arith.addi %mul3A_287, %get3A_269 : vector<16xi32>
      %swap3A_289 = arith.constant 1 : i32
      %swap3A_290 = arith.constant 0 : i32
      %swap3A_291 = arith.index_cast %swap3A_289 : i32 to index
      %swap3A_292 = arith.index_cast %swap3A_290 : i32 to index
      %swap3A_293 = arith.constant 32 : index
      %swap3A_294 = tpu.vector_load %arg11[%swap3A_291, %swap3A_292, %swap3A_293] {strides = array<i32>} : memref<8x3x64xi32, #tpu.memory_space<vmem>>, vector<16xi32>,
      tpu.vector_store %arg11[%swap3A_291, %swap3A_292, %swap3A_293], %add3A_288 {strides = array<i32>} : memref<8x3x64xi32, #tpu.memory_space<vmem>>, vector<16xi32>,
      %swap3A_295 = arith.constant 1 : i32
      %swap3A_296 = arith.constant 1 : i32
      %swap3A_297 = arith.index_cast %swap3A_295 : i32 to index
      %swap3A_298 = arith.index_cast %swap3A_296 : i32 to index
      %swap3A_299 = arith.constant 32 : index
      %swap3A_300 = tpu.vector_load %arg11[%swap3A_297, %swap3A_298, %swap3A_299] {strides = array<i32>} : memref<8x3x64xi32, #tpu.memory_space<vmem>>, vector<16xi32>,
      tpu.vector_store %arg11[%swap3A_297, %swap3A_298, %swap3A_299], %add3A_284 {strides = array<i32>} : memref<8x3x64xi32, #tpu.memory_space<vmem>>, vector<16xi32>,
      %lt3A_301 = arith.constant 10000 : i32
      %lt3A_302 = vector.broadcast %lt3A_301 : i32 to vector<16xi32>
      %lt3A_303 = arith.cmpi slt, %get3A_271, %lt3A_302 : vector<16xi32>
      %select_n3A_304 = arith.select %lt3A_303, %get3A_271, %get3A_269 : vector<16xi1>, vector<16xi32>
      %swap3A_305 = arith.constant 1 : i32
      %swap3A_306 = arith.constant 2 : i32
      %swap3A_307 = arith.index_cast %swap3A_305 : i32 to index
      %swap3A_308 = arith.index_cast %swap3A_306 : i32 to index
      %swap3A_309 = arith.constant 32 : index
      %swap3A_310 = tpu.vector_load %arg11[%swap3A_307, %swap3A_308, %swap3A_309] {strides = array<i32>} : memref<8x3x64xi32, #tpu.memory_space<vmem>>, vector<16xi32>,
      tpu.vector_store %arg11[%swap3A_307, %swap3A_308, %swap3A_309], %select_n3A_304 {strides = array<i32>} : memref<8x3x64xi32, #tpu.memory_space<vmem>>, vector<16xi32>,
      %get3A_311 = arith.constant 112 : index
      %get3A_312 = tpu.vector_load %arg8[%get3A_311] {strides = array<i32>} : memref<512xi32, #tpu.memory_space<vmem>>, vector<16xi32>,
      %get3A_313 = arith.constant 112 : index
      %get3A_314 = tpu.vector_load %arg9[%get3A_313] {strides = array<i32>} : memref<512xi32, #tpu.memory_space<vmem>>, vector<16xi32>,
      %get3A_315 = arith.constant 112 : index
      %get3A_316 = tpu.vector_load %arg10[%get3A_315] {strides = array<i32>} : memref<512xi32, #tpu.memory_space<vmem>>, vector<16xi32>,
      %gather3A_317 = tpu.vector_load_idx %arg7[%get3A_314] : memref<10016xi32, #tpu.memory_space<vmem>>[vector<16xi32>], vector<16xi32>,
      %and3A_318 = arith.constant 7 : i32
      %and3A_319 = vector.broadcast %and3A_318 : i32 to vector<16xi32>
      %and3A_320 = arith.andi %gather3A_317, %and3A_319 : vector<16xi32>
      %shift_right_arithmetic3A_321 = arith.constant 3 : i32
      %shift_right_arithmetic3A_322 = vector.broadcast %shift_right_arithmetic3A_321 : i32 to vector<16xi32>
      %shift_right_arithmetic3A_323 = arith.shrsi %gather3A_317, %shift_right_arithmetic3A_322 : vector<16xi32>
      %shift_left3A_324 = arith.constant 3 : i32
      %shift_left3A_325 = vector.broadcast %shift_left3A_324 : i32 to vector<16xi32>
      %shift_left3A_326 = arith.shli %shift_right_arithmetic3A_323, %shift_left3A_325 : vector<16xi32>
      %add3A_327 = arith.addi %shift_left3A_326, %get3A_316 : vector<16xi32>
      %mul3A_328 = arith.constant 10000 : i32
      %mul3A_329 = vector.broadcast %mul3A_328 : i32 to vector<16xi32>
      %mul3A_330 = arith.muli %and3A_320, %mul3A_329 : vector<16xi32>
      %add3A_331 = arith.addi %mul3A_330, %get3A_312 : vector<16xi32>
      %swap3A_332 = arith.constant 1 : i32
      %swap3A_333 = arith.constant 0 : i32
      %swap3A_334 = arith.index_cast %swap3A_332 : i32 to index
      %swap3A_335 = arith.index_cast %swap3A_333 : i32 to index
      %swap3A_336 = arith.constant 48 : index
      %swap3A_337 = tpu.vector_load %arg11[%swap3A_334, %swap3A_335, %swap3A_336] {strides = array<i32>} : memref<8x3x64xi32, #tpu.memory_space<vmem>>, vector<16xi32>,
      tpu.vector_store %arg11[%swap3A_334, %swap3A_335, %swap3A_336], %add3A_331 {strides = array<i32>} : memref<8x3x64xi32, #tpu.memory_space<vmem>>, vector<16xi32>,
      %swap3A_338 = arith.constant 1 : i32
      %swap3A_339 = arith.constant 1 : i32
      %swap3A_340 = arith.index_cast %swap3A_338 : i32 to index
      %swap3A_341 = arith.index_cast %swap3A_339 : i32 to index
      %swap3A_342 = arith.constant 48 : index
      %swap3A_343 = tpu.vector_load %arg11[%swap3A_340, %swap3A_341, %swap3A_342] {strides = array<i32>} : memref<8x3x64xi32, #tpu.memory_space<vmem>>, vector<16xi32>,
      tpu.vector_store %arg11[%swap3A_340, %swap3A_341, %swap3A_342], %add3A_327 {strides = array<i32>} : memref<8x3x64xi32, #tpu.memory_space<vmem>>, vector<16xi32>,
      %lt3A_344 = arith.constant 10000 : i32
      %lt3A_345 = vector.broadcast %lt3A_344 : i32 to vector<16xi32>
      %lt3A_346 = arith.cmpi slt, %get3A_314, %lt3A_345 : vector<16xi32>
      %select_n3A_347 = arith.select %lt3A_346, %get3A_314, %get3A_312 : vector<16xi1>, vector<16xi32>
      %swap3A_348 = arith.constant 1 : i32
      %swap3A_349 = arith.constant 2 : i32
      %swap3A_350 = arith.index_cast %swap3A_348 : i32 to index
      %swap3A_351 = arith.index_cast %swap3A_349 : i32 to index
      %swap3A_352 = arith.constant 48 : index
      %swap3A_353 = tpu.vector_load %arg11[%swap3A_350, %swap3A_351, %swap3A_352] {strides = array<i32>} : memref<8x3x64xi32, #tpu.memory_space<vmem>>, vector<16xi32>,
      tpu.vector_store %arg11[%swap3A_350, %swap3A_351, %swap3A_352], %select_n3A_347 {strides = array<i32>} : memref<8x3x64xi32, #tpu.memory_space<vmem>>, vector<16xi32>,
      %get3A_354 = arith.constant 128 : index
      %get3A_355 = tpu.vector_load %arg8[%get3A_354] {strides = array<i32>} : memref<512xi32, #tpu.memory_space<vmem>>, vector<16xi32>,
      %get3A_356 = arith.constant 128 : index
      %get3A_357 = tpu.vector_load %arg9[%get3A_356] {strides = array<i32>} : memref<512xi32, #tpu.memory_space<vmem>>, vector<16xi32>,
      %get3A_358 = arith.constant 128 : index
      %get3A_359 = tpu.vector_load %arg10[%get3A_358] {strides = array<i32>} : memref<512xi32, #tpu.memory_space<vmem>>, vector<16xi32>,
      %gather3A_360 = tpu.vector_load_idx %arg7[%get3A_357] : memref<10016xi32, #tpu.memory_space<vmem>>[vector<16xi32>], vector<16xi32>,
      %and3A_361 = arith.constant 7 : i32
      %and3A_362 = vector.broadcast %and3A_361 : i32 to vector<16xi32>
      %and3A_363 = arith.andi %gather3A_360, %and3A_362 : vector<16xi32>
      %shift_right_arithmetic3A_364 = arith.constant 3 : i32
      %shift_right_arithmetic3A_365 = vector.broadcast %shift_right_arithmetic3A_364 : i32 to vector<16xi32>
      %shift_right_arithmetic3A_366 = arith.shrsi %gather3A_360, %shift_right_arithmetic3A_365 : vector<16xi32>
      %shift_left3A_367 = arith.constant 3 : i32
      %shift_left3A_368 = vector.broadcast %shift_left3A_367 : i32 to vector<16xi32>
      %shift_left3A_369 = arith.shli %shift_right_arithmetic3A_366, %shift_left3A_368 : vector<16xi32>
      %add3A_370 = arith.addi %shift_left3A_369, %get3A_359 : vector<16xi32>
      %mul3A_371 = arith.constant 10000 : i32
      %mul3A_372 = vector.broadcast %mul3A_371 : i32 to vector<16xi32>
      %mul3A_373 = arith.muli %and3A_363, %mul3A_372 : vector<16xi32>
      %add3A_374 = arith.addi %mul3A_373, %get3A_355 : vector<16xi32>
      %swap3A_375 = arith.constant 2 : i32
      %swap3A_376 = arith.constant 0 : i32
      %swap3A_377 = arith.index_cast %swap3A_375 : i32 to index
      %swap3A_378 = arith.index_cast %swap3A_376 : i32 to index
      %swap3A_379 = arith.constant 0 : index
      %swap3A_380 = tpu.vector_load %arg11[%swap3A_377, %swap3A_378, %swap3A_379] {strides = array<i32>} : memref<8x3x64xi32, #tpu.memory_space<vmem>>, vector<16xi32>,
      tpu.vector_store %arg11[%swap3A_377, %swap3A_378, %swap3A_379], %add3A_374 {strides = array<i32>} : memref<8x3x64xi32, #tpu.memory_space<vmem>>, vector<16xi32>,
      %swap3A_381 = arith.constant 2 : i32
      %swap3A_382 = arith.constant 1 : i32
      %swap3A_383 = arith.index_cast %swap3A_381 : i32 to index
      %swap3A_384 = arith.index_cast %swap3A_382 : i32 to index
      %swap3A_385 = arith.constant 0 : index
      %swap3A_386 = tpu.vector_load %arg11[%swap3A_383, %swap3A_384, %swap3A_385] {strides = array<i32>} : memref<8x3x64xi32, #tpu.memory_space<vmem>>, vector<16xi32>,
      tpu.vector_store %arg11[%swap3A_383, %swap3A_384, %swap3A_385], %add3A_370 {strides = array<i32>} : memref<8x3x64xi32, #tpu.memory_space<vmem>>, vector<16xi32>,
      %lt3A_387 = arith.constant 10000 : i32
      %lt3A_388 = vector.broadcast %lt3A_387 : i32 to vector<16xi32>
      %lt3A_389 = arith.cmpi slt, %get3A_357, %lt3A_388 : vector<16xi32>
      %select_n3A_390 = arith.select %lt3A_389, %get3A_357, %get3A_355 : vector<16xi1>, vector<16xi32>
      %swap3A_391 = arith.constant 2 : i32
      %swap3A_392 = arith.constant 2 : i32
      %swap3A_393 = arith.index_cast %swap3A_391 : i32 to index
      %swap3A_394 = arith.index_cast %swap3A_392 : i32 to index
      %swap3A_395 = arith.constant 0 : index
      %swap3A_396 = tpu.vector_load %arg11[%swap3A_393, %swap3A_394, %swap3A_395] {strides = array<i32>} : memref<8x3x64xi32, #tpu.memory_space<vmem>>, vector<16xi32>,
      tpu.vector_store %arg11[%swap3A_393, %swap3A_394, %swap3A_395], %select_n3A_390 {strides = array<i32>} : memref<8x3x64xi32, #tpu.memory_space<vmem>>, vector<16xi32>,
      %get3A_397 = arith.constant 144 : index
      %get3A_398 = tpu.vector_load %arg8[%get3A_397] {strides = array<i32>} : memref<512xi32, #tpu.memory_space<vmem>>, vector<16xi32>,
      %get3A_399 = arith.constant 144 : index
      %get3A_400 = tpu.vector_load %arg9[%get3A_399] {strides = array<i32>} : memref<512xi32, #tpu.memory_space<vmem>>, vector<16xi32>,
      %get3A_401 = arith.constant 144 : index
      %get3A_402 = tpu.vector_load %arg10[%get3A_401] {strides = array<i32>} : memref<512xi32, #tpu.memory_space<vmem>>, vector<16xi32>,
      %gather3A_403 = tpu.vector_load_idx %arg7[%get3A_400] : memref<10016xi32, #tpu.memory_space<vmem>>[vector<16xi32>], vector<16xi32>,
      %and3A_404 = arith.constant 7 : i32
      %and3A_405 = vector.broadcast %and3A_404 : i32 to vector<16xi32>
      %and3A_406 = arith.andi %gather3A_403, %and3A_405 : vector<16xi32>
      %shift_right_arithmetic3A_407 = arith.constant 3 : i32
      %shift_right_arithmetic3A_408 = vector.broadcast %shift_right_arithmetic3A_407 : i32 to vector<16xi32>
      %shift_right_arithmetic3A_409 = arith.shrsi %gather3A_403, %shift_right_arithmetic3A_408 : vector<16xi32>
      %shift_left3A_410 = arith.constant 3 : i32
      %shift_left3A_411 = vector.broadcast %shift_left3A_410 : i32 to vector<16xi32>
      %shift_left3A_412 = arith.shli %shift_right_arithmetic3A_409, %shift_left3A_411 : vector<16xi32>
      %add3A_413 = arith.addi %shift_left3A_412, %get3A_402 : vector<16xi32>
      %mul3A_414 = arith.constant 10000 : i32
      %mul3A_415 = vector.broadcast %mul3A_414 : i32 to vector<16xi32>
      %mul3A_416 = arith.muli %and3A_406, %mul3A_415 : vector<16xi32>
      %add3A_417 = arith.addi %mul3A_416, %get3A_398 : vector<16xi32>
      %swap3A_418 = arith.constant 2 : i32
      %swap3A_419 = arith.constant 0 : i32
      %swap3A_420 = arith.index_cast %swap3A_418 : i32 to index
      %swap3A_421 = arith.index_cast %swap3A_419 : i32 to index
      %swap3A_422 = arith.constant 16 : index
      %swap3A_423 = tpu.vector_load %arg11[%swap3A_420, %swap3A_421, %swap3A_422] {strides = array<i32>} : memref<8x3x64xi32, #tpu.memory_space<vmem>>, vector<16xi32>,
      tpu.vector_store %arg11[%swap3A_420, %swap3A_421, %swap3A_422], %add3A_417 {strides = array<i32>} : memref<8x3x64xi32, #tpu.memory_space<vmem>>, vector<16xi32>,
      %swap3A_424 = arith.constant 2 : i32
      %swap3A_425 = arith.constant 1 : i32
      %swap3A_426 = arith.index_cast %swap3A_424 : i32 to index
      %swap3A_427 = arith.index_cast %swap3A_425 : i32 to index
      %swap3A_428 = arith.constant 16 : index
      %swap3A_429 = tpu.vector_load %arg11[%swap3A_426, %swap3A_427, %swap3A_428] {strides = array<i32>} : memref<8x3x64xi32, #tpu.memory_space<vmem>>, vector<16xi32>,
      tpu.vector_store %arg11[%swap3A_426, %swap3A_427, %swap3A_428], %add3A_413 {strides = array<i32>} : memref<8x3x64xi32, #tpu.memory_space<vmem>>, vector<16xi32>,
      %lt3A_430 = arith.constant 10000 : i32
      %lt3A_431 = vector.broadcast %lt3A_430 : i32 to vector<16xi32>
      %lt3A_432 = arith.cmpi slt, %get3A_400, %lt3A_431 : vector<16xi32>
      %select_n3A_433 = arith.select %lt3A_432, %get3A_400, %get3A_398 : vector<16xi1>, vector<16xi32>
      %swap3A_434 = arith.constant 2 : i32
      %swap3A_435 = arith.constant 2 : i32
      %swap3A_436 = arith.index_cast %swap3A_434 : i32 to index
      %swap3A_437 = arith.index_cast %swap3A_435 : i32 to index
      %swap3A_438 = arith.constant 16 : index
      %swap3A_439 = tpu.vector_load %arg11[%swap3A_436, %swap3A_437, %swap3A_438] {strides = array<i32>} : memref<8x3x64xi32, #tpu.memory_space<vmem>>, vector<16xi32>,
      tpu.vector_store %arg11[%swap3A_436, %swap3A_437, %swap3A_438], %select_n3A_433 {strides = array<i32>} : memref<8x3x64xi32, #tpu.memory_space<vmem>>, vector<16xi32>,
      %get3A_440 = arith.constant 160 : index
      %get3A_441 = tpu.vector_load %arg8[%get3A_440] {strides = array<i32>} : memref<512xi32, #tpu.memory_space<vmem>>, vector<16xi32>,
      %get3A_442 = arith.constant 160 : index
      %get3A_443 = tpu.vector_load %arg9[%get3A_442] {strides = array<i32>} : memref<512xi32, #tpu.memory_space<vmem>>, vector<16xi32>,
      %get3A_444 = arith.constant 160 : index
      %get3A_445 = tpu.vector_load %arg10[%get3A_444] {strides = array<i32>} : memref<512xi32, #tpu.memory_space<vmem>>, vector<16xi32>,
      %gather3A_446 = tpu.vector_load_idx %arg7[%get3A_443] : memref<10016xi32, #tpu.memory_space<vmem>>[vector<16xi32>], vector<16xi32>,
      %and3A_447 = arith.constant 7 : i32
      %and3A_448 = vector.broadcast %and3A_447 : i32 to vector<16xi32>
      %and3A_449 = arith.andi %gather3A_446, %and3A_448 : vector<16xi32>
      %shift_right_arithmetic3A_450 = arith.constant 3 : i32
      %shift_right_arithmetic3A_451 = vector.broadcast %shift_right_arithmetic3A_450 : i32 to vector<16xi32>
      %shift_right_arithmetic3A_452 = arith.shrsi %gather3A_446, %shift_right_arithmetic3A_451 : vector<16xi32>
      %shift_left3A_453 = arith.constant 3 : i32
      %shift_left3A_454 = vector.broadcast %shift_left3A_453 : i32 to vector<16xi32>
      %shift_left3A_455 = arith.shli %shift_right_arithmetic3A_452, %shift_left3A_454 : vector<16xi32>
      %add3A_456 = arith.addi %shift_left3A_455, %get3A_445 : vector<16xi32>
      %mul3A_457 = arith.constant 10000 : i32
      %mul3A_458 = vector.broadcast %mul3A_457 : i32 to vector<16xi32>
      %mul3A_459 = arith.muli %and3A_449, %mul3A_458 : vector<16xi32>
      %add3A_460 = arith.addi %mul3A_459, %get3A_441 : vector<16xi32>
      %swap3A_461 = arith.constant 2 : i32
      %swap3A_462 = arith.constant 0 : i32
      %swap3A_463 = arith.index_cast %swap3A_461 : i32 to index
      %swap3A_464 = arith.index_cast %swap3A_462 : i32 to index
      %swap3A_465 = arith.constant 32 : index
      %swap3A_466 = tpu.vector_load %arg11[%swap3A_463, %swap3A_464, %swap3A_465] {strides = array<i32>} : memref<8x3x64xi32, #tpu.memory_space<vmem>>, vector<16xi32>,
      tpu.vector_store %arg11[%swap3A_463, %swap3A_464, %swap3A_465], %add3A_460 {strides = array<i32>} : memref<8x3x64xi32, #tpu.memory_space<vmem>>, vector<16xi32>,
      %swap3A_467 = arith.constant 2 : i32
      %swap3A_468 = arith.constant 1 : i32
      %swap3A_469 = arith.index_cast %swap3A_467 : i32 to index
      %swap3A_470 = arith.index_cast %swap3A_468 : i32 to index
      %swap3A_471 = arith.constant 32 : index
      %swap3A_472 = tpu.vector_load %arg11[%swap3A_469, %swap3A_470, %swap3A_471] {strides = array<i32>} : memref<8x3x64xi32, #tpu.memory_space<vmem>>, vector<16xi32>,
      tpu.vector_store %arg11[%swap3A_469, %swap3A_470, %swap3A_471], %add3A_456 {strides = array<i32>} : memref<8x3x64xi32, #tpu.memory_space<vmem>>, vector<16xi32>,
      %lt3A_473 = arith.constant 10000 : i32
      %lt3A_474 = vector.broadcast %lt3A_473 : i32 to vector<16xi32>
      %lt3A_475 = arith.cmpi slt, %get3A_443, %lt3A_474 : vector<16xi32>
      %select_n3A_476 = arith.select %lt3A_475, %get3A_443, %get3A_441 : vector<16xi1>, vector<16xi32>
      %swap3A_477 = arith.constant 2 : i32
      %swap3A_478 = arith.constant 2 : i32
      %swap3A_479 = arith.index_cast %swap3A_477 : i32 to index
      %swap3A_480 = arith.index_cast %swap3A_478 : i32 to index
      %swap3A_481 = arith.constant 32 : index
      %swap3A_482 = tpu.vector_load %arg11[%swap3A_479, %swap3A_480, %swap3A_481] {strides = array<i32>} : memref<8x3x64xi32, #tpu.memory_space<vmem>>, vector<16xi32>,
      tpu.vector_store %arg11[%swap3A_479, %swap3A_480, %swap3A_481], %select_n3A_476 {strides = array<i32>} : memref<8x3x64xi32, #tpu.memory_space<vmem>>, vector<16xi32>,
      %get3A_483 = arith.constant 176 : index
      %get3A_484 = tpu.vector_load %arg8[%get3A_483] {strides = array<i32>} : memref<512xi32, #tpu.memory_space<vmem>>, vector<16xi32>,
      %get3A_485 = arith.constant 176 : index
      %get3A_486 = tpu.vector_load %arg9[%get3A_485] {strides = array<i32>} : memref<512xi32, #tpu.memory_space<vmem>>, vector<16xi32>,
      %get3A_487 = arith.constant 176 : index
      %get3A_488 = tpu.vector_load %arg10[%get3A_487] {strides = array<i32>} : memref<512xi32, #tpu.memory_space<vmem>>, vector<16xi32>,
      %gather3A_489 = tpu.vector_load_idx %arg7[%get3A_486] : memref<10016xi32, #tpu.memory_space<vmem>>[vector<16xi32>], vector<16xi32>,
      %and3A_490 = arith.constant 7 : i32
      %and3A_491 = vector.broadcast %and3A_490 : i32 to vector<16xi32>
      %and3A_492 = arith.andi %gather3A_489, %and3A_491 : vector<16xi32>
      %shift_right_arithmetic3A_493 = arith.constant 3 : i32
      %shift_right_arithmetic3A_494 = vector.broadcast %shift_right_arithmetic3A_493 : i32 to vector<16xi32>
      %shift_right_arithmetic3A_495 = arith.shrsi %gather3A_489, %shift_right_arithmetic3A_494 : vector<16xi32>
      %shift_left3A_496 = arith.constant 3 : i32
      %shift_left3A_497 = vector.broadcast %shift_left3A_496 : i32 to vector<16xi32>
      %shift_left3A_498 = arith.shli %shift_right_arithmetic3A_495, %shift_left3A_497 : vector<16xi32>
      %add3A_499 = arith.addi %shift_left3A_498, %get3A_488 : vector<16xi32>
      %mul3A_500 = arith.constant 10000 : i32
      %mul3A_501 = vector.broadcast %mul3A_500 : i32 to vector<16xi32>
      %mul3A_502 = arith.muli %and3A_492, %mul3A_501 : vector<16xi32>
      %add3A_503 = arith.addi %mul3A_502, %get3A_484 : vector<16xi32>
      %swap3A_504 = arith.constant 2 : i32
      %swap3A_505 = arith.constant 0 : i32
      %swap3A_506 = arith.index_cast %swap3A_504 : i32 to index
      %swap3A_507 = arith.index_cast %swap3A_505 : i32 to index
      %swap3A_508 = arith.constant 48 : index
      %swap3A_509 = tpu.vector_load %arg11[%swap3A_506, %swap3A_507, %swap3A_508] {strides = array<i32>} : memref<8x3x64xi32, #tpu.memory_space<vmem>>, vector<16xi32>,
      tpu.vector_store %arg11[%swap3A_506, %swap3A_507, %swap3A_508], %add3A_503 {strides = array<i32>} : memref<8x3x64xi32, #tpu.memory_space<vmem>>, vector<16xi32>,
      %swap3A_510 = arith.constant 2 : i32
      %swap3A_511 = arith.constant 1 : i32
      %swap3A_512 = arith.index_cast %swap3A_510 : i32 to index
      %swap3A_513 = arith.index_cast %swap3A_511 : i32 to index
      %swap3A_514 = arith.constant 48 : index
      %swap3A_515 = tpu.vector_load %arg11[%swap3A_512, %swap3A_513, %swap3A_514] {strides = array<i32>} : memref<8x3x64xi32, #tpu.memory_space<vmem>>, vector<16xi32>,
      tpu.vector_store %arg11[%swap3A_512, %swap3A_513, %swap3A_514], %add3A_499 {strides = array<i32>} : memref<8x3x64xi32, #tpu.memory_space<vmem>>, vector<16xi32>,
      %lt3A_516 = arith.constant 10000 : i32
      %lt3A_517 = vector.broadcast %lt3A_516 : i32 to vector<16xi32>
      %lt3A_518 = arith.cmpi slt, %get3A_486, %lt3A_517 : vector<16xi32>
      %select_n3A_519 = arith.select %lt3A_518, %get3A_486, %get3A_484 : vector<16xi1>, vector<16xi32>
      %swap3A_520 = arith.constant 2 : i32
      %swap3A_521 = arith.constant 2 : i32
      %swap3A_522 = arith.index_cast %swap3A_520 : i32 to index
      %swap3A_523 = arith.index_cast %swap3A_521 : i32 to index
      %swap3A_524 = arith.constant 48 : index
      %swap3A_525 = tpu.vector_load %arg11[%swap3A_522, %swap3A_523, %swap3A_524] {strides = array<i32>} : memref<8x3x64xi32, #tpu.memory_space<vmem>>, vector<16xi32>,
      tpu.vector_store %arg11[%swap3A_522, %swap3A_523, %swap3A_524], %select_n3A_519 {strides = array<i32>} : memref<8x3x64xi32, #tpu.memory_space<vmem>>, vector<16xi32>,
      %get3A_526 = arith.constant 192 : index
      %get3A_527 = tpu.vector_load %arg8[%get3A_526] {strides = array<i32>} : memref<512xi32, #tpu.memory_space<vmem>>, vector<16xi32>,
      %get3A_528 = arith.constant 192 : index
      %get3A_529 = tpu.vector_load %arg9[%get3A_528] {strides = array<i32>} : memref<512xi32, #tpu.memory_space<vmem>>, vector<16xi32>,
      %get3A_530 = arith.constant 192 : index
      %get3A_531 = tpu.vector_load %arg10[%get3A_530] {strides = array<i32>} : memref<512xi32, #tpu.memory_space<vmem>>, vector<16xi32>,
      %gather3A_532 = tpu.vector_load_idx %arg7[%get3A_529] : memref<10016xi32, #tpu.memory_space<vmem>>[vector<16xi32>], vector<16xi32>,
      %and3A_533 = arith.constant 7 : i32
      %and3A_534 = vector.broadcast %and3A_533 : i32 to vector<16xi32>
      %and3A_535 = arith.andi %gather3A_532, %and3A_534 : vector<16xi32>
      %shift_right_arithmetic3A_536 = arith.constant 3 : i32
      %shift_right_arithmetic3A_537 = vector.broadcast %shift_right_arithmetic3A_536 : i32 to vector<16xi32>
      %shift_right_arithmetic3A_538 = arith.shrsi %gather3A_532, %shift_right_arithmetic3A_537 : vector<16xi32>
      %shift_left3A_539 = arith.constant 3 : i32
      %shift_left3A_540 = vector.broadcast %shift_left3A_539 : i32 to vector<16xi32>
      %shift_left3A_541 = arith.shli %shift_right_arithmetic3A_538, %shift_left3A_540 : vector<16xi32>
      %add3A_542 = arith.addi %shift_left3A_541, %get3A_531 : vector<16xi32>
      %mul3A_543 = arith.constant 10000 : i32
      %mul3A_544 = vector.broadcast %mul3A_543 : i32 to vector<16xi32>
      %mul3A_545 = arith.muli %and3A_535, %mul3A_544 : vector<16xi32>
      %add3A_546 = arith.addi %mul3A_545, %get3A_527 : vector<16xi32>
      %swap3A_547 = arith.constant 3 : i32
      %swap3A_548 = arith.constant 0 : i32
      %swap3A_549 = arith.index_cast %swap3A_547 : i32 to index
      %swap3A_550 = arith.index_cast %swap3A_548 : i32 to index
      %swap3A_551 = arith.constant 0 : index
      %swap3A_552 = tpu.vector_load %arg11[%swap3A_549, %swap3A_550, %swap3A_551] {strides = array<i32>} : memref<8x3x64xi32, #tpu.memory_space<vmem>>, vector<16xi32>,
      tpu.vector_store %arg11[%swap3A_549, %swap3A_550, %swap3A_551], %add3A_546 {strides = array<i32>} : memref<8x3x64xi32, #tpu.memory_space<vmem>>, vector<16xi32>,
      %swap3A_553 = arith.constant 3 : i32
      %swap3A_554 = arith.constant 1 : i32
      %swap3A_555 = arith.index_cast %swap3A_553 : i32 to index
      %swap3A_556 = arith.index_cast %swap3A_554 : i32 to index
      %swap3A_557 = arith.constant 0 : index
      %swap3A_558 = tpu.vector_load %arg11[%swap3A_555, %swap3A_556, %swap3A_557] {strides = array<i32>} : memref<8x3x64xi32, #tpu.memory_space<vmem>>, vector<16xi32>,
      tpu.vector_store %arg11[%swap3A_555, %swap3A_556, %swap3A_557], %add3A_542 {strides = array<i32>} : memref<8x3x64xi32, #tpu.memory_space<vmem>>, vector<16xi32>,
      %lt3A_559 = arith.constant 10000 : i32
      %lt3A_560 = vector.broadcast %lt3A_559 : i32 to vector<16xi32>
      %lt3A_561 = arith.cmpi slt, %get3A_529, %lt3A_560 : vector<16xi32>
      %select_n3A_562 = arith.select %lt3A_561, %get3A_529, %get3A_527 : vector<16xi1>, vector<16xi32>
      %swap3A_563 = arith.constant 3 : i32
      %swap3A_564 = arith.constant 2 : i32
      %swap3A_565 = arith.index_cast %swap3A_563 : i32 to index
      %swap3A_566 = arith.index_cast %swap3A_564 : i32 to index
      %swap3A_567 = arith.constant 0 : index
      %swap3A_568 = tpu.vector_load %arg11[%swap3A_565, %swap3A_566, %swap3A_567] {strides = array<i32>} : memref<8x3x64xi32, #tpu.memory_space<vmem>>, vector<16xi32>,
      tpu.vector_store %arg11[%swap3A_565, %swap3A_566, %swap3A_567], %select_n3A_562 {strides = array<i32>} : memref<8x3x64xi32, #tpu.memory_space<vmem>>, vector<16xi32>,
      %get3A_569 = arith.constant 208 : index
      %get3A_570 = tpu.vector_load %arg8[%get3A_569] {strides = array<i32>} : memref<512xi32, #tpu.memory_space<vmem>>, vector<16xi32>,
      %get3A_571 = arith.constant 208 : index
      %get3A_572 = tpu.vector_load %arg9[%get3A_571] {strides = array<i32>} : memref<512xi32, #tpu.memory_space<vmem>>, vector<16xi32>,
      %get3A_573 = arith.constant 208 : index
      %get3A_574 = tpu.vector_load %arg10[%get3A_573] {strides = array<i32>} : memref<512xi32, #tpu.memory_space<vmem>>, vector<16xi32>,
      %gather3A_575 = tpu.vector_load_idx %arg7[%get3A_572] : memref<10016xi32, #tpu.memory_space<vmem>>[vector<16xi32>], vector<16xi32>,
      %and3A_576 = arith.constant 7 : i32
      %and3A_577 = vector.broadcast %and3A_576 : i32 to vector<16xi32>
      %and3A_578 = arith.andi %gather3A_575, %and3A_577 : vector<16xi32>
      %shift_right_arithmetic3A_579 = arith.constant 3 : i32
      %shift_right_arithmetic3A_580 = vector.broadcast %shift_right_arithmetic3A_579 : i32 to vector<16xi32>
      %shift_right_arithmetic3A_581 = arith.shrsi %gather3A_575, %shift_right_arithmetic3A_580 : vector<16xi32>
      %shift_left3A_582 = arith.constant 3 : i32
      %shift_left3A_583 = vector.broadcast %shift_left3A_582 : i32 to vector<16xi32>
      %shift_left3A_584 = arith.shli %shift_right_arithmetic3A_581, %shift_left3A_583 : vector<16xi32>
      %add3A_585 = arith.addi %shift_left3A_584, %get3A_574 : vector<16xi32>
      %mul3A_586 = arith.constant 10000 : i32
      %mul3A_587 = vector.broadcast %mul3A_586 : i32 to vector<16xi32>
      %mul3A_588 = arith.muli %and3A_578, %mul3A_587 : vector<16xi32>
      %add3A_589 = arith.addi %mul3A_588, %get3A_570 : vector<16xi32>
      %swap3A_590 = arith.constant 3 : i32
      %swap3A_591 = arith.constant 0 : i32
      %swap3A_592 = arith.index_cast %swap3A_590 : i32 to index
      %swap3A_593 = arith.index_cast %swap3A_591 : i32 to index
      %swap3A_594 = arith.constant 16 : index
      %swap3A_595 = tpu.vector_load %arg11[%swap3A_592, %swap3A_593, %swap3A_594] {strides = array<i32>} : memref<8x3x64xi32, #tpu.memory_space<vmem>>, vector<16xi32>,
      tpu.vector_store %arg11[%swap3A_592, %swap3A_593, %swap3A_594], %add3A_589 {strides = array<i32>} : memref<8x3x64xi32, #tpu.memory_space<vmem>>, vector<16xi32>,
      %swap3A_596 = arith.constant 3 : i32
      %swap3A_597 = arith.constant 1 : i32
      %swap3A_598 = arith.index_cast %swap3A_596 : i32 to index
      %swap3A_599 = arith.index_cast %swap3A_597 : i32 to index
      %swap3A_600 = arith.constant 16 : index
      %swap3A_601 = tpu.vector_load %arg11[%swap3A_598, %swap3A_599, %swap3A_600] {strides = array<i32>} : memref<8x3x64xi32, #tpu.memory_space<vmem>>, vector<16xi32>,
      tpu.vector_store %arg11[%swap3A_598, %swap3A_599, %swap3A_600], %add3A_585 {strides = array<i32>} : memref<8x3x64xi32, #tpu.memory_space<vmem>>, vector<16xi32>,
      %lt3A_602 = arith.constant 10000 : i32
      %lt3A_603 = vector.broadcast %lt3A_602 : i32 to vector<16xi32>
      %lt3A_604 = arith.cmpi slt, %get3A_572, %lt3A_603 : vector<16xi32>
      %select_n3A_605 = arith.select %lt3A_604, %get3A_572, %get3A_570 : vector<16xi1>, vector<16xi32>
      %swap3A_606 = arith.constant 3 : i32
      %swap3A_607 = arith.constant 2 : i32
      %swap3A_608 = arith.index_cast %swap3A_606 : i32 to index
      %swap3A_609 = arith.index_cast %swap3A_607 : i32 to index
      %swap3A_610 = arith.constant 16 : index
      %swap3A_611 = tpu.vector_load %arg11[%swap3A_608, %swap3A_609, %swap3A_610] {strides = array<i32>} : memref<8x3x64xi32, #tpu.memory_space<vmem>>, vector<16xi32>,
      tpu.vector_store %arg11[%swap3A_608, %swap3A_609, %swap3A_610], %select_n3A_605 {strides = array<i32>} : memref<8x3x64xi32, #tpu.memory_space<vmem>>, vector<16xi32>,
      %get3A_612 = arith.constant 224 : index
      %get3A_613 = tpu.vector_load %arg8[%get3A_612] {strides = array<i32>} : memref<512xi32, #tpu.memory_space<vmem>>, vector<16xi32>,
      %get3A_614 = arith.constant 224 : index
      %get3A_615 = tpu.vector_load %arg9[%get3A_614] {strides = array<i32>} : memref<512xi32, #tpu.memory_space<vmem>>, vector<16xi32>,
      %get3A_616 = arith.constant 224 : index
      %get3A_617 = tpu.vector_load %arg10[%get3A_616] {strides = array<i32>} : memref<512xi32, #tpu.memory_space<vmem>>, vector<16xi32>,
      %gather3A_618 = tpu.vector_load_idx %arg7[%get3A_615] : memref<10016xi32, #tpu.memory_space<vmem>>[vector<16xi32>], vector<16xi32>,
      %and3A_619 = arith.constant 7 : i32
      %and3A_620 = vector.broadcast %and3A_619 : i32 to vector<16xi32>
      %and3A_621 = arith.andi %gather3A_618, %and3A_620 : vector<16xi32>
      %shift_right_arithmetic3A_622 = arith.constant 3 : i32
      %shift_right_arithmetic3A_623 = vector.broadcast %shift_right_arithmetic3A_622 : i32 to vector<16xi32>
      %shift_right_arithmetic3A_624 = arith.shrsi %gather3A_618, %shift_right_arithmetic3A_623 : vector<16xi32>
      %shift_left3A_625 = arith.constant 3 : i32
      %shift_left3A_626 = vector.broadcast %shift_left3A_625 : i32 to vector<16xi32>
      %shift_left3A_627 = arith.shli %shift_right_arithmetic3A_624, %shift_left3A_626 : vector<16xi32>
      %add3A_628 = arith.addi %shift_left3A_627, %get3A_617 : vector<16xi32>
      %mul3A_629 = arith.constant 10000 : i32
      %mul3A_630 = vector.broadcast %mul3A_629 : i32 to vector<16xi32>
      %mul3A_631 = arith.muli %and3A_621, %mul3A_630 : vector<16xi32>
      %add3A_632 = arith.addi %mul3A_631, %get3A_613 : vector<16xi32>
      %swap3A_633 = arith.constant 3 : i32
      %swap3A_634 = arith.constant 0 : i32
      %swap3A_635 = arith.index_cast %swap3A_633 : i32 to index
      %swap3A_636 = arith.index_cast %swap3A_634 : i32 to index
      %swap3A_637 = arith.constant 32 : index
      %swap3A_638 = tpu.vector_load %arg11[%swap3A_635, %swap3A_636, %swap3A_637] {strides = array<i32>} : memref<8x3x64xi32, #tpu.memory_space<vmem>>, vector<16xi32>,
      tpu.vector_store %arg11[%swap3A_635, %swap3A_636, %swap3A_637], %add3A_632 {strides = array<i32>} : memref<8x3x64xi32, #tpu.memory_space<vmem>>, vector<16xi32>,
      %swap3A_639 = arith.constant 3 : i32
      %swap3A_640 = arith.constant 1 : i32
      %swap3A_641 = arith.index_cast %swap3A_639 : i32 to index
      %swap3A_642 = arith.index_cast %swap3A_640 : i32 to index
      %swap3A_643 = arith.constant 32 : index
      %swap3A_644 = tpu.vector_load %arg11[%swap3A_641, %swap3A_642, %swap3A_643] {strides = array<i32>} : memref<8x3x64xi32, #tpu.memory_space<vmem>>, vector<16xi32>,
      tpu.vector_store %arg11[%swap3A_641, %swap3A_642, %swap3A_643], %add3A_628 {strides = array<i32>} : memref<8x3x64xi32, #tpu.memory_space<vmem>>, vector<16xi32>,
      %lt3A_645 = arith.constant 10000 : i32
      %lt3A_646 = vector.broadcast %lt3A_645 : i32 to vector<16xi32>
      %lt3A_647 = arith.cmpi slt, %get3A_615, %lt3A_646 : vector<16xi32>
      %select_n3A_648 = arith.select %lt3A_647, %get3A_615, %get3A_613 : vector<16xi1>, vector<16xi32>
      %swap3A_649 = arith.constant 3 : i32
      %swap3A_650 = arith.constant 2 : i32
      %swap3A_651 = arith.index_cast %swap3A_649 : i32 to index
      %swap3A_652 = arith.index_cast %swap3A_650 : i32 to index
      %swap3A_653 = arith.constant 32 : index
      %swap3A_654 = tpu.vector_load %arg11[%swap3A_651, %swap3A_652, %swap3A_653] {strides = array<i32>} : memref<8x3x64xi32, #tpu.memory_space<vmem>>, vector<16xi32>,
      tpu.vector_store %arg11[%swap3A_651, %swap3A_652, %swap3A_653], %select_n3A_648 {strides = array<i32>} : memref<8x3x64xi32, #tpu.memory_space<vmem>>, vector<16xi32>,
      %get3A_655 = arith.constant 240 : index
      %get3A_656 = tpu.vector_load %arg8[%get3A_655] {strides = array<i32>} : memref<512xi32, #tpu.memory_space<vmem>>, vector<16xi32>,
      %get3A_657 = arith.constant 240 : index
      %get3A_658 = tpu.vector_load %arg9[%get3A_657] {strides = array<i32>} : memref<512xi32, #tpu.memory_space<vmem>>, vector<16xi32>,
      %get3A_659 = arith.constant 240 : index
      %get3A_660 = tpu.vector_load %arg10[%get3A_659] {strides = array<i32>} : memref<512xi32, #tpu.memory_space<vmem>>, vector<16xi32>,
      %gather3A_661 = tpu.vector_load_idx %arg7[%get3A_658] : memref<10016xi32, #tpu.memory_space<vmem>>[vector<16xi32>], vector<16xi32>,
      %and3A_662 = arith.constant 7 : i32
      %and3A_663 = vector.broadcast %and3A_662 : i32 to vector<16xi32>
      %and3A_664 = arith.andi %gather3A_661, %and3A_663 : vector<16xi32>
      %shift_right_arithmetic3A_665 = arith.constant 3 : i32
      %shift_right_arithmetic3A_666 = vector.broadcast %shift_right_arithmetic3A_665 : i32 to vector<16xi32>
      %shift_right_arithmetic3A_667 = arith.shrsi %gather3A_661, %shift_right_arithmetic3A_666 : vector<16xi32>
      %shift_left3A_668 = arith.constant 3 : i32
      %shift_left3A_669 = vector.broadcast %shift_left3A_668 : i32 to vector<16xi32>
      %shift_left3A_670 = arith.shli %shift_right_arithmetic3A_667, %shift_left3A_669 : vector<16xi32>
      %add3A_671 = arith.addi %shift_left3A_670, %get3A_660 : vector<16xi32>
      %mul3A_672 = arith.constant 10000 : i32
      %mul3A_673 = vector.broadcast %mul3A_672 : i32 to vector<16xi32>
      %mul3A_674 = arith.muli %and3A_664, %mul3A_673 : vector<16xi32>
      %add3A_675 = arith.addi %mul3A_674, %get3A_656 : vector<16xi32>
      %swap3A_676 = arith.constant 3 : i32
      %swap3A_677 = arith.constant 0 : i32
      %swap3A_678 = arith.index_cast %swap3A_676 : i32 to index
      %swap3A_679 = arith.index_cast %swap3A_677 : i32 to index
      %swap3A_680 = arith.constant 48 : index
      %swap3A_681 = tpu.vector_load %arg11[%swap3A_678, %swap3A_679, %swap3A_680] {strides = array<i32>} : memref<8x3x64xi32, #tpu.memory_space<vmem>>, vector<16xi32>,
      tpu.vector_store %arg11[%swap3A_678, %swap3A_679, %swap3A_680], %add3A_675 {strides = array<i32>} : memref<8x3x64xi32, #tpu.memory_space<vmem>>, vector<16xi32>,
      %swap3A_682 = arith.constant 3 : i32
      %swap3A_683 = arith.constant 1 : i32
      %swap3A_684 = arith.index_cast %swap3A_682 : i32 to index
      %swap3A_685 = arith.index_cast %swap3A_683 : i32 to index
      %swap3A_686 = arith.constant 48 : index
      %swap3A_687 = tpu.vector_load %arg11[%swap3A_684, %swap3A_685, %swap3A_686] {strides = array<i32>} : memref<8x3x64xi32, #tpu.memory_space<vmem>>, vector<16xi32>,
      tpu.vector_store %arg11[%swap3A_684, %swap3A_685, %swap3A_686], %add3A_671 {strides = array<i32>} : memref<8x3x64xi32, #tpu.memory_space<vmem>>, vector<16xi32>,
      %lt3A_688 = arith.constant 10000 : i32
      %lt3A_689 = vector.broadcast %lt3A_688 : i32 to vector<16xi32>
      %lt3A_690 = arith.cmpi slt, %get3A_658, %lt3A_689 : vector<16xi32>
      %select_n3A_691 = arith.select %lt3A_690, %get3A_658, %get3A_656 : vector<16xi1>, vector<16xi32>
      %swap3A_692 = arith.constant 3 : i32
      %swap3A_693 = arith.constant 2 : i32
      %swap3A_694 = arith.index_cast %swap3A_692 : i32 to index
      %swap3A_695 = arith.index_cast %swap3A_693 : i32 to index
      %swap3A_696 = arith.constant 48 : index
      %swap3A_697 = tpu.vector_load %arg11[%swap3A_694, %swap3A_695, %swap3A_696] {strides = array<i32>} : memref<8x3x64xi32, #tpu.memory_space<vmem>>, vector<16xi32>,
      tpu.vector_store %arg11[%swap3A_694, %swap3A_695, %swap3A_696], %select_n3A_691 {strides = array<i32>} : memref<8x3x64xi32, #tpu.memory_space<vmem>>, vector<16xi32>,
      %get3A_698 = arith.constant 256 : index
      %get3A_699 = tpu.vector_load %arg8[%get3A_698] {strides = array<i32>} : memref<512xi32, #tpu.memory_space<vmem>>, vector<16xi32>,
      %get3A_700 = arith.constant 256 : index
      %get3A_701 = tpu.vector_load %arg9[%get3A_700] {strides = array<i32>} : memref<512xi32, #tpu.memory_space<vmem>>, vector<16xi32>,
      %get3A_702 = arith.constant 256 : index
      %get3A_703 = tpu.vector_load %arg10[%get3A_702] {strides = array<i32>} : memref<512xi32, #tpu.memory_space<vmem>>, vector<16xi32>,
      %gather3A_704 = tpu.vector_load_idx %arg7[%get3A_701] : memref<10016xi32, #tpu.memory_space<vmem>>[vector<16xi32>], vector<16xi32>,
      %and3A_705 = arith.constant 7 : i32
      %and3A_706 = vector.broadcast %and3A_705 : i32 to vector<16xi32>
      %and3A_707 = arith.andi %gather3A_704, %and3A_706 : vector<16xi32>
      %shift_right_arithmetic3A_708 = arith.constant 3 : i32
      %shift_right_arithmetic3A_709 = vector.broadcast %shift_right_arithmetic3A_708 : i32 to vector<16xi32>
      %shift_right_arithmetic3A_710 = arith.shrsi %gather3A_704, %shift_right_arithmetic3A_709 : vector<16xi32>
      %shift_left3A_711 = arith.constant 3 : i32
      %shift_left3A_712 = vector.broadcast %shift_left3A_711 : i32 to vector<16xi32>
      %shift_left3A_713 = arith.shli %shift_right_arithmetic3A_710, %shift_left3A_712 : vector<16xi32>
      %add3A_714 = arith.addi %shift_left3A_713, %get3A_703 : vector<16xi32>
      %mul3A_715 = arith.constant 10000 : i32
      %mul3A_716 = vector.broadcast %mul3A_715 : i32 to vector<16xi32>
      %mul3A_717 = arith.muli %and3A_707, %mul3A_716 : vector<16xi32>
      %add3A_718 = arith.addi %mul3A_717, %get3A_699 : vector<16xi32>
      %swap3A_719 = arith.constant 4 : i32
      %swap3A_720 = arith.constant 0 : i32
      %swap3A_721 = arith.index_cast %swap3A_719 : i32 to index
      %swap3A_722 = arith.index_cast %swap3A_720 : i32 to index
      %swap3A_723 = arith.constant 0 : index
      %swap3A_724 = tpu.vector_load %arg11[%swap3A_721, %swap3A_722, %swap3A_723] {strides = array<i32>} : memref<8x3x64xi32, #tpu.memory_space<vmem>>, vector<16xi32>,
      tpu.vector_store %arg11[%swap3A_721, %swap3A_722, %swap3A_723], %add3A_718 {strides = array<i32>} : memref<8x3x64xi32, #tpu.memory_space<vmem>>, vector<16xi32>,
      %swap3A_725 = arith.constant 4 : i32
      %swap3A_726 = arith.constant 1 : i32
      %swap3A_727 = arith.index_cast %swap3A_725 : i32 to index
      %swap3A_728 = arith.index_cast %swap3A_726 : i32 to index
      %swap3A_729 = arith.constant 0 : index
      %swap3A_730 = tpu.vector_load %arg11[%swap3A_727, %swap3A_728, %swap3A_729] {strides = array<i32>} : memref<8x3x64xi32, #tpu.memory_space<vmem>>, vector<16xi32>,
      tpu.vector_store %arg11[%swap3A_727, %swap3A_728, %swap3A_729], %add3A_714 {strides = array<i32>} : memref<8x3x64xi32, #tpu.memory_space<vmem>>, vector<16xi32>,
      %lt3A_731 = arith.constant 10000 : i32
      %lt3A_732 = vector.broadcast %lt3A_731 : i32 to vector<16xi32>
      %lt3A_733 = arith.cmpi slt, %get3A_701, %lt3A_732 : vector<16xi32>
      %select_n3A_734 = arith.select %lt3A_733, %get3A_701, %get3A_699 : vector<16xi1>, vector<16xi32>
      %swap3A_735 = arith.constant 4 : i32
      %swap3A_736 = arith.constant 2 : i32
      %swap3A_737 = arith.index_cast %swap3A_735 : i32 to index
      %swap3A_738 = arith.index_cast %swap3A_736 : i32 to index
      %swap3A_739 = arith.constant 0 : index
      %swap3A_740 = tpu.vector_load %arg11[%swap3A_737, %swap3A_738, %swap3A_739] {strides = array<i32>} : memref<8x3x64xi32, #tpu.memory_space<vmem>>, vector<16xi32>,
      tpu.vector_store %arg11[%swap3A_737, %swap3A_738, %swap3A_739], %select_n3A_734 {strides = array<i32>} : memref<8x3x64xi32, #tpu.memory_space<vmem>>, vector<16xi32>,
      %get3A_741 = arith.constant 272 : index
      %get3A_742 = tpu.vector_load %arg8[%get3A_741] {strides = array<i32>} : memref<512xi32, #tpu.memory_space<vmem>>, vector<16xi32>,
      %get3A_743 = arith.constant 272 : index
      %get3A_744 = tpu.vector_load %arg9[%get3A_743] {strides = array<i32>} : memref<512xi32, #tpu.memory_space<vmem>>, vector<16xi32>,
      %get3A_745 = arith.constant 272 : index
      %get3A_746 = tpu.vector_load %arg10[%get3A_745] {strides = array<i32>} : memref<512xi32, #tpu.memory_space<vmem>>, vector<16xi32>,
      %gather3A_747 = tpu.vector_load_idx %arg7[%get3A_744] : memref<10016xi32, #tpu.memory_space<vmem>>[vector<16xi32>], vector<16xi32>,
      %and3A_748 = arith.constant 7 : i32
      %and3A_749 = vector.broadcast %and3A_748 : i32 to vector<16xi32>
      %and3A_750 = arith.andi %gather3A_747, %and3A_749 : vector<16xi32>
      %shift_right_arithmetic3A_751 = arith.constant 3 : i32
      %shift_right_arithmetic3A_752 = vector.broadcast %shift_right_arithmetic3A_751 : i32 to vector<16xi32>
      %shift_right_arithmetic3A_753 = arith.shrsi %gather3A_747, %shift_right_arithmetic3A_752 : vector<16xi32>
      %shift_left3A_754 = arith.constant 3 : i32
      %shift_left3A_755 = vector.broadcast %shift_left3A_754 : i32 to vector<16xi32>
      %shift_left3A_756 = arith.shli %shift_right_arithmetic3A_753, %shift_left3A_755 : vector<16xi32>
      %add3A_757 = arith.addi %shift_left3A_756, %get3A_746 : vector<16xi32>
      %mul3A_758 = arith.constant 10000 : i32
      %mul3A_759 = vector.broadcast %mul3A_758 : i32 to vector<16xi32>
      %mul3A_760 = arith.muli %and3A_750, %mul3A_759 : vector<16xi32>
      %add3A_761 = arith.addi %mul3A_760, %get3A_742 : vector<16xi32>
      %swap3A_762 = arith.constant 4 : i32
      %swap3A_763 = arith.constant 0 : i32
      %swap3A_764 = arith.index_cast %swap3A_762 : i32 to index
      %swap3A_765 = arith.index_cast %swap3A_763 : i32 to index
      %swap3A_766 = arith.constant 16 : index
      %swap3A_767 = tpu.vector_load %arg11[%swap3A_764, %swap3A_765, %swap3A_766] {strides = array<i32>} : memref<8x3x64xi32, #tpu.memory_space<vmem>>, vector<16xi32>,
      tpu.vector_store %arg11[%swap3A_764, %swap3A_765, %swap3A_766], %add3A_761 {strides = array<i32>} : memref<8x3x64xi32, #tpu.memory_space<vmem>>, vector<16xi32>,
      %swap3A_768 = arith.constant 4 : i32
      %swap3A_769 = arith.constant 1 : i32
      %swap3A_770 = arith.index_cast %swap3A_768 : i32 to index
      %swap3A_771 = arith.index_cast %swap3A_769 : i32 to index
      %swap3A_772 = arith.constant 16 : index
      %swap3A_773 = tpu.vector_load %arg11[%swap3A_770, %swap3A_771, %swap3A_772] {strides = array<i32>} : memref<8x3x64xi32, #tpu.memory_space<vmem>>, vector<16xi32>,
      tpu.vector_store %arg11[%swap3A_770, %swap3A_771, %swap3A_772], %add3A_757 {strides = array<i32>} : memref<8x3x64xi32, #tpu.memory_space<vmem>>, vector<16xi32>,
      %lt3A_774 = arith.constant 10000 : i32
      %lt3A_775 = vector.broadcast %lt3A_774 : i32 to vector<16xi32>
      %lt3A_776 = arith.cmpi slt, %get3A_744, %lt3A_775 : vector<16xi32>
      %select_n3A_777 = arith.select %lt3A_776, %get3A_744, %get3A_742 : vector<16xi1>, vector<16xi32>
      %swap3A_778 = arith.constant 4 : i32
      %swap3A_779 = arith.constant 2 : i32
      %swap3A_780 = arith.index_cast %swap3A_778 : i32 to index
      %swap3A_781 = arith.index_cast %swap3A_779 : i32 to index
      %swap3A_782 = arith.constant 16 : index
      %swap3A_783 = tpu.vector_load %arg11[%swap3A_780, %swap3A_781, %swap3A_782] {strides = array<i32>} : memref<8x3x64xi32, #tpu.memory_space<vmem>>, vector<16xi32>,
      tpu.vector_store %arg11[%swap3A_780, %swap3A_781, %swap3A_782], %select_n3A_777 {strides = array<i32>} : memref<8x3x64xi32, #tpu.memory_space<vmem>>, vector<16xi32>,
      %get3A_784 = arith.constant 288 : index
      %get3A_785 = tpu.vector_load %arg8[%get3A_784] {strides = array<i32>} : memref<512xi32, #tpu.memory_space<vmem>>, vector<16xi32>,
      %get3A_786 = arith.constant 288 : index
      %get3A_787 = tpu.vector_load %arg9[%get3A_786] {strides = array<i32>} : memref<512xi32, #tpu.memory_space<vmem>>, vector<16xi32>,
      %get3A_788 = arith.constant 288 : index
      %get3A_789 = tpu.vector_load %arg10[%get3A_788] {strides = array<i32>} : memref<512xi32, #tpu.memory_space<vmem>>, vector<16xi32>,
      %gather3A_790 = tpu.vector_load_idx %arg7[%get3A_787] : memref<10016xi32, #tpu.memory_space<vmem>>[vector<16xi32>], vector<16xi32>,
      %and3A_791 = arith.constant 7 : i32
      %and3A_792 = vector.broadcast %and3A_791 : i32 to vector<16xi32>
      %and3A_793 = arith.andi %gather3A_790, %and3A_792 : vector<16xi32>
      %shift_right_arithmetic3A_794 = arith.constant 3 : i32
      %shift_right_arithmetic3A_795 = vector.broadcast %shift_right_arithmetic3A_794 : i32 to vector<16xi32>
      %shift_right_arithmetic3A_796 = arith.shrsi %gather3A_790, %shift_right_arithmetic3A_795 : vector<16xi32>
      %shift_left3A_797 = arith.constant 3 : i32
      %shift_left3A_798 = vector.broadcast %shift_left3A_797 : i32 to vector<16xi32>
      %shift_left3A_799 = arith.shli %shift_right_arithmetic3A_796, %shift_left3A_798 : vector<16xi32>
      %add3A_800 = arith.addi %shift_left3A_799, %get3A_789 : vector<16xi32>
      %mul3A_801 = arith.constant 10000 : i32
      %mul3A_802 = vector.broadcast %mul3A_801 : i32 to vector<16xi32>
      %mul3A_803 = arith.muli %and3A_793, %mul3A_802 : vector<16xi32>
      %add3A_804 = arith.addi %mul3A_803, %get3A_785 : vector<16xi32>
      %swap3A_805 = arith.constant 4 : i32
      %swap3A_806 = arith.constant 0 : i32
      %swap3A_807 = arith.index_cast %swap3A_805 : i32 to index
      %swap3A_808 = arith.index_cast %swap3A_806 : i32 to index
      %swap3A_809 = arith.constant 32 : index
      %swap3A_810 = tpu.vector_load %arg11[%swap3A_807, %swap3A_808, %swap3A_809] {strides = array<i32>} : memref<8x3x64xi32, #tpu.memory_space<vmem>>, vector<16xi32>,
      tpu.vector_store %arg11[%swap3A_807, %swap3A_808, %swap3A_809], %add3A_804 {strides = array<i32>} : memref<8x3x64xi32, #tpu.memory_space<vmem>>, vector<16xi32>,
      %swap3A_811 = arith.constant 4 : i32
      %swap3A_812 = arith.constant 1 : i32
      %swap3A_813 = arith.index_cast %swap3A_811 : i32 to index
      %swap3A_814 = arith.index_cast %swap3A_812 : i32 to index
      %swap3A_815 = arith.constant 32 : index
      %swap3A_816 = tpu.vector_load %arg11[%swap3A_813, %swap3A_814, %swap3A_815] {strides = array<i32>} : memref<8x3x64xi32, #tpu.memory_space<vmem>>, vector<16xi32>,
      tpu.vector_store %arg11[%swap3A_813, %swap3A_814, %swap3A_815], %add3A_800 {strides = array<i32>} : memref<8x3x64xi32, #tpu.memory_space<vmem>>, vector<16xi32>,
      %lt3A_817 = arith.constant 10000 : i32
      %lt3A_818 = vector.broadcast %lt3A_817 : i32 to vector<16xi32>
      %lt3A_819 = arith.cmpi slt, %get3A_787, %lt3A_818 : vector<16xi32>
      %select_n3A_820 = arith.select %lt3A_819, %get3A_787, %get3A_785 : vector<16xi1>, vector<16xi32>
      %swap3A_821 = arith.constant 4 : i32
      %swap3A_822 = arith.constant 2 : i32
      %swap3A_823 = arith.index_cast %swap3A_821 : i32 to index
      %swap3A_824 = arith.index_cast %swap3A_822 : i32 to index
      %swap3A_825 = arith.constant 32 : index
      %swap3A_826 = tpu.vector_load %arg11[%swap3A_823, %swap3A_824, %swap3A_825] {strides = array<i32>} : memref<8x3x64xi32, #tpu.memory_space<vmem>>, vector<16xi32>,
      tpu.vector_store %arg11[%swap3A_823, %swap3A_824, %swap3A_825], %select_n3A_820 {strides = array<i32>} : memref<8x3x64xi32, #tpu.memory_space<vmem>>, vector<16xi32>,
      %get3A_827 = arith.constant 304 : index
      %get3A_828 = tpu.vector_load %arg8[%get3A_827] {strides = array<i32>} : memref<512xi32, #tpu.memory_space<vmem>>, vector<16xi32>,
      %get3A_829 = arith.constant 304 : index
      %get3A_830 = tpu.vector_load %arg9[%get3A_829] {strides = array<i32>} : memref<512xi32, #tpu.memory_space<vmem>>, vector<16xi32>,
      %get3A_831 = arith.constant 304 : index
      %get3A_832 = tpu.vector_load %arg10[%get3A_831] {strides = array<i32>} : memref<512xi32, #tpu.memory_space<vmem>>, vector<16xi32>,
      %gather3A_833 = tpu.vector_load_idx %arg7[%get3A_830] : memref<10016xi32, #tpu.memory_space<vmem>>[vector<16xi32>], vector<16xi32>,
      %and3A_834 = arith.constant 7 : i32
      %and3A_835 = vector.broadcast %and3A_834 : i32 to vector<16xi32>
      %and3A_836 = arith.andi %gather3A_833, %and3A_835 : vector<16xi32>
      %shift_right_arithmetic3A_837 = arith.constant 3 : i32
      %shift_right_arithmetic3A_838 = vector.broadcast %shift_right_arithmetic3A_837 : i32 to vector<16xi32>
      %shift_right_arithmetic3A_839 = arith.shrsi %gather3A_833, %shift_right_arithmetic3A_838 : vector<16xi32>
      %shift_left3A_840 = arith.constant 3 : i32
      %shift_left3A_841 = vector.broadcast %shift_left3A_840 : i32 to vector<16xi32>
      %shift_left3A_842 = arith.shli %shift_right_arithmetic3A_839, %shift_left3A_841 : vector<16xi32>
      %add3A_843 = arith.addi %shift_left3A_842, %get3A_832 : vector<16xi32>
      %mul3A_844 = arith.constant 10000 : i32
      %mul3A_845 = vector.broadcast %mul3A_844 : i32 to vector<16xi32>
      %mul3A_846 = arith.muli %and3A_836, %mul3A_845 : vector<16xi32>
      %add3A_847 = arith.addi %mul3A_846, %get3A_828 : vector<16xi32>
      %swap3A_848 = arith.constant 4 : i32
      %swap3A_849 = arith.constant 0 : i32
      %swap3A_850 = arith.index_cast %swap3A_848 : i32 to index
      %swap3A_851 = arith.index_cast %swap3A_849 : i32 to index
      %swap3A_852 = arith.constant 48 : index
      %swap3A_853 = tpu.vector_load %arg11[%swap3A_850, %swap3A_851, %swap3A_852] {strides = array<i32>} : memref<8x3x64xi32, #tpu.memory_space<vmem>>, vector<16xi32>,
      tpu.vector_store %arg11[%swap3A_850, %swap3A_851, %swap3A_852], %add3A_847 {strides = array<i32>} : memref<8x3x64xi32, #tpu.memory_space<vmem>>, vector<16xi32>,
      %swap3A_854 = arith.constant 4 : i32
      %swap3A_855 = arith.constant 1 : i32
      %swap3A_856 = arith.index_cast %swap3A_854 : i32 to index
      %swap3A_857 = arith.index_cast %swap3A_855 : i32 to index
      %swap3A_858 = arith.constant 48 : index
      %swap3A_859 = tpu.vector_load %arg11[%swap3A_856, %swap3A_857, %swap3A_858] {strides = array<i32>} : memref<8x3x64xi32, #tpu.memory_space<vmem>>, vector<16xi32>,
      tpu.vector_store %arg11[%swap3A_856, %swap3A_857, %swap3A_858], %add3A_843 {strides = array<i32>} : memref<8x3x64xi32, #tpu.memory_space<vmem>>, vector<16xi32>,
      %lt3A_860 = arith.constant 10000 : i32
      %lt3A_861 = vector.broadcast %lt3A_860 : i32 to vector<16xi32>
      %lt3A_862 = arith.cmpi slt, %get3A_830, %lt3A_861 : vector<16xi32>
      %select_n3A_863 = arith.select %lt3A_862, %get3A_830, %get3A_828 : vector<16xi1>, vector<16xi32>
      %swap3A_864 = arith.constant 4 : i32
      %swap3A_865 = arith.constant 2 : i32
      %swap3A_866 = arith.index_cast %swap3A_864 : i32 to index
      %swap3A_867 = arith.index_cast %swap3A_865 : i32 to index
      %swap3A_868 = arith.constant 48 : index
      %swap3A_869 = tpu.vector_load %arg11[%swap3A_866, %swap3A_867, %swap3A_868] {strides = array<i32>} : memref<8x3x64xi32, #tpu.memory_space<vmem>>, vector<16xi32>,
      tpu.vector_store %arg11[%swap3A_866, %swap3A_867, %swap3A_868], %select_n3A_863 {strides = array<i32>} : memref<8x3x64xi32, #tpu.memory_space<vmem>>, vector<16xi32>,
      %get3A_870 = arith.constant 320 : index
      %get3A_871 = tpu.vector_load %arg8[%get3A_870] {strides = array<i32>} : memref<512xi32, #tpu.memory_space<vmem>>, vector<16xi32>,
      %get3A_872 = arith.constant 320 : index
      %get3A_873 = tpu.vector_load %arg9[%get3A_872] {strides = array<i32>} : memref<512xi32, #tpu.memory_space<vmem>>, vector<16xi32>,
      %get3A_874 = arith.constant 320 : index
      %get3A_875 = tpu.vector_load %arg10[%get3A_874] {strides = array<i32>} : memref<512xi32, #tpu.memory_space<vmem>>, vector<16xi32>,
      %gather3A_876 = tpu.vector_load_idx %arg7[%get3A_873] : memref<10016xi32, #tpu.memory_space<vmem>>[vector<16xi32>], vector<16xi32>,
      %and3A_877 = arith.constant 7 : i32
      %and3A_878 = vector.broadcast %and3A_877 : i32 to vector<16xi32>
      %and3A_879 = arith.andi %gather3A_876, %and3A_878 : vector<16xi32>
      %shift_right_arithmetic3A_880 = arith.constant 3 : i32
      %shift_right_arithmetic3A_881 = vector.broadcast %shift_right_arithmetic3A_880 : i32 to vector<16xi32>
      %shift_right_arithmetic3A_882 = arith.shrsi %gather3A_876, %shift_right_arithmetic3A_881 : vector<16xi32>
      %shift_left3A_883 = arith.constant 3 : i32
      %shift_left3A_884 = vector.broadcast %shift_left3A_883 : i32 to vector<16xi32>
      %shift_left3A_885 = arith.shli %shift_right_arithmetic3A_882, %shift_left3A_884 : vector<16xi32>
      %add3A_886 = arith.addi %shift_left3A_885, %get3A_875 : vector<16xi32>
      %mul3A_887 = arith.constant 10000 : i32
      %mul3A_888 = vector.broadcast %mul3A_887 : i32 to vector<16xi32>
      %mul3A_889 = arith.muli %and3A_879, %mul3A_888 : vector<16xi32>
      %add3A_890 = arith.addi %mul3A_889, %get3A_871 : vector<16xi32>
      %swap3A_891 = arith.constant 5 : i32
      %swap3A_892 = arith.constant 0 : i32
      %swap3A_893 = arith.index_cast %swap3A_891 : i32 to index
      %swap3A_894 = arith.index_cast %swap3A_892 : i32 to index
      %swap3A_895 = arith.constant 0 : index
      %swap3A_896 = tpu.vector_load %arg11[%swap3A_893, %swap3A_894, %swap3A_895] {strides = array<i32>} : memref<8x3x64xi32, #tpu.memory_space<vmem>>, vector<16xi32>,
      tpu.vector_store %arg11[%swap3A_893, %swap3A_894, %swap3A_895], %add3A_890 {strides = array<i32>} : memref<8x3x64xi32, #tpu.memory_space<vmem>>, vector<16xi32>,
      %swap3A_897 = arith.constant 5 : i32
      %swap3A_898 = arith.constant 1 : i32
      %swap3A_899 = arith.index_cast %swap3A_897 : i32 to index
      %swap3A_900 = arith.index_cast %swap3A_898 : i32 to index
      %swap3A_901 = arith.constant 0 : index
      %swap3A_902 = tpu.vector_load %arg11[%swap3A_899, %swap3A_900, %swap3A_901] {strides = array<i32>} : memref<8x3x64xi32, #tpu.memory_space<vmem>>, vector<16xi32>,
      tpu.vector_store %arg11[%swap3A_899, %swap3A_900, %swap3A_901], %add3A_886 {strides = array<i32>} : memref<8x3x64xi32, #tpu.memory_space<vmem>>, vector<16xi32>,
      %lt3A_903 = arith.constant 10000 : i32
      %lt3A_904 = vector.broadcast %lt3A_903 : i32 to vector<16xi32>
      %lt3A_905 = arith.cmpi slt, %get3A_873, %lt3A_904 : vector<16xi32>
      %select_n3A_906 = arith.select %lt3A_905, %get3A_873, %get3A_871 : vector<16xi1>, vector<16xi32>
      %swap3A_907 = arith.constant 5 : i32
      %swap3A_908 = arith.constant 2 : i32
      %swap3A_909 = arith.index_cast %swap3A_907 : i32 to index
      %swap3A_910 = arith.index_cast %swap3A_908 : i32 to index
      %swap3A_911 = arith.constant 0 : index
      %swap3A_912 = tpu.vector_load %arg11[%swap3A_909, %swap3A_910, %swap3A_911] {strides = array<i32>} : memref<8x3x64xi32, #tpu.memory_space<vmem>>, vector<16xi32>,
      tpu.vector_store %arg11[%swap3A_909, %swap3A_910, %swap3A_911], %select_n3A_906 {strides = array<i32>} : memref<8x3x64xi32, #tpu.memory_space<vmem>>, vector<16xi32>,
      %get3A_913 = arith.constant 336 : index
      %get3A_914 = tpu.vector_load %arg8[%get3A_913] {strides = array<i32>} : memref<512xi32, #tpu.memory_space<vmem>>, vector<16xi32>,
      %get3A_915 = arith.constant 336 : index
      %get3A_916 = tpu.vector_load %arg9[%get3A_915] {strides = array<i32>} : memref<512xi32, #tpu.memory_space<vmem>>, vector<16xi32>,
      %get3A_917 = arith.constant 336 : index
      %get3A_918 = tpu.vector_load %arg10[%get3A_917] {strides = array<i32>} : memref<512xi32, #tpu.memory_space<vmem>>, vector<16xi32>,
      %gather3A_919 = tpu.vector_load_idx %arg7[%get3A_916] : memref<10016xi32, #tpu.memory_space<vmem>>[vector<16xi32>], vector<16xi32>,
      %and3A_920 = arith.constant 7 : i32
      %and3A_921 = vector.broadcast %and3A_920 : i32 to vector<16xi32>
      %and3A_922 = arith.andi %gather3A_919, %and3A_921 : vector<16xi32>
      %shift_right_arithmetic3A_923 = arith.constant 3 : i32
      %shift_right_arithmetic3A_924 = vector.broadcast %shift_right_arithmetic3A_923 : i32 to vector<16xi32>
      %shift_right_arithmetic3A_925 = arith.shrsi %gather3A_919, %shift_right_arithmetic3A_924 : vector<16xi32>
      %shift_left3A_926 = arith.constant 3 : i32
      %shift_left3A_927 = vector.broadcast %shift_left3A_926 : i32 to vector<16xi32>
      %shift_left3A_928 = arith.shli %shift_right_arithmetic3A_925, %shift_left3A_927 : vector<16xi32>
      %add3A_929 = arith.addi %shift_left3A_928, %get3A_918 : vector<16xi32>
      %mul3A_930 = arith.constant 10000 : i32
      %mul3A_931 = vector.broadcast %mul3A_930 : i32 to vector<16xi32>
      %mul3A_932 = arith.muli %and3A_922, %mul3A_931 : vector<16xi32>
      %add3A_933 = arith.addi %mul3A_932, %get3A_914 : vector<16xi32>
      %swap3A_934 = arith.constant 5 : i32
      %swap3A_935 = arith.constant 0 : i32
      %swap3A_936 = arith.index_cast %swap3A_934 : i32 to index
      %swap3A_937 = arith.index_cast %swap3A_935 : i32 to index
      %swap3A_938 = arith.constant 16 : index
      %swap3A_939 = tpu.vector_load %arg11[%swap3A_936, %swap3A_937, %swap3A_938] {strides = array<i32>} : memref<8x3x64xi32, #tpu.memory_space<vmem>>, vector<16xi32>,
      tpu.vector_store %arg11[%swap3A_936, %swap3A_937, %swap3A_938], %add3A_933 {strides = array<i32>} : memref<8x3x64xi32, #tpu.memory_space<vmem>>, vector<16xi32>,
      %swap3A_940 = arith.constant 5 : i32
      %swap3A_941 = arith.constant 1 : i32
      %swap3A_942 = arith.index_cast %swap3A_940 : i32 to index
      %swap3A_943 = arith.index_cast %swap3A_941 : i32 to index
      %swap3A_944 = arith.constant 16 : index
      %swap3A_945 = tpu.vector_load %arg11[%swap3A_942, %swap3A_943, %swap3A_944] {strides = array<i32>} : memref<8x3x64xi32, #tpu.memory_space<vmem>>, vector<16xi32>,
      tpu.vector_store %arg11[%swap3A_942, %swap3A_943, %swap3A_944], %add3A_929 {strides = array<i32>} : memref<8x3x64xi32, #tpu.memory_space<vmem>>, vector<16xi32>,
      %lt3A_946 = arith.constant 10000 : i32
      %lt3A_947 = vector.broadcast %lt3A_946 : i32 to vector<16xi32>
      %lt3A_948 = arith.cmpi slt, %get3A_916, %lt3A_947 : vector<16xi32>
      %select_n3A_949 = arith.select %lt3A_948, %get3A_916, %get3A_914 : vector<16xi1>, vector<16xi32>
      %swap3A_950 = arith.constant 5 : i32
      %swap3A_951 = arith.constant 2 : i32
      %swap3A_952 = arith.index_cast %swap3A_950 : i32 to index
      %swap3A_953 = arith.index_cast %swap3A_951 : i32 to index
      %swap3A_954 = arith.constant 16 : index
      %swap3A_955 = tpu.vector_load %arg11[%swap3A_952, %swap3A_953, %swap3A_954] {strides = array<i32>} : memref<8x3x64xi32, #tpu.memory_space<vmem>>, vector<16xi32>,
      tpu.vector_store %arg11[%swap3A_952, %swap3A_953, %swap3A_954], %select_n3A_949 {strides = array<i32>} : memref<8x3x64xi32, #tpu.memory_space<vmem>>, vector<16xi32>,
      %get3A_956 = arith.constant 352 : index
      %get3A_957 = tpu.vector_load %arg8[%get3A_956] {strides = array<i32>} : memref<512xi32, #tpu.memory_space<vmem>>, vector<16xi32>,
      %get3A_958 = arith.constant 352 : index
      %get3A_959 = tpu.vector_load %arg9[%get3A_958] {strides = array<i32>} : memref<512xi32, #tpu.memory_space<vmem>>, vector<16xi32>,
      %get3A_960 = arith.constant 352 : index
      %get3A_961 = tpu.vector_load %arg10[%get3A_960] {strides = array<i32>} : memref<512xi32, #tpu.memory_space<vmem>>, vector<16xi32>,
      %gather3A_962 = tpu.vector_load_idx %arg7[%get3A_959] : memref<10016xi32, #tpu.memory_space<vmem>>[vector<16xi32>], vector<16xi32>,
      %and3A_963 = arith.constant 7 : i32
      %and3A_964 = vector.broadcast %and3A_963 : i32 to vector<16xi32>
      %and3A_965 = arith.andi %gather3A_962, %and3A_964 : vector<16xi32>
      %shift_right_arithmetic3A_966 = arith.constant 3 : i32
      %shift_right_arithmetic3A_967 = vector.broadcast %shift_right_arithmetic3A_966 : i32 to vector<16xi32>
      %shift_right_arithmetic3A_968 = arith.shrsi %gather3A_962, %shift_right_arithmetic3A_967 : vector<16xi32>
      %shift_left3A_969 = arith.constant 3 : i32
      %shift_left3A_970 = vector.broadcast %shift_left3A_969 : i32 to vector<16xi32>
      %shift_left3A_971 = arith.shli %shift_right_arithmetic3A_968, %shift_left3A_970 : vector<16xi32>
      %add3A_972 = arith.addi %shift_left3A_971, %get3A_961 : vector<16xi32>
      %mul3A_973 = arith.constant 10000 : i32
      %mul3A_974 = vector.broadcast %mul3A_973 : i32 to vector<16xi32>
      %mul3A_975 = arith.muli %and3A_965, %mul3A_974 : vector<16xi32>
      %add3A_976 = arith.addi %mul3A_975, %get3A_957 : vector<16xi32>
      %swap3A_977 = arith.constant 5 : i32
      %swap3A_978 = arith.constant 0 : i32
      %swap3A_979 = arith.index_cast %swap3A_977 : i32 to index
      %swap3A_980 = arith.index_cast %swap3A_978 : i32 to index
      %swap3A_981 = arith.constant 32 : index
      %swap3A_982 = tpu.vector_load %arg11[%swap3A_979, %swap3A_980, %swap3A_981] {strides = array<i32>} : memref<8x3x64xi32, #tpu.memory_space<vmem>>, vector<16xi32>,
      tpu.vector_store %arg11[%swap3A_979, %swap3A_980, %swap3A_981], %add3A_976 {strides = array<i32>} : memref<8x3x64xi32, #tpu.memory_space<vmem>>, vector<16xi32>,
      %swap3A_983 = arith.constant 5 : i32
      %swap3A_984 = arith.constant 1 : i32
      %swap3A_985 = arith.index_cast %swap3A_983 : i32 to index
      %swap3A_986 = arith.index_cast %swap3A_984 : i32 to index
      %swap3A_987 = arith.constant 32 : index
      %swap3A_988 = tpu.vector_load %arg11[%swap3A_985, %swap3A_986, %swap3A_987] {strides = array<i32>} : memref<8x3x64xi32, #tpu.memory_space<vmem>>, vector<16xi32>,
      tpu.vector_store %arg11[%swap3A_985, %swap3A_986, %swap3A_987], %add3A_972 {strides = array<i32>} : memref<8x3x64xi32, #tpu.memory_space<vmem>>, vector<16xi32>,
      %lt3A_989 = arith.constant 10000 : i32
      %lt3A_990 = vector.broadcast %lt3A_989 : i32 to vector<16xi32>
      %lt3A_991 = arith.cmpi slt, %get3A_959, %lt3A_990 : vector<16xi32>
      %select_n3A_992 = arith.select %lt3A_991, %get3A_959, %get3A_957 : vector<16xi1>, vector<16xi32>
      %swap3A_993 = arith.constant 5 : i32
      %swap3A_994 = arith.constant 2 : i32
      %swap3A_995 = arith.index_cast %swap3A_993 : i32 to index
      %swap3A_996 = arith.index_cast %swap3A_994 : i32 to index
      %swap3A_997 = arith.constant 32 : index
      %swap3A_998 = tpu.vector_load %arg11[%swap3A_995, %swap3A_996, %swap3A_997] {strides = array<i32>} : memref<8x3x64xi32, #tpu.memory_space<vmem>>, vector<16xi32>,
      tpu.vector_store %arg11[%swap3A_995, %swap3A_996, %swap3A_997], %select_n3A_992 {strides = array<i32>} : memref<8x3x64xi32, #tpu.memory_space<vmem>>, vector<16xi32>,
      %get3A_999 = arith.constant 368 : index
      %get3A_1000 = tpu.vector_load %arg8[%get3A_999] {strides = array<i32>} : memref<512xi32, #tpu.memory_space<vmem>>, vector<16xi32>,
      %get3A_1001 = arith.constant 368 : index
      %get3A_1002 = tpu.vector_load %arg9[%get3A_1001] {strides = array<i32>} : memref<512xi32, #tpu.memory_space<vmem>>, vector<16xi32>,
      %get3A_1003 = arith.constant 368 : index
      %get3A_1004 = tpu.vector_load %arg10[%get3A_1003] {strides = array<i32>} : memref<512xi32, #tpu.memory_space<vmem>>, vector<16xi32>,
      %gather3A_1005 = tpu.vector_load_idx %arg7[%get3A_1002] : memref<10016xi32, #tpu.memory_space<vmem>>[vector<16xi32>], vector<16xi32>,
      %and3A_1006 = arith.constant 7 : i32
      %and3A_1007 = vector.broadcast %and3A_1006 : i32 to vector<16xi32>
      %and3A_1008 = arith.andi %gather3A_1005, %and3A_1007 : vector<16xi32>
      %shift_right_arithmetic3A_1009 = arith.constant 3 : i32
      %shift_right_arithmetic3A_1010 = vector.broadcast %shift_right_arithmetic3A_1009 : i32 to vector<16xi32>
      %shift_right_arithmetic3A_1011 = arith.shrsi %gather3A_1005, %shift_right_arithmetic3A_1010 : vector<16xi32>
      %shift_left3A_1012 = arith.constant 3 : i32
      %shift_left3A_1013 = vector.broadcast %shift_left3A_1012 : i32 to vector<16xi32>
      %shift_left3A_1014 = arith.shli %shift_right_arithmetic3A_1011, %shift_left3A_1013 : vector<16xi32>
      %add3A_1015 = arith.addi %shift_left3A_1014, %get3A_1004 : vector<16xi32>
      %mul3A_1016 = arith.constant 10000 : i32
      %mul3A_1017 = vector.broadcast %mul3A_1016 : i32 to vector<16xi32>
      %mul3A_1018 = arith.muli %and3A_1008, %mul3A_1017 : vector<16xi32>
      %add3A_1019 = arith.addi %mul3A_1018, %get3A_1000 : vector<16xi32>
      %swap3A_1020 = arith.constant 5 : i32
      %swap3A_1021 = arith.constant 0 : i32
      %swap3A_1022 = arith.index_cast %swap3A_1020 : i32 to index
      %swap3A_1023 = arith.index_cast %swap3A_1021 : i32 to index
      %swap3A_1024 = arith.constant 48 : index
      %swap3A_1025 = tpu.vector_load %arg11[%swap3A_1022, %swap3A_1023, %swap3A_1024] {strides = array<i32>} : memref<8x3x64xi32, #tpu.memory_space<vmem>>, vector<16xi32>,
      tpu.vector_store %arg11[%swap3A_1022, %swap3A_1023, %swap3A_1024], %add3A_1019 {strides = array<i32>} : memref<8x3x64xi32, #tpu.memory_space<vmem>>, vector<16xi32>,
      %swap3A_1026 = arith.constant 5 : i32
      %swap3A_1027 = arith.constant 1 : i32
      %swap3A_1028 = arith.index_cast %swap3A_1026 : i32 to index
      %swap3A_1029 = arith.index_cast %swap3A_1027 : i32 to index
      %swap3A_1030 = arith.constant 48 : index
      %swap3A_1031 = tpu.vector_load %arg11[%swap3A_1028, %swap3A_1029, %swap3A_1030] {strides = array<i32>} : memref<8x3x64xi32, #tpu.memory_space<vmem>>, vector<16xi32>,
      tpu.vector_store %arg11[%swap3A_1028, %swap3A_1029, %swap3A_1030], %add3A_1015 {strides = array<i32>} : memref<8x3x64xi32, #tpu.memory_space<vmem>>, vector<16xi32>,
      %lt3A_1032 = arith.constant 10000 : i32
      %lt3A_1033 = vector.broadcast %lt3A_1032 : i32 to vector<16xi32>
      %lt3A_1034 = arith.cmpi slt, %get3A_1002, %lt3A_1033 : vector<16xi32>
      %select_n3A_1035 = arith.select %lt3A_1034, %get3A_1002, %get3A_1000 : vector<16xi1>, vector<16xi32>
      %swap3A_1036 = arith.constant 5 : i32
      %swap3A_1037 = arith.constant 2 : i32
      %swap3A_1038 = arith.index_cast %swap3A_1036 : i32 to index
      %swap3A_1039 = arith.index_cast %swap3A_1037 : i32 to index
      %swap3A_1040 = arith.constant 48 : index
      %swap3A_1041 = tpu.vector_load %arg11[%swap3A_1038, %swap3A_1039, %swap3A_1040] {strides = array<i32>} : memref<8x3x64xi32, #tpu.memory_space<vmem>>, vector<16xi32>,
      tpu.vector_store %arg11[%swap3A_1038, %swap3A_1039, %swap3A_1040], %select_n3A_1035 {strides = array<i32>} : memref<8x3x64xi32, #tpu.memory_space<vmem>>, vector<16xi32>,
      %get3A_1042 = arith.constant 384 : index
      %get3A_1043 = tpu.vector_load %arg8[%get3A_1042] {strides = array<i32>} : memref<512xi32, #tpu.memory_space<vmem>>, vector<16xi32>,
      %get3A_1044 = arith.constant 384 : index
      %get3A_1045 = tpu.vector_load %arg9[%get3A_1044] {strides = array<i32>} : memref<512xi32, #tpu.memory_space<vmem>>, vector<16xi32>,
      %get3A_1046 = arith.constant 384 : index
      %get3A_1047 = tpu.vector_load %arg10[%get3A_1046] {strides = array<i32>} : memref<512xi32, #tpu.memory_space<vmem>>, vector<16xi32>,
      %gather3A_1048 = tpu.vector_load_idx %arg7[%get3A_1045] : memref<10016xi32, #tpu.memory_space<vmem>>[vector<16xi32>], vector<16xi32>,
      %and3A_1049 = arith.constant 7 : i32
      %and3A_1050 = vector.broadcast %and3A_1049 : i32 to vector<16xi32>
      %and3A_1051 = arith.andi %gather3A_1048, %and3A_1050 : vector<16xi32>
      %shift_right_arithmetic3A_1052 = arith.constant 3 : i32
      %shift_right_arithmetic3A_1053 = vector.broadcast %shift_right_arithmetic3A_1052 : i32 to vector<16xi32>
      %shift_right_arithmetic3A_1054 = arith.shrsi %gather3A_1048, %shift_right_arithmetic3A_1053 : vector<16xi32>
      %shift_left3A_1055 = arith.constant 3 : i32
      %shift_left3A_1056 = vector.broadcast %shift_left3A_1055 : i32 to vector<16xi32>
      %shift_left3A_1057 = arith.shli %shift_right_arithmetic3A_1054, %shift_left3A_1056 : vector<16xi32>
      %add3A_1058 = arith.addi %shift_left3A_1057, %get3A_1047 : vector<16xi32>
      %mul3A_1059 = arith.constant 10000 : i32
      %mul3A_1060 = vector.broadcast %mul3A_1059 : i32 to vector<16xi32>
      %mul3A_1061 = arith.muli %and3A_1051, %mul3A_1060 : vector<16xi32>
      %add3A_1062 = arith.addi %mul3A_1061, %get3A_1043 : vector<16xi32>
      %swap3A_1063 = arith.constant 6 : i32
      %swap3A_1064 = arith.constant 0 : i32
      %swap3A_1065 = arith.index_cast %swap3A_1063 : i32 to index
      %swap3A_1066 = arith.index_cast %swap3A_1064 : i32 to index
      %swap3A_1067 = arith.constant 0 : index
      %swap3A_1068 = tpu.vector_load %arg11[%swap3A_1065, %swap3A_1066, %swap3A_1067] {strides = array<i32>} : memref<8x3x64xi32, #tpu.memory_space<vmem>>, vector<16xi32>,
      tpu.vector_store %arg11[%swap3A_1065, %swap3A_1066, %swap3A_1067], %add3A_1062 {strides = array<i32>} : memref<8x3x64xi32, #tpu.memory_space<vmem>>, vector<16xi32>,
      %swap3A_1069 = arith.constant 6 : i32
      %swap3A_1070 = arith.constant 1 : i32
      %swap3A_1071 = arith.index_cast %swap3A_1069 : i32 to index
      %swap3A_1072 = arith.index_cast %swap3A_1070 : i32 to index
      %swap3A_1073 = arith.constant 0 : index
      %swap3A_1074 = tpu.vector_load %arg11[%swap3A_1071, %swap3A_1072, %swap3A_1073] {strides = array<i32>} : memref<8x3x64xi32, #tpu.memory_space<vmem>>, vector<16xi32>,
      tpu.vector_store %arg11[%swap3A_1071, %swap3A_1072, %swap3A_1073], %add3A_1058 {strides = array<i32>} : memref<8x3x64xi32, #tpu.memory_space<vmem>>, vector<16xi32>,
      %lt3A_1075 = arith.constant 10000 : i32
      %lt3A_1076 = vector.broadcast %lt3A_1075 : i32 to vector<16xi32>
      %lt3A_1077 = arith.cmpi slt, %get3A_1045, %lt3A_1076 : vector<16xi32>
      %select_n3A_1078 = arith.select %lt3A_1077, %get3A_1045, %get3A_1043 : vector<16xi1>, vector<16xi32>
      %swap3A_1079 = arith.constant 6 : i32
      %swap3A_1080 = arith.constant 2 : i32
      %swap3A_1081 = arith.index_cast %swap3A_1079 : i32 to index
      %swap3A_1082 = arith.index_cast %swap3A_1080 : i32 to index
      %swap3A_1083 = arith.constant 0 : index
      %swap3A_1084 = tpu.vector_load %arg11[%swap3A_1081, %swap3A_1082, %swap3A_1083] {strides = array<i32>} : memref<8x3x64xi32, #tpu.memory_space<vmem>>, vector<16xi32>,
      tpu.vector_store %arg11[%swap3A_1081, %swap3A_1082, %swap3A_1083], %select_n3A_1078 {strides = array<i32>} : memref<8x3x64xi32, #tpu.memory_space<vmem>>, vector<16xi32>,
      %get3A_1085 = arith.constant 400 : index
      %get3A_1086 = tpu.vector_load %arg8[%get3A_1085] {strides = array<i32>} : memref<512xi32, #tpu.memory_space<vmem>>, vector<16xi32>,
      %get3A_1087 = arith.constant 400 : index
      %get3A_1088 = tpu.vector_load %arg9[%get3A_1087] {strides = array<i32>} : memref<512xi32, #tpu.memory_space<vmem>>, vector<16xi32>,
      %get3A_1089 = arith.constant 400 : index
      %get3A_1090 = tpu.vector_load %arg10[%get3A_1089] {strides = array<i32>} : memref<512xi32, #tpu.memory_space<vmem>>, vector<16xi32>,
      %gather3A_1091 = tpu.vector_load_idx %arg7[%get3A_1088] : memref<10016xi32, #tpu.memory_space<vmem>>[vector<16xi32>], vector<16xi32>,
      %and3A_1092 = arith.constant 7 : i32
      %and3A_1093 = vector.broadcast %and3A_1092 : i32 to vector<16xi32>
      %and3A_1094 = arith.andi %gather3A_1091, %and3A_1093 : vector<16xi32>
      %shift_right_arithmetic3A_1095 = arith.constant 3 : i32
      %shift_right_arithmetic3A_1096 = vector.broadcast %shift_right_arithmetic3A_1095 : i32 to vector<16xi32>
      %shift_right_arithmetic3A_1097 = arith.shrsi %gather3A_1091, %shift_right_arithmetic3A_1096 : vector<16xi32>
      %shift_left3A_1098 = arith.constant 3 : i32
      %shift_left3A_1099 = vector.broadcast %shift_left3A_1098 : i32 to vector<16xi32>
      %shift_left3A_1100 = arith.shli %shift_right_arithmetic3A_1097, %shift_left3A_1099 : vector<16xi32>
      %add3A_1101 = arith.addi %shift_left3A_1100, %get3A_1090 : vector<16xi32>
      %mul3A_1102 = arith.constant 10000 : i32
      %mul3A_1103 = vector.broadcast %mul3A_1102 : i32 to vector<16xi32>
      %mul3A_1104 = arith.muli %and3A_1094, %mul3A_1103 : vector<16xi32>
      %add3A_1105 = arith.addi %mul3A_1104, %get3A_1086 : vector<16xi32>
      %swap3A_1106 = arith.constant 6 : i32
      %swap3A_1107 = arith.constant 0 : i32
      %swap3A_1108 = arith.index_cast %swap3A_1106 : i32 to index
      %swap3A_1109 = arith.index_cast %swap3A_1107 : i32 to index
      %swap3A_1110 = arith.constant 16 : index
      %swap3A_1111 = tpu.vector_load %arg11[%swap3A_1108, %swap3A_1109, %swap3A_1110] {strides = array<i32>} : memref<8x3x64xi32, #tpu.memory_space<vmem>>, vector<16xi32>,
      tpu.vector_store %arg11[%swap3A_1108, %swap3A_1109, %swap3A_1110], %add3A_1105 {strides = array<i32>} : memref<8x3x64xi32, #tpu.memory_space<vmem>>, vector<16xi32>,
      %swap3A_1112 = arith.constant 6 : i32
      %swap3A_1113 = arith.constant 1 : i32
      %swap3A_1114 = arith.index_cast %swap3A_1112 : i32 to index
      %swap3A_1115 = arith.index_cast %swap3A_1113 : i32 to index
      %swap3A_1116 = arith.constant 16 : index
      %swap3A_1117 = tpu.vector_load %arg11[%swap3A_1114, %swap3A_1115, %swap3A_1116] {strides = array<i32>} : memref<8x3x64xi32, #tpu.memory_space<vmem>>, vector<16xi32>,
      tpu.vector_store %arg11[%swap3A_1114, %swap3A_1115, %swap3A_1116], %add3A_1101 {strides = array<i32>} : memref<8x3x64xi32, #tpu.memory_space<vmem>>, vector<16xi32>,
      %lt3A_1118 = arith.constant 10000 : i32
      %lt3A_1119 = vector.broadcast %lt3A_1118 : i32 to vector<16xi32>
      %lt3A_1120 = arith.cmpi slt, %get3A_1088, %lt3A_1119 : vector<16xi32>
      %select_n3A_1121 = arith.select %lt3A_1120, %get3A_1088, %get3A_1086 : vector<16xi1>, vector<16xi32>
      %swap3A_1122 = arith.constant 6 : i32
      %swap3A_1123 = arith.constant 2 : i32
      %swap3A_1124 = arith.index_cast %swap3A_1122 : i32 to index
      %swap3A_1125 = arith.index_cast %swap3A_1123 : i32 to index
      %swap3A_1126 = arith.constant 16 : index
      %swap3A_1127 = tpu.vector_load %arg11[%swap3A_1124, %swap3A_1125, %swap3A_1126] {strides = array<i32>} : memref<8x3x64xi32, #tpu.memory_space<vmem>>, vector<16xi32>,
      tpu.vector_store %arg11[%swap3A_1124, %swap3A_1125, %swap3A_1126], %select_n3A_1121 {strides = array<i32>} : memref<8x3x64xi32, #tpu.memory_space<vmem>>, vector<16xi32>,
      %get3A_1128 = arith.constant 416 : index
      %get3A_1129 = tpu.vector_load %arg8[%get3A_1128] {strides = array<i32>} : memref<512xi32, #tpu.memory_space<vmem>>, vector<16xi32>,
      %get3A_1130 = arith.constant 416 : index
      %get3A_1131 = tpu.vector_load %arg9[%get3A_1130] {strides = array<i32>} : memref<512xi32, #tpu.memory_space<vmem>>, vector<16xi32>,
      %get3A_1132 = arith.constant 416 : index
      %get3A_1133 = tpu.vector_load %arg10[%get3A_1132] {strides = array<i32>} : memref<512xi32, #tpu.memory_space<vmem>>, vector<16xi32>,
      %gather3A_1134 = tpu.vector_load_idx %arg7[%get3A_1131] : memref<10016xi32, #tpu.memory_space<vmem>>[vector<16xi32>], vector<16xi32>,
      %and3A_1135 = arith.constant 7 : i32
      %and3A_1136 = vector.broadcast %and3A_1135 : i32 to vector<16xi32>
      %and3A_1137 = arith.andi %gather3A_1134, %and3A_1136 : vector<16xi32>
      %shift_right_arithmetic3A_1138 = arith.constant 3 : i32
      %shift_right_arithmetic3A_1139 = vector.broadcast %shift_right_arithmetic3A_1138 : i32 to vector<16xi32>
      %shift_right_arithmetic3A_1140 = arith.shrsi %gather3A_1134, %shift_right_arithmetic3A_1139 : vector<16xi32>
      %shift_left3A_1141 = arith.constant 3 : i32
      %shift_left3A_1142 = vector.broadcast %shift_left3A_1141 : i32 to vector<16xi32>
      %shift_left3A_1143 = arith.shli %shift_right_arithmetic3A_1140, %shift_left3A_1142 : vector<16xi32>
      %add3A_1144 = arith.addi %shift_left3A_1143, %get3A_1133 : vector<16xi32>
      %mul3A_1145 = arith.constant 10000 : i32
      %mul3A_1146 = vector.broadcast %mul3A_1145 : i32 to vector<16xi32>
      %mul3A_1147 = arith.muli %and3A_1137, %mul3A_1146 : vector<16xi32>
      %add3A_1148 = arith.addi %mul3A_1147, %get3A_1129 : vector<16xi32>
      %swap3A_1149 = arith.constant 6 : i32
      %swap3A_1150 = arith.constant 0 : i32
      %swap3A_1151 = arith.index_cast %swap3A_1149 : i32 to index
      %swap3A_1152 = arith.index_cast %swap3A_1150 : i32 to index
      %swap3A_1153 = arith.constant 32 : index
      %swap3A_1154 = tpu.vector_load %arg11[%swap3A_1151, %swap3A_1152, %swap3A_1153] {strides = array<i32>} : memref<8x3x64xi32, #tpu.memory_space<vmem>>, vector<16xi32>,
      tpu.vector_store %arg11[%swap3A_1151, %swap3A_1152, %swap3A_1153], %add3A_1148 {strides = array<i32>} : memref<8x3x64xi32, #tpu.memory_space<vmem>>, vector<16xi32>,
      %swap3A_1155 = arith.constant 6 : i32
      %swap3A_1156 = arith.constant 1 : i32
      %swap3A_1157 = arith.index_cast %swap3A_1155 : i32 to index
      %swap3A_1158 = arith.index_cast %swap3A_1156 : i32 to index
      %swap3A_1159 = arith.constant 32 : index
      %swap3A_1160 = tpu.vector_load %arg11[%swap3A_1157, %swap3A_1158, %swap3A_1159] {strides = array<i32>} : memref<8x3x64xi32, #tpu.memory_space<vmem>>, vector<16xi32>,
      tpu.vector_store %arg11[%swap3A_1157, %swap3A_1158, %swap3A_1159], %add3A_1144 {strides = array<i32>} : memref<8x3x64xi32, #tpu.memory_space<vmem>>, vector<16xi32>,
      %lt3A_1161 = arith.constant 10000 : i32
      %lt3A_1162 = vector.broadcast %lt3A_1161 : i32 to vector<16xi32>
      %lt3A_1163 = arith.cmpi slt, %get3A_1131, %lt3A_1162 : vector<16xi32>
      %select_n3A_1164 = arith.select %lt3A_1163, %get3A_1131, %get3A_1129 : vector<16xi1>, vector<16xi32>
      %swap3A_1165 = arith.constant 6 : i32
      %swap3A_1166 = arith.constant 2 : i32
      %swap3A_1167 = arith.index_cast %swap3A_1165 : i32 to index
      %swap3A_1168 = arith.index_cast %swap3A_1166 : i32 to index
      %swap3A_1169 = arith.constant 32 : index
      %swap3A_1170 = tpu.vector_load %arg11[%swap3A_1167, %swap3A_1168, %swap3A_1169] {strides = array<i32>} : memref<8x3x64xi32, #tpu.memory_space<vmem>>, vector<16xi32>,
      tpu.vector_store %arg11[%swap3A_1167, %swap3A_1168, %swap3A_1169], %select_n3A_1164 {strides = array<i32>} : memref<8x3x64xi32, #tpu.memory_space<vmem>>, vector<16xi32>,
      %get3A_1171 = arith.constant 432 : index
      %get3A_1172 = tpu.vector_load %arg8[%get3A_1171] {strides = array<i32>} : memref<512xi32, #tpu.memory_space<vmem>>, vector<16xi32>,
      %get3A_1173 = arith.constant 432 : index
      %get3A_1174 = tpu.vector_load %arg9[%get3A_1173] {strides = array<i32>} : memref<512xi32, #tpu.memory_space<vmem>>, vector<16xi32>,
      %get3A_1175 = arith.constant 432 : index
      %get3A_1176 = tpu.vector_load %arg10[%get3A_1175] {strides = array<i32>} : memref<512xi32, #tpu.memory_space<vmem>>, vector<16xi32>,
      %gather3A_1177 = tpu.vector_load_idx %arg7[%get3A_1174] : memref<10016xi32, #tpu.memory_space<vmem>>[vector<16xi32>], vector<16xi32>,
      %and3A_1178 = arith.constant 7 : i32
      %and3A_1179 = vector.broadcast %and3A_1178 : i32 to vector<16xi32>
      %and3A_1180 = arith.andi %gather3A_1177, %and3A_1179 : vector<16xi32>
      %shift_right_arithmetic3A_1181 = arith.constant 3 : i32
      %shift_right_arithmetic3A_1182 = vector.broadcast %shift_right_arithmetic3A_1181 : i32 to vector<16xi32>
      %shift_right_arithmetic3A_1183 = arith.shrsi %gather3A_1177, %shift_right_arithmetic3A_1182 : vector<16xi32>
      %shift_left3A_1184 = arith.constant 3 : i32
      %shift_left3A_1185 = vector.broadcast %shift_left3A_1184 : i32 to vector<16xi32>
      %shift_left3A_1186 = arith.shli %shift_right_arithmetic3A_1183, %shift_left3A_1185 : vector<16xi32>
      %add3A_1187 = arith.addi %shift_left3A_1186, %get3A_1176 : vector<16xi32>
      %mul3A_1188 = arith.constant 10000 : i32
      %mul3A_1189 = vector.broadcast %mul3A_1188 : i32 to vector<16xi32>
      %mul3A_1190 = arith.muli %and3A_1180, %mul3A_1189 : vector<16xi32>
      %add3A_1191 = arith.addi %mul3A_1190, %get3A_1172 : vector<16xi32>
      %swap3A_1192 = arith.constant 6 : i32
      %swap3A_1193 = arith.constant 0 : i32
      %swap3A_1194 = arith.index_cast %swap3A_1192 : i32 to index
      %swap3A_1195 = arith.index_cast %swap3A_1193 : i32 to index
      %swap3A_1196 = arith.constant 48 : index
      %swap3A_1197 = tpu.vector_load %arg11[%swap3A_1194, %swap3A_1195, %swap3A_1196] {strides = array<i32>} : memref<8x3x64xi32, #tpu.memory_space<vmem>>, vector<16xi32>,
      tpu.vector_store %arg11[%swap3A_1194, %swap3A_1195, %swap3A_1196], %add3A_1191 {strides = array<i32>} : memref<8x3x64xi32, #tpu.memory_space<vmem>>, vector<16xi32>,
      %swap3A_1198 = arith.constant 6 : i32
      %swap3A_1199 = arith.constant 1 : i32
      %swap3A_1200 = arith.index_cast %swap3A_1198 : i32 to index
      %swap3A_1201 = arith.index_cast %swap3A_1199 : i32 to index
      %swap3A_1202 = arith.constant 48 : index
      %swap3A_1203 = tpu.vector_load %arg11[%swap3A_1200, %swap3A_1201, %swap3A_1202] {strides = array<i32>} : memref<8x3x64xi32, #tpu.memory_space<vmem>>, vector<16xi32>,
      tpu.vector_store %arg11[%swap3A_1200, %swap3A_1201, %swap3A_1202], %add3A_1187 {strides = array<i32>} : memref<8x3x64xi32, #tpu.memory_space<vmem>>, vector<16xi32>,
      %lt3A_1204 = arith.constant 10000 : i32
      %lt3A_1205 = vector.broadcast %lt3A_1204 : i32 to vector<16xi32>
      %lt3A_1206 = arith.cmpi slt, %get3A_1174, %lt3A_1205 : vector<16xi32>
      %select_n3A_1207 = arith.select %lt3A_1206, %get3A_1174, %get3A_1172 : vector<16xi1>, vector<16xi32>
      %swap3A_1208 = arith.constant 6 : i32
      %swap3A_1209 = arith.constant 2 : i32
      %swap3A_1210 = arith.index_cast %swap3A_1208 : i32 to index
      %swap3A_1211 = arith.index_cast %swap3A_1209 : i32 to index
      %swap3A_1212 = arith.constant 48 : index
      %swap3A_1213 = tpu.vector_load %arg11[%swap3A_1210, %swap3A_1211, %swap3A_1212] {strides = array<i32>} : memref<8x3x64xi32, #tpu.memory_space<vmem>>, vector<16xi32>,
      tpu.vector_store %arg11[%swap3A_1210, %swap3A_1211, %swap3A_1212], %select_n3A_1207 {strides = array<i32>} : memref<8x3x64xi32, #tpu.memory_space<vmem>>, vector<16xi32>,
      %get3A_1214 = arith.constant 448 : index
      %get3A_1215 = tpu.vector_load %arg8[%get3A_1214] {strides = array<i32>} : memref<512xi32, #tpu.memory_space<vmem>>, vector<16xi32>,
      %get3A_1216 = arith.constant 448 : index
      %get3A_1217 = tpu.vector_load %arg9[%get3A_1216] {strides = array<i32>} : memref<512xi32, #tpu.memory_space<vmem>>, vector<16xi32>,
      %get3A_1218 = arith.constant 448 : index
      %get3A_1219 = tpu.vector_load %arg10[%get3A_1218] {strides = array<i32>} : memref<512xi32, #tpu.memory_space<vmem>>, vector<16xi32>,
      %gather3A_1220 = tpu.vector_load_idx %arg7[%get3A_1217] : memref<10016xi32, #tpu.memory_space<vmem>>[vector<16xi32>], vector<16xi32>,
      %and3A_1221 = arith.constant 7 : i32
      %and3A_1222 = vector.broadcast %and3A_1221 : i32 to vector<16xi32>
      %and3A_1223 = arith.andi %gather3A_1220, %and3A_1222 : vector<16xi32>
      %shift_right_arithmetic3A_1224 = arith.constant 3 : i32
      %shift_right_arithmetic3A_1225 = vector.broadcast %shift_right_arithmetic3A_1224 : i32 to vector<16xi32>
      %shift_right_arithmetic3A_1226 = arith.shrsi %gather3A_1220, %shift_right_arithmetic3A_1225 : vector<16xi32>
      %shift_left3A_1227 = arith.constant 3 : i32
      %shift_left3A_1228 = vector.broadcast %shift_left3A_1227 : i32 to vector<16xi32>
      %shift_left3A_1229 = arith.shli %shift_right_arithmetic3A_1226, %shift_left3A_1228 : vector<16xi32>
      %add3A_1230 = arith.addi %shift_left3A_1229, %get3A_1219 : vector<16xi32>
      %mul3A_1231 = arith.constant 10000 : i32
      %mul3A_1232 = vector.broadcast %mul3A_1231 : i32 to vector<16xi32>
      %mul3A_1233 = arith.muli %and3A_1223, %mul3A_1232 : vector<16xi32>
      %add3A_1234 = arith.addi %mul3A_1233, %get3A_1215 : vector<16xi32>
      %swap3A_1235 = arith.constant 7 : i32
      %swap3A_1236 = arith.constant 0 : i32
      %swap3A_1237 = arith.index_cast %swap3A_1235 : i32 to index
      %swap3A_1238 = arith.index_cast %swap3A_1236 : i32 to index
      %swap3A_1239 = arith.constant 0 : index
      %swap3A_1240 = tpu.vector_load %arg11[%swap3A_1237, %swap3A_1238, %swap3A_1239] {strides = array<i32>} : memref<8x3x64xi32, #tpu.memory_space<vmem>>, vector<16xi32>,
      tpu.vector_store %arg11[%swap3A_1237, %swap3A_1238, %swap3A_1239], %add3A_1234 {strides = array<i32>} : memref<8x3x64xi32, #tpu.memory_space<vmem>>, vector<16xi32>,
      %swap3A_1241 = arith.constant 7 : i32
      %swap3A_1242 = arith.constant 1 : i32
      %swap3A_1243 = arith.index_cast %swap3A_1241 : i32 to index
      %swap3A_1244 = arith.index_cast %swap3A_1242 : i32 to index
      %swap3A_1245 = arith.constant 0 : index
      %swap3A_1246 = tpu.vector_load %arg11[%swap3A_1243, %swap3A_1244, %swap3A_1245] {strides = array<i32>} : memref<8x3x64xi32, #tpu.memory_space<vmem>>, vector<16xi32>,
      tpu.vector_store %arg11[%swap3A_1243, %swap3A_1244, %swap3A_1245], %add3A_1230 {strides = array<i32>} : memref<8x3x64xi32, #tpu.memory_space<vmem>>, vector<16xi32>,
      %lt3A_1247 = arith.constant 10000 : i32
      %lt3A_1248 = vector.broadcast %lt3A_1247 : i32 to vector<16xi32>
      %lt3A_1249 = arith.cmpi slt, %get3A_1217, %lt3A_1248 : vector<16xi32>
      %select_n3A_1250 = arith.select %lt3A_1249, %get3A_1217, %get3A_1215 : vector<16xi1>, vector<16xi32>
      %swap3A_1251 = arith.constant 7 : i32
      %swap3A_1252 = arith.constant 2 : i32
      %swap3A_1253 = arith.index_cast %swap3A_1251 : i32 to index
      %swap3A_1254 = arith.index_cast %swap3A_1252 : i32 to index
      %swap3A_1255 = arith.constant 0 : index
      %swap3A_1256 = tpu.vector_load %arg11[%swap3A_1253, %swap3A_1254, %swap3A_1255] {strides = array<i32>} : memref<8x3x64xi32, #tpu.memory_space<vmem>>, vector<16xi32>,
      tpu.vector_store %arg11[%swap3A_1253, %swap3A_1254, %swap3A_1255], %select_n3A_1250 {strides = array<i32>} : memref<8x3x64xi32, #tpu.memory_space<vmem>>, vector<16xi32>,
      %get3A_1257 = arith.constant 464 : index
      %get3A_1258 = tpu.vector_load %arg8[%get3A_1257] {strides = array<i32>} : memref<512xi32, #tpu.memory_space<vmem>>, vector<16xi32>,
      %get3A_1259 = arith.constant 464 : index
      %get3A_1260 = tpu.vector_load %arg9[%get3A_1259] {strides = array<i32>} : memref<512xi32, #tpu.memory_space<vmem>>, vector<16xi32>,
      %get3A_1261 = arith.constant 464 : index
      %get3A_1262 = tpu.vector_load %arg10[%get3A_1261] {strides = array<i32>} : memref<512xi32, #tpu.memory_space<vmem>>, vector<16xi32>,
      %gather3A_1263 = tpu.vector_load_idx %arg7[%get3A_1260] : memref<10016xi32, #tpu.memory_space<vmem>>[vector<16xi32>], vector<16xi32>,
      %and3A_1264 = arith.constant 7 : i32
      %and3A_1265 = vector.broadcast %and3A_1264 : i32 to vector<16xi32>
      %and3A_1266 = arith.andi %gather3A_1263, %and3A_1265 : vector<16xi32>
      %shift_right_arithmetic3A_1267 = arith.constant 3 : i32
      %shift_right_arithmetic3A_1268 = vector.broadcast %shift_right_arithmetic3A_1267 : i32 to vector<16xi32>
      %shift_right_arithmetic3A_1269 = arith.shrsi %gather3A_1263, %shift_right_arithmetic3A_1268 : vector<16xi32>
      %shift_left3A_1270 = arith.constant 3 : i32
      %shift_left3A_1271 = vector.broadcast %shift_left3A_1270 : i32 to vector<16xi32>
      %shift_left3A_1272 = arith.shli %shift_right_arithmetic3A_1269, %shift_left3A_1271 : vector<16xi32>
      %add3A_1273 = arith.addi %shift_left3A_1272, %get3A_1262 : vector<16xi32>
      %mul3A_1274 = arith.constant 10000 : i32
      %mul3A_1275 = vector.broadcast %mul3A_1274 : i32 to vector<16xi32>
      %mul3A_1276 = arith.muli %and3A_1266, %mul3A_1275 : vector<16xi32>
      %add3A_1277 = arith.addi %mul3A_1276, %get3A_1258 : vector<16xi32>
      %swap3A_1278 = arith.constant 7 : i32
      %swap3A_1279 = arith.constant 0 : i32
      %swap3A_1280 = arith.index_cast %swap3A_1278 : i32 to index
      %swap3A_1281 = arith.index_cast %swap3A_1279 : i32 to index
      %swap3A_1282 = arith.constant 16 : index
      %swap3A_1283 = tpu.vector_load %arg11[%swap3A_1280, %swap3A_1281, %swap3A_1282] {strides = array<i32>} : memref<8x3x64xi32, #tpu.memory_space<vmem>>, vector<16xi32>,
      tpu.vector_store %arg11[%swap3A_1280, %swap3A_1281, %swap3A_1282], %add3A_1277 {strides = array<i32>} : memref<8x3x64xi32, #tpu.memory_space<vmem>>, vector<16xi32>,
      %swap3A_1284 = arith.constant 7 : i32
      %swap3A_1285 = arith.constant 1 : i32
      %swap3A_1286 = arith.index_cast %swap3A_1284 : i32 to index
      %swap3A_1287 = arith.index_cast %swap3A_1285 : i32 to index
      %swap3A_1288 = arith.constant 16 : index
      %swap3A_1289 = tpu.vector_load %arg11[%swap3A_1286, %swap3A_1287, %swap3A_1288] {strides = array<i32>} : memref<8x3x64xi32, #tpu.memory_space<vmem>>, vector<16xi32>,
      tpu.vector_store %arg11[%swap3A_1286, %swap3A_1287, %swap3A_1288], %add3A_1273 {strides = array<i32>} : memref<8x3x64xi32, #tpu.memory_space<vmem>>, vector<16xi32>,
      %lt3A_1290 = arith.constant 10000 : i32
      %lt3A_1291 = vector.broadcast %lt3A_1290 : i32 to vector<16xi32>
      %lt3A_1292 = arith.cmpi slt, %get3A_1260, %lt3A_1291 : vector<16xi32>
      %select_n3A_1293 = arith.select %lt3A_1292, %get3A_1260, %get3A_1258 : vector<16xi1>, vector<16xi32>
      %swap3A_1294 = arith.constant 7 : i32
      %swap3A_1295 = arith.constant 2 : i32
      %swap3A_1296 = arith.index_cast %swap3A_1294 : i32 to index
      %swap3A_1297 = arith.index_cast %swap3A_1295 : i32 to index
      %swap3A_1298 = arith.constant 16 : index
      %swap3A_1299 = tpu.vector_load %arg11[%swap3A_1296, %swap3A_1297, %swap3A_1298] {strides = array<i32>} : memref<8x3x64xi32, #tpu.memory_space<vmem>>, vector<16xi32>,
      tpu.vector_store %arg11[%swap3A_1296, %swap3A_1297, %swap3A_1298], %select_n3A_1293 {strides = array<i32>} : memref<8x3x64xi32, #tpu.memory_space<vmem>>, vector<16xi32>,
      %get3A_1300 = arith.constant 480 : index
      %get3A_1301 = tpu.vector_load %arg8[%get3A_1300] {strides = array<i32>} : memref<512xi32, #tpu.memory_space<vmem>>, vector<16xi32>,
      %get3A_1302 = arith.constant 480 : index
      %get3A_1303 = tpu.vector_load %arg9[%get3A_1302] {strides = array<i32>} : memref<512xi32, #tpu.memory_space<vmem>>, vector<16xi32>,
      %get3A_1304 = arith.constant 480 : index
      %get3A_1305 = tpu.vector_load %arg10[%get3A_1304] {strides = array<i32>} : memref<512xi32, #tpu.memory_space<vmem>>, vector<16xi32>,
      %gather3A_1306 = tpu.vector_load_idx %arg7[%get3A_1303] : memref<10016xi32, #tpu.memory_space<vmem>>[vector<16xi32>], vector<16xi32>,
      %and3A_1307 = arith.constant 7 : i32
      %and3A_1308 = vector.broadcast %and3A_1307 : i32 to vector<16xi32>
      %and3A_1309 = arith.andi %gather3A_1306, %and3A_1308 : vector<16xi32>
      %shift_right_arithmetic3A_1310 = arith.constant 3 : i32
      %shift_right_arithmetic3A_1311 = vector.broadcast %shift_right_arithmetic3A_1310 : i32 to vector<16xi32>
      %shift_right_arithmetic3A_1312 = arith.shrsi %gather3A_1306, %shift_right_arithmetic3A_1311 : vector<16xi32>
      %shift_left3A_1313 = arith.constant 3 : i32
      %shift_left3A_1314 = vector.broadcast %shift_left3A_1313 : i32 to vector<16xi32>
      %shift_left3A_1315 = arith.shli %shift_right_arithmetic3A_1312, %shift_left3A_1314 : vector<16xi32>
      %add3A_1316 = arith.addi %shift_left3A_1315, %get3A_1305 : vector<16xi32>
      %mul3A_1317 = arith.constant 10000 : i32
      %mul3A_1318 = vector.broadcast %mul3A_1317 : i32 to vector<16xi32>
      %mul3A_1319 = arith.muli %and3A_1309, %mul3A_1318 : vector<16xi32>
      %add3A_1320 = arith.addi %mul3A_1319, %get3A_1301 : vector<16xi32>
      %swap3A_1321 = arith.constant 7 : i32
      %swap3A_1322 = arith.constant 0 : i32
      %swap3A_1323 = arith.index_cast %swap3A_1321 : i32 to index
      %swap3A_1324 = arith.index_cast %swap3A_1322 : i32 to index
      %swap3A_1325 = arith.constant 32 : index
      %swap3A_1326 = tpu.vector_load %arg11[%swap3A_1323, %swap3A_1324, %swap3A_1325] {strides = array<i32>} : memref<8x3x64xi32, #tpu.memory_space<vmem>>, vector<16xi32>,
      tpu.vector_store %arg11[%swap3A_1323, %swap3A_1324, %swap3A_1325], %add3A_1320 {strides = array<i32>} : memref<8x3x64xi32, #tpu.memory_space<vmem>>, vector<16xi32>,
      %swap3A_1327 = arith.constant 7 : i32
      %swap3A_1328 = arith.constant 1 : i32
      %swap3A_1329 = arith.index_cast %swap3A_1327 : i32 to index
      %swap3A_1330 = arith.index_cast %swap3A_1328 : i32 to index
      %swap3A_1331 = arith.constant 32 : index
      %swap3A_1332 = tpu.vector_load %arg11[%swap3A_1329, %swap3A_1330, %swap3A_1331] {strides = array<i32>} : memref<8x3x64xi32, #tpu.memory_space<vmem>>, vector<16xi32>,
      tpu.vector_store %arg11[%swap3A_1329, %swap3A_1330, %swap3A_1331], %add3A_1316 {strides = array<i32>} : memref<8x3x64xi32, #tpu.memory_space<vmem>>, vector<16xi32>,
      %lt3A_1333 = arith.constant 10000 : i32
      %lt3A_1334 = vector.broadcast %lt3A_1333 : i32 to vector<16xi32>
      %lt3A_1335 = arith.cmpi slt, %get3A_1303, %lt3A_1334 : vector<16xi32>
      %select_n3A_1336 = arith.select %lt3A_1335, %get3A_1303, %get3A_1301 : vector<16xi1>, vector<16xi32>
      %swap3A_1337 = arith.constant 7 : i32
      %swap3A_1338 = arith.constant 2 : i32
      %swap3A_1339 = arith.index_cast %swap3A_1337 : i32 to index
      %swap3A_1340 = arith.index_cast %swap3A_1338 : i32 to index
      %swap3A_1341 = arith.constant 32 : index
      %swap3A_1342 = tpu.vector_load %arg11[%swap3A_1339, %swap3A_1340, %swap3A_1341] {strides = array<i32>} : memref<8x3x64xi32, #tpu.memory_space<vmem>>, vector<16xi32>,
      tpu.vector_store %arg11[%swap3A_1339, %swap3A_1340, %swap3A_1341], %select_n3A_1336 {strides = array<i32>} : memref<8x3x64xi32, #tpu.memory_space<vmem>>, vector<16xi32>,
      %get3A_1343 = arith.constant 496 : index
      %get3A_1344 = tpu.vector_load %arg8[%get3A_1343] {strides = array<i32>} : memref<512xi32, #tpu.memory_space<vmem>>, vector<16xi32>,
      %get3A_1345 = arith.constant 496 : index
      %get3A_1346 = tpu.vector_load %arg9[%get3A_1345] {strides = array<i32>} : memref<512xi32, #tpu.memory_space<vmem>>, vector<16xi32>,
      %get3A_1347 = arith.constant 496 : index
      %get3A_1348 = tpu.vector_load %arg10[%get3A_1347] {strides = array<i32>} : memref<512xi32, #tpu.memory_space<vmem>>, vector<16xi32>,
      %gather3A_1349 = tpu.vector_load_idx %arg7[%get3A_1346] : memref<10016xi32, #tpu.memory_space<vmem>>[vector<16xi32>], vector<16xi32>,
      %and3A_1350 = arith.constant 7 : i32
      %and3A_1351 = vector.broadcast %and3A_1350 : i32 to vector<16xi32>
      %and3A_1352 = arith.andi %gather3A_1349, %and3A_1351 : vector<16xi32>
      %shift_right_arithmetic3A_1353 = arith.constant 3 : i32
      %shift_right_arithmetic3A_1354 = vector.broadcast %shift_right_arithmetic3A_1353 : i32 to vector<16xi32>
      %shift_right_arithmetic3A_1355 = arith.shrsi %gather3A_1349, %shift_right_arithmetic3A_1354 : vector<16xi32>
      %shift_left3A_1356 = arith.constant 3 : i32
      %shift_left3A_1357 = vector.broadcast %shift_left3A_1356 : i32 to vector<16xi32>
      %shift_left3A_1358 = arith.shli %shift_right_arithmetic3A_1355, %shift_left3A_1357 : vector<16xi32>
      %add3A_1359 = arith.addi %shift_left3A_1358, %get3A_1348 : vector<16xi32>
      %mul3A_1360 = arith.constant 10000 : i32
      %mul3A_1361 = vector.broadcast %mul3A_1360 : i32 to vector<16xi32>
      %mul3A_1362 = arith.muli %and3A_1352, %mul3A_1361 : vector<16xi32>
      %add3A_1363 = arith.addi %mul3A_1362, %get3A_1344 : vector<16xi32>
      %swap3A_1364 = arith.constant 7 : i32
      %swap3A_1365 = arith.constant 0 : i32
      %swap3A_1366 = arith.index_cast %swap3A_1364 : i32 to index
      %swap3A_1367 = arith.index_cast %swap3A_1365 : i32 to index
      %swap3A_1368 = arith.constant 48 : index
      %swap3A_1369 = tpu.vector_load %arg11[%swap3A_1366, %swap3A_1367, %swap3A_1368] {strides = array<i32>} : memref<8x3x64xi32, #tpu.memory_space<vmem>>, vector<16xi32>,
      tpu.vector_store %arg11[%swap3A_1366, %swap3A_1367, %swap3A_1368], %add3A_1363 {strides = array<i32>} : memref<8x3x64xi32, #tpu.memory_space<vmem>>, vector<16xi32>,
      %swap3A_1370 = arith.constant 7 : i32
      %swap3A_1371 = arith.constant 1 : i32
      %swap3A_1372 = arith.index_cast %swap3A_1370 : i32 to index
      %swap3A_1373 = arith.index_cast %swap3A_1371 : i32 to index
      %swap3A_1374 = arith.constant 48 : index
      %swap3A_1375 = tpu.vector_load %arg11[%swap3A_1372, %swap3A_1373, %swap3A_1374] {strides = array<i32>} : memref<8x3x64xi32, #tpu.memory_space<vmem>>, vector<16xi32>,
      tpu.vector_store %arg11[%swap3A_1372, %swap3A_1373, %swap3A_1374], %add3A_1359 {strides = array<i32>} : memref<8x3x64xi32, #tpu.memory_space<vmem>>, vector<16xi32>,
      %lt3A_1376 = arith.constant 10000 : i32
      %lt3A_1377 = vector.broadcast %lt3A_1376 : i32 to vector<16xi32>
      %lt3A_1378 = arith.cmpi slt, %get3A_1346, %lt3A_1377 : vector<16xi32>
      %select_n3A_1379 = arith.select %lt3A_1378, %get3A_1346, %get3A_1344 : vector<16xi1>, vector<16xi32>
      %swap3A_1380 = arith.constant 7 : i32
      %swap3A_1381 = arith.constant 2 : i32
      %swap3A_1382 = arith.index_cast %swap3A_1380 : i32 to index
      %swap3A_1383 = arith.index_cast %swap3A_1381 : i32 to index
      %swap3A_1384 = arith.constant 48 : index
      %swap3A_1385 = tpu.vector_load %arg11[%swap3A_1382, %swap3A_1383, %swap3A_1384] {strides = array<i32>} : memref<8x3x64xi32, #tpu.memory_space<vmem>>, vector<16xi32>,
      tpu.vector_store %arg11[%swap3A_1382, %swap3A_1383, %swap3A_1384], %select_n3A_1379 {strides = array<i32>} : memref<8x3x64xi32, #tpu.memory_space<vmem>>, vector<16xi32>,
      %add3A_1386 = arith.addi %mul3A_2, %scan3A_8 : i32
      %mul3A_1387 = arith.constant 8 : i32
      %mul3A_1388 = arith.muli %add3A_1386, %mul3A_1387 : i32
      "tpu.region"() ({
        %run_scoped3A = tpu.sem_alloc : memref<!tpu.dma_semaphore, #tpu.memory_space<semaphore_mem>>
        %dma_start3A = arith.constant 0 : i32
        %dma_start3A_1389 = arith.constant 0 : i32
        %dma_start3A_1390 = tpu.memref_slice %arg6[%mul3A_1388, %dma_start3A, %dma_start3A_1389] : memref<5120x3x64xi32, #tpu.memory_space<hbm>> -> memref<8x3x64xi32, #tpu.memory_space<hbm>>
        %dma_start3A_1391 = arith.constant 0 : i32
        %dma_start3A_1392 = arith.constant 0 : i32
        %dma_start3A_1393 = tpu.memref_slice %arg6[%mul3A_1388, %dma_start3A_1391, %dma_start3A_1392] : memref<5120x3x64xi32, #tpu.memory_space<hbm>> -> memref<8x3x64xi32, #tpu.memory_space<hbm>>
        tpu.enqueue_dma source(%arg11 : memref<8x3x64xi32, #tpu.memory_space<vmem>>) target(%dma_start3A_1393 : memref<8x3x64xi32, #tpu.memory_space<hbm>>) target_semaphore(%run_scoped3A : memref<!tpu.dma_semaphore, #tpu.memory_space<semaphore_mem>>)
        %dma_wait3A = arith.constant 0 : i32
        %dma_wait3A_1394 = arith.constant 0 : i32
        %dma_wait3A_1395 = tpu.memref_slice %arg6[%mul3A_1388, %dma_wait3A, %dma_wait3A_1394] : memref<5120x3x64xi32, #tpu.memory_space<hbm>> -> memref<8x3x64xi32, #tpu.memory_space<hbm>>
        %dma_wait3A_1396 = arith.constant 0 : i32
        %dma_wait3A_1397 = arith.constant 0 : i32
        %dma_wait3A_1398 = tpu.memref_slice %arg6[%mul3A_1388, %dma_wait3A_1396, %dma_wait3A_1397] : memref<5120x3x64xi32, #tpu.memory_space<hbm>> -> memref<8x3x64xi32, #tpu.memory_space<hbm>>
        tpu.wait_dma2 semaphore(%run_scoped3A : memref<!tpu.dma_semaphore, #tpu.memory_space<semaphore_mem>>) src(%arg11 : memref<8x3x64xi32, #tpu.memory_space<vmem>>) dst(%dma_wait3A_1398 : memref<8x3x64xi32, #tpu.memory_space<hbm>>)
        tpu.yield
      }) : () -> ()
    }
    %scan3A_7 = arith.constant 20 : i32
    return
  }
}

module attributes {stable_mosaic.version = 14 : i64} {
  func.func @_classify_body(%arg0: i32, %arg1: memref<1000x40xf32, #tpu.memory_space<vmem>>, %arg2: memref<1000x1xf32, #tpu.memory_space<vmem>>, %arg3: memref<1000x1xi32, #tpu.memory_space<vmem>>, %arg4: memref<1000x1xi32, #tpu.memory_space<vmem>>) attributes {dimension_semantics = [#tpu.dimension_semantics<arbitrary>], iteration_bounds = array<i64: 10>, scalar_prefetch = 0 : i64, scratch_operands = 0 : i64, tpu.core_type = #tpu.core_type<tc>, window_params = [{transform_indices = @transform_0, window_bounds = array<i64: 1000, 40>}, {transform_indices = @transform_1, window_bounds = array<i64: 1000, 1>}, {transform_indices = @transform_2, window_bounds = array<i64: 1000, 1>}, {transform_indices = @transform_3, window_bounds = array<i64: 1000, 1>}]} {
    %get3A = arith.constant 0 : index
    %get3A_0 = arith.constant 0 : index
    %get3A_1 = vector.load %arg1[%get3A, %get3A_0] : memref<1000x40xf32, #tpu.memory_space<vmem>>, vector<1000x40xf32>
    %iota3A = tpu.iota {dimensions = array<i32: 1>} : vector<1000x40xi32>
    %eq3A = arith.constant 1.000000e+00 : f32
    %eq3A_2 = vector.broadcast %eq3A : f32 to vector<1000x40xf32>
    %eq3A_3 = arith.cmpf oeq, %get3A_1, %eq3A_2 : vector<1000x40xf32>
    %jit3A = arith.constant 0 : i32
    %broadcast_in_dim3A = vector.broadcast %jit3A : i32 to vector<1000x40xi32>
    %select_n3A = arith.select %eq3A_3, %iota3A, %broadcast_in_dim3A : vector<1000x40xi1>, vector<1000x40xi32>
    %reduce_max3A = arith.constant dense<-2147483648> : vector<1000xi32>
    %reduce_max3A_4 = vector.multi_reduction <maxsi>, %select_n3A, %reduce_max3A [1] : vector<1000x40xi32> to vector<1000xi32>
    %broadcast_in_dim3A_5 = vector.shape_cast %reduce_max3A_4 : vector<1000xi32> to vector<1000x1xi32>
    %eq3A_6 = arith.constant 2 : i32
    %eq3A_7 = vector.broadcast %eq3A_6 : i32 to vector<1000x1xi32>
    %eq3A_8 = arith.cmpi eq, %broadcast_in_dim3A_5, %eq3A_7 : vector<1000x1xi32>
    %ge3A = arith.constant 4 : i32
    %ge3A_9 = vector.broadcast %ge3A : i32 to vector<1000x1xi32>
    %ge3A_10 = arith.cmpi sge, %broadcast_in_dim3A_5, %ge3A_9 : vector<1000x1xi32>
    %le3A = arith.constant 25 : i32
    %le3A_11 = vector.broadcast %le3A : i32 to vector<1000x1xi32>
    %le3A_12 = arith.cmpi sle, %broadcast_in_dim3A_5, %le3A_11 : vector<1000x1xi32>
    %and3A = arith.andi %ge3A_10, %le3A_12 : vector<1000x1xi1>
    %ge3A_13 = arith.constant 26 : i32
    %ge3A_14 = vector.broadcast %ge3A_13 : i32 to vector<1000x1xi32>
    %ge3A_15 = arith.cmpi sge, %broadcast_in_dim3A_5, %ge3A_14 : vector<1000x1xi32>
    %le3A_16 = arith.constant 32 : i32
    %le3A_17 = vector.broadcast %le3A_16 : i32 to vector<1000x1xi32>
    %le3A_18 = arith.cmpi sle, %broadcast_in_dim3A_5, %le3A_17 : vector<1000x1xi32>
    %and3A_19 = arith.andi %ge3A_15, %le3A_18 : vector<1000x1xi1>
    %eq3A_20 = arith.constant 34 : i32
    %eq3A_21 = vector.broadcast %eq3A_20 : i32 to vector<1000x1xi32>
    %eq3A_22 = arith.cmpi eq, %broadcast_in_dim3A_5, %eq3A_21 : vector<1000x1xi32>
    %eq3A_23 = arith.constant 36 : i32
    %eq3A_24 = vector.broadcast %eq3A_23 : i32 to vector<1000x1xi32>
    %eq3A_25 = arith.cmpi eq, %broadcast_in_dim3A_5, %eq3A_24 : vector<1000x1xi32>
    %or3A = arith.ori %eq3A_22, %eq3A_25 : vector<1000x1xi1>
    %eq3A_26 = arith.constant 33 : i32
    %eq3A_27 = vector.broadcast %eq3A_26 : i32 to vector<1000x1xi32>
    %eq3A_28 = arith.cmpi eq, %broadcast_in_dim3A_5, %eq3A_27 : vector<1000x1xi32>
    %eq3A_29 = arith.constant 37 : i32
    %eq3A_30 = vector.broadcast %eq3A_29 : i32 to vector<1000x1xi32>
    %eq3A_31 = arith.cmpi eq, %broadcast_in_dim3A_5, %eq3A_30 : vector<1000x1xi32>
    %jit3A_32 = arith.constant 5 : i32
    %jit3A_33 = arith.constant 6 : i32
    %broadcast_in_dim3A_34 = vector.broadcast %jit3A_32 : i32 to vector<1000x1xi32>
    %broadcast_in_dim3A_35 = vector.broadcast %jit3A_33 : i32 to vector<1000x1xi32>
    %select_n3A_36 = arith.select %eq3A_31, %broadcast_in_dim3A_34, %broadcast_in_dim3A_35 : vector<1000x1xi1>, vector<1000x1xi32>
    %jit3A_37 = arith.constant 4 : i32
    %broadcast_in_dim3A_38 = vector.broadcast %jit3A_37 : i32 to vector<1000x1xi32>
    %select_n3A_39 = arith.select %eq3A_28, %broadcast_in_dim3A_38, %select_n3A_36 : vector<1000x1xi1>, vector<1000x1xi32>
    %jit3A_40 = arith.constant 3 : i32
    %broadcast_in_dim3A_41 = vector.broadcast %jit3A_40 : i32 to vector<1000x1xi32>
    %select_n3A_42 = arith.select %or3A, %broadcast_in_dim3A_41, %select_n3A_39 : vector<1000x1xi1>, vector<1000x1xi32>
    %jit3A_43 = arith.constant 2 : i32
    %broadcast_in_dim3A_44 = vector.broadcast %jit3A_43 : i32 to vector<1000x1xi32>
    %select_n3A_45 = arith.select %and3A_19, %broadcast_in_dim3A_44, %select_n3A_42 : vector<1000x1xi1>, vector<1000x1xi32>
    %jit3A_46 = arith.constant 1 : i32
    %broadcast_in_dim3A_47 = vector.broadcast %jit3A_46 : i32 to vector<1000x1xi32>
    %select_n3A_48 = arith.select %and3A, %broadcast_in_dim3A_47, %select_n3A_45 : vector<1000x1xi1>, vector<1000x1xi32>
    %jit3A_49 = arith.constant 0 : i32
    %broadcast_in_dim3A_50 = vector.broadcast %jit3A_49 : i32 to vector<1000x1xi32>
    %select_n3A_51 = arith.select %eq3A_8, %broadcast_in_dim3A_50, %select_n3A_48 : vector<1000x1xi1>, vector<1000x1xi32>
    %eq3A_52 = arith.constant 0 : i32
    %eq3A_53 = vector.broadcast %eq3A_52 : i32 to vector<1000x1xi32>
    %eq3A_54 = arith.cmpi eq, %broadcast_in_dim3A_5, %eq3A_53 : vector<1000x1xi32>
    %eq3A_55 = arith.constant 1 : i32
    %eq3A_56 = vector.broadcast %eq3A_55 : i32 to vector<1000x1xi32>
    %eq3A_57 = arith.cmpi eq, %broadcast_in_dim3A_5, %eq3A_56 : vector<1000x1xi32>
    %or3A_58 = arith.ori %eq3A_54, %eq3A_57 : vector<1000x1xi1>
    %convert_element_type3A = arith.extui %or3A_58 : vector<1000x1xi1> to vector<1000x1xi32>
    %convert_element_type3A_59 = arith.sitofp %convert_element_type3A : vector<1000x1xi32> to vector<1000x1xf32>
    %swap3A = arith.constant 0 : index
    %swap3A_60 = arith.constant 0 : index
    %swap3A_61 = vector.load %arg2[%swap3A, %swap3A_60] : memref<1000x1xf32, #tpu.memory_space<vmem>>, vector<1000x1xf32>
    tpu.vector_store %arg2[%swap3A, %swap3A_60], %convert_element_type3A_59 {strides = array<i32>} : memref<1000x1xf32, #tpu.memory_space<vmem>>, vector<1000x1xf32>,
    %min3A = arith.constant 5 : i32
    %min3A_62 = vector.broadcast %min3A : i32 to vector<1000x1xi32>
    %min3A_63 = arith.minsi %select_n3A_51, %min3A_62 : vector<1000x1xi32>
    %shift_left3A = arith.constant 3 : i32
    %shift_left3A_64 = vector.broadcast %shift_left3A : i32 to vector<1000x1xi32>
    %shift_left3A_65 = arith.shli %broadcast_in_dim3A_5, %shift_left3A_64 : vector<1000x1xi32>
    %or3A_66 = arith.ori %min3A_63, %shift_left3A_65 : vector<1000x1xi32>
    %swap3A_67 = arith.constant 0 : index
    %swap3A_68 = arith.constant 0 : index
    %swap3A_69 = vector.load %arg3[%swap3A_67, %swap3A_68] : memref<1000x1xi32, #tpu.memory_space<vmem>>, vector<1000x1xi32>
    tpu.vector_store %arg3[%swap3A_67, %swap3A_68], %or3A_66 {strides = array<i32>} : memref<1000x1xi32, #tpu.memory_space<vmem>>, vector<1000x1xi32>,
    %swap3A_70 = arith.constant 0 : index
    %swap3A_71 = arith.constant 0 : index
    %swap3A_72 = vector.load %arg4[%swap3A_70, %swap3A_71] : memref<1000x1xi32, #tpu.memory_space<vmem>>, vector<1000x1xi32>
    tpu.vector_store %arg4[%swap3A_70, %swap3A_71], %select_n3A_51 {strides = array<i32>} : memref<1000x1xi32, #tpu.memory_space<vmem>>, vector<1000x1xi32>,
    return
  }
  func.func @transform_0(%arg0: i32) -> (i32, i32) {
    %c0_i32 = arith.constant 0 : i32
    %c0_i32_0 = arith.constant 0 : i32
    return %arg0, %c0_i32 : i32, i32
  }
  func.func @transform_1(%arg0: i32) -> (i32, i32) {
    %c0_i32 = arith.constant 0 : i32
    %c0_i32_0 = arith.constant 0 : i32
    return %arg0, %c0_i32 : i32, i32
  }
  func.func @transform_2(%arg0: i32) -> (i32, i32) {
    %c0_i32 = arith.constant 0 : i32
    %c0_i32_0 = arith.constant 0 : i32
    return %arg0, %c0_i32 : i32, i32
  }
  func.func @transform_3(%arg0: i32) -> (i32, i32) {
    %c0_i32 = arith.constant 0 : i32
    %c0_i32_0 = arith.constant 0 : i32
    return %arg0, %c0_i32 : i32, i32
  }
}

module attributes {stable_mosaic.version = 14 : i64} {
  func.func @_encode_body(%arg0: i32, %arg1: memref<32x1000x32xbf16, #tpu.memory_space<vmem>>, %arg2: memref<32x1xbf16, #tpu.memory_space<vmem>>, %arg3: memref<1000x1xf32, #tpu.memory_space<vmem>>, %arg4: memref<32x192xbf16, #tpu.memory_space<vmem>>, %arg5: memref<64x192xbf16, #tpu.memory_space<vmem>>, %arg6: memref<1x192xf32, #tpu.memory_space<vmem>>, %arg7: memref<1x192xf32, #tpu.memory_space<vmem>>, %arg8: memref<64x192xbf16, #tpu.memory_space<vmem>>, %arg9: memref<64x192xbf16, #tpu.memory_space<vmem>>, %arg10: memref<1x192xf32, #tpu.memory_space<vmem>>, %arg11: memref<1x192xf32, #tpu.memory_space<vmem>>, %arg12: memref<6x128x144xf32, #tpu.memory_space<vmem>>, %arg13: memref<1000x128xf32, #tpu.memory_space<vmem>>, %arg14: memref<6x1000x144xf32, #tpu.memory_space<vmem>>, %arg15: memref<32x1000x192xbf16, #tpu.memory_space<vmem>>) attributes {dimension_semantics = [#tpu.dimension_semantics<arbitrary>], iteration_bounds = array<i64: 10>, scalar_prefetch = 0 : i64, scratch_operands = 1 : i64, tpu.core_type = #tpu.core_type<tc>, window_params = [{transform_indices = @transform_0, window_bounds = array<i64: 32, 1000, 32>}, {pipeline_mode = #tpu.pipeline_mode<synchronous>, transform_indices = @transform_1, window_bounds = array<i64: 32, 1>}, {transform_indices = @transform_2, window_bounds = array<i64: 1000, 1>}, {pipeline_mode = #tpu.pipeline_mode<synchronous>, transform_indices = @transform_3, window_bounds = array<i64: 32, 192>}, {pipeline_mode = #tpu.pipeline_mode<synchronous>, transform_indices = @transform_4, window_bounds = array<i64: 64, 192>}, {pipeline_mode = #tpu.pipeline_mode<synchronous>, transform_indices = @transform_5, window_bounds = array<i64: 1, 192>}, {pipeline_mode = #tpu.pipeline_mode<synchronous>, transform_indices = @transform_6, window_bounds = array<i64: 1, 192>}, {pipeline_mode = #tpu.pipeline_mode<synchronous>, transform_indices = @transform_7, window_bounds = array<i64: 64, 192>}, {pipeline_mode = #tpu.pipeline_mode<synchronous>, transform_indices = @transform_8, window_bounds = array<i64: 64, 192>}, {pipeline_mode = #tpu.pipeline_mode<synchronous>, transform_indices = @transform_9, window_bounds = array<i64: 1, 192>}, {pipeline_mode = #tpu.pipeline_mode<synchronous>, transform_indices = @transform_10, window_bounds = array<i64: 1, 192>}, {pipeline_mode = #tpu.pipeline_mode<synchronous>, transform_indices = @transform_11, window_bounds = array<i64: 6, 128, 144>}, {transform_indices = @transform_12, window_bounds = array<i64: 1000, 128>}, {transform_indices = @transform_13, window_bounds = array<i64: 6, 1000, 144>}]} {
    %get3A = arith.constant 0 : index
    %get3A_0 = arith.constant 0 : index
    %get3A_1 = arith.constant 0 : index
    %get3A_2 = vector.load %arg1[%get3A, %get3A_0, %get3A_1] : memref<32x1000x32xbf16, #tpu.memory_space<vmem>>, vector<32x1000x32xbf16>
    %get3A_3 = arith.constant 0 : index
    %get3A_4 = arith.constant 0 : index
    %get3A_5 = vector.load %arg2[%get3A_3, %get3A_4] : memref<32x1xbf16, #tpu.memory_space<vmem>>, vector<32x1xbf16>
    %broadcast_in_dim3A = vector.shape_cast %get3A_5 : vector<32x1xbf16> to vector<32x1x1xbf16>
    %mul3A = vector.broadcast %broadcast_in_dim3A : vector<32x1x1xbf16> to vector<32x1000x32xbf16>
    %mul3A_6 = arith.mulf %get3A_2, %mul3A : vector<32x1000x32xbf16>
    %reshape3A = vector.shape_cast %mul3A_6 : vector<32x1000x32xbf16> to vector<32000x32xbf16>
    %get3A_7 = arith.constant 0 : index
    %get3A_8 = arith.constant 0 : index
    %get3A_9 = vector.load %arg4[%get3A_7, %get3A_8] : memref<32x192xbf16, #tpu.memory_space<vmem>>, vector<32x192xbf16>
    %dot_general3A = arith.constant dense<0.000000e+00> : vector<32000x192xf32>
    %dot_general3A_10 = tpu.matmul %reshape3A, %get3A_9, %dot_general3A {dimension_numbers = #tpu.dot_dimension_numbers<[1], [0], [0], [1], [0, 0, 1, 1], [], []>, transpose_lhs_hint = false} : vector<32000x32xbf16>, vector<32x192xbf16>, vector<32000x192xf32> -> vector<32000x192xf32>
    %get3A_11 = arith.constant 0 : index
    %get3A_12 = arith.constant 0 : index
    %get3A_13 = vector.load %arg6[%get3A_11, %get3A_12] : memref<1x192xf32, #tpu.memory_space<vmem>>, vector<1x192xf32>
    %add3A = vector.broadcast %get3A_13 : vector<1x192xf32> to vector<32000x192xf32>
    %add3A_14 = arith.addf %dot_general3A_10, %add3A : vector<32000x192xf32>
    %reshape3A_15 = vector.shape_cast %add3A_14 : vector<32000x192xf32> to vector<32x1000x192xf32>
    %convert_element_type3A = arith.truncf %reshape3A_15 : vector<32x1000x192xf32> to vector<32x1000x192xbf16>
    %swap3A = arith.constant 0 : index
    %swap3A_16 = arith.constant 0 : index
    %swap3A_17 = arith.constant 0 : index
    %swap3A_18 = vector.load %arg15[%swap3A, %swap3A_16, %swap3A_17] : memref<32x1000x192xbf16, #tpu.memory_space<vmem>>, vector<32x1000x192xbf16>
    tpu.vector_store %arg15[%swap3A, %swap3A_16, %swap3A_17], %convert_element_type3A {strides = array<i32>} : memref<32x1000x192xbf16, #tpu.memory_space<vmem>>, vector<32x1000x192xbf16>,
    %broadcast_in_dim3A_19 = arith.constant 0.000000e+00 : f32
    %broadcast_in_dim3A_20 = vector.broadcast %broadcast_in_dim3A_19 : f32 to vector<1000x64xf32>
    %scan3A = arith.constant 0 : i32
    %scan3A_21 = arith.constant 33 : i32
    %scan3A_22 = arith.addi %scan3A, %scan3A_21 : i32
    %scan3A_23 = arith.constant 1 : i32
    %scan3A_24:3 = scf.for %scan3A_123 = %scan3A to %scan3A_22 step %scan3A_23 iter_args(%scan3A_124 = %broadcast_in_dim3A_20, %scan3A_125 = %broadcast_in_dim3A_20, %scan3A_126 = %broadcast_in_dim3A_20) -> (vector<1000x64xf32>, vector<1000x64xf32>, vector<1000x64xf32>)  : i32 {
      %min3A = arith.constant 31 : i32
      %min3A_127 = arith.minsi %scan3A_123, %min3A : i32
      %get3A_128 = arith.index_cast %min3A_127 : i32 to index
      %get3A_129 = arith.constant 0 : index
      %get3A_130 = arith.constant 0 : index
      %get3A_131 = vector.load %arg15[%get3A_128, %get3A_129, %get3A_130] : memref<32x1000x192xbf16, #tpu.memory_space<vmem>>, vector<1x1000x192xbf16>
      %get3A_132 = vector.shape_cast %get3A_131 : vector<1x1000x192xbf16> to vector<1000x192xbf16>
      %convert_element_type3A_133 = arith.extf %get3A_132 : vector<1000x192xbf16> to vector<1000x192xf32>
      %convert_element_type3A_134 = arith.truncf %scan3A_124 : vector<1000x64xf32> to vector<1000x64xbf16>
      %get3A_135 = arith.constant 0 : index
      %get3A_136 = arith.constant 0 : index
      %get3A_137 = vector.load %arg5[%get3A_135, %get3A_136] : memref<64x192xbf16, #tpu.memory_space<vmem>>, vector<64x192xbf16>
      %dot_general3A_138 = arith.constant dense<0.000000e+00> : vector<1000x192xf32>
      %dot_general3A_139 = tpu.matmul %convert_element_type3A_134, %get3A_137, %dot_general3A_138 {dimension_numbers = #tpu.dot_dimension_numbers<[1], [0], [0], [1], [0, 0, 1, 1], [], []>, transpose_lhs_hint = false} : vector<1000x64xbf16>, vector<64x192xbf16>, vector<1000x192xf32> -> vector<1000x192xf32>
      %get3A_140 = arith.constant 0 : index
      %get3A_141 = arith.constant 0 : index
      %get3A_142 = vector.load %arg7[%get3A_140, %get3A_141] : memref<1x192xf32, #tpu.memory_space<vmem>>, vector<1x192xf32>
      %add3A_143 = vector.broadcast %get3A_142 : vector<1x192xf32> to vector<1000x192xf32>
      %add3A_144 = arith.addf %dot_general3A_139, %add3A_143 : vector<1000x192xf32>
      %convert_element_type3A_145 = arith.truncf %scan3A_126 : vector<1000x64xf32> to vector<1000x64xbf16>
      %get3A_146 = arith.constant 0 : index
      %get3A_147 = arith.constant 0 : index
      %get3A_148 = vector.load %arg8[%get3A_146, %get3A_147] : memref<64x192xbf16, #tpu.memory_space<vmem>>, vector<64x192xbf16>
      %dot_general3A_149 = arith.constant dense<0.000000e+00> : vector<1000x192xf32>
      %dot_general3A_150 = tpu.matmul %convert_element_type3A_145, %get3A_148, %dot_general3A_149 {dimension_numbers = #tpu.dot_dimension_numbers<[1], [0], [0], [1], [0, 0, 1, 1], [], []>, transpose_lhs_hint = false} : vector<1000x64xbf16>, vector<64x192xbf16>, vector<1000x192xf32> -> vector<1000x192xf32>
      %get3A_151 = arith.constant 0 : index
      %get3A_152 = arith.constant 0 : index
      %get3A_153 = vector.load %arg10[%get3A_151, %get3A_152] : memref<1x192xf32, #tpu.memory_space<vmem>>, vector<1x192xf32>
      %add3A_154 = vector.broadcast %get3A_153 : vector<1x192xf32> to vector<1000x192xf32>
      %add3A_155 = arith.addf %dot_general3A_150, %add3A_154 : vector<1000x192xf32>
      %convert_element_type3A_156 = arith.truncf %scan3A_125 : vector<1000x64xf32> to vector<1000x64xbf16>
      %get3A_157 = arith.constant 0 : index
      %get3A_158 = arith.constant 0 : index
      %get3A_159 = vector.load %arg9[%get3A_157, %get3A_158] : memref<64x192xbf16, #tpu.memory_space<vmem>>, vector<64x192xbf16>
      %dot_general3A_160 = arith.constant dense<0.000000e+00> : vector<1000x192xf32>
      %dot_general3A_161 = tpu.matmul %convert_element_type3A_156, %get3A_159, %dot_general3A_160 {dimension_numbers = #tpu.dot_dimension_numbers<[1], [0], [0], [1], [0, 0, 1, 1], [], []>, transpose_lhs_hint = false} : vector<1000x64xbf16>, vector<64x192xbf16>, vector<1000x192xf32> -> vector<1000x192xf32>
      %get3A_162 = arith.constant 0 : index
      %get3A_163 = arith.constant 0 : index
      %get3A_164 = vector.load %arg11[%get3A_162, %get3A_163] : memref<1x192xf32, #tpu.memory_space<vmem>>, vector<1x192xf32>
      %add3A_165 = vector.broadcast %get3A_164 : vector<1x192xf32> to vector<1000x192xf32>
      %add3A_166 = arith.addf %dot_general3A_161, %add3A_165 : vector<1000x192xf32>
      %lt3A = arith.constant 32 : i32
      %lt3A_167 = arith.cmpi slt, %scan3A_123, %lt3A : i32
      %slice3A = vector.extract_strided_slice %convert_element_type3A_133 {offsets = [0, 0], sizes = [1000, 128], strides = [1, 1]} : vector<1000x192xf32> to vector<1000x128xf32>
      %slice3A_168 = vector.extract_strided_slice %add3A_144 {offsets = [0, 0], sizes = [1000, 128], strides = [1, 1]} : vector<1000x192xf32> to vector<1000x128xf32>
      %add3A_169 = arith.addf %slice3A, %slice3A_168 : vector<1000x128xf32>
      %logistic3A = arith.negf %add3A_169 : vector<1000x128xf32>
      %logistic3A_170 = math.exp %logistic3A : vector<1000x128xf32>
      %logistic3A_171 = arith.constant 1.000000e+00 : f32
      %logistic3A_172 = vector.broadcast %logistic3A_171 : f32 to vector<1000x128xf32>
      %logistic3A_173 = arith.addf %logistic3A_172, %logistic3A_170 : vector<1000x128xf32>
      %logistic3A_174 = arith.divf %logistic3A_172, %logistic3A_173 : vector<1000x128xf32>
      %slice3A_175 = vector.extract_strided_slice %logistic3A_174 {offsets = [0, 0], sizes = [1000, 64], strides = [1, 1]} : vector<1000x128xf32> to vector<1000x64xf32>
      %slice3A_176 = vector.extract_strided_slice %logistic3A_174 {offsets = [0, 64], sizes = [1000, 64], strides = [1, 1]} : vector<1000x128xf32> to vector<1000x64xf32>
      %slice3A_177 = vector.extract_strided_slice %convert_element_type3A_133 {offsets = [0, 128], sizes = [1000, 64], strides = [1, 1]} : vector<1000x192xf32> to vector<1000x64xf32>
      %slice3A_178 = vector.extract_strided_slice %add3A_144 {offsets = [0, 128], sizes = [1000, 64], strides = [1, 1]} : vector<1000x192xf32> to vector<1000x64xf32>
      %mul3A_179 = arith.mulf %slice3A_175, %slice3A_178 : vector<1000x64xf32>
      %add3A_180 = arith.addf %slice3A_177, %mul3A_179 : vector<1000x64xf32>
      %tanh3A = math.tanh %add3A_180 : vector<1000x64xf32>
      %sub3A = arith.constant 1.000000e+00 : f32
      %sub3A_181 = vector.broadcast %sub3A : f32 to vector<1000x64xf32>
      %sub3A_182 = arith.subf %sub3A_181, %slice3A_176 : vector<1000x64xf32>
      %mul3A_183 = arith.mulf %sub3A_182, %tanh3A : vector<1000x64xf32>
      %mul3A_184 = arith.mulf %slice3A_176, %scan3A_124 : vector<1000x64xf32>
      %add3A_185 = arith.addf %mul3A_183, %mul3A_184 : vector<1000x64xf32>
      %select_n3A_186 = arith.select %lt3A_167, %add3A_185, %scan3A_124 : vector<1000x64xf32>
      %ge3A = arith.constant 1 : i32
      %ge3A_187 = arith.cmpi sge, %scan3A_123, %ge3A : i32
      %slice3A_188 = vector.extract_strided_slice %add3A_155 {offsets = [0, 0], sizes = [1000, 128], strides = [1, 1]} : vector<1000x192xf32> to vector<1000x128xf32>
      %slice3A_189 = vector.extract_strided_slice %add3A_166 {offsets = [0, 0], sizes = [1000, 128], strides = [1, 1]} : vector<1000x192xf32> to vector<1000x128xf32>
      %add3A_190 = arith.addf %slice3A_188, %slice3A_189 : vector<1000x128xf32>
      %logistic3A_191 = arith.negf %add3A_190 : vector<1000x128xf32>
      %logistic3A_192 = math.exp %logistic3A_191 : vector<1000x128xf32>
      %logistic3A_193 = arith.constant 1.000000e+00 : f32
      %logistic3A_194 = vector.broadcast %logistic3A_193 : f32 to vector<1000x128xf32>
      %logistic3A_195 = arith.addf %logistic3A_194, %logistic3A_192 : vector<1000x128xf32>
      %logistic3A_196 = arith.divf %logistic3A_194, %logistic3A_195 : vector<1000x128xf32>
      %slice3A_197 = vector.extract_strided_slice %logistic3A_196 {offsets = [0, 0], sizes = [1000, 64], strides = [1, 1]} : vector<1000x128xf32> to vector<1000x64xf32>
      %slice3A_198 = vector.extract_strided_slice %logistic3A_196 {offsets = [0, 64], sizes = [1000, 64], strides = [1, 1]} : vector<1000x128xf32> to vector<1000x64xf32>
      %slice3A_199 = vector.extract_strided_slice %add3A_155 {offsets = [0, 128], sizes = [1000, 64], strides = [1, 1]} : vector<1000x192xf32> to vector<1000x64xf32>
      %slice3A_200 = vector.extract_strided_slice %add3A_166 {offsets = [0, 128], sizes = [1000, 64], strides = [1, 1]} : vector<1000x192xf32> to vector<1000x64xf32>
      %mul3A_201 = arith.mulf %slice3A_197, %slice3A_200 : vector<1000x64xf32>
      %add3A_202 = arith.addf %slice3A_199, %mul3A_201 : vector<1000x64xf32>
      %tanh3A_203 = math.tanh %add3A_202 : vector<1000x64xf32>
      %sub3A_204 = arith.constant 1.000000e+00 : f32
      %sub3A_205 = vector.broadcast %sub3A_204 : f32 to vector<1000x64xf32>
      %sub3A_206 = arith.subf %sub3A_205, %slice3A_198 : vector<1000x64xf32>
      %mul3A_207 = arith.mulf %sub3A_206, %tanh3A_203 : vector<1000x64xf32>
      %mul3A_208 = arith.mulf %slice3A_198, %scan3A_125 : vector<1000x64xf32>
      %add3A_209 = arith.addf %mul3A_207, %mul3A_208 : vector<1000x64xf32>
      %select_n3A_210 = arith.select %ge3A_187, %add3A_209, %scan3A_125 : vector<1000x64xf32>
      scf.yield %select_n3A_186, %select_n3A_210, %select_n3A_186 : vector<1000x64xf32>, vector<1000x64xf32>, vector<1000x64xf32>
    }
    %scan3A_25 = arith.constant 33 : i32
    %concatenate3A = tpu.concatenate %scan3A_24#0, %scan3A_24#1 in 1 : vector<1000x64xf32>, vector<1000x64xf32> -> vector<1000x128xf32>
    %get3A_26 = arith.constant 0 : index
    %get3A_27 = arith.constant 0 : index
    %get3A_28 = vector.load %arg3[%get3A_26, %get3A_27] : memref<1000x1xf32, #tpu.memory_space<vmem>>, vector<1000x1xf32>
    %mul3A_29 = vector.broadcast %get3A_28 : vector<1000x1xf32> to vector<1000x128xf32>
    %mul3A_30 = arith.mulf %concatenate3A, %mul3A_29 : vector<1000x128xf32>
    %swap3A_31 = arith.constant 0 : index
    %swap3A_32 = arith.constant 0 : index
    %swap3A_33 = vector.load %arg13[%swap3A_31, %swap3A_32] : memref<1000x128xf32, #tpu.memory_space<vmem>>, vector<1000x128xf32>
    tpu.vector_store %arg13[%swap3A_31, %swap3A_32], %mul3A_30 {strides = array<i32>} : memref<1000x128xf32, #tpu.memory_space<vmem>>, vector<1000x128xf32>,
    %iota3A = tpu.iota {dimensions = array<i32: 1>} : vector<1000x144xi32>
    %eq3A = arith.constant 128 : i32
    %eq3A_34 = vector.broadcast %eq3A : i32 to vector<1000x144xi32>
    %eq3A_35 = arith.cmpi eq, %iota3A, %eq3A_34 : vector<1000x144xi32>
    %jit3A = arith.constant 1.000000e+00 : f32
    %jit3A_36 = arith.constant 0.000000e+00 : f32
    %broadcast_in_dim3A_37 = vector.broadcast %jit3A : f32 to vector<1000x144xf32>
    %broadcast_in_dim3A_38 = vector.broadcast %jit3A_36 : f32 to vector<1000x144xf32>
    %select_n3A = arith.select %eq3A_35, %broadcast_in_dim3A_37, %broadcast_in_dim3A_38 : vector<1000x144xi1>, vector<1000x144xf32>
    %get3A_39 = arith.constant 0 : index
    %get3A_40 = arith.constant 0 : index
    %get3A_41 = arith.constant 0 : index
    %get3A_42 = vector.load %arg12[%get3A_39, %get3A_40, %get3A_41] : memref<6x128x144xf32, #tpu.memory_space<vmem>>, vector<1x128x144xf32>
    %get3A_43 = vector.shape_cast %get3A_42 : vector<1x128x144xf32> to vector<128x144xf32>
    %dot_general3A_44 = arith.constant dense<0.000000e+00> : vector<1000x144xf32>
    %dot_general3A_45 = tpu.matmul %mul3A_30, %get3A_43, %dot_general3A_44 {dimension_numbers = #tpu.dot_dimension_numbers<[1], [0], [0], [1], [0, 0, 1, 1], [], []>, transpose_lhs_hint = false} : vector<1000x128xf32>, vector<128x144xf32>, vector<1000x144xf32> -> vector<1000x144xf32>
    %add3A_46 = arith.addf %dot_general3A_45, %select_n3A : vector<1000x144xf32>
    %swap3A_47 = arith.constant 0 : index
    %swap3A_48 = arith.constant 0 : index
    %swap3A_49 = arith.constant 0 : index
    %swap3A_50 = vector.load %arg14[%swap3A_47, %swap3A_48, %swap3A_49] : memref<6x1000x144xf32, #tpu.memory_space<vmem>>, vector<1x1000x144xf32>
    %swap3A_51 = vector.shape_cast %swap3A_50 : vector<1x1000x144xf32> to vector<1000x144xf32>
    %swap3A_52 = vector.shape_cast %add3A_46 : vector<1000x144xf32> to vector<1x1000x144xf32>
    tpu.vector_store %arg14[%swap3A_47, %swap3A_48, %swap3A_49], %swap3A_52 {strides = array<i32>} : memref<6x1000x144xf32, #tpu.memory_space<vmem>>, vector<1x1000x144xf32>,
    %get3A_53 = arith.constant 1 : index
    %get3A_54 = arith.constant 0 : index
    %get3A_55 = arith.constant 0 : index
    %get3A_56 = vector.load %arg12[%get3A_53, %get3A_54, %get3A_55] : memref<6x128x144xf32, #tpu.memory_space<vmem>>, vector<1x128x144xf32>
    %get3A_57 = vector.shape_cast %get3A_56 : vector<1x128x144xf32> to vector<128x144xf32>
    %dot_general3A_58 = arith.constant dense<0.000000e+00> : vector<1000x144xf32>
    %dot_general3A_59 = tpu.matmul %mul3A_30, %get3A_57, %dot_general3A_58 {dimension_numbers = #tpu.dot_dimension_numbers<[1], [0], [0], [1], [0, 0, 1, 1], [], []>, transpose_lhs_hint = false} : vector<1000x128xf32>, vector<128x144xf32>, vector<1000x144xf32> -> vector<1000x144xf32>
    %add3A_60 = arith.addf %dot_general3A_59, %select_n3A : vector<1000x144xf32>
    %swap3A_61 = arith.constant 1 : index
    %swap3A_62 = arith.constant 0 : index
    %swap3A_63 = arith.constant 0 : index
    %swap3A_64 = vector.load %arg14[%swap3A_61, %swap3A_62, %swap3A_63] : memref<6x1000x144xf32, #tpu.memory_space<vmem>>, vector<1x1000x144xf32>
    %swap3A_65 = vector.shape_cast %swap3A_64 : vector<1x1000x144xf32> to vector<1000x144xf32>
    %swap3A_66 = vector.shape_cast %add3A_60 : vector<1000x144xf32> to vector<1x1000x144xf32>
    tpu.vector_store %arg14[%swap3A_61, %swap3A_62, %swap3A_63], %swap3A_66 {strides = array<i32>} : memref<6x1000x144xf32, #tpu.memory_space<vmem>>, vector<1x1000x144xf32>,
    %get3A_67 = arith.constant 2 : index
    %get3A_68 = arith.constant 0 : index
    %get3A_69 = arith.constant 0 : index
    %get3A_70 = vector.load %arg12[%get3A_67, %get3A_68, %get3A_69] : memref<6x128x144xf32, #tpu.memory_space<vmem>>, vector<1x128x144xf32>
    %get3A_71 = vector.shape_cast %get3A_70 : vector<1x128x144xf32> to vector<128x144xf32>
    %dot_general3A_72 = arith.constant dense<0.000000e+00> : vector<1000x144xf32>
    %dot_general3A_73 = tpu.matmul %mul3A_30, %get3A_71, %dot_general3A_72 {dimension_numbers = #tpu.dot_dimension_numbers<[1], [0], [0], [1], [0, 0, 1, 1], [], []>, transpose_lhs_hint = false} : vector<1000x128xf32>, vector<128x144xf32>, vector<1000x144xf32> -> vector<1000x144xf32>
    %add3A_74 = arith.addf %dot_general3A_73, %select_n3A : vector<1000x144xf32>
    %swap3A_75 = arith.constant 2 : index
    %swap3A_76 = arith.constant 0 : index
    %swap3A_77 = arith.constant 0 : index
    %swap3A_78 = vector.load %arg14[%swap3A_75, %swap3A_76, %swap3A_77] : memref<6x1000x144xf32, #tpu.memory_space<vmem>>, vector<1x1000x144xf32>
    %swap3A_79 = vector.shape_cast %swap3A_78 : vector<1x1000x144xf32> to vector<1000x144xf32>
    %swap3A_80 = vector.shape_cast %add3A_74 : vector<1000x144xf32> to vector<1x1000x144xf32>
    tpu.vector_store %arg14[%swap3A_75, %swap3A_76, %swap3A_77], %swap3A_80 {strides = array<i32>} : memref<6x1000x144xf32, #tpu.memory_space<vmem>>, vector<1x1000x144xf32>,
    %get3A_81 = arith.constant 3 : index
    %get3A_82 = arith.constant 0 : index
    %get3A_83 = arith.constant 0 : index
    %get3A_84 = vector.load %arg12[%get3A_81, %get3A_82, %get3A_83] : memref<6x128x144xf32, #tpu.memory_space<vmem>>, vector<1x128x144xf32>
    %get3A_85 = vector.shape_cast %get3A_84 : vector<1x128x144xf32> to vector<128x144xf32>
    %dot_general3A_86 = arith.constant dense<0.000000e+00> : vector<1000x144xf32>
    %dot_general3A_87 = tpu.matmul %mul3A_30, %get3A_85, %dot_general3A_86 {dimension_numbers = #tpu.dot_dimension_numbers<[1], [0], [0], [1], [0, 0, 1, 1], [], []>, transpose_lhs_hint = false} : vector<1000x128xf32>, vector<128x144xf32>, vector<1000x144xf32> -> vector<1000x144xf32>
    %add3A_88 = arith.addf %dot_general3A_87, %select_n3A : vector<1000x144xf32>
    %swap3A_89 = arith.constant 3 : index
    %swap3A_90 = arith.constant 0 : index
    %swap3A_91 = arith.constant 0 : index
    %swap3A_92 = vector.load %arg14[%swap3A_89, %swap3A_90, %swap3A_91] : memref<6x1000x144xf32, #tpu.memory_space<vmem>>, vector<1x1000x144xf32>
    %swap3A_93 = vector.shape_cast %swap3A_92 : vector<1x1000x144xf32> to vector<1000x144xf32>
    %swap3A_94 = vector.shape_cast %add3A_88 : vector<1000x144xf32> to vector<1x1000x144xf32>
    tpu.vector_store %arg14[%swap3A_89, %swap3A_90, %swap3A_91], %swap3A_94 {strides = array<i32>} : memref<6x1000x144xf32, #tpu.memory_space<vmem>>, vector<1x1000x144xf32>,
    %get3A_95 = arith.constant 4 : index
    %get3A_96 = arith.constant 0 : index
    %get3A_97 = arith.constant 0 : index
    %get3A_98 = vector.load %arg12[%get3A_95, %get3A_96, %get3A_97] : memref<6x128x144xf32, #tpu.memory_space<vmem>>, vector<1x128x144xf32>
    %get3A_99 = vector.shape_cast %get3A_98 : vector<1x128x144xf32> to vector<128x144xf32>
    %dot_general3A_100 = arith.constant dense<0.000000e+00> : vector<1000x144xf32>
    %dot_general3A_101 = tpu.matmul %mul3A_30, %get3A_99, %dot_general3A_100 {dimension_numbers = #tpu.dot_dimension_numbers<[1], [0], [0], [1], [0, 0, 1, 1], [], []>, transpose_lhs_hint = false} : vector<1000x128xf32>, vector<128x144xf32>, vector<1000x144xf32> -> vector<1000x144xf32>
    %add3A_102 = arith.addf %dot_general3A_101, %select_n3A : vector<1000x144xf32>
    %swap3A_103 = arith.constant 4 : index
    %swap3A_104 = arith.constant 0 : index
    %swap3A_105 = arith.constant 0 : index
    %swap3A_106 = vector.load %arg14[%swap3A_103, %swap3A_104, %swap3A_105] : memref<6x1000x144xf32, #tpu.memory_space<vmem>>, vector<1x1000x144xf32>
    %swap3A_107 = vector.shape_cast %swap3A_106 : vector<1x1000x144xf32> to vector<1000x144xf32>
    %swap3A_108 = vector.shape_cast %add3A_102 : vector<1000x144xf32> to vector<1x1000x144xf32>
    tpu.vector_store %arg14[%swap3A_103, %swap3A_104, %swap3A_105], %swap3A_108 {strides = array<i32>} : memref<6x1000x144xf32, #tpu.memory_space<vmem>>, vector<1x1000x144xf32>,
    %get3A_109 = arith.constant 5 : index
    %get3A_110 = arith.constant 0 : index
    %get3A_111 = arith.constant 0 : index
    %get3A_112 = vector.load %arg12[%get3A_109, %get3A_110, %get3A_111] : memref<6x128x144xf32, #tpu.memory_space<vmem>>, vector<1x128x144xf32>
    %get3A_113 = vector.shape_cast %get3A_112 : vector<1x128x144xf32> to vector<128x144xf32>
    %dot_general3A_114 = arith.constant dense<0.000000e+00> : vector<1000x144xf32>
    %dot_general3A_115 = tpu.matmul %mul3A_30, %get3A_113, %dot_general3A_114 {dimension_numbers = #tpu.dot_dimension_numbers<[1], [0], [0], [1], [0, 0, 1, 1], [], []>, transpose_lhs_hint = false} : vector<1000x128xf32>, vector<128x144xf32>, vector<1000x144xf32> -> vector<1000x144xf32>
    %add3A_116 = arith.addf %dot_general3A_115, %select_n3A : vector<1000x144xf32>
    %swap3A_117 = arith.constant 5 : index
    %swap3A_118 = arith.constant 0 : index
    %swap3A_119 = arith.constant 0 : index
    %swap3A_120 = vector.load %arg14[%swap3A_117, %swap3A_118, %swap3A_119] : memref<6x1000x144xf32, #tpu.memory_space<vmem>>, vector<1x1000x144xf32>
    %swap3A_121 = vector.shape_cast %swap3A_120 : vector<1x1000x144xf32> to vector<1000x144xf32>
    %swap3A_122 = vector.shape_cast %add3A_116 : vector<1000x144xf32> to vector<1x1000x144xf32>
    tpu.vector_store %arg14[%swap3A_117, %swap3A_118, %swap3A_119], %swap3A_122 {strides = array<i32>} : memref<6x1000x144xf32, #tpu.memory_space<vmem>>, vector<1x1000x144xf32>,
    return
  }
  func.func @transform_0(%arg0: i32) -> (i32, i32, i32) {
    %c0_i32 = arith.constant 0 : i32
    %c0_i32_0 = arith.constant 0 : i32
    %c0_i32_1 = arith.constant 0 : i32
    return %c0_i32, %arg0, %c0_i32_0 : i32, i32, i32
  }
  func.func @transform_1(%arg0: i32) -> (i32, i32) {
    %c0_i32 = arith.constant 0 : i32
    %c0_i32_0 = arith.constant 0 : i32
    %c0_i32_1 = arith.constant 0 : i32
    return %c0_i32, %c0_i32_0 : i32, i32
  }
  func.func @transform_2(%arg0: i32) -> (i32, i32) {
    %c0_i32 = arith.constant 0 : i32
    %c0_i32_0 = arith.constant 0 : i32
    return %arg0, %c0_i32 : i32, i32
  }
  func.func @transform_3(%arg0: i32) -> (i32, i32) {
    %c0_i32 = arith.constant 0 : i32
    %c0_i32_0 = arith.constant 0 : i32
    %c0_i32_1 = arith.constant 0 : i32
    return %c0_i32, %c0_i32_0 : i32, i32
  }
  func.func @transform_4(%arg0: i32) -> (i32, i32) {
    %c0_i32 = arith.constant 0 : i32
    %c0_i32_0 = arith.constant 0 : i32
    %c0_i32_1 = arith.constant 0 : i32
    return %c0_i32, %c0_i32_0 : i32, i32
  }
  func.func @transform_5(%arg0: i32) -> (i32, i32) {
    %c0_i32 = arith.constant 0 : i32
    %c0_i32_0 = arith.constant 0 : i32
    %c0_i32_1 = arith.constant 0 : i32
    return %c0_i32, %c0_i32_0 : i32, i32
  }
  func.func @transform_6(%arg0: i32) -> (i32, i32) {
    %c0_i32 = arith.constant 0 : i32
    %c0_i32_0 = arith.constant 0 : i32
    %c0_i32_1 = arith.constant 0 : i32
    return %c0_i32, %c0_i32_0 : i32, i32
  }
  func.func @transform_7(%arg0: i32) -> (i32, i32) {
    %c0_i32 = arith.constant 0 : i32
    %c0_i32_0 = arith.constant 0 : i32
    %c0_i32_1 = arith.constant 0 : i32
    return %c0_i32, %c0_i32_0 : i32, i32
  }
  func.func @transform_8(%arg0: i32) -> (i32, i32) {
    %c0_i32 = arith.constant 0 : i32
    %c0_i32_0 = arith.constant 0 : i32
    %c0_i32_1 = arith.constant 0 : i32
    return %c0_i32, %c0_i32_0 : i32, i32
  }
  func.func @transform_9(%arg0: i32) -> (i32, i32) {
    %c0_i32 = arith.constant 0 : i32
    %c0_i32_0 = arith.constant 0 : i32
    %c0_i32_1 = arith.constant 0 : i32
    return %c0_i32, %c0_i32_0 : i32, i32
  }
  func.func @transform_10(%arg0: i32) -> (i32, i32) {
    %c0_i32 = arith.constant 0 : i32
    %c0_i32_0 = arith.constant 0 : i32
    %c0_i32_1 = arith.constant 0 : i32
    return %c0_i32, %c0_i32_0 : i32, i32
  }
  func.func @transform_11(%arg0: i32) -> (i32, i32, i32) {
    %c0_i32 = arith.constant 0 : i32
    %c0_i32_0 = arith.constant 0 : i32
    %c0_i32_1 = arith.constant 0 : i32
    %c0_i32_2 = arith.constant 0 : i32
    return %c0_i32, %c0_i32_0, %c0_i32_1 : i32, i32, i32
  }
  func.func @transform_12(%arg0: i32) -> (i32, i32) {
    %c0_i32 = arith.constant 0 : i32
    %c0_i32_0 = arith.constant 0 : i32
    return %arg0, %c0_i32 : i32, i32
  }
  func.func @transform_13(%arg0: i32) -> (i32, i32, i32) {
    %c0_i32 = arith.constant 0 : i32
    %c0_i32_0 = arith.constant 0 : i32
    %c0_i32_1 = arith.constant 0 : i32
    return %c0_i32, %arg0, %c0_i32_0 : i32, i32, i32
  }
}

module attributes {stable_mosaic.version = 14 : i64} {
  func.func @_out_body(%arg0: i32, %arg1: memref<2x1000x144xf32, #tpu.memory_space<vmem>>, %arg2: memref<1000x1xi32, #tpu.memory_space<vmem>>, %arg3: memref<1000x128xf32, #tpu.memory_space<vmem>>, %arg4: memref<6x144x128xf32, #tpu.memory_space<vmem>>, %arg5: memref<128x384xf32, #tpu.memory_space<vmem>>, %arg6: memref<128x384xf32, #tpu.memory_space<vmem>>, %arg7: memref<1x384xf32, #tpu.memory_space<vmem>>, %arg8: memref<1x384xf32, #tpu.memory_space<vmem>>, %arg9: memref<1000x128xf32, #tpu.memory_space<vmem>>) attributes {dimension_semantics = [#tpu.dimension_semantics<arbitrary>], iteration_bounds = array<i64: 10>, scalar_prefetch = 0 : i64, scratch_operands = 0 : i64, tpu.core_type = #tpu.core_type<tc>, window_params = [{transform_indices = @transform_0, window_bounds = array<i64: 2, 1000, 144>}, {transform_indices = @transform_1, window_bounds = array<i64: 1000, 1>}, {transform_indices = @transform_2, window_bounds = array<i64: 1000, 128>}, {pipeline_mode = #tpu.pipeline_mode<synchronous>, transform_indices = @transform_3, window_bounds = array<i64: 6, 144, 128>}, {pipeline_mode = #tpu.pipeline_mode<synchronous>, transform_indices = @transform_4, window_bounds = array<i64: 128, 384>}, {pipeline_mode = #tpu.pipeline_mode<synchronous>, transform_indices = @transform_5, window_bounds = array<i64: 128, 384>}, {pipeline_mode = #tpu.pipeline_mode<synchronous>, transform_indices = @transform_6, window_bounds = array<i64: 1, 384>}, {pipeline_mode = #tpu.pipeline_mode<synchronous>, transform_indices = @transform_7, window_bounds = array<i64: 1, 384>}, {transform_indices = @transform_8, window_bounds = array<i64: 1000, 128>}]} {
    %get3A = arith.constant 0 : index
    %get3A_0 = arith.constant 0 : index
    %get3A_1 = arith.constant 0 : index
    %get3A_2 = vector.load %arg1[%get3A, %get3A_0, %get3A_1] : memref<2x1000x144xf32, #tpu.memory_space<vmem>>, vector<1x1000x144xf32>
    %get3A_3 = vector.shape_cast %get3A_2 : vector<1x1000x144xf32> to vector<1000x144xf32>
    %get3A_4 = arith.constant 1 : index
    %get3A_5 = arith.constant 0 : index
    %get3A_6 = arith.constant 0 : index
    %get3A_7 = vector.load %arg1[%get3A_4, %get3A_5, %get3A_6] : memref<2x1000x144xf32, #tpu.memory_space<vmem>>, vector<1x1000x144xf32>
    %get3A_8 = vector.shape_cast %get3A_7 : vector<1x1000x144xf32> to vector<1000x144xf32>
    %add3A = arith.addf %get3A_3, %get3A_8 : vector<1000x144xf32>
    %get3A_9 = arith.constant 0 : index
    %get3A_10 = arith.constant 0 : index
    %get3A_11 = vector.load %arg2[%get3A_9, %get3A_10] : memref<1000x1xi32, #tpu.memory_space<vmem>>, vector<1000x1xi32>
    %broadcast_in_dim3A = arith.constant 0.000000e+00 : f32
    %broadcast_in_dim3A_12 = vector.broadcast %broadcast_in_dim3A : f32 to vector<1000x128xf32>
    %get3A_13 = arith.constant 0 : index
    %get3A_14 = arith.constant 0 : index
    %get3A_15 = arith.constant 0 : index
    %get3A_16 = vector.load %arg4[%get3A_13, %get3A_14, %get3A_15] : memref<6x144x128xf32, #tpu.memory_space<vmem>>, vector<1x144x128xf32>
    %get3A_17 = vector.shape_cast %get3A_16 : vector<1x144x128xf32> to vector<144x128xf32>
    %dot_general3A = arith.constant dense<0.000000e+00> : vector<1000x128xf32>
    %dot_general3A_18 = tpu.matmul %add3A, %get3A_17, %dot_general3A {dimension_numbers = #tpu.dot_dimension_numbers<[1], [0], [0], [1], [0, 0, 1, 1], [], []>, transpose_lhs_hint = false} : vector<1000x144xf32>, vector<144x128xf32>, vector<1000x128xf32> -> vector<1000x128xf32>
    %eq3A = arith.constant 0 : i32
    %eq3A_19 = vector.broadcast %eq3A : i32 to vector<1000x1xi32>
    %eq3A_20 = arith.cmpi eq, %get3A_11, %eq3A_19 : vector<1000x1xi32>
    %convert_element_type3A = arith.extui %eq3A_20 : vector<1000x1xi1> to vector<1000x1xi32>
    %convert_element_type3A_21 = arith.sitofp %convert_element_type3A : vector<1000x1xi32> to vector<1000x1xf32>
    %mul3A = vector.broadcast %convert_element_type3A_21 : vector<1000x1xf32> to vector<1000x128xf32>
    %mul3A_22 = arith.mulf %dot_general3A_18, %mul3A : vector<1000x128xf32>
    %add3A_23 = arith.addf %broadcast_in_dim3A_12, %mul3A_22 : vector<1000x128xf32>
    %get3A_24 = arith.constant 1 : index
    %get3A_25 = arith.constant 0 : index
    %get3A_26 = arith.constant 0 : index
    %get3A_27 = vector.load %arg4[%get3A_24, %get3A_25, %get3A_26] : memref<6x144x128xf32, #tpu.memory_space<vmem>>, vector<1x144x128xf32>
    %get3A_28 = vector.shape_cast %get3A_27 : vector<1x144x128xf32> to vector<144x128xf32>
    %dot_general3A_29 = arith.constant dense<0.000000e+00> : vector<1000x128xf32>
    %dot_general3A_30 = tpu.matmul %add3A, %get3A_28, %dot_general3A_29 {dimension_numbers = #tpu.dot_dimension_numbers<[1], [0], [0], [1], [0, 0, 1, 1], [], []>, transpose_lhs_hint = false} : vector<1000x144xf32>, vector<144x128xf32>, vector<1000x128xf32> -> vector<1000x128xf32>
    %eq3A_31 = arith.constant 1 : i32
    %eq3A_32 = vector.broadcast %eq3A_31 : i32 to vector<1000x1xi32>
    %eq3A_33 = arith.cmpi eq, %get3A_11, %eq3A_32 : vector<1000x1xi32>
    %convert_element_type3A_34 = arith.extui %eq3A_33 : vector<1000x1xi1> to vector<1000x1xi32>
    %convert_element_type3A_35 = arith.sitofp %convert_element_type3A_34 : vector<1000x1xi32> to vector<1000x1xf32>
    %mul3A_36 = vector.broadcast %convert_element_type3A_35 : vector<1000x1xf32> to vector<1000x128xf32>
    %mul3A_37 = arith.mulf %dot_general3A_30, %mul3A_36 : vector<1000x128xf32>
    %add3A_38 = arith.addf %add3A_23, %mul3A_37 : vector<1000x128xf32>
    %get3A_39 = arith.constant 2 : index
    %get3A_40 = arith.constant 0 : index
    %get3A_41 = arith.constant 0 : index
    %get3A_42 = vector.load %arg4[%get3A_39, %get3A_40, %get3A_41] : memref<6x144x128xf32, #tpu.memory_space<vmem>>, vector<1x144x128xf32>
    %get3A_43 = vector.shape_cast %get3A_42 : vector<1x144x128xf32> to vector<144x128xf32>
    %dot_general3A_44 = arith.constant dense<0.000000e+00> : vector<1000x128xf32>
    %dot_general3A_45 = tpu.matmul %add3A, %get3A_43, %dot_general3A_44 {dimension_numbers = #tpu.dot_dimension_numbers<[1], [0], [0], [1], [0, 0, 1, 1], [], []>, transpose_lhs_hint = false} : vector<1000x144xf32>, vector<144x128xf32>, vector<1000x128xf32> -> vector<1000x128xf32>
    %eq3A_46 = arith.constant 2 : i32
    %eq3A_47 = vector.broadcast %eq3A_46 : i32 to vector<1000x1xi32>
    %eq3A_48 = arith.cmpi eq, %get3A_11, %eq3A_47 : vector<1000x1xi32>
    %convert_element_type3A_49 = arith.extui %eq3A_48 : vector<1000x1xi1> to vector<1000x1xi32>
    %convert_element_type3A_50 = arith.sitofp %convert_element_type3A_49 : vector<1000x1xi32> to vector<1000x1xf32>
    %mul3A_51 = vector.broadcast %convert_element_type3A_50 : vector<1000x1xf32> to vector<1000x128xf32>
    %mul3A_52 = arith.mulf %dot_general3A_45, %mul3A_51 : vector<1000x128xf32>
    %add3A_53 = arith.addf %add3A_38, %mul3A_52 : vector<1000x128xf32>
    %get3A_54 = arith.constant 3 : index
    %get3A_55 = arith.constant 0 : index
    %get3A_56 = arith.constant 0 : index
    %get3A_57 = vector.load %arg4[%get3A_54, %get3A_55, %get3A_56] : memref<6x144x128xf32, #tpu.memory_space<vmem>>, vector<1x144x128xf32>
    %get3A_58 = vector.shape_cast %get3A_57 : vector<1x144x128xf32> to vector<144x128xf32>
    %dot_general3A_59 = arith.constant dense<0.000000e+00> : vector<1000x128xf32>
    %dot_general3A_60 = tpu.matmul %add3A, %get3A_58, %dot_general3A_59 {dimension_numbers = #tpu.dot_dimension_numbers<[1], [0], [0], [1], [0, 0, 1, 1], [], []>, transpose_lhs_hint = false} : vector<1000x144xf32>, vector<144x128xf32>, vector<1000x128xf32> -> vector<1000x128xf32>
    %eq3A_61 = arith.constant 3 : i32
    %eq3A_62 = vector.broadcast %eq3A_61 : i32 to vector<1000x1xi32>
    %eq3A_63 = arith.cmpi eq, %get3A_11, %eq3A_62 : vector<1000x1xi32>
    %convert_element_type3A_64 = arith.extui %eq3A_63 : vector<1000x1xi1> to vector<1000x1xi32>
    %convert_element_type3A_65 = arith.sitofp %convert_element_type3A_64 : vector<1000x1xi32> to vector<1000x1xf32>
    %mul3A_66 = vector.broadcast %convert_element_type3A_65 : vector<1000x1xf32> to vector<1000x128xf32>
    %mul3A_67 = arith.mulf %dot_general3A_60, %mul3A_66 : vector<1000x128xf32>
    %add3A_68 = arith.addf %add3A_53, %mul3A_67 : vector<1000x128xf32>
    %get3A_69 = arith.constant 4 : index
    %get3A_70 = arith.constant 0 : index
    %get3A_71 = arith.constant 0 : index
    %get3A_72 = vector.load %arg4[%get3A_69, %get3A_70, %get3A_71] : memref<6x144x128xf32, #tpu.memory_space<vmem>>, vector<1x144x128xf32>
    %get3A_73 = vector.shape_cast %get3A_72 : vector<1x144x128xf32> to vector<144x128xf32>
    %dot_general3A_74 = arith.constant dense<0.000000e+00> : vector<1000x128xf32>
    %dot_general3A_75 = tpu.matmul %add3A, %get3A_73, %dot_general3A_74 {dimension_numbers = #tpu.dot_dimension_numbers<[1], [0], [0], [1], [0, 0, 1, 1], [], []>, transpose_lhs_hint = false} : vector<1000x144xf32>, vector<144x128xf32>, vector<1000x128xf32> -> vector<1000x128xf32>
    %eq3A_76 = arith.constant 4 : i32
    %eq3A_77 = vector.broadcast %eq3A_76 : i32 to vector<1000x1xi32>
    %eq3A_78 = arith.cmpi eq, %get3A_11, %eq3A_77 : vector<1000x1xi32>
    %convert_element_type3A_79 = arith.extui %eq3A_78 : vector<1000x1xi1> to vector<1000x1xi32>
    %convert_element_type3A_80 = arith.sitofp %convert_element_type3A_79 : vector<1000x1xi32> to vector<1000x1xf32>
    %mul3A_81 = vector.broadcast %convert_element_type3A_80 : vector<1000x1xf32> to vector<1000x128xf32>
    %mul3A_82 = arith.mulf %dot_general3A_75, %mul3A_81 : vector<1000x128xf32>
    %add3A_83 = arith.addf %add3A_68, %mul3A_82 : vector<1000x128xf32>
    %get3A_84 = arith.constant 5 : index
    %get3A_85 = arith.constant 0 : index
    %get3A_86 = arith.constant 0 : index
    %get3A_87 = vector.load %arg4[%get3A_84, %get3A_85, %get3A_86] : memref<6x144x128xf32, #tpu.memory_space<vmem>>, vector<1x144x128xf32>
    %get3A_88 = vector.shape_cast %get3A_87 : vector<1x144x128xf32> to vector<144x128xf32>
    %dot_general3A_89 = arith.constant dense<0.000000e+00> : vector<1000x128xf32>
    %dot_general3A_90 = tpu.matmul %add3A, %get3A_88, %dot_general3A_89 {dimension_numbers = #tpu.dot_dimension_numbers<[1], [0], [0], [1], [0, 0, 1, 1], [], []>, transpose_lhs_hint = false} : vector<1000x144xf32>, vector<144x128xf32>, vector<1000x128xf32> -> vector<1000x128xf32>
    %eq3A_91 = arith.constant 5 : i32
    %eq3A_92 = vector.broadcast %eq3A_91 : i32 to vector<1000x1xi32>
    %eq3A_93 = arith.cmpi eq, %get3A_11, %eq3A_92 : vector<1000x1xi32>
    %convert_element_type3A_94 = arith.extui %eq3A_93 : vector<1000x1xi1> to vector<1000x1xi32>
    %convert_element_type3A_95 = arith.sitofp %convert_element_type3A_94 : vector<1000x1xi32> to vector<1000x1xf32>
    %mul3A_96 = vector.broadcast %convert_element_type3A_95 : vector<1000x1xf32> to vector<1000x128xf32>
    %mul3A_97 = arith.mulf %dot_general3A_90, %mul3A_96 : vector<1000x128xf32>
    %add3A_98 = arith.addf %add3A_83, %mul3A_97 : vector<1000x128xf32>
    %get3A_99 = arith.constant 0 : index
    %get3A_100 = arith.constant 0 : index
    %get3A_101 = vector.load %arg3[%get3A_99, %get3A_100] : memref<1000x128xf32, #tpu.memory_space<vmem>>, vector<1000x128xf32>
    %get3A_102 = arith.constant 0 : index
    %get3A_103 = arith.constant 0 : index
    %get3A_104 = vector.load %arg5[%get3A_102, %get3A_103] : memref<128x384xf32, #tpu.memory_space<vmem>>, vector<128x384xf32>
    %dot_general3A_105 = arith.constant dense<0.000000e+00> : vector<1000x384xf32>
    %dot_general3A_106 = tpu.matmul %add3A_98, %get3A_104, %dot_general3A_105 {dimension_numbers = #tpu.dot_dimension_numbers<[1], [0], [0], [1], [0, 0, 1, 1], [], []>, transpose_lhs_hint = false} : vector<1000x128xf32>, vector<128x384xf32>, vector<1000x384xf32> -> vector<1000x384xf32>
    %get3A_107 = arith.constant 0 : index
    %get3A_108 = arith.constant 0 : index
    %get3A_109 = vector.load %arg7[%get3A_107, %get3A_108] : memref<1x384xf32, #tpu.memory_space<vmem>>, vector<1x384xf32>
    %add3A_110 = vector.broadcast %get3A_109 : vector<1x384xf32> to vector<1000x384xf32>
    %add3A_111 = arith.addf %dot_general3A_106, %add3A_110 : vector<1000x384xf32>
    %get3A_112 = arith.constant 0 : index
    %get3A_113 = arith.constant 0 : index
    %get3A_114 = vector.load %arg6[%get3A_112, %get3A_113] : memref<128x384xf32, #tpu.memory_space<vmem>>, vector<128x384xf32>
    %dot_general3A_115 = arith.constant dense<0.000000e+00> : vector<1000x384xf32>
    %dot_general3A_116 = tpu.matmul %get3A_101, %get3A_114, %dot_general3A_115 {dimension_numbers = #tpu.dot_dimension_numbers<[1], [0], [0], [1], [0, 0, 1, 1], [], []>, transpose_lhs_hint = false} : vector<1000x128xf32>, vector<128x384xf32>, vector<1000x384xf32> -> vector<1000x384xf32>
    %get3A_117 = arith.constant 0 : index
    %get3A_118 = arith.constant 0 : index
    %get3A_119 = vector.load %arg8[%get3A_117, %get3A_118] : memref<1x384xf32, #tpu.memory_space<vmem>>, vector<1x384xf32>
    %add3A_120 = vector.broadcast %get3A_119 : vector<1x384xf32> to vector<1000x384xf32>
    %add3A_121 = arith.addf %dot_general3A_116, %add3A_120 : vector<1000x384xf32>
    %slice3A = vector.extract_strided_slice %add3A_111 {offsets = [0, 0], sizes = [1000, 256], strides = [1, 1]} : vector<1000x384xf32> to vector<1000x256xf32>
    %slice3A_122 = vector.extract_strided_slice %add3A_121 {offsets = [0, 0], sizes = [1000, 256], strides = [1, 1]} : vector<1000x384xf32> to vector<1000x256xf32>
    %add3A_123 = arith.addf %slice3A, %slice3A_122 : vector<1000x256xf32>
    %logistic3A = arith.negf %add3A_123 : vector<1000x256xf32>
    %logistic3A_124 = math.exp %logistic3A : vector<1000x256xf32>
    %logistic3A_125 = arith.constant 1.000000e+00 : f32
    %logistic3A_126 = vector.broadcast %logistic3A_125 : f32 to vector<1000x256xf32>
    %logistic3A_127 = arith.addf %logistic3A_126, %logistic3A_124 : vector<1000x256xf32>
    %logistic3A_128 = arith.divf %logistic3A_126, %logistic3A_127 : vector<1000x256xf32>
    %slice3A_129 = vector.extract_strided_slice %logistic3A_128 {offsets = [0, 0], sizes = [1000, 128], strides = [1, 1]} : vector<1000x256xf32> to vector<1000x128xf32>
    %slice3A_130 = vector.extract_strided_slice %logistic3A_128 {offsets = [0, 128], sizes = [1000, 128], strides = [1, 1]} : vector<1000x256xf32> to vector<1000x128xf32>
    %slice3A_131 = vector.extract_strided_slice %add3A_111 {offsets = [0, 256], sizes = [1000, 128], strides = [1, 1]} : vector<1000x384xf32> to vector<1000x128xf32>
    %slice3A_132 = vector.extract_strided_slice %add3A_121 {offsets = [0, 256], sizes = [1000, 128], strides = [1, 1]} : vector<1000x384xf32> to vector<1000x128xf32>
    %mul3A_133 = arith.mulf %slice3A_129, %slice3A_132 : vector<1000x128xf32>
    %add3A_134 = arith.addf %slice3A_131, %mul3A_133 : vector<1000x128xf32>
    %tanh3A = math.tanh %add3A_134 : vector<1000x128xf32>
    %sub3A = arith.constant 1.000000e+00 : f32
    %sub3A_135 = vector.broadcast %sub3A : f32 to vector<1000x128xf32>
    %sub3A_136 = arith.subf %sub3A_135, %slice3A_130 : vector<1000x128xf32>
    %mul3A_137 = arith.mulf %sub3A_136, %tanh3A : vector<1000x128xf32>
    %mul3A_138 = arith.mulf %slice3A_130, %get3A_101 : vector<1000x128xf32>
    %add3A_139 = arith.addf %mul3A_137, %mul3A_138 : vector<1000x128xf32>
    %swap3A = arith.constant 0 : index
    %swap3A_140 = arith.constant 0 : index
    %swap3A_141 = vector.load %arg9[%swap3A, %swap3A_140] : memref<1000x128xf32, #tpu.memory_space<vmem>>, vector<1000x128xf32>
    tpu.vector_store %arg9[%swap3A, %swap3A_140], %add3A_139 {strides = array<i32>} : memref<1000x128xf32, #tpu.memory_space<vmem>>, vector<1000x128xf32>,
    return
  }
  func.func @transform_0(%arg0: i32) -> (i32, i32, i32) {
    %c0_i32 = arith.constant 0 : i32
    %c0_i32_0 = arith.constant 0 : i32
    %c0_i32_1 = arith.constant 0 : i32
    return %c0_i32, %arg0, %c0_i32_0 : i32, i32, i32
  }
  func.func @transform_1(%arg0: i32) -> (i32, i32) {
    %c0_i32 = arith.constant 0 : i32
    %c0_i32_0 = arith.constant 0 : i32
    return %arg0, %c0_i32 : i32, i32
  }
  func.func @transform_2(%arg0: i32) -> (i32, i32) {
    %c0_i32 = arith.constant 0 : i32
    %c0_i32_0 = arith.constant 0 : i32
    return %arg0, %c0_i32 : i32, i32
  }
  func.func @transform_3(%arg0: i32) -> (i32, i32, i32) {
    %c0_i32 = arith.constant 0 : i32
    %c0_i32_0 = arith.constant 0 : i32
    %c0_i32_1 = arith.constant 0 : i32
    %c0_i32_2 = arith.constant 0 : i32
    return %c0_i32, %c0_i32_0, %c0_i32_1 : i32, i32, i32
  }
  func.func @transform_4(%arg0: i32) -> (i32, i32) {
    %c0_i32 = arith.constant 0 : i32
    %c0_i32_0 = arith.constant 0 : i32
    %c0_i32_1 = arith.constant 0 : i32
    return %c0_i32, %c0_i32_0 : i32, i32
  }
  func.func @transform_5(%arg0: i32) -> (i32, i32) {
    %c0_i32 = arith.constant 0 : i32
    %c0_i32_0 = arith.constant 0 : i32
    %c0_i32_1 = arith.constant 0 : i32
    return %c0_i32, %c0_i32_0 : i32, i32
  }
  func.func @transform_6(%arg0: i32) -> (i32, i32) {
    %c0_i32 = arith.constant 0 : i32
    %c0_i32_0 = arith.constant 0 : i32
    %c0_i32_1 = arith.constant 0 : i32
    return %c0_i32, %c0_i32_0 : i32, i32
  }
  func.func @transform_7(%arg0: i32) -> (i32, i32) {
    %c0_i32 = arith.constant 0 : i32
    %c0_i32_0 = arith.constant 0 : i32
    %c0_i32_1 = arith.constant 0 : i32
    return %c0_i32, %c0_i32_0 : i32, i32
  }
  func.func @transform_8(%arg0: i32) -> (i32, i32) {
    %c0_i32 = arith.constant 0 : i32
    %c0_i32_0 = arith.constant 0 : i32
    return %arg0, %c0_i32 : i32, i32
  }
}

</mosaic_0001>

<sc_bundles>
// kernel: kernel.10.cloned.1.call-start
scs
__scs_entry_jumppad:
0x0: {  	(pc) =	sbr.rel $0x88, $3  }
0x1: {  	(tag) =	ssettag $0x0;
	lr =	simm.s32 $0x1  }
0x2: {  	[smem:$0x3F6C] =	sst lr;
	_ =	strace $0xD0000000  }
0x3: {  	_ = 	snop  }
0x4: {  	_ = 	snop  }
0x5: {  	_ = 	snop  }
0x6: {  	_ = 	snop  }
0x7: {  	_ = 	snop  }
__scs_overlays_trampoline_lowered:
0x8: {  	[smem:$0x3F7B] =	sst s0  }
0x9: {  	[smem:$0x3F7C] =	sst s1  }
0xa: {  	[smem:$0x3F7D] =	sst s2  }
0xb: {  	[smem:$0x3F7E] =	sst s3  }
0xc: {  	[smem:$0x3F7F] =	sst s4  }
0xd: {  	[smem:$0x3F80] =	sst s5  }
0xe: {  	[smem:$0x3F81] =	sst s6  }
0xf: {  	[smem:$0x3F82] =	sst s7  }
0x10: {  	[smem:$0x3F83] =	sst s8  }
0x11: {  	[smem:$0x3F84] =	sst s9;
	s0 =	simm.s32 @!p0 $0x0  }
0x12: {  	s1 =	sld [smem:$0x3F6A];
	s0 =	simm.s32 @p0 $0x1  }
0x13: {  	[smem:$0x3F85] =	sst s0;
	s0 =	simm.s32 @!p1 $0x0  }
0x14: {  	s2 =	sld [smem:$0x3F69];
	s0 =	simm.s32 @p1 $0x1  }
0x15: {  	[smem:$0x3F86] =	sst s0;
	s0 =	simm.s32 @!p2 $0x0  }
0x16: {  	s3 =	sld [smem:$0x3FDB];
	s0 =	simm.s32 @p2 $0x1  }
0x17: {  	s4 =	simm.s32 $0x1BF5;
	[smem:$0x3F88] =	sst s0  }
0x18: {  	s0 =	sld [smem:$0x3F6B];
	_ =	swait.ge [sflag:s4], $0x0  }
0x19: {  	s7 =	sld [smem:$0x3F6C]  }
0x1a: {  	s8 =	sadd.s32 $0xFFFFE003, lr  }
0x1b: {  	s9 =	sadd.s32 $0xFFFFFEF7, lr;
	s5 =	simm.s32 $0xFFFFFFFF;
	p2 =	slt.u32 s8, $0xFFFFF086  }
0x1c: {  	p1 =	slt.u32 s9, $0xF7A;
	s5 =	simm.s32 @!p2 $0x0  }
0x1d: {  	s5 =	simm.s32 @p1 $0x1;
	p0 =	seq.s32 s7, s2  }
0x1e: {  	s7 =	smul.u32 @!p0 $0xF7A, s2;
	p2 =	seq.s32 @!p0 s5, $0x0  }
0x1f: {  	s9 =	smul.u32 $0xF7A, s1;
	s8 =	simm.s32 @!p0 $0x1BF5;
	p2 =	por !p2, p0  }
0x20: {  	[sflag:s8] =	ssyncset.s32 @!p0 $0xFFFFF086;
	s6 =	sadd.s32 @!p0 s3, s7;
	s7 =	simm.s32 @!p0 $0x108  }
0x21: {  	s3 =	sadd.s32 s3, s9;
	s6 =	sadd.s32 @!p0 $0x88, s6;
	s7 =	simm.s32 @p2 $0x1082  }
0x22: {  	[simem:s7], [sflag:s8] =	dma.local @!p0 [hbm:s6], $0xF7A  }
0x23: {  	s9 =	sor.u32 $0xD0000000, s2;
	s6 =	simm.s32 $0x108;
	_ =	swait.ge @!p0 [sflag:s8], $0x0  }
0x24: {  	s3 =	sadd.s32 $0x88, s3;
	s6 =	simm.s32 @!p1 $0x1082;
	[sflag:s4] =	ssyncset.s32 $0xFFFFF086  }
0x25: {  	[simem:s6], [sflag:s4] =	dma.local [hbm:s3], $0xF7A  }
0x26: {  	[smem:$0x3F6C] =	sst s1;
	(tag) =	ssettag s2;
	_ =	strace s9  }
0x27: {  	s1 =	sld [smem:$0x3F7C]  }
0x28: {  	s2 =	sld [smem:$0x3F7D]  }
0x29: {  	s4 =	sld [smem:$0x3F7F]  }
0x2a: {  	p0 =	seq.s32 s5, $0x0;
	s5 =	sld [smem:$0x3F80]  }
0x2b: {  	s6 =	sld [smem:$0x3F81]  }
0x2c: {  	s7 =	sld [smem:$0x3F82]  }
0x2d: {  	s3 =	simm.s32 $0x108;
	s8 =	sld [smem:$0x3F83]  }
0x2e: {  	s3 =	simm.s32 @!p0 $0x1082;
	s9 =	sld [smem:$0x3F84]  }
0x2f: {  	lr =	sadd.s32 s0, s3;
	s0 =	sld [smem:$0x3F7B]  }
0x30: {  	s3 =	sld [smem:$0x3F7E]  }
0x31: {  	[smem:$0x3F87] =	sst s10  }
0x32: {  	s10 =	sld [smem:$0x3F85];
	_ =	sdelay $0x3  }
0x33: {  	p0 =	seq.s32 s10, $0x1;
	s10 =	sld [smem:$0x3F87];
	_ =	sdelay $0x3  }
0x34: {  	[smem:$0x3F87] =	sst s10  }
0x35: {  	s10 =	sld [smem:$0x3F86];
	_ =	sdelay $0x3  }
0x36: {  	p1 =	seq.s32 s10, $0x1;
	s10 =	sld [smem:$0x3F87];
	_ =	sdelay $0x3  }
0x37: {  	[smem:$0x3F87] =	sst s10  }
0x38: {  	s10 =	sld [smem:$0x3F88]  }
0x39: {  	_ = 	snop;
	(pc) =	sbr.ind lr, $3  }
0x3a: {  	_ = 	snop  }
0x3b: {  	_ = 	snop  }
0x3c: {  	p2 =	seq.s32 s10, $0x1;
	s10 =	sld [smem:$0x3F87]  }
0x3d: {  	_ =	shalt  }
0x3e: {  	_ =	shalt  }
0x3f: {  	_ =	shalt  }
0x40: {  	_ =	shalt  }
0x41: {  	_ =	shalt  }
0x42: {  	_ =	shalt  }
0x43: {  	_ =	shalt  }
0x44: {  	_ =	shalt  }
0x45: {  	_ =	shalt  }
0x46: {  	_ =	shalt  }
0x47: {  	_ =	shalt  }
0x48: {  	_ =	shalt  }
0x49: {  	_ =	shalt  }
0x4a: {  	_ =	shalt  }
0x4b: {  	_ =	shalt  }
0x4c: {  	_ =	shalt  }
0x4d: {  	_ =	shalt  }
0x4e: {  	_ =	shalt  }
0x4f: {  	_ =	shalt  }
0x50: {  	_ =	shalt  }
0x51: {  	_ =	shalt  }
0x52: {  	_ =	shalt  }
0x53: {  	_ =	shalt  }
0x54: {  	_ =	shalt  }
0x55: {  	_ =	shalt  }
0x56: {  	_ =	shalt  }
0x57: {  	_ =	shalt  }
0x58: {  	_ =	shalt  }
0x59: {  	_ =	shalt  }
0x5a: {  	_ =	shalt  }
0x5b: {  	_ =	shalt  }
0x5c: {  	_ =	shalt  }
0x5d: {  	_ =	shalt  }
0x5e: {  	_ =	shalt  }
0x5f: {  	_ =	shalt  }
0x60: {  	_ =	shalt  }
0x61: {  	_ =	shalt  }
0x62: {  	_ =	shalt  }
0x63: {  	_ =	shalt  }
0x64: {  	_ =	shalt  }
0x65: {  	_ =	shalt  }
0x66: {  	_ =	shalt  }
0x67: {  	_ =	shalt  }
0x68: {  	_ =	shalt  }
0x69: {  	_ =	shalt  }
0x6a: {  	_ =	shalt  }
0x6b: {  	_ =	shalt  }
0x6c: {  	_ =	shalt  }
0x6d: {  	_ =	shalt  }
0x6e: {  	_ =	shalt  }
0x6f: {  	_ =	shalt  }
0x70: {  	_ =	shalt  }
0x71: {  	_ =	shalt  }
0x72: {  	_ =	shalt  }
0x73: {  	_ =	shalt  }
0x74: {  	_ =	shalt  }
0x75: {  	_ =	shalt  }
0x76: {  	_ =	shalt  }
0x77: {  	_ =	shalt  }
0x78: {  	_ =	shalt  }
0x79: {  	_ =	shalt  }
0x7a: {  	_ =	shalt  }
0x7b: {  	_ =	shalt  }
0x7c: {  	_ =	shalt  }
0x7d: {  	_ =	shalt  }
0x7e: {  	_ =	shalt  }
0x7f: {  	_ =	shalt  }
0x80: {  	_ =	shalt  }
0x81: {  	_ =	shalt  }
0x82: {  	_ =	shalt  }
0x83: {  	_ =	shalt  }
0x84: {  	_ =	shalt  }
0x85: {  	_ =	shalt  }
0x86: {  	_ =	shalt  }
0x87: {  	_ =	shalt  }
.Lfunc_end0:
.L_simem_size_0:
called_computation.1_lowered:
.L_overlay_start_0:
0x88: {  	s2 =	sld [smem:$0x3FD9]  }
0x89: {  	s3 =	sld [smem:$0x3FFE];
	_ =	sdelay $0x1  }
0x8a: {  	s1 =	srdreg.scid  }
0x8b: {  	s0 =	sand.u32 $0x1, s1  }
0x8c: {  	s16 =	sshll.u32 s0, $0xA;
	s2 =	sadd.s32 s3, s2  }
0x8d: {  	s2 =	sadd.s32 s2, s16  }
0x8e: {  	[smem:$0x3F93] =	sst s2  }
0x8f: {  	_ = 	snop  }
0x90: {  	(tm) =	ssettm $0x1  }
0x91: {  	s17 =	sld [smem:$0x3FFB];
	_ =	sdelay $0x3  }
0x92: {  	_ =	strace s17  }
0x93: {  	s2 =	sld [smem:$0x3FFC];
	_ =	sdelay $0x3  }
0x94: {  	_ =	strace s2  }
0x95: {  	s2 =	sld [smem:$0x3FFD];
	_ =	sdelay $0x3  }
0x96: {  	_ =	strace s2  }
0x97: {  	_ =	strace $0x8FFFFFFF  }
0x98: {  	s18 =	sld [smem:$0x3FDB];
	_ =	sdelay $0x1  }
0x99: {  	s19 =	simm.s32 $_scs_section_size  }
0x9a: {  	s4 =	simm.s32 $_size__tile_overlayer_lowered;
	s5 =	simm.s32 $_tile_overlayer_lowered  }
0x9b: {  	s22 =	simm.s32 $0x1BFF;
	s21 =	sshll.u32 s5, $0x1;
	s2 =	sadd.s32 s19, s18  }
0x9c: {  	s6 =	simm.s32 $0x0;
	s20 =	sshll.u32 s4, $0x1;
	s4 =	sadd.s32 s21, s2  }
0x9d: {  	[timem:s6], [sflag:s22] =	dma.local [hbm:s4], s20  }
0x9e: {  	_ =	swait.ge [sflag:s22], s20  }
0x9f: {  	s3 =	ssub.s32 $0x0, s20;
	[sflag:s22] =	ssyncset.done $0x0  }
0xa0: {  	[sflag:s22] =	ssyncadd.s32 s3;
	_ =	sdelay $0x1  }
0xa1: {  	s23 =	simm.s32 $0x1B8B  }
0xa2: {  	_ =	swait.ge [sflag:s23], $0x1  }
0xa3: {  	[sflag:s23] =	ssyncset.done $0x0  }
0xa4: {  	s25 =	simm.s32 $0x1B8E;
	s24 =	sld [smem:$0x3FFE];
	[sflag:s23] =	ssyncadd.s32 $0xFFFFFFFF  }
0xa5: {  	s26 =	simm.s32 $execute0_lowered;
	[smem:$0x3FD2] =	sst s25  }
0xa6: {  	s4 =	sshll.u32 s26, $0x1;
	_ =	strace $0x80000049;
	[dreg:$0x1] =	wrdreg $0xFFFFFFFF  }
0xa7: {  	s28 =	simm.s32 $_size_execute0_lowered;
	s2 =	sadd.s32 s2, s4;
	[dreg:$0x0] =	wrdreg $0x0  }
0xa8: {  	s4 =	sshll.u32 s28, $0x1;
	[dreg:$0x2] =	wrdreg s2  }
0xa9: {  	[dreg:$0x3] =	wrdreg s4  }
0xaa: {  	[dreg:$0x4] =	wrdreg $0xC0  }
0xab: {  	_ =	task [dreg:s6], $0x5FFFF  }
0xac: {  	[dreg:$0x1] =	wrdreg $0xFFFFFFFF  }
0xad: {  	[dreg:$0x0] =	wrdreg $0x60  }
0xae: {  	[dreg:$0x2] =	wrdreg s24  }
0xaf: {  	[dreg:$0x3] =	wrdreg $0x0  }
0xb0: {  	[dreg:$0x4] =	wrdreg $0x9  }
0xb1: {  	_ =	task.clear_ibuf [dreg:s6], $0x5FFFF;
	_ =	strace $0x90000049  }
0xb2: {  	s29 =	simm.s32 $0x9;
	_ =	strace $0x8000004B  }
0xb3: {  	_ =	swait.ge [sflag:s29], $0x1  }
0xb4: {  	[sflag:s29] =	ssyncadd.s32 $0xFFFFFFFF  }
0xb5: {  	_ =	strace $0x9000004B  }
0xb6: {  	_ =	sfence  }
0xb7: {  	s30 =	sld [smem:$0x0];
	_ =	sdelay $0x2  }
0xb8: {  	s31 =	sshll.u32 s1, $0xD;
	s1 =	sshrl.u32 s1, $0x2  }
0xb9: {  	s3 =	sand.u32 $0x4000, s31;
	s1 =	sadd.s32 s1, s30  }
0xba: {  	s0 =	sor.u32 s3, s0;
	s1 =	sshll.u32 s1, $0x11  }
0xbb: {  	s0 =	sor.u32 s1, s0  }
0xbc: {  	s0 =	sadd.s32 $0x8F2B, s0  }
0xbd: {  	[sflag:s0] =	ssyncadd.remote.s32 $0x1  }
0xbe: {  	_ =	sfence.sel $0xFFFF  }
0xbf: {  	[dreg:$0x0] =	wrdreg $0xFFFFFFFF;
	(pc) =	sbr.abs _section_cstart, $3  }
0xc0: {  	[dreg:$0x1] =	wrdreg $0xFFFFFFFF  }
0xc1: {  	_ =	task.clear_ibuf [dreg:s6], $0x2FFFF;
	_ =	strace $0x9FFFFFFF  }
0xc2: {  	(tm) =	ssettm $0x7FFFFFFF  }
0xc3: {  	_ =	shalt  }
tec
execute0_lowered:
.L_overlay_start_1:
0x0: {  	(tag) =	ssettag $0x1  }
0x1: {  	s0 =	rddreg [dreg:$0x0]  }
0x2: {  	s2 =	rddreg [dreg:$0x1];
	s1 =	srdreg.scid  }
0x3: {  	s11 =	stileid.u32;
	s3 =	simm.s32 $0x0;
	s28 =	simm.s32 $0x3  }
0x4: {  	s29 =	simm.s32 $0x15F90;
	s30 =	simm.s32 $0x40;
	s7 =	smul.u32 $0x15F90, s11  }
0x5: {  	s31 =	simm.s32 $0x16050;
	s1 =	sand.u32 $0x1, s1;
	s9 =	smul.u32 $0x57E40, s11  }
0x6: {  	[smem:$0x7FF] =	sst s3;
	s4 =	sadd.s32 $0x72400, s0;
	s18 =	smul.u32 $0x58, s11  }
0x7: {  	s5 =	sadd.s32 $0x70C00, s0;
	s11 =	smul.u32 $0xE8, s11;
	s9 =	sshrl.u32 s9, $0x2  }
0x8: {  	s6 =	smul.u32 $0x15F900, s1;
	_ =	strace $0x8000004A;
	s9 =	sadd.s32 s9, s2  }
0x9: {  	s10 =	ssub.s32 $0x2, s1;
	p0 =	seq.s32 s1, $0x0;
	s12 =	sadd.s32 $0x2400, s9  }
0xa: {  	s1 =	simm.s32 $0x1;
	s19 =	sadd.s32 $0x4800, s9;
	[dreg:$0x3] =	wrdreg s12  }
0xb: {  	s17 =	sshrl.u32 s10, $0x1;
	s20 =	sadd.s32 $0x6C00, s9;
	[dreg:$0x4] =	wrdreg s19  }
0xc: {  	s8 =	sadd.s32 s7, s6;
	s21 =	sadd.s32 $0x9000, s9;
	[dreg:$0x5] =	wrdreg s20  }
0xd: {  	s6 =	sadd.s32 $0x4CC00, s0;
	s22 =	sadd.s32 $0xB400, s9;
	[dreg:$0x6] =	wrdreg s21  }
0xe: {  	s7 =	sadd.s32 s7, s2;
	s23 =	sadd.s32 $0xD800, s9;
	[dreg:$0x7] =	wrdreg s22  }
0xf: {  	s8 =	sshrl.u32 s8, $0x3;
	s25 =	sadd.s32 $0xFC00, s9;
	[dreg:$0x8] =	wrdreg s23  }
0x10: {  	s26 =	sadd.s32 $0x12000, s9;
	s0 =	sadd.s32 s8, s0;
	[dreg:$0x9] =	wrdreg s25  }
0x11: {  	s8 =	ssub.s32 s10, s17;
	s10 =	sadd.s32 $0xE80, s18;
	[dreg:$0xa] =	wrdreg s26  }
0x12: {  	s17 =	sadd.s32 $0x14400, s9;
	s26 =	simm.s32 $0x16110;
	s9 =	simm.s32 $0x2  }
0x13: {  	s10 =	smov.u32 @p0 s11;
	s11 =	simm.s32 $0xE8;
	s22 =	sadd.s32 $0x17A000, s0  }
0x14: {  	s23 =	smax.u32 s8, $0x1;
	s0 =	simm.s32 $0x18510;
	s24 =	smul.u32 $0x18, s10  }
0x15: {  	s8 =	simm.s32 $0x16010;
	s11 =	simm.s32 @!p0 $0x58;
	s21 =	sor.u32 $0x1, s10  }
0x16: {  	s20 =	sshrl.u32 s11, $0x1;
	s25 =	sadd.s32 $0xFFFFFFFD, s11;
	s18 =	sadd.s32 s6, s24  }
0x17: {  	v0 =	vimm.f32 $0.0e+00;
	s24 =	sadd.s32 $0xFFFFFFFE, s11;
	s11 =	simm.s32 $0x160D0;
	s19 =	sadd.s32 $0x18, s18  }
.LBB2_1:
0x18: {  	s12 =	simm.s32 $0x0;
	s13 =	simm.s32 $0x240  }
.LBB2_2:
0x19: {  	p0 =	sne.s32 s13, $0x8DC0;
	[tilespmem:s12+$0x16190] =	vst v0  }
0x1a: {  	[tilespmem:s12+$0x16110] =	vst v0  }
0x1b: {  	[tilespmem:s12+$0x16120] =	vst v0  }
0x1c: {  	[tilespmem:s12+$0x16130] =	vst v0  }
.Ltmp0:
0x1d: {  	[tilespmem:s12+$0x16140] =	vst v0;
	(pc) =	sbr.rel @p0 .LBB2_2-.Ltmp0, $4  }
0x1e: {  	[tilespmem:s12+$0x16150] =	vst v0  }
0x1f: {  	[tilespmem:s12+$0x16160] =	vst v0  }
0x20: {  	[tilespmem:s12+$0x16170] =	vst v0  }
0x21: {  	[tilespmem:s12+$0x16180] =	vst v0;
	s12 =	sshra.s32 s13, $0x2;
	s13 =	sadd.s32 $0x240, s13  }
0x22: {  	[tilespmem:s12+$0x16190] =	vst v0  }
0x23: {  	[tilespmem:s12+$0x16110] =	vst v0  }
0x24: {  	[tilespmem:s12+$0x16120] =	vst v0  }
0x25: {  	[tilespmem:s12+$0x16130] =	vst v0  }
0x26: {  	[tilespmem:s12+$0x16140] =	vst v0  }
0x27: {  	[tilespmem:s12+$0x16150] =	vst v0  }
0x28: {  	[tilespmem:s12+$0x16160] =	vst v0  }
0x29: {  	[tilespmem:s12+$0x16170] =	vst v0  }
0x2a: {  	[tilespmem:s12+$0x16180] =	vst v0  }
0x2b: {  	[spmem:s7] =	stream.linear.scatter [tilespmem:s26], [sflag:$0x3], $0x2400, $0x38;
	[tilespmem:$0x1F110] =	vst v63  }
0x2c: {  	_ =	swait.ge [sflag:s28], $0x2400  }
0x2d: {  	[sflag:s28] =	ssyncset.done $0x0  }
0x2e: {  	s15 =	rddreg [dreg:$0x3];
	[sflag:s28] =	ssyncadd.s32 $0xFFFFDC00  }
0x2f: {  	[spmem:s15] =	stream.linear.scatter [tilespmem:s26], [sflag:$0x3], $0x2400, $0x38;
	[tilespmem:$0x1F110] =	vst v63  }
0x30: {  	_ =	swait.ge [sflag:s28], $0x2400  }
0x31: {  	[sflag:s28] =	ssyncset.done $0x0  }
0x32: {  	s16 =	rddreg [dreg:$0x4];
	[sflag:s28] =	ssyncadd.s32 $0xFFFFDC00  }
0x33: {  	[spmem:s16] =	stream.linear.scatter [tilespmem:s26], [sflag:$0x3], $0x2400, $0x38;
	[tilespmem:$0x1F110] =	vst v63  }
0x34: {  	_ =	swait.ge [sflag:s28], $0x2400  }
0x35: {  	[sflag:s28] =	ssyncset.done $0x0  }
0x36: {  	s13 =	rddreg [dreg:$0x5];
	[sflag:s28] =	ssyncadd.s32 $0xFFFFDC00  }
0x37: {  	[spmem:s13] =	stream.linear.scatter [tilespmem:s26], [sflag:$0x3], $0x2400, $0x38;
	[tilespmem:$0x1F110] =	vst v63  }
0x38: {  	_ =	swait.ge [sflag:s28], $0x2400  }
0x39: {  	[sflag:s28] =	ssyncset.done $0x0  }
0x3a: {  	s14 =	rddreg [dreg:$0x6];
	[sflag:s28] =	ssyncadd.s32 $0xFFFFDC00  }
0x3b: {  	[spmem:s14] =	stream.linear.scatter [tilespmem:s26], [sflag:$0x3], $0x2400, $0x38;
	[tilespmem:$0x1F110] =	vst v63  }
0x3c: {  	_ =	swait.ge [sflag:s28], $0x2400  }
0x3d: {  	[sflag:s28] =	ssyncset.done $0x0  }
0x3e: {  	s15 =	rddreg [dreg:$0x7];
	[sflag:s28] =	ssyncadd.s32 $0xFFFFDC00  }
0x3f: {  	[spmem:s15] =	stream.linear.scatter [tilespmem:s26], [sflag:$0x3], $0x2400, $0x38;
	[tilespmem:$0x1F110] =	vst v63  }
0x40: {  	_ =	swait.ge [sflag:s28], $0x2400  }
0x41: {  	[sflag:s28] =	ssyncset.done $0x0  }
0x42: {  	s16 =	rddreg [dreg:$0x8];
	[sflag:s28] =	ssyncadd.s32 $0xFFFFDC00  }
0x43: {  	[spmem:s16] =	stream.linear.scatter [tilespmem:s26], [sflag:$0x3], $0x2400, $0x38;
	[tilespmem:$0x1F110] =	vst v63  }
0x44: {  	_ =	swait.ge [sflag:s28], $0x2400  }
0x45: {  	[sflag:s28] =	ssyncset.done $0x0  }
0x46: {  	s13 =	rddreg [dreg:$0x9];
	[sflag:s28] =	ssyncadd.s32 $0xFFFFDC00  }
0x47: {  	[spmem:s13] =	stream.linear.scatter [tilespmem:s26], [sflag:$0x3], $0x2400, $0x38;
	[tilespmem:$0x1F110] =	vst v63  }
0x48: {  	_ =	swait.ge [sflag:s28], $0x2400  }
0x49: {  	[sflag:s28] =	ssyncset.done $0x0  }
0x4a: {  	s14 =	rddreg [dreg:$0xa];
	[sflag:s28] =	ssyncadd.s32 $0xFFFFDC00  }
0x4b: {  	[spmem:s14] =	stream.linear.scatter [tilespmem:s26], [sflag:$0x3], $0x2400, $0x38;
	[tilespmem:$0x1F110] =	vst v63  }
0x4c: {  	_ =	swait.ge [sflag:s28], $0x2400  }
0x4d: {  	[sflag:s28] =	ssyncset.done $0x0  }
0x4e: {  	[sflag:s28] =	ssyncadd.s32 $0xFFFFDC00  }
0x4f: {  	[spmem:s17] =	stream.linear.scatter [tilespmem:s26], [sflag:$0x3], $0x1B90, $0x38;
	[tilespmem:$0x1F110] =	vst v63  }
0x50: {  	_ =	swait.ge [sflag:s28], $0x1B90  }
0x51: {  	[sflag:s28] =	ssyncset.done $0x0  }
0x52: {  	[sflag:s28] =	ssyncadd.s32 $0xFFFFE470  }
0x53: {  	s12 =	simm.s32 $0x0;
	[bflag:$0x0] =	sbarrier.arrive $0xFFFF  }
0x54: {  	[tilespmem:s29], [sflag:$0x3] =	stream.linear.gather [hbm4b:s18+s12], $0xC0, $0x38;
	[tilespmem:$0x1F110] =	vst v63  }
0x55: {  	_ =	swait.ge [sflag:s28], $0xC0  }
0x56: {  	[sflag:s28] =	ssyncset.done $0x0  }
0x57: {  	[sflag:s28] =	ssyncadd.s32 $0xFFFFFF40  }
0x58: {  	[tilespmem:s26], [sflag:$0x1] =	stream.indirect.gather [hbm4b:s4+s30], $0x90, s29, s30, $0xb8;
	[tilespmem:$0x1F110] =	vst v63  }
0x59: {  	s13 =	simm.s32 $0x15FD0;
	s14 =	simm.s32 $0x1A910  }
0x5a: {  	[tilespmem:s14], [sflag:$0x1] =	stream.indirect.gather [hbm4b:s5+s30], $0x90, s13, s30, $0xb8;
	[tilespmem:$0x1F110] =	vst v63  }
0x5b: {  	_ = 	snop  }
0x5c: {  	[tilespmem:s31], [sflag:$0x3] =	stream.linear.gather [hbm4b:s19+s12], $0xC0, $0x38;
	[tilespmem:$0x1F110] =	vst v63  }
0x5d: {  	_ =	swait.ge [sflag:s28], $0xC0  }
0x5e: {  	[sflag:s28] =	ssyncset.done $0x0  }
0x5f: {  	[sflag:s28] =	ssyncadd.s32 $0xFFFFFF40  }
0x60: {  	[tilespmem:s0], [sflag:$0x2] =	stream.indirect.gather [hbm4b:s4+s30], $0x90, s31, s30, $0xb8;
	[tilespmem:$0x1F110] =	vst v63  }
0x61: {  	s15 =	simm.s32 $0x16090;
	s16 =	simm.s32 $0x1CD10  }
0x62: {  	[tilespmem:s16], [sflag:$0x2] =	stream.indirect.gather [hbm4b:s5+s30], $0x90, s15, s30, $0xb8;
	[tilespmem:$0x1F110] =	vst v63  }
.LBB2_4:
0x63: {  	_ =	swait.ge [sflag:s1], $0x2400  }
0x64: {  	[sflag:s1] =	ssyncset.done $0x0  }
0x65: {  	[sflag:s1] =	ssyncadd.s32 $0xFFFFDC00  }
0x66: {  	_ =	swait.ge [sflag:s1], $0x2400  }
0x67: {  	[sflag:s1] =	ssyncset.done $0x0  }
0x68: {  	s13 =	simm.s32 $0x0;
	[sflag:s1] =	ssyncadd.s32 $0xFFFFDC00  }
0x69: {  	v7 =	vld [tilespmem:s13+$0x1A910]  }
0x6a: {  	v8 =	vld [tilespmem:s13+$0x1A920]  }
0x6b: {  	v12 =	vld [tilespmem:s13+$0x1A930]  }
0x6c: {  	v6 =	vld [tilespmem:s13+$0x1A940]  }
0x6d: {  	v5 =	vld [tilespmem:s13+$0x1A950]  }
0x6e: {  	v4 =	vld [tilespmem:s13+$0x1A960]  }
0x6f: {  	v3 =	vld [tilespmem:s13+$0x1A970]  }
0x70: {  	v2 =	vld [tilespmem:s13+$0x1A980]  }
0x71: {  	v1 =	vld [tilespmem:s13+$0x1A990]  }
0x72: {  	v9 =	vld [tilespmem:s13+$0x16110]  }
0x73: {  	v13 =	vld [tilespmem:s13+$0x16120]  }
0x74: {  	v15 =	vld [tilespmem:s13+$0x16130]  }
0x75: {  	v11 =	vld [tilespmem:s13+$0x16140]  }
0x76: {  	v10 =	vld [tilespmem:s13+$0x16150]  }
0x77: {  	v14 =	vadd.f32 v7, v9;
	v9 =	vld [tilespmem:s13+$0x16160]  }
0x78: {  	v7 =	vld [tilespmem:s13+$0x16170];
	v13 =	vadd.f32 v8, v13  }
0x79: {  	s14 =	simm.s32 $0x240;
	v12 =	vadd.f32 v12, v15;
	v8 =	vld [tilespmem:s13+$0x16180];
	v14 =	vmax.f32 v14, $0.0e+00  }
.LBB2_5:
0x7a: {  	s15 =	sshra.s32 s14, $0x2;
	p0 =	sne.s32 s14, $0x8DC0;
	[tilespmem:s13+$0x16110] =	vst v14;
	v13 =	vmax.f32 v13, $0.0e+00;
	v6 =	vadd.f32 v6, v11;
	v11 =	vld [tilespmem:s13+$0x16190]  }
0x7b: {  	v14 =	vld [tilespmem:s15+$0x1A910];
	[tilespmem:s13+$0x16120] =	vst v13;
	v12 =	vmax.f32 v12, $0.0e+00;
	v5 =	vadd.f32 v5, v10  }
0x7c: {  	v13 =	vld [tilespmem:s15+$0x1A920];
	[tilespmem:s13+$0x16130] =	vst v12;
	v6 =	vmax.f32 v6, $0.0e+00;
	v4 =	vadd.f32 v4, v9  }
0x7d: {  	v12 =	vld [tilespmem:s15+$0x1A930];
	[tilespmem:s13+$0x16140] =	vst v6;
	v5 =	vmax.f32 v5, $0.0e+00;
	v3 =	vadd.f32 v3, v7  }
0x7e: {  	v6 =	vld [tilespmem:s15+$0x1A940];
	[tilespmem:s13+$0x16150] =	vst v5;
	v4 =	vmax.f32 v4, $0.0e+00;
	v2 =	vadd.f32 v2, v8  }
0x7f: {  	v5 =	vld [tilespmem:s15+$0x1A950];
	[tilespmem:s13+$0x16160] =	vst v4;
	v3 =	vmax.f32 v3, $0.0e+00;
	v1 =	vadd.f32 v1, v11  }
0x80: {  	v4 =	vld [tilespmem:s15+$0x1A960];
	[tilespmem:s13+$0x16170] =	vst v3;
	v2 =	vmax.f32 v2, $0.0e+00  }
0x81: {  	v3 =	vld [tilespmem:s15+$0x1A970];
	[tilespmem:s13+$0x16180] =	vst v2;
	v1 =	vmax.f32 v1, $0.0e+00  }
0x82: {  	v2 =	vld [tilespmem:s15+$0x1A980];
	[tilespmem:s13+$0x16190] =	vst v1;
	s13 =	smov.u32 s15  }
0x83: {  	v1 =	vld [tilespmem:s13+$0x1A990]  }
0x84: {  	v7 =	vld [tilespmem:s13+$0x16110]  }
0x85: {  	v8 =	vld [tilespmem:s13+$0x16120]  }
0x86: {  	v15 =	vld [tilespmem:s13+$0x16130]  }
.Ltmp1:
0x87: {  	v11 =	vld [tilespmem:s13+$0x16140];
	(pc) =	sbr.rel @p0 .LBB2_5-.Ltmp1, $4  }
0x88: {  	v10 =	vld [tilespmem:s13+$0x16150]  }
0x89: {  	v14 =	vadd.f32 v14, v7;
	v9 =	vld [tilespmem:s13+$0x16160]  }
0x8a: {  	v13 =	vadd.f32 v13, v8;
	v7 =	vld [tilespmem:s13+$0x16170]  }
0x8b: {  	s14 =	sadd.s32 $0x240, s14;
	v14 =	vmax.f32 v14, $0.0e+00;
	v12 =	vadd.f32 v12, v15;
	v8 =	vld [tilespmem:s13+$0x16180]  }
0x8c: {  	[tilespmem:s13+$0x16110] =	vst v14;
	v13 =	vmax.f32 v13, $0.0e+00;
	v6 =	vadd.f32 v6, v11;
	v11 =	vld [tilespmem:s13+$0x16190]  }
0x8d: {  	[tilespmem:s13+$0x16120] =	vst v13;
	v12 =	vmax.f32 v12, $0.0e+00;
	v5 =	vadd.f32 v5, v10  }
0x8e: {  	[tilespmem:s13+$0x16130] =	vst v12;
	v6 =	vmax.f32 v6, $0.0e+00;
	v4 =	vadd.f32 v4, v9  }
0x8f: {  	[tilespmem:s13+$0x16140] =	vst v6;
	v5 =	vmax.f32 v5, $0.0e+00;
	v3 =	vadd.f32 v3, v7  }
0x90: {  	[tilespmem:s13+$0x16150] =	vst v5;
	v4 =	vmax.f32 v4, $0.0e+00;
	v2 =	vadd.f32 v2, v8  }
0x91: {  	[tilespmem:s13+$0x16160] =	vst v4;
	v3 =	vmax.f32 v3, $0.0e+00;
	v1 =	vadd.f32 v1, v11  }
0x92: {  	[tilespmem:s13+$0x16170] =	vst v3;
	v2 =	vmax.f32 v2, $0.0e+00  }
0x93: {  	[tilespmem:s13+$0x16180] =	vst v2;
	v1 =	vmax.f32 v1, $0.0e+00  }
0x94: {  	[tilespmem:s13+$0x16190] =	vst v1;
	s13 =	sshll.u32 s12, $0x1  }
0x95: {  	p0 =	sge.u32 s13, s24  }
0x96: {  	s14 =	sadd.s32 @!p0 s10, s13  }
0x97: {  	s14 =	smul.u32 @!p0 $0xC0, s14  }
0x98: {  	[spmem:s2] =	stream.indirect.scatter.add.f32 [tilespmem:s26], [sflag:$0x3], $0x90, s8, s30, $0xb8;
	[tilespmem:$0x1F110] =	vst v63  }
0x99: {  	_ =	swait.ge [sflag:s28], $0x2400;
	s14 =	sshrl.u32 @!p0 s14, $0x3  }
0x9a: {  	s15 =	simm.s32 @!p0 $0x0;
	[sflag:s28] =	ssyncset.done $0x0;
	s14 =	sadd.s32 @!p0 s6, s14  }
0x9b: {  	s16 =	simm.s32 @!p0 $0x15F90;
	[sflag:s28] =	ssyncadd.s32 $0xFFFFDC00;
	s14 =	sadd.s32 @!p0 $0x30, s14  }
0x9c: {  	[tilespmem:s16], [sflag:$0x3] =	stream.linear.gather @!p0 [hbm4b:s14+s15], $0xC0, $0x38;
	[tilespmem:$0x1F110] =	vst v63  }
0x9d: {  	s14 =	simm.s32 @!p0 $0x3  }
0x9e: {  	_ =	swait.ge @!p0 [sflag:s14], $0xC0  }
0x9f: {  	[sflag:s14] =	ssyncset.done @!p0 $0x0  }
0xa0: {  	s15 =	simm.s32 @!p0 $0x16110;
	[sflag:s14] =	ssyncadd.s32 @!p0 $0xFFFFFF40;
	s14 =	simm.s32 @!p0 $0x40  }
0xa1: {  	[tilespmem:s15], [sflag:$0x1] =	stream.indirect.gather @!p0 [hbm4b:s4+s14], $0x90, s16, s14, $0xb8;
	[tilespmem:$0x1F110] =	vst v63  }
0xa2: {  	s15 =	simm.s32 @!p0 $0x15FD0;
	s16 =	simm.s32 @!p0 $0x1A910  }
0xa3: {  	[tilespmem:s16], [sflag:$0x1] =	stream.indirect.gather @!p0 [hbm4b:s5+s14], $0x90, s15, s14, $0xb8;
	[tilespmem:$0x1F110] =	vst v63  }
0xa4: {  	_ =	swait.ge [sflag:s9], $0x2400  }
0xa5: {  	[sflag:s9] =	ssyncset.done $0x0  }
0xa6: {  	[sflag:s9] =	ssyncadd.s32 $0xFFFFDC00  }
0xa7: {  	_ =	swait.ge [sflag:s9], $0x2400  }
0xa8: {  	[sflag:s9] =	ssyncset.done $0x0  }
0xa9: {  	s14 =	simm.s32 $0x0;
	[sflag:s9] =	ssyncadd.s32 $0xFFFFDC00  }
0xaa: {  	v7 =	vld [tilespmem:s14+$0x1CD10]  }
0xab: {  	v8 =	vld [tilespmem:s14+$0x1CD20]  }
0xac: {  	v12 =	vld [tilespmem:s14+$0x1CD30]  }
0xad: {  	v6 =	vld [tilespmem:s14+$0x1CD40]  }
0xae: {  	v5 =	vld [tilespmem:s14+$0x1CD50]  }
0xaf: {  	v4 =	vld [tilespmem:s14+$0x1CD60]  }
0xb0: {  	v3 =	vld [tilespmem:s14+$0x1CD70]  }
0xb1: {  	v2 =	vld [tilespmem:s14+$0x1CD80]  }
0xb2: {  	v1 =	vld [tilespmem:s14+$0x1CD90]  }
0xb3: {  	v9 =	vld [tilespmem:s14+$0x18510]  }
0xb4: {  	v13 =	vld [tilespmem:s14+$0x18520]  }
0xb5: {  	v15 =	vld [tilespmem:s14+$0x18530]  }
0xb6: {  	v11 =	vld [tilespmem:s14+$0x18540]  }
0xb7: {  	v10 =	vld [tilespmem:s14+$0x18550]  }
0xb8: {  	v14 =	vadd.f32 v7, v9;
	v9 =	vld [tilespmem:s14+$0x18560]  }
0xb9: {  	v7 =	vld [tilespmem:s14+$0x18570];
	v13 =	vadd.f32 v8, v13  }
0xba: {  	s15 =	simm.s32 $0x240;
	v12 =	vadd.f32 v12, v15;
	v8 =	vld [tilespmem:s14+$0x18580];
	v14 =	vmax.f32 v14, $0.0e+00  }
.LBB2_7:
0xbb: {  	s16 =	sshra.s32 s15, $0x2;
	p0 =	sne.s32 s15, $0x8DC0;
	[tilespmem:s14+$0x18510] =	vst v14;
	v13 =	vmax.f32 v13, $0.0e+00;
	v6 =	vadd.f32 v6, v11;
	v11 =	vld [tilespmem:s14+$0x18590]  }
0xbc: {  	v14 =	vld [tilespmem:s16+$0x1CD10];
	[tilespmem:s14+$0x18520] =	vst v13;
	v12 =	vmax.f32 v12, $0.0e+00;
	v5 =	vadd.f32 v5, v10  }
0xbd: {  	v13 =	vld [tilespmem:s16+$0x1CD20];
	[tilespmem:s14+$0x18530] =	vst v12;
	v6 =	vmax.f32 v6, $0.0e+00;
	v4 =	vadd.f32 v4, v9  }
0xbe: {  	v12 =	vld [tilespmem:s16+$0x1CD30];
	[tilespmem:s14+$0x18540] =	vst v6;
	v5 =	vmax.f32 v5, $0.0e+00;
	v3 =	vadd.f32 v3, v7  }
0xbf: {  	v6 =	vld [tilespmem:s16+$0x1CD40];
	[tilespmem:s14+$0x18550] =	vst v5;
	v4 =	vmax.f32 v4, $0.0e+00;
	v2 =	vadd.f32 v2, v8  }
0xc0: {  	v5 =	vld [tilespmem:s16+$0x1CD50];
	[tilespmem:s14+$0x18560] =	vst v4;
	v3 =	vmax.f32 v3, $0.0e+00;
	v1 =	vadd.f32 v1, v11  }
0xc1: {  	v4 =	vld [tilespmem:s16+$0x1CD60];
	[tilespmem:s14+$0x18570] =	vst v3;
	v2 =	vmax.f32 v2, $0.0e+00  }
0xc2: {  	v3 =	vld [tilespmem:s16+$0x1CD70];
	[tilespmem:s14+$0x18580] =	vst v2;
	v1 =	vmax.f32 v1, $0.0e+00  }
0xc3: {  	v2 =	vld [tilespmem:s16+$0x1CD80];
	[tilespmem:s14+$0x18590] =	vst v1;
	s14 =	smov.u32 s16  }
0xc4: {  	v1 =	vld [tilespmem:s14+$0x1CD90]  }
0xc5: {  	v7 =	vld [tilespmem:s14+$0x18510]  }
0xc6: {  	v8 =	vld [tilespmem:s14+$0x18520]  }
0xc7: {  	v15 =	vld [tilespmem:s14+$0x18530]  }
.Ltmp2:
0xc8: {  	v11 =	vld [tilespmem:s14+$0x18540];
	(pc) =	sbr.rel @p0 .LBB2_7-.Ltmp2, $4  }
0xc9: {  	v10 =	vld [tilespmem:s14+$0x18550]  }
0xca: {  	v14 =	vadd.f32 v14, v7;
	v9 =	vld [tilespmem:s14+$0x18560]  }
0xcb: {  	v13 =	vadd.f32 v13, v8;
	v7 =	vld [tilespmem:s14+$0x18570]  }
0xcc: {  	s15 =	sadd.s32 $0x240, s15;
	v14 =	vmax.f32 v14, $0.0e+00;
	v12 =	vadd.f32 v12, v15;
	v8 =	vld [tilespmem:s14+$0x18580]  }
0xcd: {  	[tilespmem:s14+$0x18510] =	vst v14;
	v13 =	vmax.f32 v13, $0.0e+00;
	v6 =	vadd.f32 v6, v11;
	v63 =	vld [tilespmem:s14+$0x18590]  }
0xce: {  	[tilespmem:s14+$0x18520] =	vst v13;
	v12 =	vmax.f32 v12, $0.0e+00;
	v5 =	vadd.f32 v5, v10  }
0xcf: {  	[tilespmem:s14+$0x18530] =	vst v12;
	v6 =	vmax.f32 v6, $0.0e+00;
	v4 =	vadd.f32 v4, v9  }
0xd0: {  	[tilespmem:s14+$0x18540] =	vst v6;
	v5 =	vmax.f32 v5, $0.0e+00;
	v3 =	vadd.f32 v3, v7  }
0xd1: {  	[tilespmem:s14+$0x18550] =	vst v5;
	v4 =	vmax.f32 v4, $0.0e+00;
	v2 =	vadd.f32 v2, v8  }
0xd2: {  	[tilespmem:s14+$0x18560] =	vst v4;
	v3 =	vmax.f32 v3, $0.0e+00;
	v1 =	vadd.f32 v1, v63  }
0xd3: {  	p0 =	sge.u32 s13, s25;
	[tilespmem:s14+$0x18570] =	vst v3;
	v2 =	vmax.f32 v2, $0.0e+00  }
0xd4: {  	s13 =	sadd.s32 @!p0 s13, s21;
	[tilespmem:s14+$0x18580] =	vst v2;
	v1 =	vmax.f32 v1, $0.0e+00  }
0xd5: {  	s13 =	smul.u32 @!p0 $0xC0, s13;
	[tilespmem:s14+$0x18590] =	vst v1  }
0xd6: {  	[spmem:s2] =	stream.indirect.scatter.add.f32 [tilespmem:s0], [sflag:$0x3], $0x90, s11, s30, $0xb8;
	[tilespmem:$0x1F110] =	vst v63  }
0xd7: {  	s13 =	sshrl.u32 @!p0 s13, $0x3;
	_ =	swait.ge [sflag:s28], $0x2400  }
0xd8: {  	s15 =	simm.s32 @!p0 $0x16050;
	s13 =	sadd.s32 @!p0 s6, s13;
	[sflag:s28] =	ssyncset.done $0x0  }
0xd9: {  	s13 =	sadd.s32 @!p0 $0x30, s13;
	s14 =	simm.s32 @!p0 $0x0;
	[sflag:s28] =	ssyncadd.s32 $0xFFFFDC00  }
0xda: {  	[tilespmem:s15], [sflag:$0x3] =	stream.linear.gather @!p0 [hbm4b:s13+s14], $0xC0, $0x38;
	[tilespmem:$0x1F110] =	vst v63  }
0xdb: {  	s13 =	simm.s32 @!p0 $0x3  }
0xdc: {  	_ =	swait.ge @!p0 [sflag:s13], $0xC0  }
0xdd: {  	[sflag:s13] =	ssyncset.done @!p0 $0x0  }
0xde: {  	s14 =	simm.s32 @!p0 $0x18510;
	[sflag:s13] =	ssyncadd.s32 @!p0 $0xFFFFFF40;
	s13 =	simm.s32 @!p0 $0x40  }
0xdf: {  	[tilespmem:s14], [sflag:$0x2] =	stream.indirect.gather @!p0 [hbm4b:s4+s13], $0x90, s15, s13, $0xb8;
	[tilespmem:$0x1F110] =	vst v63  }
0xe0: {  	s12 =	sadd.s32 $0x1, s12;
	s14 =	simm.s32 @!p0 $0x16090;
	s15 =	simm.s32 @!p0 $0x1CD10  }
0xe1: {  	[tilespmem:s15], [sflag:$0x2] =	stream.indirect.gather @!p0 [hbm4b:s5+s13], $0x90, s14, s13, $0xb8;
	[tilespmem:$0x1F110] =	vst v63  }
0xe2: {  	p0 =	sne.s32 s12, s20  }
.Ltmp3:
0xe3: {  	_ = 	snop;
	(pc) =	sbr.rel @p0 .LBB2_4-.Ltmp3, $1  }
0xe4: {  	_ =	sdelay $0x3  }
0xe5: {  	s12 =	stileid.u32;
	s3 =	sadd.s32 $0x1, s3  }
0xe6: {  	[bflag:$0x0] =	sbarrier.arrive $0xFFFF;
	s12 =	sshll.u32 s12, $0x6;
	p0 =	sne.s32 s3, s23  }
.Ltmp4:
0xe7: {  	s13 =	sshrl.u32 s7, $0x3;
	s12 =	sor.u32 $0x1C03, s12;
	(pc) =	sbr.rel @p0 .LBB2_1-.Ltmp4, $4  }
0xe8: {  	[hbm:s22], [sflag:s12] =	dma.local [spmem:s13], $0x2BF2  }
0xe9: {  	_ =	swait.ge [sflag:s28], $0x2BF2  }
0xea: {  	[sflag:s28] =	ssyncset.done $0x0  }
0xeb: {  	[sflag:s28] =	ssyncadd.s32 $0xFFFFD40E  }
0xec: {  	_ =	sfence.sel $0x180000  }
0xed: {  	[bflag:$0x0] =	sbarrier.arrive $0xFFFF  }
0xee: {  	_ =	strace $0x9000004A  }
0xef: {  	s0 =	stileid.u32;
	[bflag:$0x2] =	sbarrier.arrive $0xFFFF  }
0xf0: {  	p0 =	sne.s32 s0, $0x0;
	s0 =	rddreg [dreg:$0x2]  }
0xf1: {  	s0 =	sadd.s32 @!p0 $0x100000, s0  }
0xf2: {  	[sflag:s0] =	ssyncadd.tile.s32 @!p0 $0x1;
	_ =	shalt  }
.Lfunc_end2:
_tile_overlayer_lowered:
.L_overlay_start_2:
0xf3: {  	(tag) =	ssettag $0x2  }
0xf4: {  	s0 =	rddreg [dreg:$0x0];
	s2 =	stileid.u32  }
0xf5: {  	s1 =	rddreg [dreg:$0x1];
	p0 =	sne.s32 s2, $0x0  }
0xf6: {  	s3 =	rddreg [dreg:$0x2];
	[bflag:$0x3] =	sbarrier.arrive $0xFFFF;
	s2 =	simm.s32 @!p0 $0x1C03  }
0xf7: {  	[timem:s3], [sflag:s2] =	dma.local @!p0 [hbm:s0], s1  }
0xf8: {  	s0 =	simm.s32 @!p0 $0x3  }
0xf9: {  	_ =	swait.ge @!p0 [sflag:s0], s1  }
0xfa: {  	s1 =	ssub.s32 @!p0 $0x0, s1;
	[sflag:s0] =	ssyncset.done @!p0 $0x0  }
0xfb: {  	[sflag:s0] =	ssyncadd.s32 @!p0 s1  }
0xfc: {  	[bflag:$0x3] =	sbarrier.arrive $0xFFFF  }
0xfd: {  	_ =	shalt  }

// kernel: kernel.7.cloned.1.call-start
scs
__scs_entry_jumppad:
0x0: {  	(pc) =	sbr.rel $0x88, $3  }
0x1: {  	(tag) =	ssettag $0x0;
	lr =	simm.s32 $0x1  }
0x2: {  	[smem:$0x3F6C] =	sst lr;
	_ =	strace $0xD0000000  }
0x3: {  	_ = 	snop  }
0x4: {  	_ = 	snop  }
0x5: {  	_ = 	snop  }
0x6: {  	_ = 	snop  }
0x7: {  	_ = 	snop  }
__scs_overlays_trampoline_lowered:
0x8: {  	[smem:$0x3F7B] =	sst s0  }
0x9: {  	[smem:$0x3F7C] =	sst s1  }
0xa: {  	[smem:$0x3F7D] =	sst s2  }
0xb: {  	[smem:$0x3F7E] =	sst s3  }
0xc: {  	[smem:$0x3F7F] =	sst s4  }
0xd: {  	[smem:$0x3F80] =	sst s5  }
0xe: {  	[smem:$0x3F81] =	sst s6  }
0xf: {  	[smem:$0x3F82] =	sst s7  }
0x10: {  	[smem:$0x3F83] =	sst s8  }
0x11: {  	[smem:$0x3F84] =	sst s9;
	s0 =	simm.s32 @!p0 $0x0  }
0x12: {  	s1 =	sld [smem:$0x3F6A];
	s0 =	simm.s32 @p0 $0x1  }
0x13: {  	[smem:$0x3F85] =	sst s0;
	s0 =	simm.s32 @!p1 $0x0  }
0x14: {  	s2 =	sld [smem:$0x3F69];
	s0 =	simm.s32 @p1 $0x1  }
0x15: {  	[smem:$0x3F86] =	sst s0;
	s0 =	simm.s32 @!p2 $0x0  }
0x16: {  	s3 =	sld [smem:$0x3FDB];
	s0 =	simm.s32 @p2 $0x1  }
0x17: {  	s4 =	simm.s32 $0x1BF5;
	[smem:$0x3F88] =	sst s0  }
0x18: {  	s0 =	sld [smem:$0x3F6B];
	_ =	swait.ge [sflag:s4], $0x0  }
0x19: {  	s7 =	sld [smem:$0x3F6C]  }
0x1a: {  	s8 =	sadd.s32 $0xFFFFE003, lr  }
0x1b: {  	s9 =	sadd.s32 $0xFFFFFEF7, lr;
	s5 =	simm.s32 $0xFFFFFFFF;
	p2 =	slt.u32 s8, $0xFFFFF086  }
0x1c: {  	p1 =	slt.u32 s9, $0xF7A;
	s5 =	simm.s32 @!p2 $0x0  }
0x1d: {  	s5 =	simm.s32 @p1 $0x1;
	p0 =	seq.s32 s7, s2  }
0x1e: {  	s7 =	smul.u32 @!p0 $0xF7A, s2;
	p2 =	seq.s32 @!p0 s5, $0x0  }
0x1f: {  	s9 =	smul.u32 $0xF7A, s1;
	s8 =	simm.s32 @!p0 $0x1BF5;
	p2 =	por !p2, p0  }
0x20: {  	[sflag:s8] =	ssyncset.s32 @!p0 $0xFFFFF086;
	s6 =	sadd.s32 @!p0 s3, s7;
	s7 =	simm.s32 @!p0 $0x108  }
0x21: {  	s3 =	sadd.s32 s3, s9;
	s6 =	sadd.s32 @!p0 $0x88, s6;
	s7 =	simm.s32 @p2 $0x1082  }
0x22: {  	[simem:s7], [sflag:s8] =	dma.local @!p0 [hbm:s6], $0xF7A  }
0x23: {  	s9 =	sor.u32 $0xD0000000, s2;
	s6 =	simm.s32 $0x108;
	_ =	swait.ge @!p0 [sflag:s8], $0x0  }
0x24: {  	s3 =	sadd.s32 $0x88, s3;
	s6 =	simm.s32 @!p1 $0x1082;
	[sflag:s4] =	ssyncset.s32 $0xFFFFF086  }
0x25: {  	[simem:s6], [sflag:s4] =	dma.local [hbm:s3], $0xF7A  }
0x26: {  	[smem:$0x3F6C] =	sst s1;
	(tag) =	ssettag s2;
	_ =	strace s9  }
0x27: {  	s1 =	sld [smem:$0x3F7C]  }
0x28: {  	s2 =	sld [smem:$0x3F7D]  }
0x29: {  	s4 =	sld [smem:$0x3F7F]  }
0x2a: {  	p0 =	seq.s32 s5, $0x0;
	s5 =	sld [smem:$0x3F80]  }
0x2b: {  	s6 =	sld [smem:$0x3F81]  }
0x2c: {  	s7 =	sld [smem:$0x3F82]  }
0x2d: {  	s3 =	simm.s32 $0x108;
	s8 =	sld [smem:$0x3F83]  }
0x2e: {  	s3 =	simm.s32 @!p0 $0x1082;
	s9 =	sld [smem:$0x3F84]  }
0x2f: {  	lr =	sadd.s32 s0, s3;
	s0 =	sld [smem:$0x3F7B]  }
0x30: {  	s3 =	sld [smem:$0x3F7E]  }
0x31: {  	[smem:$0x3F87] =	sst s10  }
0x32: {  	s10 =	sld [smem:$0x3F85];
	_ =	sdelay $0x3  }
0x33: {  	p0 =	seq.s32 s10, $0x1;
	s10 =	sld [smem:$0x3F87];
	_ =	sdelay $0x3  }
0x34: {  	[smem:$0x3F87] =	sst s10  }
0x35: {  	s10 =	sld [smem:$0x3F86];
	_ =	sdelay $0x3  }
0x36: {  	p1 =	seq.s32 s10, $0x1;
	s10 =	sld [smem:$0x3F87];
	_ =	sdelay $0x3  }
0x37: {  	[smem:$0x3F87] =	sst s10  }
0x38: {  	s10 =	sld [smem:$0x3F88]  }
0x39: {  	_ = 	snop;
	(pc) =	sbr.ind lr, $3  }
0x3a: {  	_ = 	snop  }
0x3b: {  	_ = 	snop  }
0x3c: {  	p2 =	seq.s32 s10, $0x1;
	s10 =	sld [smem:$0x3F87]  }
0x3d: {  	_ =	shalt  }
0x3e: {  	_ =	shalt  }
0x3f: {  	_ =	shalt  }
0x40: {  	_ =	shalt  }
0x41: {  	_ =	shalt  }
0x42: {  	_ =	shalt  }
0x43: {  	_ =	shalt  }
0x44: {  	_ =	shalt  }
0x45: {  	_ =	shalt  }
0x46: {  	_ =	shalt  }
0x47: {  	_ =	shalt  }
0x48: {  	_ =	shalt  }
0x49: {  	_ =	shalt  }
0x4a: {  	_ =	shalt  }
0x4b: {  	_ =	shalt  }
0x4c: {  	_ =	shalt  }
0x4d: {  	_ =	shalt  }
0x4e: {  	_ =	shalt  }
0x4f: {  	_ =	shalt  }
0x50: {  	_ =	shalt  }
0x51: {  	_ =	shalt  }
0x52: {  	_ =	shalt  }
0x53: {  	_ =	shalt  }
0x54: {  	_ =	shalt  }
0x55: {  	_ =	shalt  }
0x56: {  	_ =	shalt  }
0x57: {  	_ =	shalt  }
0x58: {  	_ =	shalt  }
0x59: {  	_ =	shalt  }
0x5a: {  	_ =	shalt  }
0x5b: {  	_ =	shalt  }
0x5c: {  	_ =	shalt  }
0x5d: {  	_ =	shalt  }
0x5e: {  	_ =	shalt  }
0x5f: {  	_ =	shalt  }
0x60: {  	_ =	shalt  }
0x61: {  	_ =	shalt  }
0x62: {  	_ =	shalt  }
0x63: {  	_ =	shalt  }
0x64: {  	_ =	shalt  }
0x65: {  	_ =	shalt  }
0x66: {  	_ =	shalt  }
0x67: {  	_ =	shalt  }
0x68: {  	_ =	shalt  }
0x69: {  	_ =	shalt  }
0x6a: {  	_ =	shalt  }
0x6b: {  	_ =	shalt  }
0x6c: {  	_ =	shalt  }
0x6d: {  	_ =	shalt  }
0x6e: {  	_ =	shalt  }
0x6f: {  	_ =	shalt  }
0x70: {  	_ =	shalt  }
0x71: {  	_ =	shalt  }
0x72: {  	_ =	shalt  }
0x73: {  	_ =	shalt  }
0x74: {  	_ =	shalt  }
0x75: {  	_ =	shalt  }
0x76: {  	_ =	shalt  }
0x77: {  	_ =	shalt  }
0x78: {  	_ =	shalt  }
0x79: {  	_ =	shalt  }
0x7a: {  	_ =	shalt  }
0x7b: {  	_ =	shalt  }
0x7c: {  	_ =	shalt  }
0x7d: {  	_ =	shalt  }
0x7e: {  	_ =	shalt  }
0x7f: {  	_ =	shalt  }
0x80: {  	_ =	shalt  }
0x81: {  	_ =	shalt  }
0x82: {  	_ =	shalt  }
0x83: {  	_ =	shalt  }
0x84: {  	_ =	shalt  }
0x85: {  	_ =	shalt  }
0x86: {  	_ =	shalt  }
0x87: {  	_ =	shalt  }
.Lfunc_end0:
.L_simem_size_0:
called_computation_lowered:
.L_overlay_start_0:
0x88: {  	s2 =	sld [smem:$0x3FD9]  }
0x89: {  	s3 =	sld [smem:$0x3FFE];
	_ =	sdelay $0x1  }
0x8a: {  	s1 =	srdreg.scid  }
0x8b: {  	s0 =	sand.u32 $0x1, s1  }
0x8c: {  	s16 =	sshll.u32 s0, $0xA;
	s2 =	sadd.s32 s3, s2  }
0x8d: {  	s2 =	sadd.s32 s2, s16  }
0x8e: {  	[smem:$0x3F93] =	sst s2  }
0x8f: {  	_ = 	snop  }
0x90: {  	(tm) =	ssettm $0x1  }
0x91: {  	s17 =	sld [smem:$0x3FFB];
	_ =	sdelay $0x3  }
0x92: {  	_ =	strace s17  }
0x93: {  	s2 =	sld [smem:$0x3FFC];
	_ =	sdelay $0x3  }
0x94: {  	_ =	strace s2  }
0x95: {  	s2 =	sld [smem:$0x3FFD];
	_ =	sdelay $0x3  }
0x96: {  	_ =	strace s2  }
0x97: {  	_ =	strace $0x8FFFFFFF  }
0x98: {  	s18 =	sld [smem:$0x3FDB];
	_ =	sdelay $0x1  }
0x99: {  	s19 =	simm.s32 $_scs_section_size  }
0x9a: {  	s4 =	simm.s32 $_size__tile_overlayer_lowered;
	s5 =	simm.s32 $_tile_overlayer_lowered  }
0x9b: {  	s22 =	simm.s32 $0x1BFF;
	s21 =	sshll.u32 s5, $0x1;
	s2 =	sadd.s32 s19, s18  }
0x9c: {  	s6 =	simm.s32 $0x0;
	s20 =	sshll.u32 s4, $0x1;
	s4 =	sadd.s32 s21, s2  }
0x9d: {  	[timem:s6], [sflag:s22] =	dma.local [hbm:s4], s20  }
0x9e: {  	_ =	swait.ge [sflag:s22], s20  }
0x9f: {  	s3 =	ssub.s32 $0x0, s20;
	[sflag:s22] =	ssyncset.done $0x0  }
0xa0: {  	[sflag:s22] =	ssyncadd.s32 s3;
	_ =	sdelay $0x1  }
0xa1: {  	s23 =	simm.s32 $0x1B8B  }
0xa2: {  	_ =	swait.ge [sflag:s23], $0x1  }
0xa3: {  	[sflag:s23] =	ssyncset.done $0x0  }
0xa4: {  	s25 =	simm.s32 $0x1B8E;
	s24 =	sld [smem:$0x3FFE];
	[sflag:s23] =	ssyncadd.s32 $0xFFFFFFFF  }
0xa5: {  	s26 =	simm.s32 $execute0_lowered;
	[smem:$0x3FD2] =	sst s25  }
0xa6: {  	s4 =	sshll.u32 s26, $0x1;
	_ =	strace $0x80000046;
	[dreg:$0x1] =	wrdreg $0xFFFFFFFF  }
0xa7: {  	s28 =	simm.s32 $_size_execute0_lowered;
	s2 =	sadd.s32 s2, s4;
	[dreg:$0x0] =	wrdreg $0x0  }
0xa8: {  	s4 =	sshll.u32 s28, $0x1;
	[dreg:$0x2] =	wrdreg s2  }
0xa9: {  	[dreg:$0x3] =	wrdreg s4  }
0xaa: {  	[dreg:$0x4] =	wrdreg $0xC0  }
0xab: {  	_ =	task [dreg:s6], $0x5FFFF  }
0xac: {  	[dreg:$0x1] =	wrdreg $0xFFFFFFFF  }
0xad: {  	[dreg:$0x0] =	wrdreg $0x60  }
0xae: {  	[dreg:$0x2] =	wrdreg s24  }
0xaf: {  	[dreg:$0x3] =	wrdreg $0x9  }
0xb0: {  	_ =	task.clear_ibuf [dreg:s6], $0x4FFFF;
	_ =	strace $0x90000046  }
0xb1: {  	s29 =	simm.s32 $0x9;
	_ =	strace $0x80000048  }
0xb2: {  	_ =	swait.ge [sflag:s29], $0x1  }
0xb3: {  	[sflag:s29] =	ssyncadd.s32 $0xFFFFFFFF  }
0xb4: {  	_ =	strace $0x90000048  }
0xb5: {  	_ =	sfence  }
0xb6: {  	s30 =	sld [smem:$0x0];
	_ =	sdelay $0x2  }
0xb7: {  	s31 =	sshll.u32 s1, $0xD;
	s1 =	sshrl.u32 s1, $0x2  }
0xb8: {  	s3 =	sand.u32 $0x4000, s31;
	s1 =	sadd.s32 s1, s30  }
0xb9: {  	s0 =	sor.u32 s3, s0;
	s1 =	sshll.u32 s1, $0x11  }
0xba: {  	s0 =	sor.u32 s1, s0  }
0xbb: {  	s0 =	sadd.s32 $0x8F2B, s0  }
0xbc: {  	[sflag:s0] =	ssyncadd.remote.s32 $0x1  }
0xbd: {  	_ =	sfence.sel $0xFFFF  }
0xbe: {  	[dreg:$0x0] =	wrdreg $0xFFFFFFFF;
	(pc) =	sbr.abs _section_cstart, $3  }
0xbf: {  	[dreg:$0x1] =	wrdreg $0xFFFFFFFF  }
0xc0: {  	_ =	task.clear_ibuf [dreg:s6], $0x2FFFF;
	_ =	strace $0x9FFFFFFF  }
0xc1: {  	(tm) =	ssettm $0x7FFFFFFF  }
tec
execute0_lowered:
.L_overlay_start_1:
0x0: {  	(tag) =	ssettag $0x1  }
0x1: {  	s4 =	rddreg [dreg:$0x0]  }
0x2: {  	s2 =	srdreg.scid;
	s0 =	rddreg [dreg:$0x1];
	s1 =	simm.s32 $0x0  }
0x3: {  	s11 =	simm.s32 $0x2920;
	s12 =	simm.s32 $0x2B20;
	s5 =	sand.u32 $0x1, s2  }
0x4: {  	s13 =	simm.s32 $0x2D20;
	[smem:$0x7FF] =	sst s1;
	s6 =	smul.u32 $0x5000, s5  }
0x5: {  	s14 =	simm.s32 $0x0;
	s2 =	stileid.u32;
	s7 =	smul.u32 $0xF000, s5  }
0x6: {  	s3 =	sadd.s32 $0x4C600, s4;
	s5 =	ssub.s32 $0x2, s5;
	s8 =	smul.u32 $0xF00, s2  }
0x7: {  	_ =	strace $0x80000047;
	s10 =	smul.u32 $0x500, s2;
	s9 =	sshrl.u32 s5, $0x1  }
0x8: {  	s7 =	sadd.s32 s7, s4;
	s6 =	sadd.s32 s6, s4;
	s29 =	ssub.s32 s5, s9  }
0x9: {  	s9 =	simm.s32 $0x1;
	s30 =	sadd.s32 s8, s7;
	s4 =	smax.u32 s29, $0x1  }
0xa: {  	s31 =	sadd.s32 s10, s6;
	s10 =	simm.s32 $0x2720;
	s5 =	sadd.s32 $0x4CC00, s30  }
0xb: {  	s6 =	sadd.s32 $0x2E600, s31;
	s7 =	sadd.s32 $0x38600, s31;
	s8 =	sadd.s32 $0x42600, s31  }
.LBB2_1:
0xc: {  	[tilespmem:s1], [sflag:$0x1] =	stream.linear.gather [hbm4b:s3+s1], $0x2720, $0x38;
	[tilespmem:$0x3320] =	vst v63  }
0xd: {  	_ =	swait.ge [sflag:s9], $0x2720  }
0xe: {  	[sflag:s9] =	ssyncset.done $0x0  }
0xf: {  	s15 =	sadd.s32 $0x0, s8;
	[sflag:s9] =	ssyncadd.s32 $0xFFFFD8E0  }
0x10: {  	[tilespmem:s10], [sflag:$0x1] =	stream.linear.gather [hbm4b:s15+s1], $0x200, $0x38;
	[tilespmem:$0x3320] =	vst v63  }
0x11: {  	_ =	swait.ge [sflag:s9], $0x200  }
0x12: {  	[sflag:s9] =	ssyncset.done $0x0  }
0x13: {  	s30 =	sadd.s32 $0x0, s7;
	[sflag:s9] =	ssyncadd.s32 $0xFFFFFE00  }
0x14: {  	[tilespmem:s11], [sflag:$0x1] =	stream.linear.gather [hbm4b:s30+s1], $0x200, $0x38;
	[tilespmem:$0x3320] =	vst v63  }
0x15: {  	_ =	swait.ge [sflag:s9], $0x200  }
0x16: {  	[sflag:s9] =	ssyncset.done $0x0  }
0x17: {  	s31 =	sadd.s32 $0x0, s6;
	[sflag:s9] =	ssyncadd.s32 $0xFFFFFE00  }
0x18: {  	[tilespmem:s12], [sflag:$0x1] =	stream.linear.gather [hbm4b:s31+s1], $0x200, $0x38;
	[tilespmem:$0x3320] =	vst v63  }
0x19: {  	_ =	swait.ge [sflag:s9], $0x200  }
0x1a: {  	[sflag:s9] =	ssyncset.done $0x0  }
0x1b: {  	[sflag:s9] =	ssyncadd.s32 $0xFFFFFE00  }
0x1c: {  	v0 =	vld [tilespmem:$0x2920];
	_ =	sdelay $0x6  }
0x1d: {  	v2 =	vld [tilespmem:$0x2B20]  }
0x1e: {  	v1 =	vld.idx.msk [tilespmem:v0+s1+$0x0], $0xffff  }
0x1f: {  	v3 =	vld [tilespmem:$0x2720]  }
0x20: {  	v4 =	vld [tilespmem:$0x2930];
	_ =	sdelay $0x2  }
0x21: {  	vm0 =	vlt.s32 v0, $0x2710;
	v5 =	vand.u32 $0x7, v1  }
0x22: {  	v0 =	vsel vm0, v0, v3;
	v1 =	vand.u32 $0xFFFFFFF8, v1;
	v5 =	vmul.u32 $0x2710, v5  }
0x23: {  	[tilespmem:$0x2DA0] =	vst v0;
	v1 =	vadd.s32 v2, v1  }
0x24: {  	[tilespmem:$0x2D60] =	vst v1;
	v34 =	vadd.s32 v3, v5  }
0x25: {  	v35 =	vld [tilespmem:$0x2730];
	[tilespmem:$0x2D20] =	vst v34  }
0x26: {  	v0 =	vld.idx.msk [tilespmem:v4+s1+$0x0], $0xffff  }
0x27: {  	v36 =	vld [tilespmem:$0x2B30]  }
0x28: {  	v37 =	vld [tilespmem:$0x2940];
	_ =	sdelay $0x2  }
0x29: {  	vm9 =	vlt.s32 v4, $0x2710;
	v38 =	vand.u32 $0x7, v0  }
0x2a: {  	v4 =	vsel vm9, v4, v35;
	v0 =	vand.u32 $0xFFFFFFF8, v0;
	v5 =	vmul.u32 $0x2710, v38  }
0x2b: {  	[tilespmem:$0x2DB0] =	vst v4;
	v0 =	vadd.s32 v36, v0  }
0x2c: {  	[tilespmem:$0x2D70] =	vst v0;
	v1 =	vadd.s32 v35, v5  }
0x2d: {  	v39 =	vld [tilespmem:$0x2740];
	[tilespmem:$0x2D30] =	vst v1  }
0x2e: {  	v1 =	vld.idx.msk [tilespmem:v37+s1+$0x0], $0xffff  }
0x2f: {  	v40 =	vld [tilespmem:$0x2B40]  }
0x30: {  	v41 =	vld [tilespmem:$0x2950];
	_ =	sdelay $0x2  }
0x31: {  	vm10 =	vlt.s32 v37, $0x2710;
	v42 =	vand.u32 $0x7, v1  }
0x32: {  	v3 =	vsel vm10, v37, v39;
	v1 =	vand.u32 $0xFFFFFFF8, v1;
	v5 =	vmul.u32 $0x2710, v42  }
0x33: {  	[tilespmem:$0x2DC0] =	vst v3;
	v1 =	vadd.s32 v40, v1  }
0x34: {  	[tilespmem:$0x2D80] =	vst v1;
	v0 =	vadd.s32 v39, v5  }
0x35: {  	v43 =	vld [tilespmem:$0x2750];
	[tilespmem:$0x2D40] =	vst v0  }
0x36: {  	v0 =	vld.idx.msk [tilespmem:v41+s1+$0x0], $0xffff  }
0x37: {  	v44 =	vld [tilespmem:$0x2B50]  }
0x38: {  	v45 =	vld [tilespmem:$0x2960];
	_ =	sdelay $0x2  }
0x39: {  	vm11 =	vlt.s32 v41, $0x2710;
	v46 =	vand.u32 $0x7, v0  }
0x3a: {  	v4 =	vsel vm11, v41, v43;
	v0 =	vand.u32 $0xFFFFFFF8, v0;
	v5 =	vmul.u32 $0x2710, v46  }
0x3b: {  	[tilespmem:$0x2DD0] =	vst v4;
	v0 =	vadd.s32 v44, v0  }
0x3c: {  	[tilespmem:$0x2D90] =	vst v0;
	v1 =	vadd.s32 v43, v5  }
0x3d: {  	v47 =	vld [tilespmem:$0x2760];
	[tilespmem:$0x2D50] =	vst v1  }
0x3e: {  	v1 =	vld.idx.msk [tilespmem:v45+s1+$0x0], $0xffff  }
0x3f: {  	v48 =	vld [tilespmem:$0x2B60]  }
0x40: {  	v49 =	vld [tilespmem:$0x2970];
	_ =	sdelay $0x2  }
0x41: {  	vm12 =	vlt.s32 v45, $0x2710;
	v50 =	vand.u32 $0x7, v1  }
0x42: {  	v3 =	vsel vm12, v45, v47;
	v1 =	vand.u32 $0xFFFFFFF8, v1;
	v5 =	vmul.u32 $0x2710, v50  }
0x43: {  	[tilespmem:$0x2E60] =	vst v3;
	v1 =	vadd.s32 v48, v1  }
0x44: {  	[tilespmem:$0x2E20] =	vst v1;
	v0 =	vadd.s32 v47, v5  }
0x45: {  	v51 =	vld [tilespmem:$0x2770];
	[tilespmem:$0x2DE0] =	vst v0  }
0x46: {  	v0 =	vld.idx.msk [tilespmem:v49+s1+$0x0], $0xffff  }
0x47: {  	v52 =	vld [tilespmem:$0x2B70]  }
0x48: {  	v53 =	vld [tilespmem:$0x2980];
	_ =	sdelay $0x2  }
0x49: {  	vm13 =	vlt.s32 v49, $0x2710;
	v54 =	vand.u32 $0x7, v0  }
0x4a: {  	v4 =	vsel vm13, v49, v51;
	v0 =	vand.u32 $0xFFFFFFF8, v0;
	v5 =	vmul.u32 $0x2710, v54  }
0x4b: {  	[tilespmem:$0x2E70] =	vst v4;
	v0 =	vadd.s32 v52, v0  }
0x4c: {  	[tilespmem:$0x2E30] =	vst v0;
	v1 =	vadd.s32 v51, v5  }
0x4d: {  	v55 =	vld [tilespmem:$0x2780];
	[tilespmem:$0x2DF0] =	vst v1  }
0x4e: {  	v1 =	vld.idx.msk [tilespmem:v53+s1+$0x0], $0xffff  }
0x4f: {  	v56 =	vld [tilespmem:$0x2B80]  }
0x50: {  	v57 =	vld [tilespmem:$0x2990];
	_ =	sdelay $0x2  }
0x51: {  	vm14 =	vlt.s32 v53, $0x2710;
	v58 =	vand.u32 $0x7, v1  }
0x52: {  	v3 =	vsel vm14, v53, v55;
	v1 =	vand.u32 $0xFFFFFFF8, v1;
	v5 =	vmul.u32 $0x2710, v58  }
0x53: {  	[tilespmem:$0x2E80] =	vst v3;
	v1 =	vadd.s32 v56, v1  }
0x54: {  	[tilespmem:$0x2E40] =	vst v1;
	v0 =	vadd.s32 v55, v5  }
0x55: {  	v59 =	vld [tilespmem:$0x2790];
	[tilespmem:$0x2E00] =	vst v0  }
0x56: {  	v0 =	vld.idx.msk [tilespmem:v57+s1+$0x0], $0xffff  }
0x57: {  	v60 =	vld [tilespmem:$0x2B90]  }
0x58: {  	v61 =	vld [tilespmem:$0x29A0];
	_ =	sdelay $0x2  }
0x59: {  	vm15 =	vlt.s32 v57, $0x2710;
	v62 =	vand.u32 $0x7, v0  }
0x5a: {  	v4 =	vsel vm15, v57, v59;
	v0 =	vand.u32 $0xFFFFFFF8, v0;
	v5 =	vmul.u32 $0x2710, v62  }
0x5b: {  	[tilespmem:$0x2E90] =	vst v4;
	v0 =	vadd.s32 v60, v0  }
0x5c: {  	[tilespmem:$0x2E50] =	vst v0;
	v1 =	vadd.s32 v59, v5  }
0x5d: {  	v63 =	vld [tilespmem:$0x27A0];
	[tilespmem:$0x2E10] =	vst v1  }
0x5e: {  	v1 =	vld.idx.msk [tilespmem:v61+s1+$0x0], $0xffff  }
0x5f: {  	v8 =	vld [tilespmem:$0x2BA0]  }
0x60: {  	v9 =	vld [tilespmem:$0x29B0];
	_ =	sdelay $0x2  }
0x61: {  	vm4 =	vlt.s32 v61, $0x2710;
	v10 =	vand.u32 $0x7, v1  }
0x62: {  	v3 =	vsel vm4, v61, v63;
	v1 =	vand.u32 $0xFFFFFFF8, v1;
	v5 =	vmul.u32 $0x2710, v10  }
0x63: {  	[tilespmem:$0x2F20] =	vst v3;
	v1 =	vadd.s32 v8, v1  }
0x64: {  	[tilespmem:$0x2EE0] =	vst v1;
	v0 =	vadd.s32 v63, v5  }
0x65: {  	v11 =	vld [tilespmem:$0x27B0];
	[tilespmem:$0x2EA0] =	vst v0  }
0x66: {  	v0 =	vld.idx.msk [tilespmem:v9+s1+$0x0], $0xffff  }
0x67: {  	v12 =	vld [tilespmem:$0x2BB0]  }
0x68: {  	v13 =	vld [tilespmem:$0x29C0];
	_ =	sdelay $0x2  }
0x69: {  	vm5 =	vlt.s32 v9, $0x2710;
	v14 =	vand.u32 $0x7, v0  }
0x6a: {  	v4 =	vsel vm5, v9, v11;
	v0 =	vand.u32 $0xFFFFFFF8, v0;
	v5 =	vmul.u32 $0x2710, v14  }
0x6b: {  	[tilespmem:$0x2F30] =	vst v4;
	v0 =	vadd.s32 v12, v0  }
0x6c: {  	[tilespmem:$0x2EF0] =	vst v0;
	v1 =	vadd.s32 v11, v5  }
0x6d: {  	v15 =	vld [tilespmem:$0x27C0];
	[tilespmem:$0x2EB0] =	vst v1  }
0x6e: {  	v1 =	vld.idx.msk [tilespmem:v13+s1+$0x0], $0xffff  }
0x6f: {  	v16 =	vld [tilespmem:$0x2BC0]  }
0x70: {  	v17 =	vld [tilespmem:$0x29D0];
	_ =	sdelay $0x2  }
0x71: {  	vm6 =	vlt.s32 v13, $0x2710;
	v18 =	vand.u32 $0x7, v1  }
0x72: {  	v3 =	vsel vm6, v13, v15;
	v1 =	vand.u32 $0xFFFFFFF8, v1;
	v5 =	vmul.u32 $0x2710, v18  }
0x73: {  	[tilespmem:$0x2F40] =	vst v3;
	v1 =	vadd.s32 v16, v1  }
0x74: {  	[tilespmem:$0x2F00] =	vst v1;
	v0 =	vadd.s32 v15, v5  }
0x75: {  	v19 =	vld [tilespmem:$0x27D0];
	[tilespmem:$0x2EC0] =	vst v0  }
0x76: {  	v0 =	vld.idx.msk [tilespmem:v17+s1+$0x0], $0xffff  }
0x77: {  	v20 =	vld [tilespmem:$0x2BD0]  }
0x78: {  	v21 =	vld [tilespmem:$0x29E0];
	_ =	sdelay $0x2  }
0x79: {  	vm7 =	vlt.s32 v17, $0x2710;
	v22 =	vand.u32 $0x7, v0  }
0x7a: {  	v4 =	vsel vm7, v17, v19;
	v0 =	vand.u32 $0xFFFFFFF8, v0;
	v5 =	vmul.u32 $0x2710, v22  }
0x7b: {  	[tilespmem:$0x2F50] =	vst v4;
	v0 =	vadd.s32 v20, v0  }
0x7c: {  	[tilespmem:$0x2F10] =	vst v0;
	v1 =	vadd.s32 v19, v5  }
0x7d: {  	v23 =	vld [tilespmem:$0x27E0];
	[tilespmem:$0x2ED0] =	vst v1  }
0x7e: {  	v1 =	vld.idx.msk [tilespmem:v21+s1+$0x0], $0xffff  }
0x7f: {  	v24 =	vld [tilespmem:$0x2BE0]  }
0x80: {  	v25 =	vld [tilespmem:$0x29F0];
	_ =	sdelay $0x2  }
0x81: {  	vm8 =	vlt.s32 v21, $0x2710;
	v26 =	vand.u32 $0x7, v1  }
0x82: {  	v3 =	vsel vm8, v21, v23;
	v1 =	vand.u32 $0xFFFFFFF8, v1;
	v5 =	vmul.u32 $0x2710, v26  }
0x83: {  	[tilespmem:$0x2FE0] =	vst v3;
	v1 =	vadd.s32 v24, v1  }
0x84: {  	[tilespmem:$0x2FA0] =	vst v1;
	v0 =	vadd.s32 v23, v5  }
0x85: {  	v27 =	vld [tilespmem:$0x27F0];
	[tilespmem:$0x2F60] =	vst v0  }
0x86: {  	v0 =	vld.idx.msk [tilespmem:v25+s1+$0x0], $0xffff  }
0x87: {  	v28 =	vld [tilespmem:$0x2BF0]  }
0x88: {  	v29 =	vld [tilespmem:$0x2A00];
	_ =	sdelay $0x2  }
0x89: {  	vm9 =	vlt.s32 v25, $0x2710;
	v30 =	vand.u32 $0x7, v0  }
0x8a: {  	v4 =	vsel vm9, v25, v27;
	v0 =	vand.u32 $0xFFFFFFF8, v0;
	v5 =	vmul.u32 $0x2710, v30  }
0x8b: {  	[tilespmem:$0x2FF0] =	vst v4;
	v0 =	vadd.s32 v28, v0  }
0x8c: {  	[tilespmem:$0x2FB0] =	vst v0;
	v1 =	vadd.s32 v27, v5  }
0x8d: {  	v31 =	vld [tilespmem:$0x2800];
	[tilespmem:$0x2F70] =	vst v1  }
0x8e: {  	v1 =	vld.idx.msk [tilespmem:v29+s1+$0x0], $0xffff  }
0x8f: {  	v32 =	vld [tilespmem:$0x2C00]  }
0x90: {  	v33 =	vld [tilespmem:$0x2A10];
	_ =	sdelay $0x2  }
0x91: {  	vm10 =	vlt.s32 v29, $0x2710;
	v34 =	vand.u32 $0x7, v1  }
0x92: {  	v3 =	vsel vm10, v29, v31;
	v1 =	vand.u32 $0xFFFFFFF8, v1;
	v35 =	vmul.u32 $0x2710, v34  }
0x93: {  	[tilespmem:$0x3000] =	vst v3;
	v1 =	vadd.s32 v32, v1  }
0x94: {  	[tilespmem:$0x2FC0] =	vst v1;
	v0 =	vadd.s32 v31, v35  }
0x95: {  	v36 =	vld [tilespmem:$0x2810];
	[tilespmem:$0x2F80] =	vst v0  }
0x96: {  	v0 =	vld.idx.msk [tilespmem:v33+s1+$0x0], $0xffff  }
0x97: {  	v38 =	vld [tilespmem:$0x2A20]  }
0x98: {  	v37 =	vld [tilespmem:$0x2C10];
	_ =	sdelay $0x2  }
0x99: {  	vm11 =	vlt.s32 v33, $0x2710;
	v39 =	vand.u32 $0x7, v0  }
0x9a: {  	v4 =	vsel vm11, v33, v36;
	v0 =	vand.u32 $0xFFFFFFF8, v0;
	v5 =	vmul.u32 $0x2710, v39  }
0x9b: {  	[tilespmem:$0x3010] =	vst v4;
	v0 =	vadd.s32 v37, v0  }
0x9c: {  	[tilespmem:$0x2FD0] =	vst v0;
	v40 =	vadd.s32 v36, v5  }
0x9d: {  	v42 =	vld [tilespmem:$0x2C20];
	[tilespmem:$0x2F90] =	vst v40  }
0x9e: {  	v0 =	vld.idx.msk [tilespmem:v38+s1+$0x0], $0xffff  }
0x9f: {  	v41 =	vld [tilespmem:$0x2820]  }
0xa0: {  	v43 =	vld [tilespmem:$0x2A30];
	_ =	sdelay $0x2  }
0xa1: {  	vm12 =	vlt.s32 v38, $0x2710;
	v44 =	vand.u32 $0x7, v0  }
0xa2: {  	v3 =	vsel vm12, v38, v41;
	v0 =	vand.u32 $0xFFFFFFF8, v0;
	v5 =	vmul.u32 $0x2710, v44  }
0xa3: {  	[tilespmem:$0x30A0] =	vst v3;
	v0 =	vadd.s32 v42, v0  }
0xa4: {  	[tilespmem:$0x3060] =	vst v0;
	v45 =	vadd.s32 v41, v5  }
0xa5: {  	v46 =	vld [tilespmem:$0x2830];
	[tilespmem:$0x3020] =	vst v45  }
0xa6: {  	v0 =	vld.idx.msk [tilespmem:v43+s1+$0x0], $0xffff  }
0xa7: {  	v48 =	vld [tilespmem:$0x2A40]  }
0xa8: {  	v47 =	vld [tilespmem:$0x2C30];
	_ =	sdelay $0x2  }
0xa9: {  	vm13 =	vlt.s32 v43, $0x2710;
	v49 =	vand.u32 $0x7, v0  }
0xaa: {  	v4 =	vsel vm13, v43, v46;
	v0 =	vand.u32 $0xFFFFFFF8, v0;
	v5 =	vmul.u32 $0x2710, v49  }
0xab: {  	[tilespmem:$0x30B0] =	vst v4;
	v0 =	vadd.s32 v47, v0  }
0xac: {  	[tilespmem:$0x3070] =	vst v0;
	v50 =	vadd.s32 v46, v5  }
0xad: {  	v52 =	vld [tilespmem:$0x2C40];
	[tilespmem:$0x3030] =	vst v50  }
0xae: {  	v0 =	vld.idx.msk [tilespmem:v48+s1+$0x0], $0xffff  }
0xaf: {  	v51 =	vld [tilespmem:$0x2840]  }
0xb0: {  	v53 =	vld [tilespmem:$0x2A50];
	_ =	sdelay $0x2  }
0xb1: {  	vm14 =	vlt.s32 v48, $0x2710;
	v54 =	vand.u32 $0x7, v0  }
0xb2: {  	v3 =	vsel vm14, v48, v51;
	v0 =	vand.u32 $0xFFFFFFF8, v0;
	v5 =	vmul.u32 $0x2710, v54  }
0xb3: {  	[tilespmem:$0x30C0] =	vst v3;
	v0 =	vadd.s32 v52, v0  }
0xb4: {  	[tilespmem:$0x3080] =	vst v0;
	v55 =	vadd.s32 v51, v5  }
0xb5: {  	v56 =	vld [tilespmem:$0x2850];
	[tilespmem:$0x3040] =	vst v55  }
0xb6: {  	v0 =	vld.idx.msk [tilespmem:v53+s1+$0x0], $0xffff  }
0xb7: {  	v58 =	vld [tilespmem:$0x2A60]  }
0xb8: {  	v57 =	vld [tilespmem:$0x2C50];
	_ =	sdelay $0x2  }
0xb9: {  	vm15 =	vlt.s32 v53, $0x2710;
	v59 =	vand.u32 $0x7, v0  }
0xba: {  	v4 =	vsel vm15, v53, v56;
	v0 =	vand.u32 $0xFFFFFFF8, v0;
	v5 =	vmul.u32 $0x2710, v59  }
0xbb: {  	[tilespmem:$0x30D0] =	vst v4;
	v0 =	vadd.s32 v57, v0  }
0xbc: {  	[tilespmem:$0x3090] =	vst v0;
	v60 =	vadd.s32 v56, v5  }
0xbd: {  	v62 =	vld [tilespmem:$0x2C60];
	[tilespmem:$0x3050] =	vst v60  }
0xbe: {  	v0 =	vld.idx.msk [tilespmem:v58+s1+$0x0], $0xffff  }
0xbf: {  	v61 =	vld [tilespmem:$0x2860]  }
0xc0: {  	v63 =	vld [tilespmem:$0x2A70];
	_ =	sdelay $0x2  }
0xc1: {  	vm4 =	vlt.s32 v58, $0x2710;
	v8 =	vand.u32 $0x7, v0  }
0xc2: {  	v3 =	vsel vm4, v58, v61;
	v0 =	vand.u32 $0xFFFFFFF8, v0;
	v5 =	vmul.u32 $0x2710, v8  }
0xc3: {  	[tilespmem:$0x3160] =	vst v3;
	v0 =	vadd.s32 v62, v0  }
0xc4: {  	[tilespmem:$0x3120] =	vst v0;
	v9 =	vadd.s32 v61, v5  }
0xc5: {  	v10 =	vld [tilespmem:$0x2870];
	[tilespmem:$0x30E0] =	vst v9  }
0xc6: {  	v0 =	vld.idx.msk [tilespmem:v63+s1+$0x0], $0xffff  }
0xc7: {  	v12 =	vld [tilespmem:$0x2A80]  }
0xc8: {  	v11 =	vld [tilespmem:$0x2C70];
	_ =	sdelay $0x2  }
0xc9: {  	vm5 =	vlt.s32 v63, $0x2710;
	v13 =	vand.u32 $0x7, v0  }
0xca: {  	v4 =	vsel vm5, v63, v10;
	v0 =	vand.u32 $0xFFFFFFF8, v0;
	v5 =	vmul.u32 $0x2710, v13  }
0xcb: {  	[tilespmem:$0x3170] =	vst v4;
	v0 =	vadd.s32 v11, v0  }
0xcc: {  	[tilespmem:$0x3130] =	vst v0;
	v14 =	vadd.s32 v10, v5  }
0xcd: {  	v16 =	vld [tilespmem:$0x2C80];
	[tilespmem:$0x30F0] =	vst v14  }
0xce: {  	v0 =	vld.idx.msk [tilespmem:v12+s1+$0x0], $0xffff  }
0xcf: {  	v15 =	vld [tilespmem:$0x2880]  }
0xd0: {  	v17 =	vld [tilespmem:$0x2A90];
	_ =	sdelay $0x2  }
0xd1: {  	vm6 =	vlt.s32 v12, $0x2710;
	v18 =	vand.u32 $0x7, v0  }
0xd2: {  	v3 =	vsel vm6, v12, v15;
	v0 =	vand.u32 $0xFFFFFFF8, v0;
	v5 =	vmul.u32 $0x2710, v18  }
0xd3: {  	[tilespmem:$0x3180] =	vst v3;
	v0 =	vadd.s32 v16, v0  }
0xd4: {  	[tilespmem:$0x3140] =	vst v0;
	v19 =	vadd.s32 v15, v5  }
0xd5: {  	v20 =	vld [tilespmem:$0x2890];
	[tilespmem:$0x3100] =	vst v19  }
0xd6: {  	v0 =	vld.idx.msk [tilespmem:v17+s1+$0x0], $0xffff  }
0xd7: {  	v22 =	vld [tilespmem:$0x2AA0]  }
0xd8: {  	v21 =	vld [tilespmem:$0x2C90];
	_ =	sdelay $0x2  }
0xd9: {  	vm7 =	vlt.s32 v17, $0x2710;
	v23 =	vand.u32 $0x7, v0  }
0xda: {  	v4 =	vsel vm7, v17, v20;
	v0 =	vand.u32 $0xFFFFFFF8, v0;
	v5 =	vmul.u32 $0x2710, v23  }
0xdb: {  	[tilespmem:$0x3190] =	vst v4;
	v0 =	vadd.s32 v21, v0  }
0xdc: {  	[tilespmem:$0x3150] =	vst v0;
	v24 =	vadd.s32 v20, v5  }
0xdd: {  	v26 =	vld [tilespmem:$0x2CA0];
	[tilespmem:$0x3110] =	vst v24  }
0xde: {  	v0 =	vld.idx.msk [tilespmem:v22+s1+$0x0], $0xffff  }
0xdf: {  	v25 =	vld [tilespmem:$0x28A0]  }
0xe0: {  	v27 =	vld [tilespmem:$0x2AB0];
	_ =	sdelay $0x2  }
0xe1: {  	vm8 =	vlt.s32 v22, $0x2710;
	v28 =	vand.u32 $0x7, v0  }
0xe2: {  	v3 =	vsel vm8, v22, v25;
	v0 =	vand.u32 $0xFFFFFFF8, v0;
	v5 =	vmul.u32 $0x2710, v28  }
0xe3: {  	[tilespmem:$0x3220] =	vst v3;
	v0 =	vadd.s32 v26, v0  }
0xe4: {  	[tilespmem:$0x31E0] =	vst v0;
	v29 =	vadd.s32 v25, v5  }
0xe5: {  	v30 =	vld [tilespmem:$0x28B0];
	[tilespmem:$0x31A0] =	vst v29  }
0xe6: {  	v0 =	vld.idx.msk [tilespmem:v27+s1+$0x0], $0xffff  }
0xe7: {  	v32 =	vld [tilespmem:$0x2AC0]  }
0xe8: {  	v31 =	vld [tilespmem:$0x2CB0];
	_ =	sdelay $0x2  }
0xe9: {  	vm9 =	vlt.s32 v27, $0x2710;
	v33 =	vand.u32 $0x7, v0  }
0xea: {  	v4 =	vsel vm9, v27, v30;
	v0 =	vand.u32 $0xFFFFFFF8, v0;
	v5 =	vmul.u32 $0x2710, v33  }
0xeb: {  	[tilespmem:$0x3230] =	vst v4;
	v0 =	vadd.s32 v31, v0  }
0xec: {  	[tilespmem:$0x31F0] =	vst v0;
	v34 =	vadd.s32 v30, v5  }
0xed: {  	v35 =	vld [tilespmem:$0x28C0];
	[tilespmem:$0x31B0] =	vst v34  }
0xee: {  	v0 =	vld.idx.msk [tilespmem:v32+s1+$0x0], $0xffff  }
0xef: {  	v37 =	vld [tilespmem:$0x2AD0]  }
0xf0: {  	v36 =	vld [tilespmem:$0x2CC0];
	_ =	sdelay $0x2  }
0xf1: {  	vm10 =	vlt.s32 v32, $0x2710;
	v38 =	vand.u32 $0x7, v0  }
0xf2: {  	v3 =	vsel vm10, v32, v35;
	v0 =	vand.u32 $0xFFFFFFF8, v0;
	v5 =	vmul.u32 $0x2710, v38  }
0xf3: {  	[tilespmem:$0x3240] =	vst v3;
	v0 =	vadd.s32 v36, v0  }
0xf4: {  	[tilespmem:$0x3200] =	vst v0;
	v39 =	vadd.s32 v35, v5  }
0xf5: {  	v40 =	vld [tilespmem:$0x28D0];
	[tilespmem:$0x31C0] =	vst v39  }
0xf6: {  	v0 =	vld.idx.msk [tilespmem:v37+s1+$0x0], $0xffff  }
0xf7: {  	v42 =	vld [tilespmem:$0x2AE0]  }
0xf8: {  	v41 =	vld [tilespmem:$0x2CD0];
	_ =	sdelay $0x2  }
0xf9: {  	vm11 =	vlt.s32 v37, $0x2710;
	v43 =	vand.u32 $0x7, v0  }
0xfa: {  	v4 =	vsel vm11, v37, v40;
	v0 =	vand.u32 $0xFFFFFFF8, v0;
	v5 =	vmul.u32 $0x2710, v43  }
0xfb: {  	[tilespmem:$0x3250] =	vst v4;
	v0 =	vadd.s32 v41, v0  }
0xfc: {  	[tilespmem:$0x3210] =	vst v0;
	v44 =	vadd.s32 v40, v5  }
0xfd: {  	v45 =	vld [tilespmem:$0x28E0];
	[tilespmem:$0x31D0] =	vst v44  }
0xfe: {  	v0 =	vld.idx.msk [tilespmem:v42+s1+$0x0], $0xffff  }
0xff: {  	v47 =	vld [tilespmem:$0x2AF0]  }
0x100: {  	v46 =	vld [tilespmem:$0x2CE0];
	_ =	sdelay $0x2  }
0x101: {  	vm12 =	vlt.s32 v42, $0x2710;
	v48 =	vand.u32 $0x7, v0  }
0x102: {  	v3 =	vsel vm12, v42, v45;
	v0 =	vand.u32 $0xFFFFFFF8, v0;
	v5 =	vmul.u32 $0x2710, v48  }
0x103: {  	[tilespmem:$0x32E0] =	vst v3;
	v0 =	vadd.s32 v46, v0  }
0x104: {  	[tilespmem:$0x32A0] =	vst v0;
	v49 =	vadd.s32 v45, v5  }
0x105: {  	v50 =	vld [tilespmem:$0x28F0];
	[tilespmem:$0x3260] =	vst v49  }
0x106: {  	v0 =	vld.idx.msk [tilespmem:v47+s1+$0x0], $0xffff  }
0x107: {  	v52 =	vld [tilespmem:$0x2B00]  }
0x108: {  	v51 =	vld [tilespmem:$0x2CF0];
	_ =	sdelay $0x2  }
0x109: {  	vm13 =	vlt.s32 v47, $0x2710;
	v53 =	vand.u32 $0x7, v0  }
0x10a: {  	v4 =	vsel vm13, v47, v50;
	v0 =	vand.u32 $0xFFFFFFF8, v0;
	v5 =	vmul.u32 $0x2710, v53  }
0x10b: {  	[tilespmem:$0x32F0] =	vst v4;
	v0 =	vadd.s32 v51, v0  }
0x10c: {  	[tilespmem:$0x32B0] =	vst v0;
	v54 =	vadd.s32 v50, v5  }
0x10d: {  	v55 =	vld [tilespmem:$0x2900];
	[tilespmem:$0x3270] =	vst v54  }
0x10e: {  	v0 =	vld.idx.msk [tilespmem:v52+s1+$0x0], $0xffff  }
0x10f: {  	v57 =	vld [tilespmem:$0x2B10]  }
0x110: {  	v56 =	vld [tilespmem:$0x2D00];
	_ =	sdelay $0x2  }
0x111: {  	vm14 =	vlt.s32 v52, $0x2710;
	v58 =	vand.u32 $0x7, v0  }
0x112: {  	v3 =	vsel vm14, v52, v55;
	v0 =	vand.u32 $0xFFFFFFF8, v0;
	v5 =	vmul.u32 $0x2710, v58  }
0x113: {  	[tilespmem:$0x3300] =	vst v3;
	v0 =	vadd.s32 v56, v0  }
0x114: {  	[tilespmem:$0x32C0] =	vst v0;
	v59 =	vadd.s32 v55, v5  }
0x115: {  	[tilespmem:$0x3280] =	vst v59  }
0x116: {  	v0 =	vld.idx.msk [tilespmem:v57+s1+$0x0], $0xffff  }
0x117: {  	v60 =	vld [tilespmem:$0x2910]  }
0x118: {  	v61 =	vld [tilespmem:$0x2D10];
	_ =	sdelay $0x2  }
0x119: {  	vm15 =	vlt.s32 v57, $0x2710;
	v62 =	vand.u32 $0x7, v0  }
0x11a: {  	v4 =	vsel vm15, v57, v60;
	v0 =	vand.u32 $0xFFFFFFF8, v0;
	v3 =	vmul.u32 $0x2710, v62  }
0x11b: {  	[tilespmem:$0x3310] =	vst v4;
	v0 =	vadd.s32 v61, v0  }
0x11c: {  	[tilespmem:$0x32D0] =	vst v0;
	v63 =	vadd.s32 v60, v3  }
0x11d: {  	[tilespmem:$0x3290] =	vst v63  }
0x11e: {  	[hbm4b:s5+s1] =	stream.linear.scatter [tilespmem:s13], [sflag:$0x1], $0x600, $0x38;
	[tilespmem:$0x3320] =	vst v63  }
0x11f: {  	s16 =	simm.s32 $0x40;
	_ =	swait.ge [sflag:s9], $0x600  }
0x120: {  	s18 =	simm.s32 $0x80;
	s15 =	sadd.s32 $0xC0, s5;
	[sflag:s9] =	ssyncset.done $0x0  }
.LBB2_2:
0x121: {  	s19 =	sadd.s32 s16, s8  }
0x122: {  	[sflag:s9] =	ssyncadd.s32 $0xFFFFFA00;
	s20 =	smov.u32 s18;
	s17 =	sadd.s32 $0x40, s18  }
0x123: {  	[tilespmem:s10], [sflag:$0x1] =	stream.linear.gather [hbm4b:s19+s1], $0x200, $0x38;
	[tilespmem:$0x3320] =	vst v63  }
0x124: {  	p0 =	sne.s32 s18, $0x4C0;
	_ =	swait.ge [sflag:s9], $0x200  }
0x125: {  	[sflag:s9] =	ssyncset.done $0x0  }
0x126: {  	s18 =	sadd.s32 s16, s7;
	[sflag:s9] =	ssyncadd.s32 $0xFFFFFE00  }
0x127: {  	[tilespmem:s11], [sflag:$0x1] =	stream.linear.gather [hbm4b:s18+s1], $0x200, $0x38;
	[tilespmem:$0x3320] =	vst v63  }
0x128: {  	_ =	swait.ge [sflag:s9], $0x200  }
0x129: {  	[sflag:s9] =	ssyncset.done $0x0  }
0x12a: {  	s18 =	sadd.s32 s16, s6;
	s16 =	smov.u32 s20;
	[sflag:s9] =	ssyncadd.s32 $0xFFFFFE00  }
0x12b: {  	[tilespmem:s12], [sflag:$0x1] =	stream.linear.gather [hbm4b:s18+s1], $0x200, $0x38;
	[tilespmem:$0x3320] =	vst v63  }
0x12c: {  	_ =	swait.ge [sflag:s9], $0x200  }
0x12d: {  	[sflag:s9] =	ssyncset.done $0x0  }
0x12e: {  	[sflag:s9] =	ssyncadd.s32 $0xFFFFFE00  }
0x12f: {  	v0 =	vld [tilespmem:$0x2920];
	_ =	sdelay $0x7  }
0x130: {  	v1 =	vld.idx.msk [tilespmem:v0+s1+$0x0], $0xffff  }
0x131: {  	v2 =	vld [tilespmem:$0x2B20]  }
0x132: {  	v3 =	vld [tilespmem:$0x2720]  }
0x133: {  	v4 =	vld [tilespmem:$0x2930]  }
0x134: {  	v5 =	vld [tilespmem:$0x2730];
	_ =	sdelay $0x1  }
0x135: {  	vm0 =	vlt.s32 v0, $0x2710;
	v6 =	vand.u32 $0x7, v1;
	v1 =	vand.u32 $0xFFFFFFF8, v1  }
0x136: {  	v1 =	vadd.s32 v2, v1;
	v2 =	vmul.u32 $0x2710, v6;
	v0 =	vsel vm0, v0, v3  }
0x137: {  	[tilespmem:$0x2DA0] =	vst v0;
	vm0 =	vlt.s32 v4, $0x2710  }
0x138: {  	v0 =	vadd.s32 v3, v2;
	[tilespmem:$0x2D60] =	vst v1;
	v1 =	vsel vm0, v4, v5  }
0x139: {  	[tilespmem:$0x2D20] =	vst v0  }
0x13a: {  	v0 =	vld.idx.msk [tilespmem:v4+s1+$0x0], $0xffff;
	_ =	sdelay $0x1  }
0x13b: {  	v2 =	vld [tilespmem:$0x2B30]  }
0x13c: {  	v3 =	vld [tilespmem:$0x2940]  }
0x13d: {  	v4 =	vld [tilespmem:$0x2740];
	_ =	sdelay $0x1  }
0x13e: {  	v6 =	vand.u32 $0x7, v0;
	v0 =	vand.u32 $0xFFFFFFF8, v0  }
0x13f: {  	v0 =	vadd.s32 v2, v0;
	v2 =	vmul.u32 $0x2710, v6  }
0x140: {  	[tilespmem:$0x2DB0] =	vst v1;
	vm0 =	vlt.s32 v3, $0x2710  }
0x141: {  	v1 =	vadd.s32 v5, v2;
	[tilespmem:$0x2D70] =	vst v0;
	v0 =	vsel vm0, v3, v4  }
0x142: {  	[tilespmem:$0x2D30] =	vst v1  }
0x143: {  	v1 =	vld.idx.msk [tilespmem:v3+s1+$0x0], $0xffff;
	_ =	sdelay $0x1  }
0x144: {  	v2 =	vld [tilespmem:$0x2B40]  }
0x145: {  	v3 =	vld [tilespmem:$0x2950]  }
0x146: {  	v5 =	vld [tilespmem:$0x2750];
	_ =	sdelay $0x1  }
0x147: {  	v6 =	vand.u32 $0x7, v1;
	v1 =	vand.u32 $0xFFFFFFF8, v1  }
0x148: {  	v1 =	vadd.s32 v2, v1;
	v2 =	vmul.u32 $0x2710, v6  }
0x149: {  	[tilespmem:$0x2DC0] =	vst v0;
	vm0 =	vlt.s32 v3, $0x2710  }
0x14a: {  	v0 =	vadd.s32 v4, v2;
	[tilespmem:$0x2D80] =	vst v1;
	v1 =	vsel vm0, v3, v5  }
0x14b: {  	[tilespmem:$0x2D40] =	vst v0  }
0x14c: {  	v0 =	vld.idx.msk [tilespmem:v3+s1+$0x0], $0xffff;
	_ =	sdelay $0x1  }
0x14d: {  	v2 =	vld [tilespmem:$0x2B50]  }
0x14e: {  	v3 =	vld [tilespmem:$0x2960]  }
0x14f: {  	v4 =	vld [tilespmem:$0x2760];
	_ =	sdelay $0x1  }
0x150: {  	v6 =	vand.u32 $0x7, v0;
	v0 =	vand.u32 $0xFFFFFFF8, v0  }
0x151: {  	v0 =	vadd.s32 v2, v0;
	v2 =	vmul.u32 $0x2710, v6  }
0x152: {  	[tilespmem:$0x2DD0] =	vst v1;
	vm0 =	vlt.s32 v3, $0x2710  }
0x153: {  	v1 =	vadd.s32 v5, v2;
	[tilespmem:$0x2D90] =	vst v0;
	v0 =	vsel vm0, v3, v4  }
0x154: {  	[tilespmem:$0x2D50] =	vst v1  }
0x155: {  	v1 =	vld.idx.msk [tilespmem:v3+s1+$0x0], $0xffff;
	_ =	sdelay $0x1  }
0x156: {  	v2 =	vld [tilespmem:$0x2B60]  }
0x157: {  	v3 =	vld [tilespmem:$0x2970]  }
0x158: {  	v5 =	vld [tilespmem:$0x2770];
	_ =	sdelay $0x1  }
0x159: {  	v6 =	vand.u32 $0x7, v1;
	v1 =	vand.u32 $0xFFFFFFF8, v1  }
0x15a: {  	v1 =	vadd.s32 v2, v1;
	v2 =	vmul.u32 $0x2710, v6  }
0x15b: {  	[tilespmem:$0x2E60] =	vst v0;
	vm0 =	vlt.s32 v3, $0x2710  }
0x15c: {  	v0 =	vadd.s32 v4, v2;
	[tilespmem:$0x2E20] =	vst v1;
	v1 =	vsel vm0, v3, v5  }
0x15d: {  	[tilespmem:$0x2DE0] =	vst v0  }
0x15e: {  	v0 =	vld.idx.msk [tilespmem:v3+s1+$0x0], $0xffff;
	_ =	sdelay $0x1  }
0x15f: {  	v2 =	vld [tilespmem:$0x2B70]  }
0x160: {  	v3 =	vld [tilespmem:$0x2980]  }
0x161: {  	v4 =	vld [tilespmem:$0x2780];
	_ =	sdelay $0x1  }
0x162: {  	v6 =	vand.u32 $0x7, v0;
	v0 =	vand.u32 $0xFFFFFFF8, v0  }
0x163: {  	v0 =	vadd.s32 v2, v0;
	v2 =	vmul.u32 $0x2710, v6  }
0x164: {  	[tilespmem:$0x2E70] =	vst v1;
	vm0 =	vlt.s32 v3, $0x2710  }
0x165: {  	v1 =	vadd.s32 v5, v2;
	[tilespmem:$0x2E30] =	vst v0;
	v0 =	vsel vm0, v3, v4  }
0x166: {  	[tilespmem:$0x2DF0] =	vst v1  }
0x167: {  	v1 =	vld.idx.msk [tilespmem:v3+s1+$0x0], $0xffff;
	_ =	sdelay $0x1  }
0x168: {  	v2 =	vld [tilespmem:$0x2B80]  }
0x169: {  	v3 =	vld [tilespmem:$0x2990]  }
0x16a: {  	v5 =	vld [tilespmem:$0x2790];
	_ =	sdelay $0x1  }
0x16b: {  	v6 =	vand.u32 $0x7, v1;
	v1 =	vand.u32 $0xFFFFFFF8, v1  }
0x16c: {  	v1 =	vadd.s32 v2, v1;
	v2 =	vmul.u32 $0x2710, v6  }
0x16d: {  	[tilespmem:$0x2E80] =	vst v0;
	vm0 =	vlt.s32 v3, $0x2710  }
0x16e: {  	v0 =	vadd.s32 v4, v2;
	[tilespmem:$0x2E40] =	vst v1;
	v1 =	vsel vm0, v3, v5  }
0x16f: {  	[tilespmem:$0x2E00] =	vst v0  }
0x170: {  	v0 =	vld.idx.msk [tilespmem:v3+s1+$0x0], $0xffff;
	_ =	sdelay $0x1  }
0x171: {  	v2 =	vld [tilespmem:$0x2B90]  }
0x172: {  	v3 =	vld [tilespmem:$0x29A0]  }
0x173: {  	v4 =	vld [tilespmem:$0x27A0];
	_ =	sdelay $0x1  }
0x174: {  	v6 =	vand.u32 $0x7, v0;
	v0 =	vand.u32 $0xFFFFFFF8, v0  }
0x175: {  	v0 =	vadd.s32 v2, v0;
	v2 =	vmul.u32 $0x2710, v6  }
0x176: {  	[tilespmem:$0x2E90] =	vst v1;
	vm0 =	vlt.s32 v3, $0x2710  }
0x177: {  	v1 =	vadd.s32 v5, v2;
	[tilespmem:$0x2E50] =	vst v0;
	v0 =	vsel vm0, v3, v4  }
0x178: {  	[tilespmem:$0x2E10] =	vst v1  }
0x179: {  	v1 =	vld.idx.msk [tilespmem:v3+s1+$0x0], $0xffff;
	_ =	sdelay $0x1  }
0x17a: {  	v2 =	vld [tilespmem:$0x2BA0]  }
0x17b: {  	v3 =	vld [tilespmem:$0x29B0]  }
0x17c: {  	v5 =	vld [tilespmem:$0x27B0];
	_ =	sdelay $0x1  }
0x17d: {  	v6 =	vand.u32 $0x7, v1;
	v1 =	vand.u32 $0xFFFFFFF8, v1  }
0x17e: {  	v1 =	vadd.s32 v2, v1;
	v2 =	vmul.u32 $0x2710, v6  }
0x17f: {  	[tilespmem:$0x2F20] =	vst v0;
	vm0 =	vlt.s32 v3, $0x2710  }
0x180: {  	v0 =	vadd.s32 v4, v2;
	[tilespmem:$0x2EE0] =	vst v1;
	v1 =	vsel vm0, v3, v5  }
0x181: {  	[tilespmem:$0x2EA0] =	vst v0  }
0x182: {  	v0 =	vld.idx.msk [tilespmem:v3+s1+$0x0], $0xffff;
	_ =	sdelay $0x1  }
0x183: {  	v2 =	vld [tilespmem:$0x2BB0]  }
0x184: {  	v3 =	vld [tilespmem:$0x29C0]  }
0x185: {  	v4 =	vld [tilespmem:$0x27C0];
	_ =	sdelay $0x1  }
0x186: {  	v6 =	vand.u32 $0x7, v0;
	v0 =	vand.u32 $0xFFFFFFF8, v0  }
0x187: {  	v0 =	vadd.s32 v2, v0;
	v2 =	vmul.u32 $0x2710, v6  }
0x188: {  	[tilespmem:$0x2F30] =	vst v1;
	vm0 =	vlt.s32 v3, $0x2710  }
0x189: {  	v1 =	vadd.s32 v5, v2;
	[tilespmem:$0x2EF0] =	vst v0;
	v0 =	vsel vm0, v3, v4  }
0x18a: {  	[tilespmem:$0x2EB0] =	vst v1  }
0x18b: {  	v1 =	vld.idx.msk [tilespmem:v3+s1+$0x0], $0xffff;
	_ =	sdelay $0x1  }
0x18c: {  	v2 =	vld [tilespmem:$0x2BC0]  }
0x18d: {  	v3 =	vld [tilespmem:$0x29D0]  }
0x18e: {  	v5 =	vld [tilespmem:$0x27D0];
	_ =	sdelay $0x1  }
0x18f: {  	v6 =	vand.u32 $0x7, v1;
	v1 =	vand.u32 $0xFFFFFFF8, v1  }
0x190: {  	v1 =	vadd.s32 v2, v1;
	v2 =	vmul.u32 $0x2710, v6  }
0x191: {  	[tilespmem:$0x2F40] =	vst v0;
	vm0 =	vlt.s32 v3, $0x2710  }
0x192: {  	v0 =	vadd.s32 v4, v2;
	[tilespmem:$0x2F00] =	vst v1;
	v1 =	vsel vm0, v3, v5  }
0x193: {  	[tilespmem:$0x2EC0] =	vst v0  }
0x194: {  	v0 =	vld.idx.msk [tilespmem:v3+s1+$0x0], $0xffff;
	_ =	sdelay $0x1  }
0x195: {  	v2 =	vld [tilespmem:$0x2BD0]  }
0x196: {  	v3 =	vld [tilespmem:$0x29E0]  }
0x197: {  	v4 =	vld [tilespmem:$0x27E0];
	_ =	sdelay $0x1  }
0x198: {  	v6 =	vand.u32 $0x7, v0;
	v0 =	vand.u32 $0xFFFFFFF8, v0  }
0x199: {  	v0 =	vadd.s32 v2, v0;
	v2 =	vmul.u32 $0x2710, v6  }
0x19a: {  	[tilespmem:$0x2F50] =	vst v1;
	vm0 =	vlt.s32 v3, $0x2710  }
0x19b: {  	v1 =	vadd.s32 v5, v2;
	[tilespmem:$0x2F10] =	vst v0;
	v0 =	vsel vm0, v3, v4  }
0x19c: {  	[tilespmem:$0x2ED0] =	vst v1  }
0x19d: {  	v1 =	vld.idx.msk [tilespmem:v3+s1+$0x0], $0xffff;
	_ =	sdelay $0x1  }
0x19e: {  	v2 =	vld [tilespmem:$0x2BE0]  }
0x19f: {  	v3 =	vld [tilespmem:$0x29F0]  }
0x1a0: {  	v5 =	vld [tilespmem:$0x27F0];
	_ =	sdelay $0x1  }
0x1a1: {  	v6 =	vand.u32 $0x7, v1;
	v1 =	vand.u32 $0xFFFFFFF8, v1  }
0x1a2: {  	v1 =	vadd.s32 v2, v1;
	v2 =	vmul.u32 $0x2710, v6  }
0x1a3: {  	[tilespmem:$0x2FE0] =	vst v0;
	vm0 =	vlt.s32 v3, $0x2710  }
0x1a4: {  	v0 =	vadd.s32 v4, v2;
	[tilespmem:$0x2FA0] =	vst v1;
	v1 =	vsel vm0, v3, v5  }
0x1a5: {  	[tilespmem:$0x2F60] =	vst v0  }
0x1a6: {  	v0 =	vld.idx.msk [tilespmem:v3+s1+$0x0], $0xffff;
	_ =	sdelay $0x1  }
0x1a7: {  	v2 =	vld [tilespmem:$0x2BF0]  }
0x1a8: {  	v3 =	vld [tilespmem:$0x2A00]  }
0x1a9: {  	v4 =	vld [tilespmem:$0x2800];
	_ =	sdelay $0x1  }
0x1aa: {  	v6 =	vand.u32 $0x7, v0;
	v0 =	vand.u32 $0xFFFFFFF8, v0  }
0x1ab: {  	v0 =	vadd.s32 v2, v0;
	v2 =	vmul.u32 $0x2710, v6  }
0x1ac: {  	[tilespmem:$0x2FF0] =	vst v1;
	vm0 =	vlt.s32 v3, $0x2710  }
0x1ad: {  	v1 =	vadd.s32 v5, v2;
	[tilespmem:$0x2FB0] =	vst v0;
	v0 =	vsel vm0, v3, v4  }
0x1ae: {  	[tilespmem:$0x2F70] =	vst v1  }
0x1af: {  	v1 =	vld.idx.msk [tilespmem:v3+s1+$0x0], $0xffff;
	_ =	sdelay $0x1  }
0x1b0: {  	v2 =	vld [tilespmem:$0x2C00]  }
0x1b1: {  	v3 =	vld [tilespmem:$0x2A10]  }
0x1b2: {  	v5 =	vld [tilespmem:$0x2810];
	_ =	sdelay $0x1  }
0x1b3: {  	v6 =	vand.u32 $0x7, v1;
	v1 =	vand.u32 $0xFFFFFFF8, v1  }
0x1b4: {  	v1 =	vadd.s32 v2, v1;
	v2 =	vmul.u32 $0x2710, v6  }
0x1b5: {  	[tilespmem:$0x2FC0] =	vst v1;
	vm0 =	vlt.s32 v3, $0x2710  }
0x1b6: {  	v1 =	vadd.s32 v4, v2;
	[tilespmem:$0x3000] =	vst v0;
	v0 =	vsel vm0, v3, v5  }
0x1b7: {  	[tilespmem:$0x2F80] =	vst v1  }
0x1b8: {  	v1 =	vld.idx.msk [tilespmem:v3+s1+$0x0], $0xffff  }
0x1b9: {  	[tilespmem:$0x3010] =	vst v0  }
0x1ba: {  	v0 =	vld [tilespmem:$0x2C10]  }
0x1bb: {  	v2 =	vld [tilespmem:$0x2A20]  }
0x1bc: {  	v3 =	vld [tilespmem:$0x2820];
	_ =	sdelay $0x1  }
0x1bd: {  	v4 =	vand.u32 $0x7, v1;
	v1 =	vand.u32 $0xFFFFFFF8, v1  }
0x1be: {  	v0 =	vadd.s32 v0, v1;
	v1 =	vmul.u32 $0x2710, v4  }
0x1bf: {  	[tilespmem:$0x2FD0] =	vst v0;
	vm0 =	vlt.s32 v2, $0x2710  }
0x1c0: {  	v0 =	vadd.s32 v5, v1;
	v1 =	vsel vm0, v2, v3  }
0x1c1: {  	[tilespmem:$0x2F90] =	vst v0  }
0x1c2: {  	v0 =	vld.idx.msk [tilespmem:v2+s1+$0x0], $0xffff  }
0x1c3: {  	[tilespmem:$0x30A0] =	vst v1  }
0x1c4: {  	v1 =	vld [tilespmem:$0x2C20]  }
0x1c5: {  	v2 =	vld [tilespmem:$0x2A30]  }
0x1c6: {  	v4 =	vld [tilespmem:$0x2830];
	_ =	sdelay $0x1  }
0x1c7: {  	v5 =	vand.u32 $0x7, v0;
	v0 =	vand.u32 $0xFFFFFFF8, v0  }
0x1c8: {  	v0 =	vadd.s32 v1, v0;
	v1 =	vmul.u32 $0x2710, v5  }
0x1c9: {  	[tilespmem:$0x3060] =	vst v0;
	vm0 =	vlt.s32 v2, $0x2710  }
0x1ca: {  	v0 =	vadd.s32 v3, v1;
	v1 =	vsel vm0, v2, v4  }
0x1cb: {  	[tilespmem:$0x3020] =	vst v0  }
0x1cc: {  	v0 =	vld.idx.msk [tilespmem:v2+s1+$0x0], $0xffff  }
0x1cd: {  	[tilespmem:$0x30B0] =	vst v1  }
0x1ce: {  	v1 =	vld [tilespmem:$0x2C30]  }
0x1cf: {  	v2 =	vld [tilespmem:$0x2A40]  }
0x1d0: {  	v3 =	vld [tilespmem:$0x2840];
	_ =	sdelay $0x1  }
0x1d1: {  	v5 =	vand.u32 $0x7, v0;
	v0 =	vand.u32 $0xFFFFFFF8, v0  }
0x1d2: {  	v0 =	vadd.s32 v1, v0;
	v1 =	vmul.u32 $0x2710, v5  }
0x1d3: {  	[tilespmem:$0x3070] =	vst v0;
	vm0 =	vlt.s32 v2, $0x2710  }
0x1d4: {  	v0 =	vadd.s32 v4, v1;
	v1 =	vsel vm0, v2, v3  }
0x1d5: {  	[tilespmem:$0x3030] =	vst v0  }
0x1d6: {  	v0 =	vld.idx.msk [tilespmem:v2+s1+$0x0], $0xffff  }
0x1d7: {  	[tilespmem:$0x30C0] =	vst v1  }
0x1d8: {  	v1 =	vld [tilespmem:$0x2C40]  }
0x1d9: {  	v2 =	vld [tilespmem:$0x2A50]  }
0x1da: {  	v4 =	vld [tilespmem:$0x2850];
	_ =	sdelay $0x1  }
0x1db: {  	v5 =	vand.u32 $0x7, v0;
	v0 =	vand.u32 $0xFFFFFFF8, v0  }
0x1dc: {  	v0 =	vadd.s32 v1, v0;
	v1 =	vmul.u32 $0x2710, v5  }
0x1dd: {  	[tilespmem:$0x3080] =	vst v0;
	vm0 =	vlt.s32 v2, $0x2710  }
0x1de: {  	v0 =	vadd.s32 v3, v1;
	v1 =	vsel vm0, v2, v4  }
0x1df: {  	[tilespmem:$0x3040] =	vst v0  }
0x1e0: {  	v0 =	vld.idx.msk [tilespmem:v2+s1+$0x0], $0xffff  }
0x1e1: {  	[tilespmem:$0x30D0] =	vst v1  }
0x1e2: {  	v1 =	vld [tilespmem:$0x2C50]  }
0x1e3: {  	v2 =	vld [tilespmem:$0x2A60]  }
0x1e4: {  	v3 =	vld [tilespmem:$0x2860];
	_ =	sdelay $0x1  }
0x1e5: {  	v5 =	vand.u32 $0x7, v0;
	v0 =	vand.u32 $0xFFFFFFF8, v0  }
0x1e6: {  	v0 =	vadd.s32 v1, v0;
	v1 =	vmul.u32 $0x2710, v5  }
0x1e7: {  	[tilespmem:$0x3090] =	vst v0;
	vm0 =	vlt.s32 v2, $0x2710  }
0x1e8: {  	v0 =	vadd.s32 v4, v1;
	v1 =	vsel vm0, v2, v3  }
0x1e9: {  	[tilespmem:$0x3050] =	vst v0  }
0x1ea: {  	v0 =	vld.idx.msk [tilespmem:v2+s1+$0x0], $0xffff  }
0x1eb: {  	[tilespmem:$0x3160] =	vst v1  }
0x1ec: {  	v1 =	vld [tilespmem:$0x2C60]  }
0x1ed: {  	v2 =	vld [tilespmem:$0x2A70]  }
0x1ee: {  	v4 =	vld [tilespmem:$0x2870];
	_ =	sdelay $0x1  }
0x1ef: {  	v5 =	vand.u32 $0x7, v0;
	v0 =	vand.u32 $0xFFFFFFF8, v0  }
0x1f0: {  	v0 =	vadd.s32 v1, v0;
	v1 =	vmul.u32 $0x2710, v5  }
0x1f1: {  	[tilespmem:$0x3120] =	vst v0;
	vm0 =	vlt.s32 v2, $0x2710  }
0x1f2: {  	v0 =	vadd.s32 v3, v1;
	v1 =	vsel vm0, v2, v4  }
0x1f3: {  	[tilespmem:$0x30E0] =	vst v0  }
0x1f4: {  	v0 =	vld.idx.msk [tilespmem:v2+s1+$0x0], $0xffff  }
0x1f5: {  	[tilespmem:$0x3170] =	vst v1  }
0x1f6: {  	v1 =	vld [tilespmem:$0x2C70]  }
0x1f7: {  	v2 =	vld [tilespmem:$0x2A80]  }
0x1f8: {  	v3 =	vld [tilespmem:$0x2880];
	_ =	sdelay $0x1  }
0x1f9: {  	v5 =	vand.u32 $0x7, v0;
	v0 =	vand.u32 $0xFFFFFFF8, v0  }
0x1fa: {  	v0 =	vadd.s32 v1, v0;
	v1 =	vmul.u32 $0x2710, v5  }
0x1fb: {  	[tilespmem:$0x3130] =	vst v0;
	vm0 =	vlt.s32 v2, $0x2710  }
0x1fc: {  	v0 =	vadd.s32 v4, v1;
	v1 =	vsel vm0, v2, v3  }
0x1fd: {  	[tilespmem:$0x30F0] =	vst v0  }
0x1fe: {  	v0 =	vld.idx.msk [tilespmem:v2+s1+$0x0], $0xffff  }
0x1ff: {  	[tilespmem:$0x3180] =	vst v1  }
0x200: {  	v1 =	vld [tilespmem:$0x2C80]  }
0x201: {  	v2 =	vld [tilespmem:$0x2A90];
	_ =	sdelay $0x2  }
0x202: {  	v4 =	vand.u32 $0x7, v0;
	v0 =	vand.u32 $0xFFFFFFF8, v0;
	v5 =	vld [tilespmem:$0x2890]  }
0x203: {  	v0 =	vadd.s32 v1, v0;
	v1 =	vmul.u32 $0x2710, v4  }
0x204: {  	[tilespmem:$0x3140] =	vst v0;
	vm0 =	vlt.s32 v2, $0x2710  }
0x205: {  	v0 =	vadd.s32 v3, v1  }
0x206: {  	[tilespmem:$0x3100] =	vst v0  }
0x207: {  	v0 =	vld.idx.msk [tilespmem:v2+s1+$0x0], $0xffff;
	v1 =	vsel vm0, v2, v5  }
0x208: {  	[tilespmem:$0x3190] =	vst v1  }
0x209: {  	v1 =	vld [tilespmem:$0x2C90]  }
0x20a: {  	v2 =	vld [tilespmem:$0x2AA0]  }
0x20b: {  	v3 =	vld [tilespmem:$0x28A0];
	_ =	sdelay $0x1  }
0x20c: {  	v4 =	vand.u32 $0x7, v0;
	v0 =	vand.u32 $0xFFFFFFF8, v0  }
0x20d: {  	v0 =	vadd.s32 v1, v0;
	v1 =	vmul.u32 $0x2710, v4  }
0x20e: {  	[tilespmem:$0x3150] =	vst v0;
	vm0 =	vlt.s32 v2, $0x2710  }
0x20f: {  	v0 =	vadd.s32 v5, v1;
	v1 =	vsel vm0, v2, v3  }
0x210: {  	[tilespmem:$0x3110] =	vst v0  }
0x211: {  	v0 =	vld.idx.msk [tilespmem:v2+s1+$0x0], $0xffff  }
0x212: {  	[tilespmem:$0x3220] =	vst v1  }
0x213: {  	v1 =	vld [tilespmem:$0x2CA0]  }
0x214: {  	v2 =	vld [tilespmem:$0x2AB0]  }
0x215: {  	v4 =	vld [tilespmem:$0x28B0];
	_ =	sdelay $0x1  }
0x216: {  	v5 =	vand.u32 $0x7, v0;
	v0 =	vand.u32 $0xFFFFFFF8, v0  }
0x217: {  	v0 =	vadd.s32 v1, v0;
	v1 =	vmul.u32 $0x2710, v5  }
0x218: {  	[tilespmem:$0x31E0] =	vst v0;
	vm0 =	vlt.s32 v2, $0x2710  }
0x219: {  	v0 =	vadd.s32 v3, v1;
	v1 =	vsel vm0, v2, v4  }
0x21a: {  	[tilespmem:$0x31A0] =	vst v0  }
0x21b: {  	v0 =	vld.idx.msk [tilespmem:v2+s1+$0x0], $0xffff  }
0x21c: {  	[tilespmem:$0x3230] =	vst v1  }
0x21d: {  	v1 =	vld [tilespmem:$0x2CB0]  }
0x21e: {  	v2 =	vld [tilespmem:$0x2AC0]  }
0x21f: {  	v3 =	vld [tilespmem:$0x28C0];
	_ =	sdelay $0x1  }
0x220: {  	v5 =	vand.u32 $0x7, v0;
	v0 =	vand.u32 $0xFFFFFFF8, v0  }
0x221: {  	v0 =	vadd.s32 v1, v0;
	v1 =	vmul.u32 $0x2710, v5  }
0x222: {  	[tilespmem:$0x31F0] =	vst v0;
	vm0 =	vlt.s32 v2, $0x2710  }
0x223: {  	v0 =	vadd.s32 v4, v1;
	v1 =	vsel vm0, v2, v3  }
0x224: {  	[tilespmem:$0x31B0] =	vst v0  }
0x225: {  	v0 =	vld.idx.msk [tilespmem:v2+s1+$0x0], $0xffff  }
0x226: {  	[tilespmem:$0x3240] =	vst v1  }
0x227: {  	v1 =	vld [tilespmem:$0x2CC0]  }
0x228: {  	v2 =	vld [tilespmem:$0x2AD0]  }
0x229: {  	v4 =	vld [tilespmem:$0x28D0];
	_ =	sdelay $0x1  }
0x22a: {  	v5 =	vand.u32 $0x7, v0;
	v0 =	vand.u32 $0xFFFFFFF8, v0  }
0x22b: {  	v0 =	vadd.s32 v1, v0;
	v1 =	vmul.u32 $0x2710, v5  }
0x22c: {  	[tilespmem:$0x3200] =	vst v0;
	vm0 =	vlt.s32 v2, $0x2710  }
0x22d: {  	v0 =	vadd.s32 v3, v1;
	v1 =	vsel vm0, v2, v4  }
0x22e: {  	[tilespmem:$0x31C0] =	vst v0  }
0x22f: {  	v0 =	vld.idx.msk [tilespmem:v2+s1+$0x0], $0xffff  }
0x230: {  	[tilespmem:$0x3250] =	vst v1  }
0x231: {  	v1 =	vld [tilespmem:$0x2CD0]  }
0x232: {  	v2 =	vld [tilespmem:$0x2AE0]  }
0x233: {  	v3 =	vld [tilespmem:$0x28E0];
	_ =	sdelay $0x1  }
0x234: {  	v5 =	vand.u32 $0x7, v0;
	v0 =	vand.u32 $0xFFFFFFF8, v0  }
0x235: {  	v0 =	vadd.s32 v1, v0;
	v1 =	vmul.u32 $0x2710, v5  }
0x236: {  	[tilespmem:$0x3210] =	vst v0;
	vm0 =	vlt.s32 v2, $0x2710  }
0x237: {  	v0 =	vadd.s32 v4, v1;
	v1 =	vsel vm0, v2, v3  }
0x238: {  	[tilespmem:$0x31D0] =	vst v0  }
0x239: {  	v0 =	vld.idx.msk [tilespmem:v2+s1+$0x0], $0xffff  }
0x23a: {  	[tilespmem:$0x32E0] =	vst v1  }
0x23b: {  	v1 =	vld [tilespmem:$0x2CE0]  }
0x23c: {  	v2 =	vld [tilespmem:$0x2AF0]  }
0x23d: {  	v4 =	vld [tilespmem:$0x28F0];
	_ =	sdelay $0x1  }
0x23e: {  	v5 =	vand.u32 $0x7, v0;
	v0 =	vand.u32 $0xFFFFFFF8, v0  }
0x23f: {  	v0 =	vadd.s32 v1, v0;
	v1 =	vmul.u32 $0x2710, v5  }
0x240: {  	[tilespmem:$0x32A0] =	vst v0;
	vm0 =	vlt.s32 v2, $0x2710  }
0x241: {  	v0 =	vadd.s32 v3, v1;
	v1 =	vsel vm0, v2, v4  }
0x242: {  	[tilespmem:$0x3260] =	vst v0  }
0x243: {  	v0 =	vld.idx.msk [tilespmem:v2+s1+$0x0], $0xffff  }
0x244: {  	[tilespmem:$0x32F0] =	vst v1  }
0x245: {  	v1 =	vld [tilespmem:$0x2CF0]  }
0x246: {  	v2 =	vld [tilespmem:$0x2B00]  }
0x247: {  	v3 =	vld [tilespmem:$0x2900];
	_ =	sdelay $0x1  }
0x248: {  	v5 =	vand.u32 $0x7, v0;
	v0 =	vand.u32 $0xFFFFFFF8, v0  }
0x249: {  	v0 =	vadd.s32 v1, v0;
	v1 =	vmul.u32 $0x2710, v5  }
0x24a: {  	[tilespmem:$0x32B0] =	vst v0;
	vm0 =	vlt.s32 v2, $0x2710  }
0x24b: {  	v0 =	vadd.s32 v4, v1;
	v1 =	vsel vm0, v2, v3  }
0x24c: {  	[tilespmem:$0x3270] =	vst v0  }
0x24d: {  	v0 =	vld.idx.msk [tilespmem:v2+s1+$0x0], $0xffff  }
0x24e: {  	[tilespmem:$0x3300] =	vst v1  }
0x24f: {  	v1 =	vld [tilespmem:$0x2D00]  }
0x250: {  	v2 =	vld [tilespmem:$0x2B10]  }
0x251: {  	v4 =	vld [tilespmem:$0x2910];
	_ =	sdelay $0x1  }
0x252: {  	v5 =	vand.u32 $0x7, v0;
	v0 =	vand.u32 $0xFFFFFFF8, v0  }
0x253: {  	v0 =	vadd.s32 v1, v0;
	v1 =	vmul.u32 $0x2710, v5  }
0x254: {  	[tilespmem:$0x32C0] =	vst v0;
	vm0 =	vlt.s32 v2, $0x2710  }
0x255: {  	v0 =	vadd.s32 v3, v1;
	v1 =	vsel vm0, v2, v4  }
0x256: {  	[tilespmem:$0x3280] =	vst v0  }
0x257: {  	v0 =	vld.idx.msk [tilespmem:v2+s1+$0x0], $0xffff  }
0x258: {  	[tilespmem:$0x3310] =	vst v1  }
0x259: {  	v1 =	vld [tilespmem:$0x2D10];
	_ =	sdelay $0x3  }
0x25a: {  	v2 =	vand.u32 $0x7, v0;
	v0 =	vand.u32 $0xFFFFFFF8, v0  }
0x25b: {  	v0 =	vadd.s32 v1, v0;
	v1 =	vmul.u32 $0x2710, v2  }
0x25c: {  	[tilespmem:$0x32D0] =	vst v0  }
.Ltmp0:
0x25d: {  	v0 =	vadd.s32 v4, v1;
	(pc) =	sbr.rel @p0 .LBB2_2-.Ltmp0, $4  }
0x25e: {  	[tilespmem:$0x3290] =	vst v0  }
0x25f: {  	[hbm4b:s15+s1] =	stream.linear.scatter [tilespmem:s13], [sflag:$0x1], $0x600, $0x38;
	[tilespmem:$0x3320] =	vst v63  }
0x260: {  	_ =	swait.ge [sflag:s9], $0x600  }
0x261: {  	s18 =	smov.u32 s17;
	s15 =	sadd.s32 $0xC0, s15;
	[sflag:s9] =	ssyncset.done $0x0  }
0x262: {  	s17 =	sadd.s32 s16, s8;
	[sflag:s9] =	ssyncadd.s32 $0xFFFFFA00  }
0x263: {  	[tilespmem:s10], [sflag:$0x1] =	stream.linear.gather [hbm4b:s17+s1], $0x200, $0x38;
	[tilespmem:$0x3320] =	vst v63  }
0x264: {  	_ =	swait.ge [sflag:s9], $0x200  }
0x265: {  	[sflag:s9] =	ssyncset.done $0x0  }
0x266: {  	s30 =	sadd.s32 s16, s7;
	[sflag:s9] =	ssyncadd.s32 $0xFFFFFE00  }
0x267: {  	[tilespmem:s11], [sflag:$0x1] =	stream.linear.gather [hbm4b:s30+s1], $0x200, $0x38;
	[tilespmem:$0x3320] =	vst v63  }
0x268: {  	_ =	swait.ge [sflag:s9], $0x200  }
0x269: {  	[sflag:s9] =	ssyncset.done $0x0  }
0x26a: {  	s31 =	sadd.s32 s16, s6;
	[sflag:s9] =	ssyncadd.s32 $0xFFFFFE00  }
0x26b: {  	[tilespmem:s12], [sflag:$0x1] =	stream.linear.gather [hbm4b:s31+s1], $0x200, $0x38;
	[tilespmem:$0x3320] =	vst v63  }
0x26c: {  	_ =	swait.ge [sflag:s9], $0x200  }
0x26d: {  	[sflag:s9] =	ssyncset.done $0x0  }
0x26e: {  	[sflag:s9] =	ssyncadd.s32 $0xFFFFFE00  }
0x26f: {  	v0 =	vld [tilespmem:$0x2920];
	_ =	sdelay $0x6  }
0x270: {  	v2 =	vld [tilespmem:$0x2B20]  }
0x271: {  	v1 =	vld.idx.msk [tilespmem:v0+s1+$0x0], $0xffff  }
0x272: {  	v3 =	vld [tilespmem:$0x2720]  }
0x273: {  	v4 =	vld [tilespmem:$0x2930];
	_ =	sdelay $0x2  }
0x274: {  	vm0 =	vlt.s32 v0, $0x2710;
	v5 =	vand.u32 $0x7, v1  }
0x275: {  	v0 =	vsel vm0, v0, v3;
	v1 =	vand.u32 $0xFFFFFFF8, v1;
	v5 =	vmul.u32 $0x2710, v5  }
0x276: {  	[tilespmem:$0x2DA0] =	vst v0;
	v1 =	vadd.s32 v2, v1  }
0x277: {  	[tilespmem:$0x2D60] =	vst v1;
	v34 =	vadd.s32 v3, v5  }
0x278: {  	v35 =	vld [tilespmem:$0x2730];
	[tilespmem:$0x2D20] =	vst v34  }
0x279: {  	v0 =	vld.idx.msk [tilespmem:v4+s1+$0x0], $0xffff  }
0x27a: {  	v36 =	vld [tilespmem:$0x2B30]  }
0x27b: {  	v37 =	vld [tilespmem:$0x2940];
	_ =	sdelay $0x2  }
0x27c: {  	vm9 =	vlt.s32 v4, $0x2710;
	v38 =	vand.u32 $0x7, v0  }
0x27d: {  	v4 =	vsel vm9, v4, v35;
	v0 =	vand.u32 $0xFFFFFFF8, v0;
	v5 =	vmul.u32 $0x2710, v38  }
0x27e: {  	[tilespmem:$0x2DB0] =	vst v4;
	v0 =	vadd.s32 v36, v0  }
0x27f: {  	[tilespmem:$0x2D70] =	vst v0;
	v1 =	vadd.s32 v35, v5  }
0x280: {  	v39 =	vld [tilespmem:$0x2740];
	[tilespmem:$0x2D30] =	vst v1  }
0x281: {  	v1 =	vld.idx.msk [tilespmem:v37+s1+$0x0], $0xffff  }
0x282: {  	v40 =	vld [tilespmem:$0x2B40]  }
0x283: {  	v41 =	vld [tilespmem:$0x2950];
	_ =	sdelay $0x2  }
0x284: {  	vm10 =	vlt.s32 v37, $0x2710;
	v42 =	vand.u32 $0x7, v1  }
0x285: {  	v3 =	vsel vm10, v37, v39;
	v1 =	vand.u32 $0xFFFFFFF8, v1;
	v5 =	vmul.u32 $0x2710, v42  }
0x286: {  	[tilespmem:$0x2DC0] =	vst v3;
	v1 =	vadd.s32 v40, v1  }
0x287: {  	[tilespmem:$0x2D80] =	vst v1;
	v0 =	vadd.s32 v39, v5  }
0x288: {  	v43 =	vld [tilespmem:$0x2750];
	[tilespmem:$0x2D40] =	vst v0  }
0x289: {  	v0 =	vld.idx.msk [tilespmem:v41+s1+$0x0], $0xffff  }
0x28a: {  	v44 =	vld [tilespmem:$0x2B50]  }
0x28b: {  	v45 =	vld [tilespmem:$0x2960];
	_ =	sdelay $0x2  }
0x28c: {  	vm11 =	vlt.s32 v41, $0x2710;
	v46 =	vand.u32 $0x7, v0  }
0x28d: {  	v4 =	vsel vm11, v41, v43;
	v0 =	vand.u32 $0xFFFFFFF8, v0;
	v5 =	vmul.u32 $0x2710, v46  }
0x28e: {  	[tilespmem:$0x2DD0] =	vst v4;
	v0 =	vadd.s32 v44, v0  }
0x28f: {  	[tilespmem:$0x2D90] =	vst v0;
	v1 =	vadd.s32 v43, v5  }
0x290: {  	v47 =	vld [tilespmem:$0x2760];
	[tilespmem:$0x2D50] =	vst v1  }
0x291: {  	v1 =	vld.idx.msk [tilespmem:v45+s1+$0x0], $0xffff  }
0x292: {  	v48 =	vld [tilespmem:$0x2B60]  }
0x293: {  	v49 =	vld [tilespmem:$0x2970];
	_ =	sdelay $0x2  }
0x294: {  	vm12 =	vlt.s32 v45, $0x2710;
	v50 =	vand.u32 $0x7, v1  }
0x295: {  	v3 =	vsel vm12, v45, v47;
	v1 =	vand.u32 $0xFFFFFFF8, v1;
	v5 =	vmul.u32 $0x2710, v50  }
0x296: {  	[tilespmem:$0x2E60] =	vst v3;
	v1 =	vadd.s32 v48, v1  }
0x297: {  	[tilespmem:$0x2E20] =	vst v1;
	v0 =	vadd.s32 v47, v5  }
0x298: {  	v51 =	vld [tilespmem:$0x2770];
	[tilespmem:$0x2DE0] =	vst v0  }
0x299: {  	v0 =	vld.idx.msk [tilespmem:v49+s1+$0x0], $0xffff  }
0x29a: {  	v52 =	vld [tilespmem:$0x2B70]  }
0x29b: {  	v53 =	vld [tilespmem:$0x2980];
	_ =	sdelay $0x2  }
0x29c: {  	vm13 =	vlt.s32 v49, $0x2710;
	v54 =	vand.u32 $0x7, v0  }
0x29d: {  	v4 =	vsel vm13, v49, v51;
	v0 =	vand.u32 $0xFFFFFFF8, v0;
	v5 =	vmul.u32 $0x2710, v54  }
0x29e: {  	[tilespmem:$0x2E70] =	vst v4;
	v0 =	vadd.s32 v52, v0  }
0x29f: {  	[tilespmem:$0x2E30] =	vst v0;
	v1 =	vadd.s32 v51, v5  }
0x2a0: {  	v55 =	vld [tilespmem:$0x2780];
	[tilespmem:$0x2DF0] =	vst v1  }
0x2a1: {  	v1 =	vld.idx.msk [tilespmem:v53+s1+$0x0], $0xffff  }
0x2a2: {  	v56 =	vld [tilespmem:$0x2B80]  }
0x2a3: {  	v57 =	vld [tilespmem:$0x2990];
	_ =	sdelay $0x2  }
0x2a4: {  	vm14 =	vlt.s32 v53, $0x2710;
	v58 =	vand.u32 $0x7, v1  }
0x2a5: {  	v3 =	vsel vm14, v53, v55;
	v1 =	vand.u32 $0xFFFFFFF8, v1;
	v5 =	vmul.u32 $0x2710, v58  }
0x2a6: {  	[tilespmem:$0x2E80] =	vst v3;
	v1 =	vadd.s32 v56, v1  }
0x2a7: {  	[tilespmem:$0x2E40] =	vst v1;
	v0 =	vadd.s32 v55, v5  }
0x2a8: {  	v59 =	vld [tilespmem:$0x2790];
	[tilespmem:$0x2E00] =	vst v0  }
0x2a9: {  	v0 =	vld.idx.msk [tilespmem:v57+s1+$0x0], $0xffff  }
0x2aa: {  	v60 =	vld [tilespmem:$0x2B90]  }
0x2ab: {  	v61 =	vld [tilespmem:$0x29A0];
	_ =	sdelay $0x2  }
0x2ac: {  	vm15 =	vlt.s32 v57, $0x2710;
	v62 =	vand.u32 $0x7, v0  }
0x2ad: {  	v4 =	vsel vm15, v57, v59;
	v0 =	vand.u32 $0xFFFFFFF8, v0;
	v5 =	vmul.u32 $0x2710, v62  }
0x2ae: {  	[tilespmem:$0x2E90] =	vst v4;
	v0 =	vadd.s32 v60, v0  }
0x2af: {  	[tilespmem:$0x2E50] =	vst v0;
	v1 =	vadd.s32 v59, v5  }
0x2b0: {  	v63 =	vld [tilespmem:$0x27A0];
	[tilespmem:$0x2E10] =	vst v1  }
0x2b1: {  	v1 =	vld.idx.msk [tilespmem:v61+s1+$0x0], $0xffff  }
0x2b2: {  	v8 =	vld [tilespmem:$0x2BA0]  }
0x2b3: {  	v9 =	vld [tilespmem:$0x29B0];
	_ =	sdelay $0x2  }
0x2b4: {  	vm4 =	vlt.s32 v61, $0x2710;
	v10 =	vand.u32 $0x7, v1  }
0x2b5: {  	v3 =	vsel vm4, v61, v63;
	v1 =	vand.u32 $0xFFFFFFF8, v1;
	v5 =	vmul.u32 $0x2710, v10  }
0x2b6: {  	[tilespmem:$0x2F20] =	vst v3;
	v1 =	vadd.s32 v8, v1  }
0x2b7: {  	[tilespmem:$0x2EE0] =	vst v1;
	v0 =	vadd.s32 v63, v5  }
0x2b8: {  	v11 =	vld [tilespmem:$0x27B0];
	[tilespmem:$0x2EA0] =	vst v0  }
0x2b9: {  	v0 =	vld.idx.msk [tilespmem:v9+s1+$0x0], $0xffff  }
0x2ba: {  	v12 =	vld [tilespmem:$0x2BB0]  }
0x2bb: {  	v13 =	vld [tilespmem:$0x29C0];
	_ =	sdelay $0x2  }
0x2bc: {  	vm5 =	vlt.s32 v9, $0x2710;
	v14 =	vand.u32 $0x7, v0  }
0x2bd: {  	v4 =	vsel vm5, v9, v11;
	v0 =	vand.u32 $0xFFFFFFF8, v0;
	v5 =	vmul.u32 $0x2710, v14  }
0x2be: {  	[tilespmem:$0x2F30] =	vst v4;
	v0 =	vadd.s32 v12, v0  }
0x2bf: {  	[tilespmem:$0x2EF0] =	vst v0;
	v1 =	vadd.s32 v11, v5  }
0x2c0: {  	v15 =	vld [tilespmem:$0x27C0];
	[tilespmem:$0x2EB0] =	vst v1  }
0x2c1: {  	v1 =	vld.idx.msk [tilespmem:v13+s1+$0x0], $0xffff  }
0x2c2: {  	v16 =	vld [tilespmem:$0x2BC0]  }
0x2c3: {  	v17 =	vld [tilespmem:$0x29D0];
	_ =	sdelay $0x2  }
0x2c4: {  	vm6 =	vlt.s32 v13, $0x2710;
	v18 =	vand.u32 $0x7, v1  }
0x2c5: {  	v3 =	vsel vm6, v13, v15;
	v1 =	vand.u32 $0xFFFFFFF8, v1;
	v5 =	vmul.u32 $0x2710, v18  }
0x2c6: {  	[tilespmem:$0x2F40] =	vst v3;
	v1 =	vadd.s32 v16, v1  }
0x2c7: {  	[tilespmem:$0x2F00] =	vst v1;
	v0 =	vadd.s32 v15, v5  }
0x2c8: {  	v19 =	vld [tilespmem:$0x27D0];
	[tilespmem:$0x2EC0] =	vst v0  }
0x2c9: {  	v0 =	vld.idx.msk [tilespmem:v17+s1+$0x0], $0xffff  }
0x2ca: {  	v20 =	vld [tilespmem:$0x2BD0]  }
0x2cb: {  	v21 =	vld [tilespmem:$0x29E0];
	_ =	sdelay $0x2  }
0x2cc: {  	vm7 =	vlt.s32 v17, $0x2710;
	v22 =	vand.u32 $0x7, v0  }
0x2cd: {  	v4 =	vsel vm7, v17, v19;
	v0 =	vand.u32 $0xFFFFFFF8, v0;
	v5 =	vmul.u32 $0x2710, v22  }
0x2ce: {  	[tilespmem:$0x2F50] =	vst v4;
	v0 =	vadd.s32 v20, v0  }
0x2cf: {  	[tilespmem:$0x2F10] =	vst v0;
	v1 =	vadd.s32 v19, v5  }
0x2d0: {  	v23 =	vld [tilespmem:$0x27E0];
	[tilespmem:$0x2ED0] =	vst v1  }
0x2d1: {  	v1 =	vld.idx.msk [tilespmem:v21+s1+$0x0], $0xffff  }
0x2d2: {  	v24 =	vld [tilespmem:$0x2BE0]  }
0x2d3: {  	v25 =	vld [tilespmem:$0x29F0];
	_ =	sdelay $0x2  }
0x2d4: {  	vm8 =	vlt.s32 v21, $0x2710;
	v26 =	vand.u32 $0x7, v1  }
0x2d5: {  	v3 =	vsel vm8, v21, v23;
	v1 =	vand.u32 $0xFFFFFFF8, v1;
	v5 =	vmul.u32 $0x2710, v26  }
0x2d6: {  	[tilespmem:$0x2FE0] =	vst v3;
	v1 =	vadd.s32 v24, v1  }
0x2d7: {  	[tilespmem:$0x2FA0] =	vst v1;
	v0 =	vadd.s32 v23, v5  }
0x2d8: {  	v27 =	vld [tilespmem:$0x27F0];
	[tilespmem:$0x2F60] =	vst v0  }
0x2d9: {  	v0 =	vld.idx.msk [tilespmem:v25+s1+$0x0], $0xffff  }
0x2da: {  	v28 =	vld [tilespmem:$0x2BF0]  }
0x2db: {  	v29 =	vld [tilespmem:$0x2A00];
	_ =	sdelay $0x2  }
0x2dc: {  	vm9 =	vlt.s32 v25, $0x2710;
	v30 =	vand.u32 $0x7, v0  }
0x2dd: {  	v4 =	vsel vm9, v25, v27;
	v0 =	vand.u32 $0xFFFFFFF8, v0;
	v5 =	vmul.u32 $0x2710, v30  }
0x2de: {  	[tilespmem:$0x2FF0] =	vst v4;
	v0 =	vadd.s32 v28, v0  }
0x2df: {  	[tilespmem:$0x2FB0] =	vst v0;
	v1 =	vadd.s32 v27, v5  }
0x2e0: {  	v31 =	vld [tilespmem:$0x2800];
	[tilespmem:$0x2F70] =	vst v1  }
0x2e1: {  	v1 =	vld.idx.msk [tilespmem:v29+s1+$0x0], $0xffff  }
0x2e2: {  	v32 =	vld [tilespmem:$0x2C00]  }
0x2e3: {  	v33 =	vld [tilespmem:$0x2A10];
	_ =	sdelay $0x2  }
0x2e4: {  	vm10 =	vlt.s32 v29, $0x2710;
	v34 =	vand.u32 $0x7, v1  }
0x2e5: {  	v3 =	vsel vm10, v29, v31;
	v1 =	vand.u32 $0xFFFFFFF8, v1;
	v35 =	vmul.u32 $0x2710, v34  }
0x2e6: {  	[tilespmem:$0x3000] =	vst v3;
	v1 =	vadd.s32 v32, v1  }
0x2e7: {  	[tilespmem:$0x2FC0] =	vst v1;
	v0 =	vadd.s32 v31, v35  }
0x2e8: {  	v36 =	vld [tilespmem:$0x2810];
	[tilespmem:$0x2F80] =	vst v0  }
0x2e9: {  	v0 =	vld.idx.msk [tilespmem:v33+s1+$0x0], $0xffff  }
0x2ea: {  	v38 =	vld [tilespmem:$0x2A20]  }
0x2eb: {  	v37 =	vld [tilespmem:$0x2C10];
	_ =	sdelay $0x2  }
0x2ec: {  	vm11 =	vlt.s32 v33, $0x2710;
	v39 =	vand.u32 $0x7, v0  }
0x2ed: {  	v4 =	vsel vm11, v33, v36;
	v0 =	vand.u32 $0xFFFFFFF8, v0;
	v5 =	vmul.u32 $0x2710, v39  }
0x2ee: {  	[tilespmem:$0x3010] =	vst v4;
	v0 =	vadd.s32 v37, v0  }
0x2ef: {  	[tilespmem:$0x2FD0] =	vst v0;
	v40 =	vadd.s32 v36, v5  }
0x2f0: {  	v42 =	vld [tilespmem:$0x2C20];
	[tilespmem:$0x2F90] =	vst v40  }
0x2f1: {  	v0 =	vld.idx.msk [tilespmem:v38+s1+$0x0], $0xffff  }
0x2f2: {  	v41 =	vld [tilespmem:$0x2820]  }
0x2f3: {  	v43 =	vld [tilespmem:$0x2A30];
	_ =	sdelay $0x2  }
0x2f4: {  	vm12 =	vlt.s32 v38, $0x2710;
	v44 =	vand.u32 $0x7, v0  }
0x2f5: {  	v3 =	vsel vm12, v38, v41;
	v0 =	vand.u32 $0xFFFFFFF8, v0;
	v5 =	vmul.u32 $0x2710, v44  }
0x2f6: {  	[tilespmem:$0x30A0] =	vst v3;
	v0 =	vadd.s32 v42, v0  }
0x2f7: {  	[tilespmem:$0x3060] =	vst v0;
	v45 =	vadd.s32 v41, v5  }
0x2f8: {  	v46 =	vld [tilespmem:$0x2830];
	[tilespmem:$0x3020] =	vst v45  }
0x2f9: {  	v0 =	vld.idx.msk [tilespmem:v43+s1+$0x0], $0xffff  }
0x2fa: {  	v48 =	vld [tilespmem:$0x2A40]  }
0x2fb: {  	v47 =	vld [tilespmem:$0x2C30];
	_ =	sdelay $0x2  }
0x2fc: {  	vm13 =	vlt.s32 v43, $0x2710;
	v49 =	vand.u32 $0x7, v0  }
0x2fd: {  	v4 =	vsel vm13, v43, v46;
	v0 =	vand.u32 $0xFFFFFFF8, v0;
	v5 =	vmul.u32 $0x2710, v49  }
0x2fe: {  	[tilespmem:$0x30B0] =	vst v4;
	v0 =	vadd.s32 v47, v0  }
0x2ff: {  	[tilespmem:$0x3070] =	vst v0;
	v50 =	vadd.s32 v46, v5  }
0x300: {  	v52 =	vld [tilespmem:$0x2C40];
	[tilespmem:$0x3030] =	vst v50  }
0x301: {  	v0 =	vld.idx.msk [tilespmem:v48+s1+$0x0], $0xffff  }
0x302: {  	v51 =	vld [tilespmem:$0x2840]  }
0x303: {  	v53 =	vld [tilespmem:$0x2A50];
	_ =	sdelay $0x2  }
0x304: {  	vm14 =	vlt.s32 v48, $0x2710;
	v54 =	vand.u32 $0x7, v0  }
0x305: {  	v3 =	vsel vm14, v48, v51;
	v0 =	vand.u32 $0xFFFFFFF8, v0;
	v5 =	vmul.u32 $0x2710, v54  }
0x306: {  	[tilespmem:$0x30C0] =	vst v3;
	v0 =	vadd.s32 v52, v0  }
0x307: {  	[tilespmem:$0x3080] =	vst v0;
	v55 =	vadd.s32 v51, v5  }
0x308: {  	v56 =	vld [tilespmem:$0x2850];
	[tilespmem:$0x3040] =	vst v55  }
0x309: {  	v0 =	vld.idx.msk [tilespmem:v53+s1+$0x0], $0xffff  }
0x30a: {  	v58 =	vld [tilespmem:$0x2A60]  }
0x30b: {  	v57 =	vld [tilespmem:$0x2C50];
	_ =	sdelay $0x2  }
0x30c: {  	vm15 =	vlt.s32 v53, $0x2710;
	v59 =	vand.u32 $0x7, v0  }
0x30d: {  	v4 =	vsel vm15, v53, v56;
	v0 =	vand.u32 $0xFFFFFFF8, v0;
	v5 =	vmul.u32 $0x2710, v59  }
0x30e: {  	[tilespmem:$0x30D0] =	vst v4;
	v0 =	vadd.s32 v57, v0  }
0x30f: {  	[tilespmem:$0x3090] =	vst v0;
	v60 =	vadd.s32 v56, v5  }
0x310: {  	v62 =	vld [tilespmem:$0x2C60];
	[tilespmem:$0x3050] =	vst v60  }
0x311: {  	v0 =	vld.idx.msk [tilespmem:v58+s1+$0x0], $0xffff  }
0x312: {  	v61 =	vld [tilespmem:$0x2860]  }
0x313: {  	v63 =	vld [tilespmem:$0x2A70];
	_ =	sdelay $0x2  }
0x314: {  	vm4 =	vlt.s32 v58, $0x2710;
	v8 =	vand.u32 $0x7, v0  }
0x315: {  	v3 =	vsel vm4, v58, v61;
	v0 =	vand.u32 $0xFFFFFFF8, v0;
	v5 =	vmul.u32 $0x2710, v8  }
0x316: {  	[tilespmem:$0x3160] =	vst v3;
	v0 =	vadd.s32 v62, v0  }
0x317: {  	[tilespmem:$0x3120] =	vst v0;
	v9 =	vadd.s32 v61, v5  }
0x318: {  	v10 =	vld [tilespmem:$0x2870];
	[tilespmem:$0x30E0] =	vst v9  }
0x319: {  	v0 =	vld.idx.msk [tilespmem:v63+s1+$0x0], $0xffff  }
0x31a: {  	v12 =	vld [tilespmem:$0x2A80]  }
0x31b: {  	v11 =	vld [tilespmem:$0x2C70];
	_ =	sdelay $0x2  }
0x31c: {  	vm5 =	vlt.s32 v63, $0x2710;
	v13 =	vand.u32 $0x7, v0  }
0x31d: {  	v4 =	vsel vm5, v63, v10;
	v0 =	vand.u32 $0xFFFFFFF8, v0;
	v5 =	vmul.u32 $0x2710, v13  }
0x31e: {  	[tilespmem:$0x3170] =	vst v4;
	v0 =	vadd.s32 v11, v0  }
0x31f: {  	[tilespmem:$0x3130] =	vst v0;
	v14 =	vadd.s32 v10, v5  }
0x320: {  	v16 =	vld [tilespmem:$0x2C80];
	[tilespmem:$0x30F0] =	vst v14  }
0x321: {  	v0 =	vld.idx.msk [tilespmem:v12+s1+$0x0], $0xffff  }
0x322: {  	v15 =	vld [tilespmem:$0x2880]  }
0x323: {  	v17 =	vld [tilespmem:$0x2A90];
	_ =	sdelay $0x2  }
0x324: {  	vm6 =	vlt.s32 v12, $0x2710;
	v18 =	vand.u32 $0x7, v0  }
0x325: {  	v3 =	vsel vm6, v12, v15;
	v0 =	vand.u32 $0xFFFFFFF8, v0;
	v5 =	vmul.u32 $0x2710, v18  }
0x326: {  	[tilespmem:$0x3180] =	vst v3;
	v0 =	vadd.s32 v16, v0  }
0x327: {  	[tilespmem:$0x3140] =	vst v0;
	v19 =	vadd.s32 v15, v5  }
0x328: {  	v20 =	vld [tilespmem:$0x2890];
	[tilespmem:$0x3100] =	vst v19  }
0x329: {  	v0 =	vld.idx.msk [tilespmem:v17+s1+$0x0], $0xffff  }
0x32a: {  	v22 =	vld [tilespmem:$0x2AA0]  }
0x32b: {  	v21 =	vld [tilespmem:$0x2C90];
	_ =	sdelay $0x2  }
0x32c: {  	vm7 =	vlt.s32 v17, $0x2710;
	v23 =	vand.u32 $0x7, v0  }
0x32d: {  	v4 =	vsel vm7, v17, v20;
	v0 =	vand.u32 $0xFFFFFFF8, v0;
	v5 =	vmul.u32 $0x2710, v23  }
0x32e: {  	[tilespmem:$0x3190] =	vst v4;
	v0 =	vadd.s32 v21, v0  }
0x32f: {  	[tilespmem:$0x3150] =	vst v0;
	v24 =	vadd.s32 v20, v5  }
0x330: {  	v26 =	vld [tilespmem:$0x2CA0];
	[tilespmem:$0x3110] =	vst v24  }
0x331: {  	v0 =	vld.idx.msk [tilespmem:v22+s1+$0x0], $0xffff  }
0x332: {  	v25 =	vld [tilespmem:$0x28A0]  }
0x333: {  	v27 =	vld [tilespmem:$0x2AB0];
	_ =	sdelay $0x2  }
0x334: {  	vm8 =	vlt.s32 v22, $0x2710;
	v28 =	vand.u32 $0x7, v0  }
0x335: {  	v3 =	vsel vm8, v22, v25;
	v0 =	vand.u32 $0xFFFFFFF8, v0;
	v5 =	vmul.u32 $0x2710, v28  }
0x336: {  	[tilespmem:$0x3220] =	vst v3;
	v0 =	vadd.s32 v26, v0  }
0x337: {  	[tilespmem:$0x31E0] =	vst v0;
	v29 =	vadd.s32 v25, v5  }
0x338: {  	v30 =	vld [tilespmem:$0x28B0];
	[tilespmem:$0x31A0] =	vst v29  }
0x339: {  	v0 =	vld.idx.msk [tilespmem:v27+s1+$0x0], $0xffff  }
0x33a: {  	v32 =	vld [tilespmem:$0x2AC0]  }
0x33b: {  	v31 =	vld [tilespmem:$0x2CB0];
	_ =	sdelay $0x2  }
0x33c: {  	vm9 =	vlt.s32 v27, $0x2710;
	v33 =	vand.u32 $0x7, v0  }
0x33d: {  	v4 =	vsel vm9, v27, v30;
	v0 =	vand.u32 $0xFFFFFFF8, v0;
	v5 =	vmul.u32 $0x2710, v33  }
0x33e: {  	[tilespmem:$0x3230] =	vst v4;
	v0 =	vadd.s32 v31, v0  }
0x33f: {  	[tilespmem:$0x31F0] =	vst v0;
	v34 =	vadd.s32 v30, v5  }
0x340: {  	v35 =	vld [tilespmem:$0x28C0];
	[tilespmem:$0x31B0] =	vst v34  }
0x341: {  	v0 =	vld.idx.msk [tilespmem:v32+s1+$0x0], $0xffff  }
0x342: {  	v37 =	vld [tilespmem:$0x2AD0]  }
0x343: {  	v36 =	vld [tilespmem:$0x2CC0];
	_ =	sdelay $0x2  }
0x344: {  	vm10 =	vlt.s32 v32, $0x2710;
	v38 =	vand.u32 $0x7, v0  }
0x345: {  	v3 =	vsel vm10, v32, v35;
	v0 =	vand.u32 $0xFFFFFFF8, v0;
	v5 =	vmul.u32 $0x2710, v38  }
0x346: {  	[tilespmem:$0x3240] =	vst v3;
	v0 =	vadd.s32 v36, v0  }
0x347: {  	[tilespmem:$0x3200] =	vst v0;
	v39 =	vadd.s32 v35, v5  }
0x348: {  	v40 =	vld [tilespmem:$0x28D0];
	[tilespmem:$0x31C0] =	vst v39  }
0x349: {  	v0 =	vld.idx.msk [tilespmem:v37+s1+$0x0], $0xffff  }
0x34a: {  	v42 =	vld [tilespmem:$0x2AE0]  }
0x34b: {  	v41 =	vld [tilespmem:$0x2CD0];
	_ =	sdelay $0x2  }
0x34c: {  	vm11 =	vlt.s32 v37, $0x2710;
	v43 =	vand.u32 $0x7, v0  }
0x34d: {  	v4 =	vsel vm11, v37, v40;
	v0 =	vand.u32 $0xFFFFFFF8, v0;
	v5 =	vmul.u32 $0x2710, v43  }
0x34e: {  	[tilespmem:$0x3250] =	vst v4;
	v0 =	vadd.s32 v41, v0  }
0x34f: {  	[tilespmem:$0x3210] =	vst v0;
	v44 =	vadd.s32 v40, v5  }
0x350: {  	v45 =	vld [tilespmem:$0x28E0];
	[tilespmem:$0x31D0] =	vst v44  }
0x351: {  	v0 =	vld.idx.msk [tilespmem:v42+s1+$0x0], $0xffff  }
0x352: {  	v47 =	vld [tilespmem:$0x2AF0]  }
0x353: {  	v46 =	vld [tilespmem:$0x2CE0];
	_ =	sdelay $0x2  }
0x354: {  	vm12 =	vlt.s32 v42, $0x2710;
	v48 =	vand.u32 $0x7, v0  }
0x355: {  	v3 =	vsel vm12, v42, v45;
	v0 =	vand.u32 $0xFFFFFFF8, v0;
	v5 =	vmul.u32 $0x2710, v48  }
0x356: {  	[tilespmem:$0x32E0] =	vst v3;
	v0 =	vadd.s32 v46, v0  }
0x357: {  	[tilespmem:$0x32A0] =	vst v0;
	v49 =	vadd.s32 v45, v5  }
0x358: {  	v50 =	vld [tilespmem:$0x28F0];
	[tilespmem:$0x3260] =	vst v49  }
0x359: {  	v0 =	vld.idx.msk [tilespmem:v47+s1+$0x0], $0xffff  }
0x35a: {  	v52 =	vld [tilespmem:$0x2B00]  }
0x35b: {  	v51 =	vld [tilespmem:$0x2CF0];
	_ =	sdelay $0x2  }
0x35c: {  	vm13 =	vlt.s32 v47, $0x2710;
	v53 =	vand.u32 $0x7, v0  }
0x35d: {  	v4 =	vsel vm13, v47, v50;
	v0 =	vand.u32 $0xFFFFFFF8, v0;
	v5 =	vmul.u32 $0x2710, v53  }
0x35e: {  	[tilespmem:$0x32F0] =	vst v4;
	v0 =	vadd.s32 v51, v0  }
0x35f: {  	[tilespmem:$0x32B0] =	vst v0;
	v54 =	vadd.s32 v50, v5  }
0x360: {  	v55 =	vld [tilespmem:$0x2900];
	[tilespmem:$0x3270] =	vst v54  }
0x361: {  	v0 =	vld.idx.msk [tilespmem:v52+s1+$0x0], $0xffff  }
0x362: {  	v57 =	vld [tilespmem:$0x2B10]  }
0x363: {  	v56 =	vld [tilespmem:$0x2D00];
	_ =	sdelay $0x2  }
0x364: {  	vm14 =	vlt.s32 v52, $0x2710;
	v58 =	vand.u32 $0x7, v0  }
0x365: {  	v3 =	vsel vm14, v52, v55;
	v0 =	vand.u32 $0xFFFFFFF8, v0;
	v5 =	vmul.u32 $0x2710, v58  }
0x366: {  	[tilespmem:$0x3300] =	vst v3;
	v0 =	vadd.s32 v56, v0  }
0x367: {  	[tilespmem:$0x32C0] =	vst v0;
	v59 =	vadd.s32 v55, v5  }
0x368: {  	[tilespmem:$0x3280] =	vst v59  }
0x369: {  	v0 =	vld.idx.msk [tilespmem:v57+s1+$0x0], $0xffff  }
0x36a: {  	v60 =	vld [tilespmem:$0x2910]  }
0x36b: {  	v61 =	vld [tilespmem:$0x2D10];
	_ =	sdelay $0x2  }
0x36c: {  	vm15 =	vlt.s32 v57, $0x2710;
	v62 =	vand.u32 $0x7, v0  }
0x36d: {  	v4 =	vsel vm15, v57, v60;
	v0 =	vand.u32 $0xFFFFFFF8, v0;
	v3 =	vmul.u32 $0x2710, v62  }
0x36e: {  	s14 =	sadd.s32 $0x1, s14;
	[tilespmem:$0x3310] =	vst v4;
	v0 =	vadd.s32 v61, v0  }
0x36f: {  	p0 =	sne.s32 s14, s4;
	[tilespmem:$0x32D0] =	vst v0;
	v63 =	vadd.s32 v60, v3  }
.Ltmp1:
0x370: {  	[tilespmem:$0x3290] =	vst v63;
	(pc) =	sbr.rel @p0 .LBB2_1-.Ltmp1, $4  }
0x371: {  	[hbm4b:s15+s1] =	stream.linear.scatter [tilespmem:s13], [sflag:$0x1], $0x600, $0x38;
	[tilespmem:$0x3320] =	vst v63  }
0x372: {  	_ =	swait.ge [sflag:s9], $0x600  }
0x373: {  	[sflag:s9] =	ssyncset.done $0x0  }
0x374: {  	[sflag:s9] =	ssyncadd.s32 $0xFFFFFA00  }
0x375: {  	_ =	sfence.sel $0x180000  }
0x376: {  	[bflag:$0x0] =	sbarrier.arrive $0xFFFF  }
0x377: {  	p0 =	sne.s32 s2, $0x0;
	_ =	strace $0x90000047  }
0x378: {  	s0 =	sadd.s32 @!p0 $0x100000, s0;
	[bflag:$0x2] =	sbarrier.arrive $0xFFFF  }
0x379: {  	[sflag:s0] =	ssyncadd.tile.s32 @!p0 $0x1;
	_ =	shalt  }
.Lfunc_end2:
_tile_overlayer_lowered:
.L_overlay_start_2:
0x37a: {  	(tag) =	ssettag $0x2  }
0x37b: {  	s0 =	rddreg [dreg:$0x0];
	s2 =	stileid.u32  }
0x37c: {  	s1 =	rddreg [dreg:$0x1];
	p0 =	sne.s32 s2, $0x0  }
0x37d: {  	s3 =	rddreg [dreg:$0x2];
	[bflag:$0x3] =	sbarrier.arrive $0xFFFF;
	s2 =	simm.s32 @!p0 $0x1C01  }
0x37e: {  	[timem:s3], [sflag:s2] =	dma.local @!p0 [hbm:s0], s1  }
0x37f: {  	s0 =	simm.s32 @!p0 $0x1  }
0x380: {  	_ =	swait.ge @!p0 [sflag:s0], s1  }
0x381: {  	s1 =	ssub.s32 @!p0 $0x0, s1;
	[sflag:s0] =	ssyncset.done @!p0 $0x0  }
0x382: {  	[sflag:s0] =	ssyncadd.s32 @!p0 s1  }
0x383: {  	[bflag:$0x3] =	sbarrier.arrive $0xFFFF  }
0x384: {  	_ =	shalt  }

</sc_bundles>
